<compile_context>
chip_gen: v7x
topology: tpu7x:2x2x1
jax: 0.10.2.dev20260603
libtpu: 0.0.44.dev20260713+nightly
codegen_flags: <defaults>
</compile_context>

<pallas_src>
import functools

import jax
import jax.numpy as jnp
from jax import lax
from jax.experimental import pallas as pl
from jax.experimental.pallas import tpu as pltpu
from jax.experimental.pallas import tpu_sc as plsc

NC = 2
NS = 16
NW = NC * NS
LANES = 16
CH = 128
NCH = 80
BR = 2000
PREC = lax.Precision.HIGHEST


def _sc_mesh():
    return plsc.VectorSubcoreMesh(
        core_axis_name="c", subcore_axis_name="s", num_cores=NC, num_subcores=NS
    )




def _make_deg_kernel(R):
    rs = R // NS

    @functools.partial(
        pl.kernel,
        out_type=jax.ShapeDtypeStruct((NC, R, LANES), jnp.float32),
        mesh=_sc_mesh(),
        scratch_types=[
            pltpu.VMEM_SHARED((R, LANES), jnp.float32),
            pltpu.VMEM((NCH, CH), jnp.int32),
            pltpu.VMEM((CH, LANES), jnp.float32),
            pltpu.VMEM((CH, LANES), jnp.float32),
            [pltpu.SemaphoreType.DMA] * 2,
        ],
    )
    def deg_kernel(dst_hbm, degp_hbm, acc, idx, ones, zeros, sems):
        c = lax.axis_index("c")
        s = lax.axis_index("s")
        w = s * NC + c

        def fill(i, carry):
            ones[i, :] = jnp.full((LANES,), 1.0, jnp.float32)
            zeros[i, :] = jnp.zeros((LANES,), jnp.float32)
            return carry

        lax.fori_loop(0, CH, fill, 0)
        off = 0
        while off < rs:
            step = min(CH, rs - off)
            pltpu.sync_copy(zeros.at[pl.ds(0, step)],
                            acc.at[pl.ds(s * rs + off, step)])
            off += step
        pltpu.sync_copy(dst_hbm.at[w], idx)
        plsc.subcore_barrier()

        def scat(j, t):
            return pltpu.make_async_copy(ones, acc.at[idx.at[j]], sems[t])

        def zscat(t):
            return pltpu.make_async_copy(zeros, acc.at[idx.at[0]], sems[t])

        zscat(1).start(add=True)

        def body(g, carry):
            for t in (0, 1):
                scat(g * 2 + t, t).start(add=True)
                zscat(1 - t).wait()
            return carry

        lax.fori_loop(0, NCH // 2, body, 0)
        zscat(1).wait()
        plsc.subcore_barrier()
        pltpu.sync_copy(acc.at[pl.ds(s * rs, rs)],
                        degp_hbm.at[c, pl.ds(s * rs, rs)])

    return deg_kernel


def _make_msg_kernel(R, H):
    rs = R // NS

    @functools.partial(
        pl.kernel,
        out_type=jax.ShapeDtypeStruct((NC, R, H), jnp.float32),
        mesh=_sc_mesh(),
        scratch_types=[
            pltpu.VMEM_SHARED((R, H), jnp.float32),
            pltpu.VMEM_SHARED((R, H), jnp.float32),
            pltpu.VMEM((2, CH, H), jnp.float32),
            pltpu.VMEM((4, CH), jnp.int32),
            pltpu.VMEM((4, CH), jnp.int32),
            [pltpu.SemaphoreType.DMA] * 2,
            [pltpu.SemaphoreType.DMA] * 2,
            [pltpu.SemaphoreType.DMA] * 4,
        ],
    )
    def msg_kernel(y_hbm, src_hbm, dst_hbm, zp_hbm, acc, ytab, rows, sidx, didx,
                   gsems, ssems, isems):
        c = lax.axis_index("c")
        s = lax.axis_index("s")
        w = s * NC + c

        def fill_zero(i, carry):
            r = i // (H // LANES)
            q = (i % (H // LANES)) * LANES
            rows[0, r, pl.ds(q, LANES)] = jnp.zeros((LANES,), jnp.float32)
            rows[1, r, pl.ds(q, LANES)] = jnp.zeros((LANES,), jnp.float32)
            return carry

        lax.fori_loop(0, CH * (H // LANES), fill_zero, 0)
        off = 0
        while off < rs:
            step = min(CH, rs - off)
            pltpu.sync_copy(rows.at[0, pl.ds(0, step)],
                            acc.at[pl.ds(s * rs + off, step)])
            off += step
        pltpu.sync_copy(y_hbm.at[pl.ds(s * rs, rs)], ytab.at[pl.ds(s * rs, rs)])
        plsc.subcore_barrier()

        def idx_start(j, q):
            pltpu.make_async_copy(src_hbm.at[w, j], sidx.at[q], isems[q]).start()
            pltpu.make_async_copy(dst_hbm.at[w, j], didx.at[q], isems[q]).start()

        def idx_wait(q):
            pltpu.make_async_copy(src_hbm.at[w, 0], sidx.at[q], isems[q]).wait()
            pltpu.make_async_copy(dst_hbm.at[w, 0], didx.at[q], isems[q]).wait()

        def gat(q, b):
            return pltpu.make_async_copy(ytab.at[sidx.at[q]], rows.at[b],
                                         gsems[b])

        def scat(q, b):
            return pltpu.make_async_copy(rows.at[b], acc.at[didx.at[q]],
                                         ssems[b])

        for q in range(3):
            idx_start(q, q)
        idx_wait(0)
        scat(0, 1).start(add=True)
        gat(0, 0).start()

        def group(g, carry):
            for t in range(4):
                j = g * 4 + t
                b = t % 2
                q = t % 4
                qn = (t + 1) % 4
                qp = (t + 3) % 4
                gat(q, b).wait()
                idx_wait(qn)
                scat(q, b).start(add=True)
                scat((t - 1) % 4, 1 - b).wait()
                gat(qn, 1 - b).start()
                idx_start((j + 3) % NCH, qp)
            return carry

        lax.fori_loop(0, NCH // 4, group, 0)
        gat(0, 0).wait()
        scat(3, 1).wait()
        idx_wait(1)
        idx_wait(2)
        plsc.subcore_barrier()
        pltpu.sync_copy(acc.at[pl.ds(s * rs, rs)],
                        zp_hbm.at[c, pl.ds(s * rs, rs)])

    return msg_kernel




def _dis_of(deg_ref):
    d3 = deg_ref[...]
    return lax.rsqrt(d3[0] + d3[1] + 1.0)[:, :1]


def _tc_a_body(x_ref, w_ref, deg_ref, y_ref):
    xw = jnp.dot(x_ref[...], w_ref[...], preferred_element_type=jnp.float32,
                 precision=PREC)
    y_ref[...] = xw * _dis_of(deg_ref)


def _tc_b_body(zp_ref, y1_ref, deg_ref, w2_ref, b1_ref, y2_ref):
    z3 = zp_ref[...]
    dis = _dis_of(deg_ref)
    h = jnp.maximum((z3[0] + z3[1] + y1_ref[...]) * dis + b1_ref[...], 0.0)
    y2_ref[...] = jnp.dot(h, w2_ref[...], preferred_element_type=jnp.float32,
                          precision=PREC) * dis


def _tc_c_body(zp_ref, y2_ref, deg_ref, b2_ref, out_ref):
    z3 = zp_ref[...]
    out_ref[...] = jnp.maximum(
        (z3[0] + z3[1] + y2_ref[...]) * _dis_of(deg_ref) + b2_ref[...], 0.0)




def kernel(x, edge_index, W1, b1, W2, b2):
    n, din = x.shape
    hid = W1.shape[1]
    e = edge_index.shape[1]
    ei = edge_index.astype(jnp.int32)
    src, dst = ei[0], ei[1]

    pad = NW * NCH * CH - e
    R = -(-(n + 1) // (NS * 8)) * (NS * 8)
    src_p = jnp.concatenate([src, jnp.zeros((pad,), jnp.int32)]).reshape(NW, NCH, CH)
    dst_p = jnp.concatenate([dst, jnp.full((pad,), n, jnp.int32)]).reshape(NW, NCH, CH)

    degp = _make_deg_kernel(R)(dst_p)
    msg = _make_msg_kernel(R, hid)

    grid = n // BR
    deg_spec = pl.BlockSpec((NC, BR, LANES), lambda i: (0, i, 0))
    row_spec = pl.BlockSpec((BR, hid), lambda i: (i, 0))
    zp_spec = pl.BlockSpec((NC, BR, hid), lambda i: (0, i, 0))
    bias_spec = pl.BlockSpec((1, hid), lambda i: (0, 0))
    tab_shape = jax.ShapeDtypeStruct((R, hid), jnp.float32)

    y1 = pl.pallas_call(
        _tc_a_body,
        grid=(grid,),
        in_specs=[
            pl.BlockSpec((BR, din), lambda i: (i, 0)),
            pl.BlockSpec((din, hid), lambda i: (0, 0)),
            deg_spec,
        ],
        out_specs=row_spec,
        out_shape=tab_shape,
    )(x, W1, degp)

    zp1 = msg(y1, src_p, dst_p)

    y2 = pl.pallas_call(
        _tc_b_body,
        grid=(grid,),
        in_specs=[
            zp_spec,
            row_spec,
            deg_spec,
            pl.BlockSpec((hid, hid), lambda i: (0, 0)),
            bias_spec,
        ],
        out_specs=row_spec,
        out_shape=tab_shape,
    )(zp1, y1, degp, W2, b1.reshape(1, hid))

    zp2 = msg(y2, src_p, dst_p)

    out = pl.pallas_call(
        _tc_c_body,
        grid=(grid,),
        in_specs=[zp_spec, row_spec, deg_spec, bias_spec],
        out_specs=row_spec,
        out_shape=jax.ShapeDtypeStruct((n, hid), jnp.float32),
    )(zp2, y2, degp, b2.reshape(1, hid))
    return out

# --- scband reference (transcript-rebuilt; emitter-appended) ---
"""Pipeline reference for scband-gnnrecommender-28862180229821 (READ-ONLY COPY).

The authoritative reference and input builder live on the scoring server;
editing this copy changes nothing except your own understanding.
"""

import jax, jax.numpy as jnp
import numpy as np

N_NODES = 10000
N_EDGES = 320000
IN_DIM = 128
HIDDEN = 64


def gcn_conv(x, edge_index, W, b):
    # PyG-style GCNConv: add self loops, symmetric normalization, linear transform, scatter-add aggregation
    n = x.shape[0]
    loop = jnp.arange(n, dtype=edge_index.dtype)
    src = jnp.concatenate([edge_index[0], loop])
    dst = jnp.concatenate([edge_index[1], loop])
    deg = jnp.zeros((n,), dtype=x.dtype).at[dst].add(1.0)
    deg_inv_sqrt = jnp.where(deg > 0, 1.0 / jnp.sqrt(deg), 0.0)
    norm = deg_inv_sqrt[src] * deg_inv_sqrt[dst]
    xw = x @ W
    msg = xw[src] * norm[:, None]
    out = jnp.zeros((n, W.shape[1]), dtype=x.dtype).at[dst].add(msg)
    return out + b


def setup_inputs(seed: int = 0) -> dict:
    key = jax.random.key(seed)
    k1, k2, k3, k4, k5, k6 = jax.random.split(key, 6)
    x = jax.random.normal(k1, (N_NODES, IN_DIM), dtype=jnp.float32)
    edge_index = jax.random.randint(k2, (2, N_EDGES), 0, N_NODES, dtype=jnp.int64)
    # Glorot-style init for conv weights, zeros for biases (matching PyG defaults)
    s1 = float(np.sqrt(6.0 / (IN_DIM + HIDDEN)))
    W1 = jax.random.uniform(k3, (IN_DIM, HIDDEN), dtype=jnp.float32, minval=-s1, maxval=s1)
    b1 = jnp.zeros((HIDDEN,), dtype=jnp.float32)
    s2 = float(np.sqrt(6.0 / (HIDDEN + HIDDEN)))
    W2 = jax.random.uniform(k4, (HIDDEN, HIDDEN), dtype=jnp.float32, minval=-s2, maxval=s2)
    b2 = jnp.zeros((HIDDEN,), dtype=jnp.float32)
    return {"x": x, "edge_index": edge_index, "W1": W1, "b1": b1, "W2": W2, "b2": b2}


def reference(x, edge_index, W1, b1, W2, b2):
    # Layer 1: GCNConv -> ReLU -> Dropout (identity at inference)
    h = gcn_conv(x, edge_index, W1, b1)
    h = jax.nn.relu(h)
    # dropout(p=0.2) is identity in eval mode
    # Layer 2
    h = gcn_conv(h, edge_index, W2, b2)
    h = jax.nn.relu(h)
    return h

if __name__ == "__main__":
    import jax
    _d = setup_inputs()
    print(jax.jit(kernel)(*tuple(_d.values())))

</pallas_src>

<mosaic_0001>
#map = affine_map<(d0, d1) -> (0, 0)>
#map1 = affine_map<(d0, d1) -> (0, 0, 0)>
module attributes {stable_mosaic.version = 14 : i64} {
  func.func @msg_kernel(%arg0: i32, %arg1: i32, %arg2: memref<10112x64xf32, #tpu.memory_space<hbm>>, %arg3: memref<32x80x128xi32, #tpu.memory_space<hbm>>, %arg4: memref<32x80x128xi32, #tpu.memory_space<hbm>>, %arg5: memref<2x10112x64xf32, #tpu.memory_space<hbm>>, %arg6: memref<10112x64xf32, #tpu.memory_space<vmem_shared>>, %arg7: memref<10112x64xf32, #tpu.memory_space<vmem_shared>>, %arg8: memref<2x128x64xf32, #tpu.memory_space<vmem>>, %arg9: memref<4x128xi32, #tpu.memory_space<vmem>>, %arg10: memref<4x128xi32, #tpu.memory_space<vmem>>, %arg11: memref<!tpu.dma_semaphore, #tpu.memory_space<semaphore_mem>>, %arg12: memref<!tpu.dma_semaphore, #tpu.memory_space<semaphore_mem>>, %arg13: memref<!tpu.dma_semaphore, #tpu.memory_space<semaphore_mem>>, %arg14: memref<!tpu.dma_semaphore, #tpu.memory_space<semaphore_mem>>, %arg15: memref<!tpu.dma_semaphore, #tpu.memory_space<semaphore_mem>>, %arg16: memref<!tpu.dma_semaphore, #tpu.memory_space<semaphore_mem>>, %arg17: memref<!tpu.dma_semaphore, #tpu.memory_space<semaphore_mem>>, %arg18: memref<!tpu.dma_semaphore, #tpu.memory_space<semaphore_mem>>) attributes {dimension_semantics = [#tpu.dimension_semantics<core_parallel>, #tpu.dimension_semantics<subcore_parallel>], iteration_bounds = array<i64: 2, 16>, scalar_prefetch = 0 : i64, scratch_operands = 13 : i64, tpu.core_type = #tpu.core_type<sc_vector_subcore>, window_params = [{transform_indices = #map}, {transform_indices = #map1}, {transform_indices = #map1}, {transform_indices = #map1}]} {
    %mul3A = arith.constant 2 : i32
    %mul3A_0 = arith.muli %arg1, %mul3A : i32
    %add3A = arith.addi %mul3A_0, %arg0 : i32
    %scan3A = arith.constant 0 : i32
    %scan3A_1 = arith.constant 0 : i32
    %scan3A_2 = arith.constant 512 : i32
    %scan3A_3 = arith.addi %scan3A_1, %scan3A_2 : i32
    %scan3A_4 = arith.constant 1 : i32
    scf.for %scan3A_259 = %scan3A_1 to %scan3A_3 step %scan3A_4  : i32 {
      %jit3A = arith.constant 4 : i32
      %div3A = arith.divsi %scan3A_259, %jit3A : i32
      %sign3A = arith.constant 0 : i32
      %sign3A_260 = arith.cmpi sgt, %scan3A_259, %sign3A : i32
      %sign3A_261 = arith.extui %sign3A_260 : i1 to i32
      %sign3A_262 = arith.constant 0 : i32
      %sign3A_263 = arith.cmpi slt, %scan3A_259, %sign3A_262 : i32
      %sign3A_264 = arith.extui %sign3A_263 : i1 to i32
      %sign3A_265 = arith.subi %sign3A_261, %sign3A_264 : i32
      %sign3A_266 = arith.constant 0 : i32
      %sign3A_267 = arith.cmpi sgt, %jit3A, %sign3A_266 : i32
      %sign3A_268 = arith.extui %sign3A_267 : i1 to i32
      %sign3A_269 = arith.constant 0 : i32
      %sign3A_270 = arith.cmpi slt, %jit3A, %sign3A_269 : i32
      %sign3A_271 = arith.extui %sign3A_270 : i1 to i32
      %sign3A_272 = arith.subi %sign3A_268, %sign3A_271 : i32
      %ne3A = arith.cmpi ne, %sign3A_265, %sign3A_272 : i32
      %rem3A = arith.remsi %scan3A_259, %jit3A : i32
      %ne3A_273 = arith.constant 0 : i32
      %ne3A_274 = arith.cmpi ne, %rem3A, %ne3A_273 : i32
      %and3A = arith.andi %ne3A, %ne3A_274 : i1
      %sub3A = arith.constant 1 : i32
      %sub3A_275 = arith.subi %div3A, %sub3A : i32
      %select_n3A = arith.select %and3A, %sub3A_275, %div3A : i32
      %jit3A_276 = arith.constant 4 : i32
      %eq3A = arith.constant 0 : i32
      %eq3A_277 = arith.cmpi eq, %jit3A_276, %eq3A : i32
      %jit3A_278 = arith.constant 1 : i32
      %select_n3A_279 = arith.select %eq3A_277, %jit3A_278, %jit3A_276 : i32
      %rem3A_280 = arith.remsi %scan3A_259, %select_n3A_279 : i32
      %ne3A_281 = arith.constant 0 : i32
      %ne3A_282 = arith.cmpi ne, %rem3A_280, %ne3A_281 : i32
      %lt3A = arith.constant 0 : i32
      %lt3A_283 = arith.cmpi slt, %rem3A_280, %lt3A : i32
      %lt3A_284 = arith.constant 0 : i32
      %lt3A_285 = arith.cmpi slt, %select_n3A_279, %lt3A_284 : i32
      %ne3A_286 = arith.xori %lt3A_283, %lt3A_285 : i1
      %and3A_287 = arith.andi %ne3A_286, %ne3A_282 : i1
      %add3A_288 = arith.addi %rem3A_280, %select_n3A_279 : i32
      %select_n3A_289 = arith.select %and3A_287, %add3A_288, %rem3A_280 : i32
      %mul3A_290 = arith.constant 16 : i32
      %mul3A_291 = arith.muli %select_n3A_289, %mul3A_290 : i32
      %broadcast_in_dim3A = arith.constant 0.000000e+00 : f32
      %broadcast_in_dim3A_292 = vector.broadcast %broadcast_in_dim3A : f32 to vector<16xf32>
      %swap3A = arith.constant 0 : i32
      %swap3A_293 = arith.index_cast %swap3A : i32 to index
      %swap3A_294 = arith.index_cast %select_n3A : i32 to index
      %swap3A_295 = arith.index_cast %mul3A_291 : i32 to index
      %swap3A_296 = tpu.vector_load %arg8[%swap3A_293, %swap3A_294, %swap3A_295] {strides = array<i32>} : memref<2x128x64xf32, #tpu.memory_space<vmem>>, vector<1x1x16xf32>,
      %swap3A_297 = vector.shape_cast %swap3A_296 : vector<1x1x16xf32> to vector<16xf32>
      %swap3A_298 = vector.shape_cast %broadcast_in_dim3A_292 : vector<16xf32> to vector<1x1x16xf32>
      tpu.vector_store %arg8[%swap3A_293, %swap3A_294, %swap3A_295], %swap3A_298 {strides = array<i32>} : memref<2x128x64xf32, #tpu.memory_space<vmem>>, vector<1x1x16xf32>,
      %broadcast_in_dim3A_299 = arith.constant 0.000000e+00 : f32
      %broadcast_in_dim3A_300 = vector.broadcast %broadcast_in_dim3A_299 : f32 to vector<16xf32>
      %swap3A_301 = arith.constant 1 : i32
      %swap3A_302 = arith.index_cast %swap3A_301 : i32 to index
      %swap3A_303 = arith.index_cast %select_n3A : i32 to index
      %swap3A_304 = arith.index_cast %mul3A_291 : i32 to index
      %swap3A_305 = tpu.vector_load %arg8[%swap3A_302, %swap3A_303, %swap3A_304] {strides = array<i32>} : memref<2x128x64xf32, #tpu.memory_space<vmem>>, vector<1x1x16xf32>,
      %swap3A_306 = vector.shape_cast %swap3A_305 : vector<1x1x16xf32> to vector<16xf32>
      %swap3A_307 = vector.shape_cast %broadcast_in_dim3A_300 : vector<16xf32> to vector<1x1x16xf32>
      tpu.vector_store %arg8[%swap3A_302, %swap3A_303, %swap3A_304], %swap3A_307 {strides = array<i32>} : memref<2x128x64xf32, #tpu.memory_space<vmem>>, vector<1x1x16xf32>,
    }
    %scan3A_5 = arith.constant 512 : i32
    %mul3A_6 = arith.constant 632 : i32
    %mul3A_7 = arith.muli %arg1, %mul3A_6 : i32
    %add3A_8 = arith.constant 0 : i32
    %add3A_9 = arith.addi %mul3A_7, %add3A_8 : i32
    %run_scoped3A = arith.constant 0 : i32
    "tpu.region"() ({
      %run_scoped3A_259 = tpu.sem_alloc : memref<!tpu.dma_semaphore, #tpu.memory_space<semaphore_mem>>
      %dma_start3A_260 = arith.constant 0 : i32
      %dma_start3A_261 = arith.constant 0 : i32
      %dma_start3A_262 = tpu.memref_slice %arg8[%run_scoped3A, %dma_start3A_260, %dma_start3A_261] : memref<2x128x64xf32, #tpu.memory_space<vmem>> -> memref<1x128x64xf32, #tpu.memory_space<vmem>>
      %dma_start3A_263 = tpu.memref_squeeze %dma_start3A_262 : memref<1x128x64xf32, #tpu.memory_space<vmem>> -> memref<128x64xf32, #tpu.memory_space<vmem>>
      %dma_start3A_264 = arith.constant 0 : i32
      %dma_start3A_265 = tpu.memref_slice %arg6[%add3A_9, %dma_start3A_264] : memref<10112x64xf32, #tpu.memory_space<vmem_shared>> -> memref<128x64xf32, #tpu.memory_space<vmem_shared>>
      %dma_start3A_266 = arith.constant 0 : i32
      %dma_start3A_267 = tpu.memref_slice %arg6[%add3A_9, %dma_start3A_266] : memref<10112x64xf32, #tpu.memory_space<vmem_shared>> -> memref<128x64xf32, #tpu.memory_space<vmem_shared>>
      %dma_start3A_268 = arith.constant 0 : i32
      %dma_start3A_269 = arith.constant 0 : i32
      %dma_start3A_270 = tpu.memref_slice %arg8[%run_scoped3A, %dma_start3A_268, %dma_start3A_269] : memref<2x128x64xf32, #tpu.memory_space<vmem>> -> memref<1x128x64xf32, #tpu.memory_space<vmem>>
      %dma_start3A_271 = tpu.memref_squeeze %dma_start3A_270 : memref<1x128x64xf32, #tpu.memory_space<vmem>> -> memref<128x64xf32, #tpu.memory_space<vmem>>
      tpu.enqueue_dma source(%dma_start3A_271 : memref<128x64xf32, #tpu.memory_space<vmem>>) target(%dma_start3A_267 : memref<128x64xf32, #tpu.memory_space<vmem_shared>>) target_semaphore(%run_scoped3A_259 : memref<!tpu.dma_semaphore, #tpu.memory_space<semaphore_mem>>)
      %dma_wait3A_272 = arith.constant 0 : i32
      %dma_wait3A_273 = arith.constant 0 : i32
      %dma_wait3A_274 = tpu.memref_slice %arg8[%run_scoped3A, %dma_wait3A_272, %dma_wait3A_273] : memref<2x128x64xf32, #tpu.memory_space<vmem>> -> memref<1x128x64xf32, #tpu.memory_space<vmem>>
      %dma_wait3A_275 = tpu.memref_squeeze %dma_wait3A_274 : memref<1x128x64xf32, #tpu.memory_space<vmem>> -> memref<128x64xf32, #tpu.memory_space<vmem>>
      %dma_wait3A_276 = arith.constant 0 : i32
      %dma_wait3A_277 = tpu.memref_slice %arg6[%add3A_9, %dma_wait3A_276] : memref<10112x64xf32, #tpu.memory_space<vmem_shared>> -> memref<128x64xf32, #tpu.memory_space<vmem_shared>>
      %dma_wait3A_278 = arith.constant 0 : i32
      %dma_wait3A_279 = tpu.memref_slice %arg6[%add3A_9, %dma_wait3A_278] : memref<10112x64xf32, #tpu.memory_space<vmem_shared>> -> memref<128x64xf32, #tpu.memory_space<vmem_shared>>
      %dma_wait3A_280 = arith.constant 0 : i32
      %dma_wait3A_281 = arith.constant 0 : i32
      %dma_wait3A_282 = tpu.memref_slice %arg8[%run_scoped3A, %dma_wait3A_280, %dma_wait3A_281] : memref<2x128x64xf32, #tpu.memory_space<vmem>> -> memref<1x128x64xf32, #tpu.memory_space<vmem>>
      %dma_wait3A_283 = tpu.memref_squeeze %dma_wait3A_282 : memref<1x128x64xf32, #tpu.memory_space<vmem>> -> memref<128x64xf32, #tpu.memory_space<vmem>>
      tpu.wait_dma2 semaphore(%run_scoped3A_259 : memref<!tpu.dma_semaphore, #tpu.memory_space<semaphore_mem>>) src(%dma_wait3A_283 : memref<128x64xf32, #tpu.memory_space<vmem>>) dst(%dma_wait3A_279 : memref<128x64xf32, #tpu.memory_space<vmem_shared>>)
      tpu.yield
    }) : () -> ()
    %mul3A_10 = arith.constant 632 : i32
    %mul3A_11 = arith.muli %arg1, %mul3A_10 : i32
    %add3A_12 = arith.constant 128 : i32
    %add3A_13 = arith.addi %mul3A_11, %add3A_12 : i32
    %run_scoped3A_14 = arith.constant 0 : i32
    "tpu.region"() ({
      %run_scoped3A_259 = tpu.sem_alloc : memref<!tpu.dma_semaphore, #tpu.memory_space<semaphore_mem>>
      %dma_start3A_260 = arith.constant 0 : i32
      %dma_start3A_261 = arith.constant 0 : i32
      %dma_start3A_262 = tpu.memref_slice %arg8[%run_scoped3A_14, %dma_start3A_260, %dma_start3A_261] : memref<2x128x64xf32, #tpu.memory_space<vmem>> -> memref<1x128x64xf32, #tpu.memory_space<vmem>>
      %dma_start3A_263 = tpu.memref_squeeze %dma_start3A_262 : memref<1x128x64xf32, #tpu.memory_space<vmem>> -> memref<128x64xf32, #tpu.memory_space<vmem>>
      %dma_start3A_264 = arith.constant 0 : i32
      %dma_start3A_265 = tpu.memref_slice %arg6[%add3A_13, %dma_start3A_264] : memref<10112x64xf32, #tpu.memory_space<vmem_shared>> -> memref<128x64xf32, #tpu.memory_space<vmem_shared>>
      %dma_start3A_266 = arith.constant 0 : i32
      %dma_start3A_267 = tpu.memref_slice %arg6[%add3A_13, %dma_start3A_266] : memref<10112x64xf32, #tpu.memory_space<vmem_shared>> -> memref<128x64xf32, #tpu.memory_space<vmem_shared>>
      %dma_start3A_268 = arith.constant 0 : i32
      %dma_start3A_269 = arith.constant 0 : i32
      %dma_start3A_270 = tpu.memref_slice %arg8[%run_scoped3A_14, %dma_start3A_268, %dma_start3A_269] : memref<2x128x64xf32, #tpu.memory_space<vmem>> -> memref<1x128x64xf32, #tpu.memory_space<vmem>>
      %dma_start3A_271 = tpu.memref_squeeze %dma_start3A_270 : memref<1x128x64xf32, #tpu.memory_space<vmem>> -> memref<128x64xf32, #tpu.memory_space<vmem>>
      tpu.enqueue_dma source(%dma_start3A_271 : memref<128x64xf32, #tpu.memory_space<vmem>>) target(%dma_start3A_267 : memref<128x64xf32, #tpu.memory_space<vmem_shared>>) target_semaphore(%run_scoped3A_259 : memref<!tpu.dma_semaphore, #tpu.memory_space<semaphore_mem>>)
      %dma_wait3A_272 = arith.constant 0 : i32
      %dma_wait3A_273 = arith.constant 0 : i32
      %dma_wait3A_274 = tpu.memref_slice %arg8[%run_scoped3A_14, %dma_wait3A_272, %dma_wait3A_273] : memref<2x128x64xf32, #tpu.memory_space<vmem>> -> memref<1x128x64xf32, #tpu.memory_space<vmem>>
      %dma_wait3A_275 = tpu.memref_squeeze %dma_wait3A_274 : memref<1x128x64xf32, #tpu.memory_space<vmem>> -> memref<128x64xf32, #tpu.memory_space<vmem>>
      %dma_wait3A_276 = arith.constant 0 : i32
      %dma_wait3A_277 = tpu.memref_slice %arg6[%add3A_13, %dma_wait3A_276] : memref<10112x64xf32, #tpu.memory_space<vmem_shared>> -> memref<128x64xf32, #tpu.memory_space<vmem_shared>>
      %dma_wait3A_278 = arith.constant 0 : i32
      %dma_wait3A_279 = tpu.memref_slice %arg6[%add3A_13, %dma_wait3A_278] : memref<10112x64xf32, #tpu.memory_space<vmem_shared>> -> memref<128x64xf32, #tpu.memory_space<vmem_shared>>
      %dma_wait3A_280 = arith.constant 0 : i32
      %dma_wait3A_281 = arith.constant 0 : i32
      %dma_wait3A_282 = tpu.memref_slice %arg8[%run_scoped3A_14, %dma_wait3A_280, %dma_wait3A_281] : memref<2x128x64xf32, #tpu.memory_space<vmem>> -> memref<1x128x64xf32, #tpu.memory_space<vmem>>
      %dma_wait3A_283 = tpu.memref_squeeze %dma_wait3A_282 : memref<1x128x64xf32, #tpu.memory_space<vmem>> -> memref<128x64xf32, #tpu.memory_space<vmem>>
      tpu.wait_dma2 semaphore(%run_scoped3A_259 : memref<!tpu.dma_semaphore, #tpu.memory_space<semaphore_mem>>) src(%dma_wait3A_283 : memref<128x64xf32, #tpu.memory_space<vmem>>) dst(%dma_wait3A_279 : memref<128x64xf32, #tpu.memory_space<vmem_shared>>)
      tpu.yield
    }) : () -> ()
    %mul3A_15 = arith.constant 632 : i32
    %mul3A_16 = arith.muli %arg1, %mul3A_15 : i32
    %add3A_17 = arith.constant 256 : i32
    %add3A_18 = arith.addi %mul3A_16, %add3A_17 : i32
    %run_scoped3A_19 = arith.constant 0 : i32
    "tpu.region"() ({
      %run_scoped3A_259 = tpu.sem_alloc : memref<!tpu.dma_semaphore, #tpu.memory_space<semaphore_mem>>
      %dma_start3A_260 = arith.constant 0 : i32
      %dma_start3A_261 = arith.constant 0 : i32
      %dma_start3A_262 = tpu.memref_slice %arg8[%run_scoped3A_19, %dma_start3A_260, %dma_start3A_261] : memref<2x128x64xf32, #tpu.memory_space<vmem>> -> memref<1x128x64xf32, #tpu.memory_space<vmem>>
      %dma_start3A_263 = tpu.memref_squeeze %dma_start3A_262 : memref<1x128x64xf32, #tpu.memory_space<vmem>> -> memref<128x64xf32, #tpu.memory_space<vmem>>
      %dma_start3A_264 = arith.constant 0 : i32
      %dma_start3A_265 = tpu.memref_slice %arg6[%add3A_18, %dma_start3A_264] : memref<10112x64xf32, #tpu.memory_space<vmem_shared>> -> memref<128x64xf32, #tpu.memory_space<vmem_shared>>
      %dma_start3A_266 = arith.constant 0 : i32
      %dma_start3A_267 = tpu.memref_slice %arg6[%add3A_18, %dma_start3A_266] : memref<10112x64xf32, #tpu.memory_space<vmem_shared>> -> memref<128x64xf32, #tpu.memory_space<vmem_shared>>
      %dma_start3A_268 = arith.constant 0 : i32
      %dma_start3A_269 = arith.constant 0 : i32
      %dma_start3A_270 = tpu.memref_slice %arg8[%run_scoped3A_19, %dma_start3A_268, %dma_start3A_269] : memref<2x128x64xf32, #tpu.memory_space<vmem>> -> memref<1x128x64xf32, #tpu.memory_space<vmem>>
      %dma_start3A_271 = tpu.memref_squeeze %dma_start3A_270 : memref<1x128x64xf32, #tpu.memory_space<vmem>> -> memref<128x64xf32, #tpu.memory_space<vmem>>
      tpu.enqueue_dma source(%dma_start3A_271 : memref<128x64xf32, #tpu.memory_space<vmem>>) target(%dma_start3A_267 : memref<128x64xf32, #tpu.memory_space<vmem_shared>>) target_semaphore(%run_scoped3A_259 : memref<!tpu.dma_semaphore, #tpu.memory_space<semaphore_mem>>)
      %dma_wait3A_272 = arith.constant 0 : i32
      %dma_wait3A_273 = arith.constant 0 : i32
      %dma_wait3A_274 = tpu.memref_slice %arg8[%run_scoped3A_19, %dma_wait3A_272, %dma_wait3A_273] : memref<2x128x64xf32, #tpu.memory_space<vmem>> -> memref<1x128x64xf32, #tpu.memory_space<vmem>>
      %dma_wait3A_275 = tpu.memref_squeeze %dma_wait3A_274 : memref<1x128x64xf32, #tpu.memory_space<vmem>> -> memref<128x64xf32, #tpu.memory_space<vmem>>
      %dma_wait3A_276 = arith.constant 0 : i32
      %dma_wait3A_277 = tpu.memref_slice %arg6[%add3A_18, %dma_wait3A_276] : memref<10112x64xf32, #tpu.memory_space<vmem_shared>> -> memref<128x64xf32, #tpu.memory_space<vmem_shared>>
      %dma_wait3A_278 = arith.constant 0 : i32
      %dma_wait3A_279 = tpu.memref_slice %arg6[%add3A_18, %dma_wait3A_278] : memref<10112x64xf32, #tpu.memory_space<vmem_shared>> -> memref<128x64xf32, #tpu.memory_space<vmem_shared>>
      %dma_wait3A_280 = arith.constant 0 : i32
      %dma_wait3A_281 = arith.constant 0 : i32
      %dma_wait3A_282 = tpu.memref_slice %arg8[%run_scoped3A_19, %dma_wait3A_280, %dma_wait3A_281] : memref<2x128x64xf32, #tpu.memory_space<vmem>> -> memref<1x128x64xf32, #tpu.memory_space<vmem>>
      %dma_wait3A_283 = tpu.memref_squeeze %dma_wait3A_282 : memref<1x128x64xf32, #tpu.memory_space<vmem>> -> memref<128x64xf32, #tpu.memory_space<vmem>>
      tpu.wait_dma2 semaphore(%run_scoped3A_259 : memref<!tpu.dma_semaphore, #tpu.memory_space<semaphore_mem>>) src(%dma_wait3A_283 : memref<128x64xf32, #tpu.memory_space<vmem>>) dst(%dma_wait3A_279 : memref<128x64xf32, #tpu.memory_space<vmem_shared>>)
      tpu.yield
    }) : () -> ()
    %mul3A_20 = arith.constant 632 : i32
    %mul3A_21 = arith.muli %arg1, %mul3A_20 : i32
    %add3A_22 = arith.constant 384 : i32
    %add3A_23 = arith.addi %mul3A_21, %add3A_22 : i32
    %run_scoped3A_24 = arith.constant 0 : i32
    "tpu.region"() ({
      %run_scoped3A_259 = tpu.sem_alloc : memref<!tpu.dma_semaphore, #tpu.memory_space<semaphore_mem>>
      %dma_start3A_260 = arith.constant 0 : i32
      %dma_start3A_261 = arith.constant 0 : i32
      %dma_start3A_262 = tpu.memref_slice %arg8[%run_scoped3A_24, %dma_start3A_260, %dma_start3A_261] : memref<2x128x64xf32, #tpu.memory_space<vmem>> -> memref<1x128x64xf32, #tpu.memory_space<vmem>>
      %dma_start3A_263 = tpu.memref_squeeze %dma_start3A_262 : memref<1x128x64xf32, #tpu.memory_space<vmem>> -> memref<128x64xf32, #tpu.memory_space<vmem>>
      %dma_start3A_264 = arith.constant 0 : i32
      %dma_start3A_265 = tpu.memref_slice %arg6[%add3A_23, %dma_start3A_264] : memref<10112x64xf32, #tpu.memory_space<vmem_shared>> -> memref<128x64xf32, #tpu.memory_space<vmem_shared>>
      %dma_start3A_266 = arith.constant 0 : i32
      %dma_start3A_267 = tpu.memref_slice %arg6[%add3A_23, %dma_start3A_266] : memref<10112x64xf32, #tpu.memory_space<vmem_shared>> -> memref<128x64xf32, #tpu.memory_space<vmem_shared>>
      %dma_start3A_268 = arith.constant 0 : i32
      %dma_start3A_269 = arith.constant 0 : i32
      %dma_start3A_270 = tpu.memref_slice %arg8[%run_scoped3A_24, %dma_start3A_268, %dma_start3A_269] : memref<2x128x64xf32, #tpu.memory_space<vmem>> -> memref<1x128x64xf32, #tpu.memory_space<vmem>>
      %dma_start3A_271 = tpu.memref_squeeze %dma_start3A_270 : memref<1x128x64xf32, #tpu.memory_space<vmem>> -> memref<128x64xf32, #tpu.memory_space<vmem>>
      tpu.enqueue_dma source(%dma_start3A_271 : memref<128x64xf32, #tpu.memory_space<vmem>>) target(%dma_start3A_267 : memref<128x64xf32, #tpu.memory_space<vmem_shared>>) target_semaphore(%run_scoped3A_259 : memref<!tpu.dma_semaphore, #tpu.memory_space<semaphore_mem>>)
      %dma_wait3A_272 = arith.constant 0 : i32
      %dma_wait3A_273 = arith.constant 0 : i32
      %dma_wait3A_274 = tpu.memref_slice %arg8[%run_scoped3A_24, %dma_wait3A_272, %dma_wait3A_273] : memref<2x128x64xf32, #tpu.memory_space<vmem>> -> memref<1x128x64xf32, #tpu.memory_space<vmem>>
      %dma_wait3A_275 = tpu.memref_squeeze %dma_wait3A_274 : memref<1x128x64xf32, #tpu.memory_space<vmem>> -> memref<128x64xf32, #tpu.memory_space<vmem>>
      %dma_wait3A_276 = arith.constant 0 : i32
      %dma_wait3A_277 = tpu.memref_slice %arg6[%add3A_23, %dma_wait3A_276] : memref<10112x64xf32, #tpu.memory_space<vmem_shared>> -> memref<128x64xf32, #tpu.memory_space<vmem_shared>>
      %dma_wait3A_278 = arith.constant 0 : i32
      %dma_wait3A_279 = tpu.memref_slice %arg6[%add3A_23, %dma_wait3A_278] : memref<10112x64xf32, #tpu.memory_space<vmem_shared>> -> memref<128x64xf32, #tpu.memory_space<vmem_shared>>
      %dma_wait3A_280 = arith.constant 0 : i32
      %dma_wait3A_281 = arith.constant 0 : i32
      %dma_wait3A_282 = tpu.memref_slice %arg8[%run_scoped3A_24, %dma_wait3A_280, %dma_wait3A_281] : memref<2x128x64xf32, #tpu.memory_space<vmem>> -> memref<1x128x64xf32, #tpu.memory_space<vmem>>
      %dma_wait3A_283 = tpu.memref_squeeze %dma_wait3A_282 : memref<1x128x64xf32, #tpu.memory_space<vmem>> -> memref<128x64xf32, #tpu.memory_space<vmem>>
      tpu.wait_dma2 semaphore(%run_scoped3A_259 : memref<!tpu.dma_semaphore, #tpu.memory_space<semaphore_mem>>) src(%dma_wait3A_283 : memref<128x64xf32, #tpu.memory_space<vmem>>) dst(%dma_wait3A_279 : memref<128x64xf32, #tpu.memory_space<vmem_shared>>)
      tpu.yield
    }) : () -> ()
    %mul3A_25 = arith.constant 632 : i32
    %mul3A_26 = arith.muli %arg1, %mul3A_25 : i32
    %add3A_27 = arith.constant 512 : i32
    %add3A_28 = arith.addi %mul3A_26, %add3A_27 : i32
    %run_scoped3A_29 = arith.constant 0 : i32
    "tpu.region"() ({
      %run_scoped3A_259 = tpu.sem_alloc : memref<!tpu.dma_semaphore, #tpu.memory_space<semaphore_mem>>
      %dma_start3A_260 = arith.constant 0 : i32
      %dma_start3A_261 = arith.constant 0 : i32
      %dma_start3A_262 = tpu.memref_slice %arg8[%run_scoped3A_29, %dma_start3A_260, %dma_start3A_261] : memref<2x128x64xf32, #tpu.memory_space<vmem>> -> memref<1x120x64xf32, #tpu.memory_space<vmem>>
      %dma_start3A_263 = tpu.memref_squeeze %dma_start3A_262 : memref<1x120x64xf32, #tpu.memory_space<vmem>> -> memref<120x64xf32, #tpu.memory_space<vmem>>
      %dma_start3A_264 = arith.constant 0 : i32
      %dma_start3A_265 = tpu.memref_slice %arg6[%add3A_28, %dma_start3A_264] : memref<10112x64xf32, #tpu.memory_space<vmem_shared>> -> memref<120x64xf32, #tpu.memory_space<vmem_shared>>
      %dma_start3A_266 = arith.constant 0 : i32
      %dma_start3A_267 = tpu.memref_slice %arg6[%add3A_28, %dma_start3A_266] : memref<10112x64xf32, #tpu.memory_space<vmem_shared>> -> memref<120x64xf32, #tpu.memory_space<vmem_shared>>
      %dma_start3A_268 = arith.constant 0 : i32
      %dma_start3A_269 = arith.constant 0 : i32
      %dma_start3A_270 = tpu.memref_slice %arg8[%run_scoped3A_29, %dma_start3A_268, %dma_start3A_269] : memref<2x128x64xf32, #tpu.memory_space<vmem>> -> memref<1x120x64xf32, #tpu.memory_space<vmem>>
      %dma_start3A_271 = tpu.memref_squeeze %dma_start3A_270 : memref<1x120x64xf32, #tpu.memory_space<vmem>> -> memref<120x64xf32, #tpu.memory_space<vmem>>
      tpu.enqueue_dma source(%dma_start3A_271 : memref<120x64xf32, #tpu.memory_space<vmem>>) target(%dma_start3A_267 : memref<120x64xf32, #tpu.memory_space<vmem_shared>>) target_semaphore(%run_scoped3A_259 : memref<!tpu.dma_semaphore, #tpu.memory_space<semaphore_mem>>)
      %dma_wait3A_272 = arith.constant 0 : i32
      %dma_wait3A_273 = arith.constant 0 : i32
      %dma_wait3A_274 = tpu.memref_slice %arg8[%run_scoped3A_29, %dma_wait3A_272, %dma_wait3A_273] : memref<2x128x64xf32, #tpu.memory_space<vmem>> -> memref<1x120x64xf32, #tpu.memory_space<vmem>>
      %dma_wait3A_275 = tpu.memref_squeeze %dma_wait3A_274 : memref<1x120x64xf32, #tpu.memory_space<vmem>> -> memref<120x64xf32, #tpu.memory_space<vmem>>
      %dma_wait3A_276 = arith.constant 0 : i32
      %dma_wait3A_277 = tpu.memref_slice %arg6[%add3A_28, %dma_wait3A_276] : memref<10112x64xf32, #tpu.memory_space<vmem_shared>> -> memref<120x64xf32, #tpu.memory_space<vmem_shared>>
      %dma_wait3A_278 = arith.constant 0 : i32
      %dma_wait3A_279 = tpu.memref_slice %arg6[%add3A_28, %dma_wait3A_278] : memref<10112x64xf32, #tpu.memory_space<vmem_shared>> -> memref<120x64xf32, #tpu.memory_space<vmem_shared>>
      %dma_wait3A_280 = arith.constant 0 : i32
      %dma_wait3A_281 = arith.constant 0 : i32
      %dma_wait3A_282 = tpu.memref_slice %arg8[%run_scoped3A_29, %dma_wait3A_280, %dma_wait3A_281] : memref<2x128x64xf32, #tpu.memory_space<vmem>> -> memref<1x120x64xf32, #tpu.memory_space<vmem>>
      %dma_wait3A_283 = tpu.memref_squeeze %dma_wait3A_282 : memref<1x120x64xf32, #tpu.memory_space<vmem>> -> memref<120x64xf32, #tpu.memory_space<vmem>>
      tpu.wait_dma2 semaphore(%run_scoped3A_259 : memref<!tpu.dma_semaphore, #tpu.memory_space<semaphore_mem>>) src(%dma_wait3A_283 : memref<120x64xf32, #tpu.memory_space<vmem>>) dst(%dma_wait3A_279 : memref<120x64xf32, #tpu.memory_space<vmem_shared>>)
      tpu.yield
    }) : () -> ()
    %mul3A_30 = arith.constant 632 : i32
    %mul3A_31 = arith.muli %arg1, %mul3A_30 : i32
    %mul3A_32 = arith.constant 632 : i32
    %mul3A_33 = arith.muli %arg1, %mul3A_32 : i32
    "tpu.region"() ({
      %run_scoped3A_259 = tpu.sem_alloc : memref<!tpu.dma_semaphore, #tpu.memory_space<semaphore_mem>>
      %dma_start3A_260 = arith.constant 0 : i32
      %dma_start3A_261 = tpu.memref_slice %arg7[%mul3A_33, %dma_start3A_260] : memref<10112x64xf32, #tpu.memory_space<vmem_shared>> -> memref<632x64xf32, #tpu.memory_space<vmem_shared>>
      %dma_start3A_262 = arith.constant 0 : i32
      %dma_start3A_263 = tpu.memref_slice %arg2[%mul3A_31, %dma_start3A_262] : memref<10112x64xf32, #tpu.memory_space<hbm>> -> memref<632x64xf32, #tpu.memory_space<hbm>>
      tpu.enqueue_dma source(%dma_start3A_263 : memref<632x64xf32, #tpu.memory_space<hbm>>) target(%dma_start3A_261 : memref<632x64xf32, #tpu.memory_space<vmem_shared>>) target_semaphore(%run_scoped3A_259 : memref<!tpu.dma_semaphore, #tpu.memory_space<semaphore_mem>>)
      %dma_wait3A_264 = arith.constant 0 : i32
      %dma_wait3A_265 = tpu.memref_slice %arg7[%mul3A_33, %dma_wait3A_264] : memref<10112x64xf32, #tpu.memory_space<vmem_shared>> -> memref<632x64xf32, #tpu.memory_space<vmem_shared>>
      %dma_wait3A_266 = arith.constant 0 : i32
      %dma_wait3A_267 = tpu.memref_slice %arg2[%mul3A_31, %dma_wait3A_266] : memref<10112x64xf32, #tpu.memory_space<hbm>> -> memref<632x64xf32, #tpu.memory_space<hbm>>
      tpu.wait_dma2 semaphore(%run_scoped3A_259 : memref<!tpu.dma_semaphore, #tpu.memory_space<semaphore_mem>>) src(%dma_wait3A_267 : memref<632x64xf32, #tpu.memory_space<hbm>>) dst(%dma_wait3A_265 : memref<632x64xf32, #tpu.memory_space<vmem_shared>>)
      tpu.yield
    }) : () -> ()
    %barrier3A = arith.constant 0 : index
    tpu.barrier barrier_id(%barrier3A)
    %dma_start3A = arith.constant 0 : i32
    %dma_start3A_34 = arith.constant 0 : i32
    %dma_start3A_35 = arith.constant 0 : i32
    %dma_start3A_36 = tpu.memref_slice %arg9[%dma_start3A_34, %dma_start3A_35] : memref<4x128xi32, #tpu.memory_space<vmem>> -> memref<1x128xi32, #tpu.memory_space<vmem>>
    %dma_start3A_37 = tpu.memref_squeeze %dma_start3A_36 : memref<1x128xi32, #tpu.memory_space<vmem>> -> memref<128xi32, #tpu.memory_space<vmem>>
    %dma_start3A_38 = arith.constant 0 : i32
    %dma_start3A_39 = tpu.memref_slice %arg3[%add3A, %dma_start3A, %dma_start3A_38] : memref<32x80x128xi32, #tpu.memory_space<hbm>> -> memref<1x1x128xi32, #tpu.memory_space<hbm>>
    %dma_start3A_40 = tpu.memref_squeeze %dma_start3A_39 : memref<1x1x128xi32, #tpu.memory_space<hbm>> -> memref<128xi32, #tpu.memory_space<hbm>>
    %dma_start3A_41 = arith.constant 0 : i32
    %dma_start3A_42 = tpu.memref_slice %arg9[%dma_start3A_34, %dma_start3A_41] : memref<4x128xi32, #tpu.memory_space<vmem>> -> memref<1x128xi32, #tpu.memory_space<vmem>>
    %dma_start3A_43 = tpu.memref_squeeze %dma_start3A_42 : memref<1x128xi32, #tpu.memory_space<vmem>> -> memref<128xi32, #tpu.memory_space<vmem>>
    %dma_start3A_44 = arith.constant 0 : i32
    %dma_start3A_45 = tpu.memref_slice %arg3[%add3A, %dma_start3A, %dma_start3A_44] : memref<32x80x128xi32, #tpu.memory_space<hbm>> -> memref<1x1x128xi32, #tpu.memory_space<hbm>>
    %dma_start3A_46 = tpu.memref_squeeze %dma_start3A_45 : memref<1x1x128xi32, #tpu.memory_space<hbm>> -> memref<128xi32, #tpu.memory_space<hbm>>
    tpu.enqueue_dma source(%dma_start3A_46 : memref<128xi32, #tpu.memory_space<hbm>>) target(%dma_start3A_43 : memref<128xi32, #tpu.memory_space<vmem>>) target_semaphore(%arg15 : memref<!tpu.dma_semaphore, #tpu.memory_space<semaphore_mem>>)
    %dma_start3A_47 = arith.constant 0 : i32
    %dma_start3A_48 = arith.constant 0 : i32
    %dma_start3A_49 = arith.constant 0 : i32
    %dma_start3A_50 = tpu.memref_slice %arg10[%dma_start3A_48, %dma_start3A_49] : memref<4x128xi32, #tpu.memory_space<vmem>> -> memref<1x128xi32, #tpu.memory_space<vmem>>
    %dma_start3A_51 = tpu.memref_squeeze %dma_start3A_50 : memref<1x128xi32, #tpu.memory_space<vmem>> -> memref<128xi32, #tpu.memory_space<vmem>>
    %dma_start3A_52 = arith.constant 0 : i32
    %dma_start3A_53 = tpu.memref_slice %arg4[%add3A, %dma_start3A_47, %dma_start3A_52] : memref<32x80x128xi32, #tpu.memory_space<hbm>> -> memref<1x1x128xi32, #tpu.memory_space<hbm>>
    %dma_start3A_54 = tpu.memref_squeeze %dma_start3A_53 : memref<1x1x128xi32, #tpu.memory_space<hbm>> -> memref<128xi32, #tpu.memory_space<hbm>>
    %dma_start3A_55 = arith.constant 0 : i32
    %dma_start3A_56 = tpu.memref_slice %arg10[%dma_start3A_48, %dma_start3A_55] : memref<4x128xi32, #tpu.memory_space<vmem>> -> memref<1x128xi32, #tpu.memory_space<vmem>>
    %dma_start3A_57 = tpu.memref_squeeze %dma_start3A_56 : memref<1x128xi32, #tpu.memory_space<vmem>> -> memref<128xi32, #tpu.memory_space<vmem>>
    %dma_start3A_58 = arith.constant 0 : i32
    %dma_start3A_59 = tpu.memref_slice %arg4[%add3A, %dma_start3A_47, %dma_start3A_58] : memref<32x80x128xi32, #tpu.memory_space<hbm>> -> memref<1x1x128xi32, #tpu.memory_space<hbm>>
    %dma_start3A_60 = tpu.memref_squeeze %dma_start3A_59 : memref<1x1x128xi32, #tpu.memory_space<hbm>> -> memref<128xi32, #tpu.memory_space<hbm>>
    tpu.enqueue_dma source(%dma_start3A_60 : memref<128xi32, #tpu.memory_space<hbm>>) target(%dma_start3A_57 : memref<128xi32, #tpu.memory_space<vmem>>) target_semaphore(%arg15 : memref<!tpu.dma_semaphore, #tpu.memory_space<semaphore_mem>>)
    %dma_start3A_61 = arith.constant 1 : i32
    %dma_start3A_62 = arith.constant 1 : i32
    %dma_start3A_63 = arith.constant 0 : i32
    %dma_start3A_64 = tpu.memref_slice %arg9[%dma_start3A_62, %dma_start3A_63] : memref<4x128xi32, #tpu.memory_space<vmem>> -> memref<1x128xi32, #tpu.memory_space<vmem>>
    %dma_start3A_65 = tpu.memref_squeeze %dma_start3A_64 : memref<1x128xi32, #tpu.memory_space<vmem>> -> memref<128xi32, #tpu.memory_space<vmem>>
    %dma_start3A_66 = arith.constant 0 : i32
    %dma_start3A_67 = tpu.memref_slice %arg3[%add3A, %dma_start3A_61, %dma_start3A_66] : memref<32x80x128xi32, #tpu.memory_space<hbm>> -> memref<1x1x128xi32, #tpu.memory_space<hbm>>
    %dma_start3A_68 = tpu.memref_squeeze %dma_start3A_67 : memref<1x1x128xi32, #tpu.memory_space<hbm>> -> memref<128xi32, #tpu.memory_space<hbm>>
    %dma_start3A_69 = arith.constant 0 : i32
    %dma_start3A_70 = tpu.memref_slice %arg9[%dma_start3A_62, %dma_start3A_69] : memref<4x128xi32, #tpu.memory_space<vmem>> -> memref<1x128xi32, #tpu.memory_space<vmem>>
    %dma_start3A_71 = tpu.memref_squeeze %dma_start3A_70 : memref<1x128xi32, #tpu.memory_space<vmem>> -> memref<128xi32, #tpu.memory_space<vmem>>
    %dma_start3A_72 = arith.constant 0 : i32
    %dma_start3A_73 = tpu.memref_slice %arg3[%add3A, %dma_start3A_61, %dma_start3A_72] : memref<32x80x128xi32, #tpu.memory_space<hbm>> -> memref<1x1x128xi32, #tpu.memory_space<hbm>>
    %dma_start3A_74 = tpu.memref_squeeze %dma_start3A_73 : memref<1x1x128xi32, #tpu.memory_space<hbm>> -> memref<128xi32, #tpu.memory_space<hbm>>
    tpu.enqueue_dma source(%dma_start3A_74 : memref<128xi32, #tpu.memory_space<hbm>>) target(%dma_start3A_71 : memref<128xi32, #tpu.memory_space<vmem>>) target_semaphore(%arg16 : memref<!tpu.dma_semaphore, #tpu.memory_space<semaphore_mem>>)
    %dma_start3A_75 = arith.constant 1 : i32
    %dma_start3A_76 = arith.constant 1 : i32
    %dma_start3A_77 = arith.constant 0 : i32
    %dma_start3A_78 = tpu.memref_slice %arg10[%dma_start3A_76, %dma_start3A_77] : memref<4x128xi32, #tpu.memory_space<vmem>> -> memref<1x128xi32, #tpu.memory_space<vmem>>
    %dma_start3A_79 = tpu.memref_squeeze %dma_start3A_78 : memref<1x128xi32, #tpu.memory_space<vmem>> -> memref<128xi32, #tpu.memory_space<vmem>>
    %dma_start3A_80 = arith.constant 0 : i32
    %dma_start3A_81 = tpu.memref_slice %arg4[%add3A, %dma_start3A_75, %dma_start3A_80] : memref<32x80x128xi32, #tpu.memory_space<hbm>> -> memref<1x1x128xi32, #tpu.memory_space<hbm>>
    %dma_start3A_82 = tpu.memref_squeeze %dma_start3A_81 : memref<1x1x128xi32, #tpu.memory_space<hbm>> -> memref<128xi32, #tpu.memory_space<hbm>>
    %dma_start3A_83 = arith.constant 0 : i32
    %dma_start3A_84 = tpu.memref_slice %arg10[%dma_start3A_76, %dma_start3A_83] : memref<4x128xi32, #tpu.memory_space<vmem>> -> memref<1x128xi32, #tpu.memory_space<vmem>>
    %dma_start3A_85 = tpu.memref_squeeze %dma_start3A_84 : memref<1x128xi32, #tpu.memory_space<vmem>> -> memref<128xi32, #tpu.memory_space<vmem>>
    %dma_start3A_86 = arith.constant 0 : i32
    %dma_start3A_87 = tpu.memref_slice %arg4[%add3A, %dma_start3A_75, %dma_start3A_86] : memref<32x80x128xi32, #tpu.memory_space<hbm>> -> memref<1x1x128xi32, #tpu.memory_space<hbm>>
    %dma_start3A_88 = tpu.memref_squeeze %dma_start3A_87 : memref<1x1x128xi32, #tpu.memory_space<hbm>> -> memref<128xi32, #tpu.memory_space<hbm>>
    tpu.enqueue_dma source(%dma_start3A_88 : memref<128xi32, #tpu.memory_space<hbm>>) target(%dma_start3A_85 : memref<128xi32, #tpu.memory_space<vmem>>) target_semaphore(%arg16 : memref<!tpu.dma_semaphore, #tpu.memory_space<semaphore_mem>>)
    %dma_start3A_89 = arith.constant 2 : i32
    %dma_start3A_90 = arith.constant 2 : i32
    %dma_start3A_91 = arith.constant 0 : i32
    %dma_start3A_92 = tpu.memref_slice %arg9[%dma_start3A_90, %dma_start3A_91] : memref<4x128xi32, #tpu.memory_space<vmem>> -> memref<1x128xi32, #tpu.memory_space<vmem>>
    %dma_start3A_93 = tpu.memref_squeeze %dma_start3A_92 : memref<1x128xi32, #tpu.memory_space<vmem>> -> memref<128xi32, #tpu.memory_space<vmem>>
    %dma_start3A_94 = arith.constant 0 : i32
    %dma_start3A_95 = tpu.memref_slice %arg3[%add3A, %dma_start3A_89, %dma_start3A_94] : memref<32x80x128xi32, #tpu.memory_space<hbm>> -> memref<1x1x128xi32, #tpu.memory_space<hbm>>
    %dma_start3A_96 = tpu.memref_squeeze %dma_start3A_95 : memref<1x1x128xi32, #tpu.memory_space<hbm>> -> memref<128xi32, #tpu.memory_space<hbm>>
    %dma_start3A_97 = arith.constant 0 : i32
    %dma_start3A_98 = tpu.memref_slice %arg9[%dma_start3A_90, %dma_start3A_97] : memref<4x128xi32, #tpu.memory_space<vmem>> -> memref<1x128xi32, #tpu.memory_space<vmem>>
    %dma_start3A_99 = tpu.memref_squeeze %dma_start3A_98 : memref<1x128xi32, #tpu.memory_space<vmem>> -> memref<128xi32, #tpu.memory_space<vmem>>
    %dma_start3A_100 = arith.constant 0 : i32
    %dma_start3A_101 = tpu.memref_slice %arg3[%add3A, %dma_start3A_89, %dma_start3A_100] : memref<32x80x128xi32, #tpu.memory_space<hbm>> -> memref<1x1x128xi32, #tpu.memory_space<hbm>>
    %dma_start3A_102 = tpu.memref_squeeze %dma_start3A_101 : memref<1x1x128xi32, #tpu.memory_space<hbm>> -> memref<128xi32, #tpu.memory_space<hbm>>
    tpu.enqueue_dma source(%dma_start3A_102 : memref<128xi32, #tpu.memory_space<hbm>>) target(%dma_start3A_99 : memref<128xi32, #tpu.memory_space<vmem>>) target_semaphore(%arg17 : memref<!tpu.dma_semaphore, #tpu.memory_space<semaphore_mem>>)
    %dma_start3A_103 = arith.constant 2 : i32
    %dma_start3A_104 = arith.constant 2 : i32
    %dma_start3A_105 = arith.constant 0 : i32
    %dma_start3A_106 = tpu.memref_slice %arg10[%dma_start3A_104, %dma_start3A_105] : memref<4x128xi32, #tpu.memory_space<vmem>> -> memref<1x128xi32, #tpu.memory_space<vmem>>
    %dma_start3A_107 = tpu.memref_squeeze %dma_start3A_106 : memref<1x128xi32, #tpu.memory_space<vmem>> -> memref<128xi32, #tpu.memory_space<vmem>>
    %dma_start3A_108 = arith.constant 0 : i32
    %dma_start3A_109 = tpu.memref_slice %arg4[%add3A, %dma_start3A_103, %dma_start3A_108] : memref<32x80x128xi32, #tpu.memory_space<hbm>> -> memref<1x1x128xi32, #tpu.memory_space<hbm>>
    %dma_start3A_110 = tpu.memref_squeeze %dma_start3A_109 : memref<1x1x128xi32, #tpu.memory_space<hbm>> -> memref<128xi32, #tpu.memory_space<hbm>>
    %dma_start3A_111 = arith.constant 0 : i32
    %dma_start3A_112 = tpu.memref_slice %arg10[%dma_start3A_104, %dma_start3A_111] : memref<4x128xi32, #tpu.memory_space<vmem>> -> memref<1x128xi32, #tpu.memory_space<vmem>>
    %dma_start3A_113 = tpu.memref_squeeze %dma_start3A_112 : memref<1x128xi32, #tpu.memory_space<vmem>> -> memref<128xi32, #tpu.memory_space<vmem>>
    %dma_start3A_114 = arith.constant 0 : i32
    %dma_start3A_115 = tpu.memref_slice %arg4[%add3A, %dma_start3A_103, %dma_start3A_114] : memref<32x80x128xi32, #tpu.memory_space<hbm>> -> memref<1x1x128xi32, #tpu.memory_space<hbm>>
    %dma_start3A_116 = tpu.memref_squeeze %dma_start3A_115 : memref<1x1x128xi32, #tpu.memory_space<hbm>> -> memref<128xi32, #tpu.memory_space<hbm>>
    tpu.enqueue_dma source(%dma_start3A_116 : memref<128xi32, #tpu.memory_space<hbm>>) target(%dma_start3A_113 : memref<128xi32, #tpu.memory_space<vmem>>) target_semaphore(%arg17 : memref<!tpu.dma_semaphore, #tpu.memory_space<semaphore_mem>>)
    %dma_wait3A = arith.constant 0 : i32
    %dma_wait3A_117 = arith.constant 0 : i32
    %dma_wait3A_118 = arith.constant 0 : i32
    %dma_wait3A_119 = tpu.memref_slice %arg9[%dma_wait3A_117, %dma_wait3A_118] : memref<4x128xi32, #tpu.memory_space<vmem>> -> memref<1x128xi32, #tpu.memory_space<vmem>>
    %dma_wait3A_120 = tpu.memref_squeeze %dma_wait3A_119 : memref<1x128xi32, #tpu.memory_space<vmem>> -> memref<128xi32, #tpu.memory_space<vmem>>
    %dma_wait3A_121 = arith.constant 0 : i32
    %dma_wait3A_122 = tpu.memref_slice %arg3[%add3A, %dma_wait3A, %dma_wait3A_121] : memref<32x80x128xi32, #tpu.memory_space<hbm>> -> memref<1x1x128xi32, #tpu.memory_space<hbm>>
    %dma_wait3A_123 = tpu.memref_squeeze %dma_wait3A_122 : memref<1x1x128xi32, #tpu.memory_space<hbm>> -> memref<128xi32, #tpu.memory_space<hbm>>
    %dma_wait3A_124 = arith.constant 0 : i32
    %dma_wait3A_125 = tpu.memref_slice %arg9[%dma_wait3A_117, %dma_wait3A_124] : memref<4x128xi32, #tpu.memory_space<vmem>> -> memref<1x128xi32, #tpu.memory_space<vmem>>
    %dma_wait3A_126 = tpu.memref_squeeze %dma_wait3A_125 : memref<1x128xi32, #tpu.memory_space<vmem>> -> memref<128xi32, #tpu.memory_space<vmem>>
    %dma_wait3A_127 = arith.constant 0 : i32
    %dma_wait3A_128 = tpu.memref_slice %arg3[%add3A, %dma_wait3A, %dma_wait3A_127] : memref<32x80x128xi32, #tpu.memory_space<hbm>> -> memref<1x1x128xi32, #tpu.memory_space<hbm>>
    %dma_wait3A_129 = tpu.memref_squeeze %dma_wait3A_128 : memref<1x1x128xi32, #tpu.memory_space<hbm>> -> memref<128xi32, #tpu.memory_space<hbm>>
    tpu.wait_dma2 semaphore(%arg15 : memref<!tpu.dma_semaphore, #tpu.memory_space<semaphore_mem>>) src(%dma_wait3A_129 : memref<128xi32, #tpu.memory_space<hbm>>) dst(%dma_wait3A_126 : memref<128xi32, #tpu.memory_space<vmem>>)
    %dma_wait3A_130 = arith.constant 0 : i32
    %dma_wait3A_131 = arith.constant 0 : i32
    %dma_wait3A_132 = arith.constant 0 : i32
    %dma_wait3A_133 = tpu.memref_slice %arg10[%dma_wait3A_131, %dma_wait3A_132] : memref<4x128xi32, #tpu.memory_space<vmem>> -> memref<1x128xi32, #tpu.memory_space<vmem>>
    %dma_wait3A_134 = tpu.memref_squeeze %dma_wait3A_133 : memref<1x128xi32, #tpu.memory_space<vmem>> -> memref<128xi32, #tpu.memory_space<vmem>>
    %dma_wait3A_135 = arith.constant 0 : i32
    %dma_wait3A_136 = tpu.memref_slice %arg4[%add3A, %dma_wait3A_130, %dma_wait3A_135] : memref<32x80x128xi32, #tpu.memory_space<hbm>> -> memref<1x1x128xi32, #tpu.memory_space<hbm>>
    %dma_wait3A_137 = tpu.memref_squeeze %dma_wait3A_136 : memref<1x1x128xi32, #tpu.memory_space<hbm>> -> memref<128xi32, #tpu.memory_space<hbm>>
    %dma_wait3A_138 = arith.constant 0 : i32
    %dma_wait3A_139 = tpu.memref_slice %arg10[%dma_wait3A_131, %dma_wait3A_138] : memref<4x128xi32, #tpu.memory_space<vmem>> -> memref<1x128xi32, #tpu.memory_space<vmem>>
    %dma_wait3A_140 = tpu.memref_squeeze %dma_wait3A_139 : memref<1x128xi32, #tpu.memory_space<vmem>> -> memref<128xi32, #tpu.memory_space<vmem>>
    %dma_wait3A_141 = arith.constant 0 : i32
    %dma_wait3A_142 = tpu.memref_slice %arg4[%add3A, %dma_wait3A_130, %dma_wait3A_141] : memref<32x80x128xi32, #tpu.memory_space<hbm>> -> memref<1x1x128xi32, #tpu.memory_space<hbm>>
    %dma_wait3A_143 = tpu.memref_squeeze %dma_wait3A_142 : memref<1x1x128xi32, #tpu.memory_space<hbm>> -> memref<128xi32, #tpu.memory_space<hbm>>
    tpu.wait_dma2 semaphore(%arg15 : memref<!tpu.dma_semaphore, #tpu.memory_space<semaphore_mem>>) src(%dma_wait3A_143 : memref<128xi32, #tpu.memory_space<hbm>>) dst(%dma_wait3A_140 : memref<128xi32, #tpu.memory_space<vmem>>)
    %dma_start3A_144 = arith.constant 1 : i32
    %dma_start3A_145 = arith.constant 0 : i32
    %dma_start3A_146 = arith.constant 0 : i32
    %dma_start3A_147 = arith.constant 0 : i32
    %dma_start3A_148 = tpu.memref_slice %arg8[%dma_start3A_144, %dma_start3A_146, %dma_start3A_147] : memref<2x128x64xf32, #tpu.memory_space<vmem>> -> memref<1x128x64xf32, #tpu.memory_space<vmem>>
    %dma_start3A_149 = tpu.memref_squeeze %dma_start3A_148 : memref<1x128x64xf32, #tpu.memory_space<vmem>> -> memref<128x64xf32, #tpu.memory_space<vmem>>
    %dma_start3A_150 = arith.constant 0 : i32
    %dma_start3A_151 = tpu.memref_slice %arg10[%dma_start3A_145, %dma_start3A_150] : memref<4x128xi32, #tpu.memory_space<vmem>> -> memref<1x128xi32, #tpu.memory_space<vmem>>
    %dma_start3A_152 = tpu.memref_squeeze %dma_start3A_151 : memref<1x128xi32, #tpu.memory_space<vmem>> -> memref<128xi32, #tpu.memory_space<vmem>>
    %dma_start3A_153 = arith.constant 0 : i32
    %dma_start3A_154 = arith.constant 0 : i32
    %dma_start3A_155 = tpu.memref_slice %arg6[%dma_start3A_153, %dma_start3A_154] : memref<10112x64xf32, #tpu.memory_space<vmem_shared>> -> memref<10112x64xf32, #tpu.memory_space<vmem_shared>>
    tpu.enqueue_indirect_dma source(%dma_start3A_149 : memref<128x64xf32, #tpu.memory_space<vmem>>) target(%dma_start3A_155 : memref<10112x64xf32, #tpu.memory_space<vmem_shared>>) offsets(%dma_start3A_152 : memref<128xi32, #tpu.memory_space<vmem>>) semaphore(%arg14 : memref<!tpu.dma_semaphore, #tpu.memory_space<semaphore_mem>>) {add = true}
    %dma_start3A_156 = arith.constant 0 : i32
    %dma_start3A_157 = arith.constant 0 : i32
    %dma_start3A_158 = arith.constant 0 : i32
    %dma_start3A_159 = arith.constant 0 : i32
    %dma_start3A_160 = tpu.memref_slice %arg8[%dma_start3A_157, %dma_start3A_158, %dma_start3A_159] : memref<2x128x64xf32, #tpu.memory_space<vmem>> -> memref<1x128x64xf32, #tpu.memory_space<vmem>>
    %dma_start3A_161 = tpu.memref_squeeze %dma_start3A_160 : memref<1x128x64xf32, #tpu.memory_space<vmem>> -> memref<128x64xf32, #tpu.memory_space<vmem>>
    %dma_start3A_162 = arith.constant 0 : i32
    %dma_start3A_163 = tpu.memref_slice %arg9[%dma_start3A_156, %dma_start3A_162] : memref<4x128xi32, #tpu.memory_space<vmem>> -> memref<1x128xi32, #tpu.memory_space<vmem>>
    %dma_start3A_164 = tpu.memref_squeeze %dma_start3A_163 : memref<1x128xi32, #tpu.memory_space<vmem>> -> memref<128xi32, #tpu.memory_space<vmem>>
    %dma_start3A_165 = arith.constant 0 : i32
    %dma_start3A_166 = arith.constant 0 : i32
    %dma_start3A_167 = tpu.memref_slice %arg7[%dma_start3A_165, %dma_start3A_166] : memref<10112x64xf32, #tpu.memory_space<vmem_shared>> -> memref<10112x64xf32, #tpu.memory_space<vmem_shared>>
    tpu.enqueue_indirect_dma source(%dma_start3A_167 : memref<10112x64xf32, #tpu.memory_space<vmem_shared>>) target(%dma_start3A_161 : memref<128x64xf32, #tpu.memory_space<vmem>>) offsets(%dma_start3A_164 : memref<128xi32, #tpu.memory_space<vmem>>) semaphore(%arg11 : memref<!tpu.dma_semaphore, #tpu.memory_space<semaphore_mem>>)
    %scan3A_168 = arith.constant 0 : i32
    %scan3A_169 = arith.constant 0 : i32
    %scan3A_170 = arith.constant 20 : i32
    %scan3A_171 = arith.addi %scan3A_169, %scan3A_170 : i32
    %scan3A_172 = arith.constant 1 : i32
    scf.for %scan3A_259 = %scan3A_169 to %scan3A_171 step %scan3A_172  : i32 {
      %mul3A_260 = arith.constant 4 : i32
      %mul3A_261 = arith.muli %scan3A_259, %mul3A_260 : i32
      %add3A_262 = arith.constant 0 : i32
      %add3A_263 = arith.addi %mul3A_261, %add3A_262 : i32
      %dma_wait3A_264 = arith.constant 0 : i32
      %dma_wait3A_265 = arith.constant 0 : i32
      %dma_wait3A_266 = arith.constant 0 : i32
      %dma_wait3A_267 = arith.constant 0 : i32
      %dma_wait3A_268 = tpu.memref_slice %arg8[%dma_wait3A_265, %dma_wait3A_266, %dma_wait3A_267] : memref<2x128x64xf32, #tpu.memory_space<vmem>> -> memref<1x128x64xf32, #tpu.memory_space<vmem>>
      %dma_wait3A_269 = tpu.memref_squeeze %dma_wait3A_268 : memref<1x128x64xf32, #tpu.memory_space<vmem>> -> memref<128x64xf32, #tpu.memory_space<vmem>>
      %dma_wait3A_270 = arith.constant 0 : i32
      %dma_wait3A_271 = tpu.memref_slice %arg9[%dma_wait3A_264, %dma_wait3A_270] : memref<4x128xi32, #tpu.memory_space<vmem>> -> memref<1x128xi32, #tpu.memory_space<vmem>>
      %dma_wait3A_272 = tpu.memref_squeeze %dma_wait3A_271 : memref<1x128xi32, #tpu.memory_space<vmem>> -> memref<128xi32, #tpu.memory_space<vmem>>
      %dma_wait3A_273 = arith.constant 0 : i32
      %dma_wait3A_274 = arith.constant 0 : i32
      %dma_wait3A_275 = tpu.memref_slice %arg7[%dma_wait3A_273, %dma_wait3A_274] : memref<10112x64xf32, #tpu.memory_space<vmem_shared>> -> memref<10112x64xf32, #tpu.memory_space<vmem_shared>>
      tpu.wait_indirect_dma semaphore(%arg11 : memref<!tpu.dma_semaphore, #tpu.memory_space<semaphore_mem>>) src(%dma_wait3A_275 : memref<10112x64xf32, #tpu.memory_space<vmem_shared>>) dst(%dma_wait3A_269 : memref<128x64xf32, #tpu.memory_space<vmem>>)
      %dma_wait3A_276 = arith.constant 0 : i32
      %dma_wait3A_277 = arith.constant 1 : i32
      %dma_wait3A_278 = arith.constant 0 : i32
      %dma_wait3A_279 = tpu.memref_slice %arg9[%dma_wait3A_277, %dma_wait3A_278] : memref<4x128xi32, #tpu.memory_space<vmem>> -> memref<1x128xi32, #tpu.memory_space<vmem>>
      %dma_wait3A_280 = tpu.memref_squeeze %dma_wait3A_279 : memref<1x128xi32, #tpu.memory_space<vmem>> -> memref<128xi32, #tpu.memory_space<vmem>>
      %dma_wait3A_281 = arith.constant 0 : i32
      %dma_wait3A_282 = tpu.memref_slice %arg3[%add3A, %dma_wait3A_276, %dma_wait3A_281] : memref<32x80x128xi32, #tpu.memory_space<hbm>> -> memref<1x1x128xi32, #tpu.memory_space<hbm>>
      %dma_wait3A_283 = tpu.memref_squeeze %dma_wait3A_282 : memref<1x1x128xi32, #tpu.memory_space<hbm>> -> memref<128xi32, #tpu.memory_space<hbm>>
      %dma_wait3A_284 = arith.constant 0 : i32
      %dma_wait3A_285 = tpu.memref_slice %arg9[%dma_wait3A_277, %dma_wait3A_284] : memref<4x128xi32, #tpu.memory_space<vmem>> -> memref<1x128xi32, #tpu.memory_space<vmem>>
      %dma_wait3A_286 = tpu.memref_squeeze %dma_wait3A_285 : memref<1x128xi32, #tpu.memory_space<vmem>> -> memref<128xi32, #tpu.memory_space<vmem>>
      %dma_wait3A_287 = arith.constant 0 : i32
      %dma_wait3A_288 = tpu.memref_slice %arg3[%add3A, %dma_wait3A_276, %dma_wait3A_287] : memref<32x80x128xi32, #tpu.memory_space<hbm>> -> memref<1x1x128xi32, #tpu.memory_space<hbm>>
      %dma_wait3A_289 = tpu.memref_squeeze %dma_wait3A_288 : memref<1x1x128xi32, #tpu.memory_space<hbm>> -> memref<128xi32, #tpu.memory_space<hbm>>
      tpu.wait_dma2 semaphore(%arg16 : memref<!tpu.dma_semaphore, #tpu.memory_space<semaphore_mem>>) src(%dma_wait3A_289 : memref<128xi32, #tpu.memory_space<hbm>>) dst(%dma_wait3A_286 : memref<128xi32, #tpu.memory_space<vmem>>)
      %dma_wait3A_290 = arith.constant 0 : i32
      %dma_wait3A_291 = arith.constant 1 : i32
      %dma_wait3A_292 = arith.constant 0 : i32
      %dma_wait3A_293 = tpu.memref_slice %arg10[%dma_wait3A_291, %dma_wait3A_292] : memref<4x128xi32, #tpu.memory_space<vmem>> -> memref<1x128xi32, #tpu.memory_space<vmem>>
      %dma_wait3A_294 = tpu.memref_squeeze %dma_wait3A_293 : memref<1x128xi32, #tpu.memory_space<vmem>> -> memref<128xi32, #tpu.memory_space<vmem>>
      %dma_wait3A_295 = arith.constant 0 : i32
      %dma_wait3A_296 = tpu.memref_slice %arg4[%add3A, %dma_wait3A_290, %dma_wait3A_295] : memref<32x80x128xi32, #tpu.memory_space<hbm>> -> memref<1x1x128xi32, #tpu.memory_space<hbm>>
      %dma_wait3A_297 = tpu.memref_squeeze %dma_wait3A_296 : memref<1x1x128xi32, #tpu.memory_space<hbm>> -> memref<128xi32, #tpu.memory_space<hbm>>
      %dma_wait3A_298 = arith.constant 0 : i32
      %dma_wait3A_299 = tpu.memref_slice %arg10[%dma_wait3A_291, %dma_wait3A_298] : memref<4x128xi32, #tpu.memory_space<vmem>> -> memref<1x128xi32, #tpu.memory_space<vmem>>
      %dma_wait3A_300 = tpu.memref_squeeze %dma_wait3A_299 : memref<1x128xi32, #tpu.memory_space<vmem>> -> memref<128xi32, #tpu.memory_space<vmem>>
      %dma_wait3A_301 = arith.constant 0 : i32
      %dma_wait3A_302 = tpu.memref_slice %arg4[%add3A, %dma_wait3A_290, %dma_wait3A_301] : memref<32x80x128xi32, #tpu.memory_space<hbm>> -> memref<1x1x128xi32, #tpu.memory_space<hbm>>
      %dma_wait3A_303 = tpu.memref_squeeze %dma_wait3A_302 : memref<1x1x128xi32, #tpu.memory_space<hbm>> -> memref<128xi32, #tpu.memory_space<hbm>>
      tpu.wait_dma2 semaphore(%arg16 : memref<!tpu.dma_semaphore, #tpu.memory_space<semaphore_mem>>) src(%dma_wait3A_303 : memref<128xi32, #tpu.memory_space<hbm>>) dst(%dma_wait3A_300 : memref<128xi32, #tpu.memory_space<vmem>>)
      %dma_start3A_304 = arith.constant 0 : i32
      %dma_start3A_305 = arith.constant 0 : i32
      %dma_start3A_306 = arith.constant 0 : i32
      %dma_start3A_307 = arith.constant 0 : i32
      %dma_start3A_308 = tpu.memref_slice %arg8[%dma_start3A_304, %dma_start3A_306, %dma_start3A_307] : memref<2x128x64xf32, #tpu.memory_space<vmem>> -> memref<1x128x64xf32, #tpu.memory_space<vmem>>
      %dma_start3A_309 = tpu.memref_squeeze %dma_start3A_308 : memref<1x128x64xf32, #tpu.memory_space<vmem>> -> memref<128x64xf32, #tpu.memory_space<vmem>>
      %dma_start3A_310 = arith.constant 0 : i32
      %dma_start3A_311 = tpu.memref_slice %arg10[%dma_start3A_305, %dma_start3A_310] : memref<4x128xi32, #tpu.memory_space<vmem>> -> memref<1x128xi32, #tpu.memory_space<vmem>>
      %dma_start3A_312 = tpu.memref_squeeze %dma_start3A_311 : memref<1x128xi32, #tpu.memory_space<vmem>> -> memref<128xi32, #tpu.memory_space<vmem>>
      %dma_start3A_313 = arith.constant 0 : i32
      %dma_start3A_314 = arith.constant 0 : i32
      %dma_start3A_315 = tpu.memref_slice %arg6[%dma_start3A_313, %dma_start3A_314] : memref<10112x64xf32, #tpu.memory_space<vmem_shared>> -> memref<10112x64xf32, #tpu.memory_space<vmem_shared>>
      tpu.enqueue_indirect_dma source(%dma_start3A_309 : memref<128x64xf32, #tpu.memory_space<vmem>>) target(%dma_start3A_315 : memref<10112x64xf32, #tpu.memory_space<vmem_shared>>) offsets(%dma_start3A_312 : memref<128xi32, #tpu.memory_space<vmem>>) semaphore(%arg13 : memref<!tpu.dma_semaphore, #tpu.memory_space<semaphore_mem>>) {add = true}
      %dma_wait3A_316 = arith.constant 1 : i32
      %dma_wait3A_317 = arith.constant 3 : i32
      %dma_wait3A_318 = arith.constant 0 : i32
      %dma_wait3A_319 = arith.constant 0 : i32
      %dma_wait3A_320 = tpu.memref_slice %arg8[%dma_wait3A_316, %dma_wait3A_318, %dma_wait3A_319] : memref<2x128x64xf32, #tpu.memory_space<vmem>> -> memref<1x128x64xf32, #tpu.memory_space<vmem>>
      %dma_wait3A_321 = tpu.memref_squeeze %dma_wait3A_320 : memref<1x128x64xf32, #tpu.memory_space<vmem>> -> memref<128x64xf32, #tpu.memory_space<vmem>>
      %dma_wait3A_322 = arith.constant 0 : i32
      %dma_wait3A_323 = tpu.memref_slice %arg10[%dma_wait3A_317, %dma_wait3A_322] : memref<4x128xi32, #tpu.memory_space<vmem>> -> memref<1x128xi32, #tpu.memory_space<vmem>>
      %dma_wait3A_324 = tpu.memref_squeeze %dma_wait3A_323 : memref<1x128xi32, #tpu.memory_space<vmem>> -> memref<128xi32, #tpu.memory_space<vmem>>
      %dma_wait3A_325 = arith.constant 0 : i32
      %dma_wait3A_326 = arith.constant 0 : i32
      %dma_wait3A_327 = tpu.memref_slice %arg6[%dma_wait3A_325, %dma_wait3A_326] : memref<10112x64xf32, #tpu.memory_space<vmem_shared>> -> memref<10112x64xf32, #tpu.memory_space<vmem_shared>>
      tpu.wait_indirect_dma semaphore(%arg14 : memref<!tpu.dma_semaphore, #tpu.memory_space<semaphore_mem>>) src(%dma_wait3A_321 : memref<128x64xf32, #tpu.memory_space<vmem>>) dst(%dma_wait3A_327 : memref<10112x64xf32, #tpu.memory_space<vmem_shared>>)
      %dma_start3A_328 = arith.constant 1 : i32
      %dma_start3A_329 = arith.constant 1 : i32
      %dma_start3A_330 = arith.constant 0 : i32
      %dma_start3A_331 = arith.constant 0 : i32
      %dma_start3A_332 = tpu.memref_slice %arg8[%dma_start3A_329, %dma_start3A_330, %dma_start3A_331] : memref<2x128x64xf32, #tpu.memory_space<vmem>> -> memref<1x128x64xf32, #tpu.memory_space<vmem>>
      %dma_start3A_333 = tpu.memref_squeeze %dma_start3A_332 : memref<1x128x64xf32, #tpu.memory_space<vmem>> -> memref<128x64xf32, #tpu.memory_space<vmem>>
      %dma_start3A_334 = arith.constant 0 : i32
      %dma_start3A_335 = tpu.memref_slice %arg9[%dma_start3A_328, %dma_start3A_334] : memref<4x128xi32, #tpu.memory_space<vmem>> -> memref<1x128xi32, #tpu.memory_space<vmem>>
      %dma_start3A_336 = tpu.memref_squeeze %dma_start3A_335 : memref<1x128xi32, #tpu.memory_space<vmem>> -> memref<128xi32, #tpu.memory_space<vmem>>
      %dma_start3A_337 = arith.constant 0 : i32
      %dma_start3A_338 = arith.constant 0 : i32
      %dma_start3A_339 = tpu.memref_slice %arg7[%dma_start3A_337, %dma_start3A_338] : memref<10112x64xf32, #tpu.memory_space<vmem_shared>> -> memref<10112x64xf32, #tpu.memory_space<vmem_shared>>
      tpu.enqueue_indirect_dma source(%dma_start3A_339 : memref<10112x64xf32, #tpu.memory_space<vmem_shared>>) target(%dma_start3A_333 : memref<128x64xf32, #tpu.memory_space<vmem>>) offsets(%dma_start3A_336 : memref<128xi32, #tpu.memory_space<vmem>>) semaphore(%arg12 : memref<!tpu.dma_semaphore, #tpu.memory_space<semaphore_mem>>)
      %add3A_340 = arith.constant 3 : i32
      %add3A_341 = arith.addi %add3A_263, %add3A_340 : i32
      %jit3A = arith.constant 80 : i32
      %eq3A = arith.constant 0 : i32
      %eq3A_342 = arith.cmpi eq, %jit3A, %eq3A : i32
      %jit3A_343 = arith.constant 1 : i32
      %select_n3A = arith.select %eq3A_342, %jit3A_343, %jit3A : i32
      %rem3A = arith.remsi %add3A_341, %select_n3A : i32
      %ne3A = arith.constant 0 : i32
      %ne3A_344 = arith.cmpi ne, %rem3A, %ne3A : i32
      %lt3A = arith.constant 0 : i32
      %lt3A_345 = arith.cmpi slt, %rem3A, %lt3A : i32
      %lt3A_346 = arith.constant 0 : i32
      %lt3A_347 = arith.cmpi slt, %select_n3A, %lt3A_346 : i32
      %ne3A_348 = arith.xori %lt3A_345, %lt3A_347 : i1
      %and3A = arith.andi %ne3A_348, %ne3A_344 : i1
      %add3A_349 = arith.addi %rem3A, %select_n3A : i32
      %select_n3A_350 = arith.select %and3A, %add3A_349, %rem3A : i32
      %dma_start3A_351 = arith.constant 3 : i32
      %dma_start3A_352 = arith.constant 0 : i32
      %dma_start3A_353 = tpu.memref_slice %arg9[%dma_start3A_351, %dma_start3A_352] : memref<4x128xi32, #tpu.memory_space<vmem>> -> memref<1x128xi32, #tpu.memory_space<vmem>>
      %dma_start3A_354 = tpu.memref_squeeze %dma_start3A_353 : memref<1x128xi32, #tpu.memory_space<vmem>> -> memref<128xi32, #tpu.memory_space<vmem>>
      %dma_start3A_355 = arith.constant 0 : i32
      %dma_start3A_356 = tpu.memref_slice %arg3[%add3A, %select_n3A_350, %dma_start3A_355] : memref<32x80x128xi32, #tpu.memory_space<hbm>> -> memref<1x1x128xi32, #tpu.memory_space<hbm>>
      %dma_start3A_357 = tpu.memref_squeeze %dma_start3A_356 : memref<1x1x128xi32, #tpu.memory_space<hbm>> -> memref<128xi32, #tpu.memory_space<hbm>>
      %dma_start3A_358 = arith.constant 0 : i32
      %dma_start3A_359 = tpu.memref_slice %arg9[%dma_start3A_351, %dma_start3A_358] : memref<4x128xi32, #tpu.memory_space<vmem>> -> memref<1x128xi32, #tpu.memory_space<vmem>>
      %dma_start3A_360 = tpu.memref_squeeze %dma_start3A_359 : memref<1x128xi32, #tpu.memory_space<vmem>> -> memref<128xi32, #tpu.memory_space<vmem>>
      %dma_start3A_361 = arith.constant 0 : i32
      %dma_start3A_362 = tpu.memref_slice %arg3[%add3A, %select_n3A_350, %dma_start3A_361] : memref<32x80x128xi32, #tpu.memory_space<hbm>> -> memref<1x1x128xi32, #tpu.memory_space<hbm>>
      %dma_start3A_363 = tpu.memref_squeeze %dma_start3A_362 : memref<1x1x128xi32, #tpu.memory_space<hbm>> -> memref<128xi32, #tpu.memory_space<hbm>>
      tpu.enqueue_dma source(%dma_start3A_363 : memref<128xi32, #tpu.memory_space<hbm>>) target(%dma_start3A_360 : memref<128xi32, #tpu.memory_space<vmem>>) target_semaphore(%arg18 : memref<!tpu.dma_semaphore, #tpu.memory_space<semaphore_mem>>)
      %dma_start3A_364 = arith.constant 3 : i32
      %dma_start3A_365 = arith.constant 0 : i32
      %dma_start3A_366 = tpu.memref_slice %arg10[%dma_start3A_364, %dma_start3A_365] : memref<4x128xi32, #tpu.memory_space<vmem>> -> memref<1x128xi32, #tpu.memory_space<vmem>>
      %dma_start3A_367 = tpu.memref_squeeze %dma_start3A_366 : memref<1x128xi32, #tpu.memory_space<vmem>> -> memref<128xi32, #tpu.memory_space<vmem>>
      %dma_start3A_368 = arith.constant 0 : i32
      %dma_start3A_369 = tpu.memref_slice %arg4[%add3A, %select_n3A_350, %dma_start3A_368] : memref<32x80x128xi32, #tpu.memory_space<hbm>> -> memref<1x1x128xi32, #tpu.memory_space<hbm>>
      %dma_start3A_370 = tpu.memref_squeeze %dma_start3A_369 : memref<1x1x128xi32, #tpu.memory_space<hbm>> -> memref<128xi32, #tpu.memory_space<hbm>>
      %dma_start3A_371 = arith.constant 0 : i32
      %dma_start3A_372 = tpu.memref_slice %arg10[%dma_start3A_364, %dma_start3A_371] : memref<4x128xi32, #tpu.memory_space<vmem>> -> memref<1x128xi32, #tpu.memory_space<vmem>>
      %dma_start3A_373 = tpu.memref_squeeze %dma_start3A_372 : memref<1x128xi32, #tpu.memory_space<vmem>> -> memref<128xi32, #tpu.memory_space<vmem>>
      %dma_start3A_374 = arith.constant 0 : i32
      %dma_start3A_375 = tpu.memref_slice %arg4[%add3A, %select_n3A_350, %dma_start3A_374] : memref<32x80x128xi32, #tpu.memory_space<hbm>> -> memref<1x1x128xi32, #tpu.memory_space<hbm>>
      %dma_start3A_376 = tpu.memref_squeeze %dma_start3A_375 : memref<1x1x128xi32, #tpu.memory_space<hbm>> -> memref<128xi32, #tpu.memory_space<hbm>>
      tpu.enqueue_dma source(%dma_start3A_376 : memref<128xi32, #tpu.memory_space<hbm>>) target(%dma_start3A_373 : memref<128xi32, #tpu.memory_space<vmem>>) target_semaphore(%arg18 : memref<!tpu.dma_semaphore, #tpu.memory_space<semaphore_mem>>)
      %mul3A_377 = arith.constant 4 : i32
      %mul3A_378 = arith.muli %scan3A_259, %mul3A_377 : i32
      %add3A_379 = arith.constant 1 : i32
      %add3A_380 = arith.addi %mul3A_378, %add3A_379 : i32
      %dma_wait3A_381 = arith.constant 1 : i32
      %dma_wait3A_382 = arith.constant 1 : i32
      %dma_wait3A_383 = arith.constant 0 : i32
      %dma_wait3A_384 = arith.constant 0 : i32
      %dma_wait3A_385 = tpu.memref_slice %arg8[%dma_wait3A_382, %dma_wait3A_383, %dma_wait3A_384] : memref<2x128x64xf32, #tpu.memory_space<vmem>> -> memref<1x128x64xf32, #tpu.memory_space<vmem>>
      %dma_wait3A_386 = tpu.memref_squeeze %dma_wait3A_385 : memref<1x128x64xf32, #tpu.memory_space<vmem>> -> memref<128x64xf32, #tpu.memory_space<vmem>>
      %dma_wait3A_387 = arith.constant 0 : i32
      %dma_wait3A_388 = tpu.memref_slice %arg9[%dma_wait3A_381, %dma_wait3A_387] : memref<4x128xi32, #tpu.memory_space<vmem>> -> memref<1x128xi32, #tpu.memory_space<vmem>>
      %dma_wait3A_389 = tpu.memref_squeeze %dma_wait3A_388 : memref<1x128xi32, #tpu.memory_space<vmem>> -> memref<128xi32, #tpu.memory_space<vmem>>
      %dma_wait3A_390 = arith.constant 0 : i32
      %dma_wait3A_391 = arith.constant 0 : i32
      %dma_wait3A_392 = tpu.memref_slice %arg7[%dma_wait3A_390, %dma_wait3A_391] : memref<10112x64xf32, #tpu.memory_space<vmem_shared>> -> memref<10112x64xf32, #tpu.memory_space<vmem_shared>>
      tpu.wait_indirect_dma semaphore(%arg12 : memref<!tpu.dma_semaphore, #tpu.memory_space<semaphore_mem>>) src(%dma_wait3A_392 : memref<10112x64xf32, #tpu.memory_space<vmem_shared>>) dst(%dma_wait3A_386 : memref<128x64xf32, #tpu.memory_space<vmem>>)
      %dma_wait3A_393 = arith.constant 0 : i32
      %dma_wait3A_394 = arith.constant 2 : i32
      %dma_wait3A_395 = arith.constant 0 : i32
      %dma_wait3A_396 = tpu.memref_slice %arg9[%dma_wait3A_394, %dma_wait3A_395] : memref<4x128xi32, #tpu.memory_space<vmem>> -> memref<1x128xi32, #tpu.memory_space<vmem>>
      %dma_wait3A_397 = tpu.memref_squeeze %dma_wait3A_396 : memref<1x128xi32, #tpu.memory_space<vmem>> -> memref<128xi32, #tpu.memory_space<vmem>>
      %dma_wait3A_398 = arith.constant 0 : i32
      %dma_wait3A_399 = tpu.memref_slice %arg3[%add3A, %dma_wait3A_393, %dma_wait3A_398] : memref<32x80x128xi32, #tpu.memory_space<hbm>> -> memref<1x1x128xi32, #tpu.memory_space<hbm>>
      %dma_wait3A_400 = tpu.memref_squeeze %dma_wait3A_399 : memref<1x1x128xi32, #tpu.memory_space<hbm>> -> memref<128xi32, #tpu.memory_space<hbm>>
      %dma_wait3A_401 = arith.constant 0 : i32
      %dma_wait3A_402 = tpu.memref_slice %arg9[%dma_wait3A_394, %dma_wait3A_401] : memref<4x128xi32, #tpu.memory_space<vmem>> -> memref<1x128xi32, #tpu.memory_space<vmem>>
      %dma_wait3A_403 = tpu.memref_squeeze %dma_wait3A_402 : memref<1x128xi32, #tpu.memory_space<vmem>> -> memref<128xi32, #tpu.memory_space<vmem>>
      %dma_wait3A_404 = arith.constant 0 : i32
      %dma_wait3A_405 = tpu.memref_slice %arg3[%add3A, %dma_wait3A_393, %dma_wait3A_404] : memref<32x80x128xi32, #tpu.memory_space<hbm>> -> memref<1x1x128xi32, #tpu.memory_space<hbm>>
      %dma_wait3A_406 = tpu.memref_squeeze %dma_wait3A_405 : memref<1x1x128xi32, #tpu.memory_space<hbm>> -> memref<128xi32, #tpu.memory_space<hbm>>
      tpu.wait_dma2 semaphore(%arg17 : memref<!tpu.dma_semaphore, #tpu.memory_space<semaphore_mem>>) src(%dma_wait3A_406 : memref<128xi32, #tpu.memory_space<hbm>>) dst(%dma_wait3A_403 : memref<128xi32, #tpu.memory_space<vmem>>)
      %dma_wait3A_407 = arith.constant 0 : i32
      %dma_wait3A_408 = arith.constant 2 : i32
      %dma_wait3A_409 = arith.constant 0 : i32
      %dma_wait3A_410 = tpu.memref_slice %arg10[%dma_wait3A_408, %dma_wait3A_409] : memref<4x128xi32, #tpu.memory_space<vmem>> -> memref<1x128xi32, #tpu.memory_space<vmem>>
      %dma_wait3A_411 = tpu.memref_squeeze %dma_wait3A_410 : memref<1x128xi32, #tpu.memory_space<vmem>> -> memref<128xi32, #tpu.memory_space<vmem>>
      %dma_wait3A_412 = arith.constant 0 : i32
      %dma_wait3A_413 = tpu.memref_slice %arg4[%add3A, %dma_wait3A_407, %dma_wait3A_412] : memref<32x80x128xi32, #tpu.memory_space<hbm>> -> memref<1x1x128xi32, #tpu.memory_space<hbm>>
      %dma_wait3A_414 = tpu.memref_squeeze %dma_wait3A_413 : memref<1x1x128xi32, #tpu.memory_space<hbm>> -> memref<128xi32, #tpu.memory_space<hbm>>
      %dma_wait3A_415 = arith.constant 0 : i32
      %dma_wait3A_416 = tpu.memref_slice %arg10[%dma_wait3A_408, %dma_wait3A_415] : memref<4x128xi32, #tpu.memory_space<vmem>> -> memref<1x128xi32, #tpu.memory_space<vmem>>
      %dma_wait3A_417 = tpu.memref_squeeze %dma_wait3A_416 : memref<1x128xi32, #tpu.memory_space<vmem>> -> memref<128xi32, #tpu.memory_space<vmem>>
      %dma_wait3A_418 = arith.constant 0 : i32
      %dma_wait3A_419 = tpu.memref_slice %arg4[%add3A, %dma_wait3A_407, %dma_wait3A_418] : memref<32x80x128xi32, #tpu.memory_space<hbm>> -> memref<1x1x128xi32, #tpu.memory_space<hbm>>
      %dma_wait3A_420 = tpu.memref_squeeze %dma_wait3A_419 : memref<1x1x128xi32, #tpu.memory_space<hbm>> -> memref<128xi32, #tpu.memory_space<hbm>>
      tpu.wait_dma2 semaphore(%arg17 : memref<!tpu.dma_semaphore, #tpu.memory_space<semaphore_mem>>) src(%dma_wait3A_420 : memref<128xi32, #tpu.memory_space<hbm>>) dst(%dma_wait3A_417 : memref<128xi32, #tpu.memory_space<vmem>>)
      %dma_start3A_421 = arith.constant 1 : i32
      %dma_start3A_422 = arith.constant 1 : i32
      %dma_start3A_423 = arith.constant 0 : i32
      %dma_start3A_424 = arith.constant 0 : i32
      %dma_start3A_425 = tpu.memref_slice %arg8[%dma_start3A_421, %dma_start3A_423, %dma_start3A_424] : memref<2x128x64xf32, #tpu.memory_space<vmem>> -> memref<1x128x64xf32, #tpu.memory_space<vmem>>
      %dma_start3A_426 = tpu.memref_squeeze %dma_start3A_425 : memref<1x128x64xf32, #tpu.memory_space<vmem>> -> memref<128x64xf32, #tpu.memory_space<vmem>>
      %dma_start3A_427 = arith.constant 0 : i32
      %dma_start3A_428 = tpu.memref_slice %arg10[%dma_start3A_422, %dma_start3A_427] : memref<4x128xi32, #tpu.memory_space<vmem>> -> memref<1x128xi32, #tpu.memory_space<vmem>>
      %dma_start3A_429 = tpu.memref_squeeze %dma_start3A_428 : memref<1x128xi32, #tpu.memory_space<vmem>> -> memref<128xi32, #tpu.memory_space<vmem>>
      %dma_start3A_430 = arith.constant 0 : i32
      %dma_start3A_431 = arith.constant 0 : i32
      %dma_start3A_432 = tpu.memref_slice %arg6[%dma_start3A_430, %dma_start3A_431] : memref<10112x64xf32, #tpu.memory_space<vmem_shared>> -> memref<10112x64xf32, #tpu.memory_space<vmem_shared>>
      tpu.enqueue_indirect_dma source(%dma_start3A_426 : memref<128x64xf32, #tpu.memory_space<vmem>>) target(%dma_start3A_432 : memref<10112x64xf32, #tpu.memory_space<vmem_shared>>) offsets(%dma_start3A_429 : memref<128xi32, #tpu.memory_space<vmem>>) semaphore(%arg14 : memref<!tpu.dma_semaphore, #tpu.memory_space<semaphore_mem>>) {add = true}
      %dma_wait3A_433 = arith.constant 0 : i32
      %dma_wait3A_434 = arith.constant 0 : i32
      %dma_wait3A_435 = arith.constant 0 : i32
      %dma_wait3A_436 = arith.constant 0 : i32
      %dma_wait3A_437 = tpu.memref_slice %arg8[%dma_wait3A_433, %dma_wait3A_435, %dma_wait3A_436] : memref<2x128x64xf32, #tpu.memory_space<vmem>> -> memref<1x128x64xf32, #tpu.memory_space<vmem>>
      %dma_wait3A_438 = tpu.memref_squeeze %dma_wait3A_437 : memref<1x128x64xf32, #tpu.memory_space<vmem>> -> memref<128x64xf32, #tpu.memory_space<vmem>>
      %dma_wait3A_439 = arith.constant 0 : i32
      %dma_wait3A_440 = tpu.memref_slice %arg10[%dma_wait3A_434, %dma_wait3A_439] : memref<4x128xi32, #tpu.memory_space<vmem>> -> memref<1x128xi32, #tpu.memory_space<vmem>>
      %dma_wait3A_441 = tpu.memref_squeeze %dma_wait3A_440 : memref<1x128xi32, #tpu.memory_space<vmem>> -> memref<128xi32, #tpu.memory_space<vmem>>
      %dma_wait3A_442 = arith.constant 0 : i32
      %dma_wait3A_443 = arith.constant 0 : i32
      %dma_wait3A_444 = tpu.memref_slice %arg6[%dma_wait3A_442, %dma_wait3A_443] : memref<10112x64xf32, #tpu.memory_space<vmem_shared>> -> memref<10112x64xf32, #tpu.memory_space<vmem_shared>>
      tpu.wait_indirect_dma semaphore(%arg13 : memref<!tpu.dma_semaphore, #tpu.memory_space<semaphore_mem>>) src(%dma_wait3A_438 : memref<128x64xf32, #tpu.memory_space<vmem>>) dst(%dma_wait3A_444 : memref<10112x64xf32, #tpu.memory_space<vmem_shared>>)
      %dma_start3A_445 = arith.constant 2 : i32
      %dma_start3A_446 = arith.constant 0 : i32
      %dma_start3A_447 = arith.constant 0 : i32
      %dma_start3A_448 = arith.constant 0 : i32
      %dma_start3A_449 = tpu.memref_slice %arg8[%dma_start3A_446, %dma_start3A_447, %dma_start3A_448] : memref<2x128x64xf32, #tpu.memory_space<vmem>> -> memref<1x128x64xf32, #tpu.memory_space<vmem>>
      %dma_start3A_450 = tpu.memref_squeeze %dma_start3A_449 : memref<1x128x64xf32, #tpu.memory_space<vmem>> -> memref<128x64xf32, #tpu.memory_space<vmem>>
      %dma_start3A_451 = arith.constant 0 : i32
      %dma_start3A_452 = tpu.memref_slice %arg9[%dma_start3A_445, %dma_start3A_451] : memref<4x128xi32, #tpu.memory_space<vmem>> -> memref<1x128xi32, #tpu.memory_space<vmem>>
      %dma_start3A_453 = tpu.memref_squeeze %dma_start3A_452 : memref<1x128xi32, #tpu.memory_space<vmem>> -> memref<128xi32, #tpu.memory_space<vmem>>
      %dma_start3A_454 = arith.constant 0 : i32
      %dma_start3A_455 = arith.constant 0 : i32
      %dma_start3A_456 = tpu.memref_slice %arg7[%dma_start3A_454, %dma_start3A_455] : memref<10112x64xf32, #tpu.memory_space<vmem_shared>> -> memref<10112x64xf32, #tpu.memory_space<vmem_shared>>
      tpu.enqueue_indirect_dma source(%dma_start3A_456 : memref<10112x64xf32, #tpu.memory_space<vmem_shared>>) target(%dma_start3A_450 : memref<128x64xf32, #tpu.memory_space<vmem>>) offsets(%dma_start3A_453 : memref<128xi32, #tpu.memory_space<vmem>>) semaphore(%arg11 : memref<!tpu.dma_semaphore, #tpu.memory_space<semaphore_mem>>)
      %add3A_457 = arith.constant 3 : i32
      %add3A_458 = arith.addi %add3A_380, %add3A_457 : i32
      %jit3A_459 = arith.constant 80 : i32
      %eq3A_460 = arith.constant 0 : i32
      %eq3A_461 = arith.cmpi eq, %jit3A_459, %eq3A_460 : i32
      %jit3A_462 = arith.constant 1 : i32
      %select_n3A_463 = arith.select %eq3A_461, %jit3A_462, %jit3A_459 : i32
      %rem3A_464 = arith.remsi %add3A_458, %select_n3A_463 : i32
      %ne3A_465 = arith.constant 0 : i32
      %ne3A_466 = arith.cmpi ne, %rem3A_464, %ne3A_465 : i32
      %lt3A_467 = arith.constant 0 : i32
      %lt3A_468 = arith.cmpi slt, %rem3A_464, %lt3A_467 : i32
      %lt3A_469 = arith.constant 0 : i32
      %lt3A_470 = arith.cmpi slt, %select_n3A_463, %lt3A_469 : i32
      %ne3A_471 = arith.xori %lt3A_468, %lt3A_470 : i1
      %and3A_472 = arith.andi %ne3A_471, %ne3A_466 : i1
      %add3A_473 = arith.addi %rem3A_464, %select_n3A_463 : i32
      %select_n3A_474 = arith.select %and3A_472, %add3A_473, %rem3A_464 : i32
      %dma_start3A_475 = arith.constant 0 : i32
      %dma_start3A_476 = arith.constant 0 : i32
      %dma_start3A_477 = tpu.memref_slice %arg9[%dma_start3A_475, %dma_start3A_476] : memref<4x128xi32, #tpu.memory_space<vmem>> -> memref<1x128xi32, #tpu.memory_space<vmem>>
      %dma_start3A_478 = tpu.memref_squeeze %dma_start3A_477 : memref<1x128xi32, #tpu.memory_space<vmem>> -> memref<128xi32, #tpu.memory_space<vmem>>
      %dma_start3A_479 = arith.constant 0 : i32
      %dma_start3A_480 = tpu.memref_slice %arg3[%add3A, %select_n3A_474, %dma_start3A_479] : memref<32x80x128xi32, #tpu.memory_space<hbm>> -> memref<1x1x128xi32, #tpu.memory_space<hbm>>
      %dma_start3A_481 = tpu.memref_squeeze %dma_start3A_480 : memref<1x1x128xi32, #tpu.memory_space<hbm>> -> memref<128xi32, #tpu.memory_space<hbm>>
      %dma_start3A_482 = arith.constant 0 : i32
      %dma_start3A_483 = tpu.memref_slice %arg9[%dma_start3A_475, %dma_start3A_482] : memref<4x128xi32, #tpu.memory_space<vmem>> -> memref<1x128xi32, #tpu.memory_space<vmem>>
      %dma_start3A_484 = tpu.memref_squeeze %dma_start3A_483 : memref<1x128xi32, #tpu.memory_space<vmem>> -> memref<128xi32, #tpu.memory_space<vmem>>
      %dma_start3A_485 = arith.constant 0 : i32
      %dma_start3A_486 = tpu.memref_slice %arg3[%add3A, %select_n3A_474, %dma_start3A_485] : memref<32x80x128xi32, #tpu.memory_space<hbm>> -> memref<1x1x128xi32, #tpu.memory_space<hbm>>
      %dma_start3A_487 = tpu.memref_squeeze %dma_start3A_486 : memref<1x1x128xi32, #tpu.memory_space<hbm>> -> memref<128xi32, #tpu.memory_space<hbm>>
      tpu.enqueue_dma source(%dma_start3A_487 : memref<128xi32, #tpu.memory_space<hbm>>) target(%dma_start3A_484 : memref<128xi32, #tpu.memory_space<vmem>>) target_semaphore(%arg15 : memref<!tpu.dma_semaphore, #tpu.memory_space<semaphore_mem>>)
      %dma_start3A_488 = arith.constant 0 : i32
      %dma_start3A_489 = arith.constant 0 : i32
      %dma_start3A_490 = tpu.memref_slice %arg10[%dma_start3A_488, %dma_start3A_489] : memref<4x128xi32, #tpu.memory_space<vmem>> -> memref<1x128xi32, #tpu.memory_space<vmem>>
      %dma_start3A_491 = tpu.memref_squeeze %dma_start3A_490 : memref<1x128xi32, #tpu.memory_space<vmem>> -> memref<128xi32, #tpu.memory_space<vmem>>
      %dma_start3A_492 = arith.constant 0 : i32
      %dma_start3A_493 = tpu.memref_slice %arg4[%add3A, %select_n3A_474, %dma_start3A_492] : memref<32x80x128xi32, #tpu.memory_space<hbm>> -> memref<1x1x128xi32, #tpu.memory_space<hbm>>
      %dma_start3A_494 = tpu.memref_squeeze %dma_start3A_493 : memref<1x1x128xi32, #tpu.memory_space<hbm>> -> memref<128xi32, #tpu.memory_space<hbm>>
      %dma_start3A_495 = arith.constant 0 : i32
      %dma_start3A_496 = tpu.memref_slice %arg10[%dma_start3A_488, %dma_start3A_495] : memref<4x128xi32, #tpu.memory_space<vmem>> -> memref<1x128xi32, #tpu.memory_space<vmem>>
      %dma_start3A_497 = tpu.memref_squeeze %dma_start3A_496 : memref<1x128xi32, #tpu.memory_space<vmem>> -> memref<128xi32, #tpu.memory_space<vmem>>
      %dma_start3A_498 = arith.constant 0 : i32
      %dma_start3A_499 = tpu.memref_slice %arg4[%add3A, %select_n3A_474, %dma_start3A_498] : memref<32x80x128xi32, #tpu.memory_space<hbm>> -> memref<1x1x128xi32, #tpu.memory_space<hbm>>
      %dma_start3A_500 = tpu.memref_squeeze %dma_start3A_499 : memref<1x1x128xi32, #tpu.memory_space<hbm>> -> memref<128xi32, #tpu.memory_space<hbm>>
      tpu.enqueue_dma source(%dma_start3A_500 : memref<128xi32, #tpu.memory_space<hbm>>) target(%dma_start3A_497 : memref<128xi32, #tpu.memory_space<vmem>>) target_semaphore(%arg15 : memref<!tpu.dma_semaphore, #tpu.memory_space<semaphore_mem>>)
      %mul3A_501 = arith.constant 4 : i32
      %mul3A_502 = arith.muli %scan3A_259, %mul3A_501 : i32
      %add3A_503 = arith.constant 2 : i32
      %add3A_504 = arith.addi %mul3A_502, %add3A_503 : i32
      %dma_wait3A_505 = arith.constant 2 : i32
      %dma_wait3A_506 = arith.constant 0 : i32
      %dma_wait3A_507 = arith.constant 0 : i32
      %dma_wait3A_508 = arith.constant 0 : i32
      %dma_wait3A_509 = tpu.memref_slice %arg8[%dma_wait3A_506, %dma_wait3A_507, %dma_wait3A_508] : memref<2x128x64xf32, #tpu.memory_space<vmem>> -> memref<1x128x64xf32, #tpu.memory_space<vmem>>
      %dma_wait3A_510 = tpu.memref_squeeze %dma_wait3A_509 : memref<1x128x64xf32, #tpu.memory_space<vmem>> -> memref<128x64xf32, #tpu.memory_space<vmem>>
      %dma_wait3A_511 = arith.constant 0 : i32
      %dma_wait3A_512 = tpu.memref_slice %arg9[%dma_wait3A_505, %dma_wait3A_511] : memref<4x128xi32, #tpu.memory_space<vmem>> -> memref<1x128xi32, #tpu.memory_space<vmem>>
      %dma_wait3A_513 = tpu.memref_squeeze %dma_wait3A_512 : memref<1x128xi32, #tpu.memory_space<vmem>> -> memref<128xi32, #tpu.memory_space<vmem>>
      %dma_wait3A_514 = arith.constant 0 : i32
      %dma_wait3A_515 = arith.constant 0 : i32
      %dma_wait3A_516 = tpu.memref_slice %arg7[%dma_wait3A_514, %dma_wait3A_515] : memref<10112x64xf32, #tpu.memory_space<vmem_shared>> -> memref<10112x64xf32, #tpu.memory_space<vmem_shared>>
      tpu.wait_indirect_dma semaphore(%arg11 : memref<!tpu.dma_semaphore, #tpu.memory_space<semaphore_mem>>) src(%dma_wait3A_516 : memref<10112x64xf32, #tpu.memory_space<vmem_shared>>) dst(%dma_wait3A_510 : memref<128x64xf32, #tpu.memory_space<vmem>>)
      %dma_wait3A_517 = arith.constant 0 : i32
      %dma_wait3A_518 = arith.constant 3 : i32
      %dma_wait3A_519 = arith.constant 0 : i32
      %dma_wait3A_520 = tpu.memref_slice %arg9[%dma_wait3A_518, %dma_wait3A_519] : memref<4x128xi32, #tpu.memory_space<vmem>> -> memref<1x128xi32, #tpu.memory_space<vmem>>
      %dma_wait3A_521 = tpu.memref_squeeze %dma_wait3A_520 : memref<1x128xi32, #tpu.memory_space<vmem>> -> memref<128xi32, #tpu.memory_space<vmem>>
      %dma_wait3A_522 = arith.constant 0 : i32
      %dma_wait3A_523 = tpu.memref_slice %arg3[%add3A, %dma_wait3A_517, %dma_wait3A_522] : memref<32x80x128xi32, #tpu.memory_space<hbm>> -> memref<1x1x128xi32, #tpu.memory_space<hbm>>
      %dma_wait3A_524 = tpu.memref_squeeze %dma_wait3A_523 : memref<1x1x128xi32, #tpu.memory_space<hbm>> -> memref<128xi32, #tpu.memory_space<hbm>>
      %dma_wait3A_525 = arith.constant 0 : i32
      %dma_wait3A_526 = tpu.memref_slice %arg9[%dma_wait3A_518, %dma_wait3A_525] : memref<4x128xi32, #tpu.memory_space<vmem>> -> memref<1x128xi32, #tpu.memory_space<vmem>>
      %dma_wait3A_527 = tpu.memref_squeeze %dma_wait3A_526 : memref<1x128xi32, #tpu.memory_space<vmem>> -> memref<128xi32, #tpu.memory_space<vmem>>
      %dma_wait3A_528 = arith.constant 0 : i32
      %dma_wait3A_529 = tpu.memref_slice %arg3[%add3A, %dma_wait3A_517, %dma_wait3A_528] : memref<32x80x128xi32, #tpu.memory_space<hbm>> -> memref<1x1x128xi32, #tpu.memory_space<hbm>>
      %dma_wait3A_530 = tpu.memref_squeeze %dma_wait3A_529 : memref<1x1x128xi32, #tpu.memory_space<hbm>> -> memref<128xi32, #tpu.memory_space<hbm>>
      tpu.wait_dma2 semaphore(%arg18 : memref<!tpu.dma_semaphore, #tpu.memory_space<semaphore_mem>>) src(%dma_wait3A_530 : memref<128xi32, #tpu.memory_space<hbm>>) dst(%dma_wait3A_527 : memref<128xi32, #tpu.memory_space<vmem>>)
      %dma_wait3A_531 = arith.constant 0 : i32
      %dma_wait3A_532 = arith.constant 3 : i32
      %dma_wait3A_533 = arith.constant 0 : i32
      %dma_wait3A_534 = tpu.memref_slice %arg10[%dma_wait3A_532, %dma_wait3A_533] : memref<4x128xi32, #tpu.memory_space<vmem>> -> memref<1x128xi32, #tpu.memory_space<vmem>>
      %dma_wait3A_535 = tpu.memref_squeeze %dma_wait3A_534 : memref<1x128xi32, #tpu.memory_space<vmem>> -> memref<128xi32, #tpu.memory_space<vmem>>
      %dma_wait3A_536 = arith.constant 0 : i32
      %dma_wait3A_537 = tpu.memref_slice %arg4[%add3A, %dma_wait3A_531, %dma_wait3A_536] : memref<32x80x128xi32, #tpu.memory_space<hbm>> -> memref<1x1x128xi32, #tpu.memory_space<hbm>>
      %dma_wait3A_538 = tpu.memref_squeeze %dma_wait3A_537 : memref<1x1x128xi32, #tpu.memory_space<hbm>> -> memref<128xi32, #tpu.memory_space<hbm>>
      %dma_wait3A_539 = arith.constant 0 : i32
      %dma_wait3A_540 = tpu.memref_slice %arg10[%dma_wait3A_532, %dma_wait3A_539] : memref<4x128xi32, #tpu.memory_space<vmem>> -> memref<1x128xi32, #tpu.memory_space<vmem>>
      %dma_wait3A_541 = tpu.memref_squeeze %dma_wait3A_540 : memref<1x128xi32, #tpu.memory_space<vmem>> -> memref<128xi32, #tpu.memory_space<vmem>>
      %dma_wait3A_542 = arith.constant 0 : i32
      %dma_wait3A_543 = tpu.memref_slice %arg4[%add3A, %dma_wait3A_531, %dma_wait3A_542] : memref<32x80x128xi32, #tpu.memory_space<hbm>> -> memref<1x1x128xi32, #tpu.memory_space<hbm>>
      %dma_wait3A_544 = tpu.memref_squeeze %dma_wait3A_543 : memref<1x1x128xi32, #tpu.memory_space<hbm>> -> memref<128xi32, #tpu.memory_space<hbm>>
      tpu.wait_dma2 semaphore(%arg18 : memref<!tpu.dma_semaphore, #tpu.memory_space<semaphore_mem>>) src(%dma_wait3A_544 : memref<128xi32, #tpu.memory_space<hbm>>) dst(%dma_wait3A_541 : memref<128xi32, #tpu.memory_space<vmem>>)
      %dma_start3A_545 = arith.constant 0 : i32
      %dma_start3A_546 = arith.constant 2 : i32
      %dma_start3A_547 = arith.constant 0 : i32
      %dma_start3A_548 = arith.constant 0 : i32
      %dma_start3A_549 = tpu.memref_slice %arg8[%dma_start3A_545, %dma_start3A_547, %dma_start3A_548] : memref<2x128x64xf32, #tpu.memory_space<vmem>> -> memref<1x128x64xf32, #tpu.memory_space<vmem>>
      %dma_start3A_550 = tpu.memref_squeeze %dma_start3A_549 : memref<1x128x64xf32, #tpu.memory_space<vmem>> -> memref<128x64xf32, #tpu.memory_space<vmem>>
      %dma_start3A_551 = arith.constant 0 : i32
      %dma_start3A_552 = tpu.memref_slice %arg10[%dma_start3A_546, %dma_start3A_551] : memref<4x128xi32, #tpu.memory_space<vmem>> -> memref<1x128xi32, #tpu.memory_space<vmem>>
      %dma_start3A_553 = tpu.memref_squeeze %dma_start3A_552 : memref<1x128xi32, #tpu.memory_space<vmem>> -> memref<128xi32, #tpu.memory_space<vmem>>
      %dma_start3A_554 = arith.constant 0 : i32
      %dma_start3A_555 = arith.constant 0 : i32
      %dma_start3A_556 = tpu.memref_slice %arg6[%dma_start3A_554, %dma_start3A_555] : memref<10112x64xf32, #tpu.memory_space<vmem_shared>> -> memref<10112x64xf32, #tpu.memory_space<vmem_shared>>
      tpu.enqueue_indirect_dma source(%dma_start3A_550 : memref<128x64xf32, #tpu.memory_space<vmem>>) target(%dma_start3A_556 : memref<10112x64xf32, #tpu.memory_space<vmem_shared>>) offsets(%dma_start3A_553 : memref<128xi32, #tpu.memory_space<vmem>>) semaphore(%arg13 : memref<!tpu.dma_semaphore, #tpu.memory_space<semaphore_mem>>) {add = true}
      %dma_wait3A_557 = arith.constant 1 : i32
      %dma_wait3A_558 = arith.constant 1 : i32
      %dma_wait3A_559 = arith.constant 0 : i32
      %dma_wait3A_560 = arith.constant 0 : i32
      %dma_wait3A_561 = tpu.memref_slice %arg8[%dma_wait3A_557, %dma_wait3A_559, %dma_wait3A_560] : memref<2x128x64xf32, #tpu.memory_space<vmem>> -> memref<1x128x64xf32, #tpu.memory_space<vmem>>
      %dma_wait3A_562 = tpu.memref_squeeze %dma_wait3A_561 : memref<1x128x64xf32, #tpu.memory_space<vmem>> -> memref<128x64xf32, #tpu.memory_space<vmem>>
      %dma_wait3A_563 = arith.constant 0 : i32
      %dma_wait3A_564 = tpu.memref_slice %arg10[%dma_wait3A_558, %dma_wait3A_563] : memref<4x128xi32, #tpu.memory_space<vmem>> -> memref<1x128xi32, #tpu.memory_space<vmem>>
      %dma_wait3A_565 = tpu.memref_squeeze %dma_wait3A_564 : memref<1x128xi32, #tpu.memory_space<vmem>> -> memref<128xi32, #tpu.memory_space<vmem>>
      %dma_wait3A_566 = arith.constant 0 : i32
      %dma_wait3A_567 = arith.constant 0 : i32
      %dma_wait3A_568 = tpu.memref_slice %arg6[%dma_wait3A_566, %dma_wait3A_567] : memref<10112x64xf32, #tpu.memory_space<vmem_shared>> -> memref<10112x64xf32, #tpu.memory_space<vmem_shared>>
      tpu.wait_indirect_dma semaphore(%arg14 : memref<!tpu.dma_semaphore, #tpu.memory_space<semaphore_mem>>) src(%dma_wait3A_562 : memref<128x64xf32, #tpu.memory_space<vmem>>) dst(%dma_wait3A_568 : memref<10112x64xf32, #tpu.memory_space<vmem_shared>>)
      %dma_start3A_569 = arith.constant 3 : i32
      %dma_start3A_570 = arith.constant 1 : i32
      %dma_start3A_571 = arith.constant 0 : i32
      %dma_start3A_572 = arith.constant 0 : i32
      %dma_start3A_573 = tpu.memref_slice %arg8[%dma_start3A_570, %dma_start3A_571, %dma_start3A_572] : memref<2x128x64xf32, #tpu.memory_space<vmem>> -> memref<1x128x64xf32, #tpu.memory_space<vmem>>
      %dma_start3A_574 = tpu.memref_squeeze %dma_start3A_573 : memref<1x128x64xf32, #tpu.memory_space<vmem>> -> memref<128x64xf32, #tpu.memory_space<vmem>>
      %dma_start3A_575 = arith.constant 0 : i32
      %dma_start3A_576 = tpu.memref_slice %arg9[%dma_start3A_569, %dma_start3A_575] : memref<4x128xi32, #tpu.memory_space<vmem>> -> memref<1x128xi32, #tpu.memory_space<vmem>>
      %dma_start3A_577 = tpu.memref_squeeze %dma_start3A_576 : memref<1x128xi32, #tpu.memory_space<vmem>> -> memref<128xi32, #tpu.memory_space<vmem>>
      %dma_start3A_578 = arith.constant 0 : i32
      %dma_start3A_579 = arith.constant 0 : i32
      %dma_start3A_580 = tpu.memref_slice %arg7[%dma_start3A_578, %dma_start3A_579] : memref<10112x64xf32, #tpu.memory_space<vmem_shared>> -> memref<10112x64xf32, #tpu.memory_space<vmem_shared>>
      tpu.enqueue_indirect_dma source(%dma_start3A_580 : memref<10112x64xf32, #tpu.memory_space<vmem_shared>>) target(%dma_start3A_574 : memref<128x64xf32, #tpu.memory_space<vmem>>) offsets(%dma_start3A_577 : memref<128xi32, #tpu.memory_space<vmem>>) semaphore(%arg12 : memref<!tpu.dma_semaphore, #tpu.memory_space<semaphore_mem>>)
      %add3A_581 = arith.constant 3 : i32
      %add3A_582 = arith.addi %add3A_504, %add3A_581 : i32
      %jit3A_583 = arith.constant 80 : i32
      %eq3A_584 = arith.constant 0 : i32
      %eq3A_585 = arith.cmpi eq, %jit3A_583, %eq3A_584 : i32
      %jit3A_586 = arith.constant 1 : i32
      %select_n3A_587 = arith.select %eq3A_585, %jit3A_586, %jit3A_583 : i32
      %rem3A_588 = arith.remsi %add3A_582, %select_n3A_587 : i32
      %ne3A_589 = arith.constant 0 : i32
      %ne3A_590 = arith.cmpi ne, %rem3A_588, %ne3A_589 : i32
      %lt3A_591 = arith.constant 0 : i32
      %lt3A_592 = arith.cmpi slt, %rem3A_588, %lt3A_591 : i32
      %lt3A_593 = arith.constant 0 : i32
      %lt3A_594 = arith.cmpi slt, %select_n3A_587, %lt3A_593 : i32
      %ne3A_595 = arith.xori %lt3A_592, %lt3A_594 : i1
      %and3A_596 = arith.andi %ne3A_595, %ne3A_590 : i1
      %add3A_597 = arith.addi %rem3A_588, %select_n3A_587 : i32
      %select_n3A_598 = arith.select %and3A_596, %add3A_597, %rem3A_588 : i32
      %dma_start3A_599 = arith.constant 1 : i32
      %dma_start3A_600 = arith.constant 0 : i32
      %dma_start3A_601 = tpu.memref_slice %arg9[%dma_start3A_599, %dma_start3A_600] : memref<4x128xi32, #tpu.memory_space<vmem>> -> memref<1x128xi32, #tpu.memory_space<vmem>>
      %dma_start3A_602 = tpu.memref_squeeze %dma_start3A_601 : memref<1x128xi32, #tpu.memory_space<vmem>> -> memref<128xi32, #tpu.memory_space<vmem>>
      %dma_start3A_603 = arith.constant 0 : i32
      %dma_start3A_604 = tpu.memref_slice %arg3[%add3A, %select_n3A_598, %dma_start3A_603] : memref<32x80x128xi32, #tpu.memory_space<hbm>> -> memref<1x1x128xi32, #tpu.memory_space<hbm>>
      %dma_start3A_605 = tpu.memref_squeeze %dma_start3A_604 : memref<1x1x128xi32, #tpu.memory_space<hbm>> -> memref<128xi32, #tpu.memory_space<hbm>>
      %dma_start3A_606 = arith.constant 0 : i32
      %dma_start3A_607 = tpu.memref_slice %arg9[%dma_start3A_599, %dma_start3A_606] : memref<4x128xi32, #tpu.memory_space<vmem>> -> memref<1x128xi32, #tpu.memory_space<vmem>>
      %dma_start3A_608 = tpu.memref_squeeze %dma_start3A_607 : memref<1x128xi32, #tpu.memory_space<vmem>> -> memref<128xi32, #tpu.memory_space<vmem>>
      %dma_start3A_609 = arith.constant 0 : i32
      %dma_start3A_610 = tpu.memref_slice %arg3[%add3A, %select_n3A_598, %dma_start3A_609] : memref<32x80x128xi32, #tpu.memory_space<hbm>> -> memref<1x1x128xi32, #tpu.memory_space<hbm>>
      %dma_start3A_611 = tpu.memref_squeeze %dma_start3A_610 : memref<1x1x128xi32, #tpu.memory_space<hbm>> -> memref<128xi32, #tpu.memory_space<hbm>>
      tpu.enqueue_dma source(%dma_start3A_611 : memref<128xi32, #tpu.memory_space<hbm>>) target(%dma_start3A_608 : memref<128xi32, #tpu.memory_space<vmem>>) target_semaphore(%arg16 : memref<!tpu.dma_semaphore, #tpu.memory_space<semaphore_mem>>)
      %dma_start3A_612 = arith.constant 1 : i32
      %dma_start3A_613 = arith.constant 0 : i32
      %dma_start3A_614 = tpu.memref_slice %arg10[%dma_start3A_612, %dma_start3A_613] : memref<4x128xi32, #tpu.memory_space<vmem>> -> memref<1x128xi32, #tpu.memory_space<vmem>>
      %dma_start3A_615 = tpu.memref_squeeze %dma_start3A_614 : memref<1x128xi32, #tpu.memory_space<vmem>> -> memref<128xi32, #tpu.memory_space<vmem>>
      %dma_start3A_616 = arith.constant 0 : i32
      %dma_start3A_617 = tpu.memref_slice %arg4[%add3A, %select_n3A_598, %dma_start3A_616] : memref<32x80x128xi32, #tpu.memory_space<hbm>> -> memref<1x1x128xi32, #tpu.memory_space<hbm>>
      %dma_start3A_618 = tpu.memref_squeeze %dma_start3A_617 : memref<1x1x128xi32, #tpu.memory_space<hbm>> -> memref<128xi32, #tpu.memory_space<hbm>>
      %dma_start3A_619 = arith.constant 0 : i32
      %dma_start3A_620 = tpu.memref_slice %arg10[%dma_start3A_612, %dma_start3A_619] : memref<4x128xi32, #tpu.memory_space<vmem>> -> memref<1x128xi32, #tpu.memory_space<vmem>>
      %dma_start3A_621 = tpu.memref_squeeze %dma_start3A_620 : memref<1x128xi32, #tpu.memory_space<vmem>> -> memref<128xi32, #tpu.memory_space<vmem>>
      %dma_start3A_622 = arith.constant 0 : i32
      %dma_start3A_623 = tpu.memref_slice %arg4[%add3A, %select_n3A_598, %dma_start3A_622] : memref<32x80x128xi32, #tpu.memory_space<hbm>> -> memref<1x1x128xi32, #tpu.memory_space<hbm>>
      %dma_start3A_624 = tpu.memref_squeeze %dma_start3A_623 : memref<1x1x128xi32, #tpu.memory_space<hbm>> -> memref<128xi32, #tpu.memory_space<hbm>>
      tpu.enqueue_dma source(%dma_start3A_624 : memref<128xi32, #tpu.memory_space<hbm>>) target(%dma_start3A_621 : memref<128xi32, #tpu.memory_space<vmem>>) target_semaphore(%arg16 : memref<!tpu.dma_semaphore, #tpu.memory_space<semaphore_mem>>)
      %mul3A_625 = arith.constant 4 : i32
      %mul3A_626 = arith.muli %scan3A_259, %mul3A_625 : i32
      %add3A_627 = arith.constant 3 : i32
      %add3A_628 = arith.addi %mul3A_626, %add3A_627 : i32
      %dma_wait3A_629 = arith.constant 3 : i32
      %dma_wait3A_630 = arith.constant 1 : i32
      %dma_wait3A_631 = arith.constant 0 : i32
      %dma_wait3A_632 = arith.constant 0 : i32
      %dma_wait3A_633 = tpu.memref_slice %arg8[%dma_wait3A_630, %dma_wait3A_631, %dma_wait3A_632] : memref<2x128x64xf32, #tpu.memory_space<vmem>> -> memref<1x128x64xf32, #tpu.memory_space<vmem>>
      %dma_wait3A_634 = tpu.memref_squeeze %dma_wait3A_633 : memref<1x128x64xf32, #tpu.memory_space<vmem>> -> memref<128x64xf32, #tpu.memory_space<vmem>>
      %dma_wait3A_635 = arith.constant 0 : i32
      %dma_wait3A_636 = tpu.memref_slice %arg9[%dma_wait3A_629, %dma_wait3A_635] : memref<4x128xi32, #tpu.memory_space<vmem>> -> memref<1x128xi32, #tpu.memory_space<vmem>>
      %dma_wait3A_637 = tpu.memref_squeeze %dma_wait3A_636 : memref<1x128xi32, #tpu.memory_space<vmem>> -> memref<128xi32, #tpu.memory_space<vmem>>
      %dma_wait3A_638 = arith.constant 0 : i32
      %dma_wait3A_639 = arith.constant 0 : i32
      %dma_wait3A_640 = tpu.memref_slice %arg7[%dma_wait3A_638, %dma_wait3A_639] : memref<10112x64xf32, #tpu.memory_space<vmem_shared>> -> memref<10112x64xf32, #tpu.memory_space<vmem_shared>>
      tpu.wait_indirect_dma semaphore(%arg12 : memref<!tpu.dma_semaphore, #tpu.memory_space<semaphore_mem>>) src(%dma_wait3A_640 : memref<10112x64xf32, #tpu.memory_space<vmem_shared>>) dst(%dma_wait3A_634 : memref<128x64xf32, #tpu.memory_space<vmem>>)
      %dma_wait3A_641 = arith.constant 0 : i32
      %dma_wait3A_642 = arith.constant 0 : i32
      %dma_wait3A_643 = arith.constant 0 : i32
      %dma_wait3A_644 = tpu.memref_slice %arg9[%dma_wait3A_642, %dma_wait3A_643] : memref<4x128xi32, #tpu.memory_space<vmem>> -> memref<1x128xi32, #tpu.memory_space<vmem>>
      %dma_wait3A_645 = tpu.memref_squeeze %dma_wait3A_644 : memref<1x128xi32, #tpu.memory_space<vmem>> -> memref<128xi32, #tpu.memory_space<vmem>>
      %dma_wait3A_646 = arith.constant 0 : i32
      %dma_wait3A_647 = tpu.memref_slice %arg3[%add3A, %dma_wait3A_641, %dma_wait3A_646] : memref<32x80x128xi32, #tpu.memory_space<hbm>> -> memref<1x1x128xi32, #tpu.memory_space<hbm>>
      %dma_wait3A_648 = tpu.memref_squeeze %dma_wait3A_647 : memref<1x1x128xi32, #tpu.memory_space<hbm>> -> memref<128xi32, #tpu.memory_space<hbm>>
      %dma_wait3A_649 = arith.constant 0 : i32
      %dma_wait3A_650 = tpu.memref_slice %arg9[%dma_wait3A_642, %dma_wait3A_649] : memref<4x128xi32, #tpu.memory_space<vmem>> -> memref<1x128xi32, #tpu.memory_space<vmem>>
      %dma_wait3A_651 = tpu.memref_squeeze %dma_wait3A_650 : memref<1x128xi32, #tpu.memory_space<vmem>> -> memref<128xi32, #tpu.memory_space<vmem>>
      %dma_wait3A_652 = arith.constant 0 : i32
      %dma_wait3A_653 = tpu.memref_slice %arg3[%add3A, %dma_wait3A_641, %dma_wait3A_652] : memref<32x80x128xi32, #tpu.memory_space<hbm>> -> memref<1x1x128xi32, #tpu.memory_space<hbm>>
      %dma_wait3A_654 = tpu.memref_squeeze %dma_wait3A_653 : memref<1x1x128xi32, #tpu.memory_space<hbm>> -> memref<128xi32, #tpu.memory_space<hbm>>
      tpu.wait_dma2 semaphore(%arg15 : memref<!tpu.dma_semaphore, #tpu.memory_space<semaphore_mem>>) src(%dma_wait3A_654 : memref<128xi32, #tpu.memory_space<hbm>>) dst(%dma_wait3A_651 : memref<128xi32, #tpu.memory_space<vmem>>)
      %dma_wait3A_655 = arith.constant 0 : i32
      %dma_wait3A_656 = arith.constant 0 : i32
      %dma_wait3A_657 = arith.constant 0 : i32
      %dma_wait3A_658 = tpu.memref_slice %arg10[%dma_wait3A_656, %dma_wait3A_657] : memref<4x128xi32, #tpu.memory_space<vmem>> -> memref<1x128xi32, #tpu.memory_space<vmem>>
      %dma_wait3A_659 = tpu.memref_squeeze %dma_wait3A_658 : memref<1x128xi32, #tpu.memory_space<vmem>> -> memref<128xi32, #tpu.memory_space<vmem>>
      %dma_wait3A_660 = arith.constant 0 : i32
      %dma_wait3A_661 = tpu.memref_slice %arg4[%add3A, %dma_wait3A_655, %dma_wait3A_660] : memref<32x80x128xi32, #tpu.memory_space<hbm>> -> memref<1x1x128xi32, #tpu.memory_space<hbm>>
      %dma_wait3A_662 = tpu.memref_squeeze %dma_wait3A_661 : memref<1x1x128xi32, #tpu.memory_space<hbm>> -> memref<128xi32, #tpu.memory_space<hbm>>
      %dma_wait3A_663 = arith.constant 0 : i32
      %dma_wait3A_664 = tpu.memref_slice %arg10[%dma_wait3A_656, %dma_wait3A_663] : memref<4x128xi32, #tpu.memory_space<vmem>> -> memref<1x128xi32, #tpu.memory_space<vmem>>
      %dma_wait3A_665 = tpu.memref_squeeze %dma_wait3A_664 : memref<1x128xi32, #tpu.memory_space<vmem>> -> memref<128xi32, #tpu.memory_space<vmem>>
      %dma_wait3A_666 = arith.constant 0 : i32
      %dma_wait3A_667 = tpu.memref_slice %arg4[%add3A, %dma_wait3A_655, %dma_wait3A_666] : memref<32x80x128xi32, #tpu.memory_space<hbm>> -> memref<1x1x128xi32, #tpu.memory_space<hbm>>
      %dma_wait3A_668 = tpu.memref_squeeze %dma_wait3A_667 : memref<1x1x128xi32, #tpu.memory_space<hbm>> -> memref<128xi32, #tpu.memory_space<hbm>>
      tpu.wait_dma2 semaphore(%arg15 : memref<!tpu.dma_semaphore, #tpu.memory_space<semaphore_mem>>) src(%dma_wait3A_668 : memref<128xi32, #tpu.memory_space<hbm>>) dst(%dma_wait3A_665 : memref<128xi32, #tpu.memory_space<vmem>>)
      %dma_start3A_669 = arith.constant 1 : i32
      %dma_start3A_670 = arith.constant 3 : i32
      %dma_start3A_671 = arith.constant 0 : i32
      %dma_start3A_672 = arith.constant 0 : i32
      %dma_start3A_673 = tpu.memref_slice %arg8[%dma_start3A_669, %dma_start3A_671, %dma_start3A_672] : memref<2x128x64xf32, #tpu.memory_space<vmem>> -> memref<1x128x64xf32, #tpu.memory_space<vmem>>
      %dma_start3A_674 = tpu.memref_squeeze %dma_start3A_673 : memref<1x128x64xf32, #tpu.memory_space<vmem>> -> memref<128x64xf32, #tpu.memory_space<vmem>>
      %dma_start3A_675 = arith.constant 0 : i32
      %dma_start3A_676 = tpu.memref_slice %arg10[%dma_start3A_670, %dma_start3A_675] : memref<4x128xi32, #tpu.memory_space<vmem>> -> memref<1x128xi32, #tpu.memory_space<vmem>>
      %dma_start3A_677 = tpu.memref_squeeze %dma_start3A_676 : memref<1x128xi32, #tpu.memory_space<vmem>> -> memref<128xi32, #tpu.memory_space<vmem>>
      %dma_start3A_678 = arith.constant 0 : i32
      %dma_start3A_679 = arith.constant 0 : i32
      %dma_start3A_680 = tpu.memref_slice %arg6[%dma_start3A_678, %dma_start3A_679] : memref<10112x64xf32, #tpu.memory_space<vmem_shared>> -> memref<10112x64xf32, #tpu.memory_space<vmem_shared>>
      tpu.enqueue_indirect_dma source(%dma_start3A_674 : memref<128x64xf32, #tpu.memory_space<vmem>>) target(%dma_start3A_680 : memref<10112x64xf32, #tpu.memory_space<vmem_shared>>) offsets(%dma_start3A_677 : memref<128xi32, #tpu.memory_space<vmem>>) semaphore(%arg14 : memref<!tpu.dma_semaphore, #tpu.memory_space<semaphore_mem>>) {add = true}
      %dma_wait3A_681 = arith.constant 0 : i32
      %dma_wait3A_682 = arith.constant 2 : i32
      %dma_wait3A_683 = arith.constant 0 : i32
      %dma_wait3A_684 = arith.constant 0 : i32
      %dma_wait3A_685 = tpu.memref_slice %arg8[%dma_wait3A_681, %dma_wait3A_683, %dma_wait3A_684] : memref<2x128x64xf32, #tpu.memory_space<vmem>> -> memref<1x128x64xf32, #tpu.memory_space<vmem>>
      %dma_wait3A_686 = tpu.memref_squeeze %dma_wait3A_685 : memref<1x128x64xf32, #tpu.memory_space<vmem>> -> memref<128x64xf32, #tpu.memory_space<vmem>>
      %dma_wait3A_687 = arith.constant 0 : i32
      %dma_wait3A_688 = tpu.memref_slice %arg10[%dma_wait3A_682, %dma_wait3A_687] : memref<4x128xi32, #tpu.memory_space<vmem>> -> memref<1x128xi32, #tpu.memory_space<vmem>>
      %dma_wait3A_689 = tpu.memref_squeeze %dma_wait3A_688 : memref<1x128xi32, #tpu.memory_space<vmem>> -> memref<128xi32, #tpu.memory_space<vmem>>
      %dma_wait3A_690 = arith.constant 0 : i32
      %dma_wait3A_691 = arith.constant 0 : i32
      %dma_wait3A_692 = tpu.memref_slice %arg6[%dma_wait3A_690, %dma_wait3A_691] : memref<10112x64xf32, #tpu.memory_space<vmem_shared>> -> memref<10112x64xf32, #tpu.memory_space<vmem_shared>>
      tpu.wait_indirect_dma semaphore(%arg13 : memref<!tpu.dma_semaphore, #tpu.memory_space<semaphore_mem>>) src(%dma_wait3A_686 : memref<128x64xf32, #tpu.memory_space<vmem>>) dst(%dma_wait3A_692 : memref<10112x64xf32, #tpu.memory_space<vmem_shared>>)
      %dma_start3A_693 = arith.constant 0 : i32
      %dma_start3A_694 = arith.constant 0 : i32
      %dma_start3A_695 = arith.constant 0 : i32
      %dma_start3A_696 = arith.constant 0 : i32
      %dma_start3A_697 = tpu.memref_slice %arg8[%dma_start3A_694, %dma_start3A_695, %dma_start3A_696] : memref<2x128x64xf32, #tpu.memory_space<vmem>> -> memref<1x128x64xf32, #tpu.memory_space<vmem>>
      %dma_start3A_698 = tpu.memref_squeeze %dma_start3A_697 : memref<1x128x64xf32, #tpu.memory_space<vmem>> -> memref<128x64xf32, #tpu.memory_space<vmem>>
      %dma_start3A_699 = arith.constant 0 : i32
      %dma_start3A_700 = tpu.memref_slice %arg9[%dma_start3A_693, %dma_start3A_699] : memref<4x128xi32, #tpu.memory_space<vmem>> -> memref<1x128xi32, #tpu.memory_space<vmem>>
      %dma_start3A_701 = tpu.memref_squeeze %dma_start3A_700 : memref<1x128xi32, #tpu.memory_space<vmem>> -> memref<128xi32, #tpu.memory_space<vmem>>
      %dma_start3A_702 = arith.constant 0 : i32
      %dma_start3A_703 = arith.constant 0 : i32
      %dma_start3A_704 = tpu.memref_slice %arg7[%dma_start3A_702, %dma_start3A_703] : memref<10112x64xf32, #tpu.memory_space<vmem_shared>> -> memref<10112x64xf32, #tpu.memory_space<vmem_shared>>
      tpu.enqueue_indirect_dma source(%dma_start3A_704 : memref<10112x64xf32, #tpu.memory_space<vmem_shared>>) target(%dma_start3A_698 : memref<128x64xf32, #tpu.memory_space<vmem>>) offsets(%dma_start3A_701 : memref<128xi32, #tpu.memory_space<vmem>>) semaphore(%arg11 : memref<!tpu.dma_semaphore, #tpu.memory_space<semaphore_mem>>)
      %add3A_705 = arith.constant 3 : i32
      %add3A_706 = arith.addi %add3A_628, %add3A_705 : i32
      %jit3A_707 = arith.constant 80 : i32
      %eq3A_708 = arith.constant 0 : i32
      %eq3A_709 = arith.cmpi eq, %jit3A_707, %eq3A_708 : i32
      %jit3A_710 = arith.constant 1 : i32
      %select_n3A_711 = arith.select %eq3A_709, %jit3A_710, %jit3A_707 : i32
      %rem3A_712 = arith.remsi %add3A_706, %select_n3A_711 : i32
      %ne3A_713 = arith.constant 0 : i32
      %ne3A_714 = arith.cmpi ne, %rem3A_712, %ne3A_713 : i32
      %lt3A_715 = arith.constant 0 : i32
      %lt3A_716 = arith.cmpi slt, %rem3A_712, %lt3A_715 : i32
      %lt3A_717 = arith.constant 0 : i32
      %lt3A_718 = arith.cmpi slt, %select_n3A_711, %lt3A_717 : i32
      %ne3A_719 = arith.xori %lt3A_716, %lt3A_718 : i1
      %and3A_720 = arith.andi %ne3A_719, %ne3A_714 : i1
      %add3A_721 = arith.addi %rem3A_712, %select_n3A_711 : i32
      %select_n3A_722 = arith.select %and3A_720, %add3A_721, %rem3A_712 : i32
      %dma_start3A_723 = arith.constant 2 : i32
      %dma_start3A_724 = arith.constant 0 : i32
      %dma_start3A_725 = tpu.memref_slice %arg9[%dma_start3A_723, %dma_start3A_724] : memref<4x128xi32, #tpu.memory_space<vmem>> -> memref<1x128xi32, #tpu.memory_space<vmem>>
      %dma_start3A_726 = tpu.memref_squeeze %dma_start3A_725 : memref<1x128xi32, #tpu.memory_space<vmem>> -> memref<128xi32, #tpu.memory_space<vmem>>
      %dma_start3A_727 = arith.constant 0 : i32
      %dma_start3A_728 = tpu.memref_slice %arg3[%add3A, %select_n3A_722, %dma_start3A_727] : memref<32x80x128xi32, #tpu.memory_space<hbm>> -> memref<1x1x128xi32, #tpu.memory_space<hbm>>
      %dma_start3A_729 = tpu.memref_squeeze %dma_start3A_728 : memref<1x1x128xi32, #tpu.memory_space<hbm>> -> memref<128xi32, #tpu.memory_space<hbm>>
      %dma_start3A_730 = arith.constant 0 : i32
      %dma_start3A_731 = tpu.memref_slice %arg9[%dma_start3A_723, %dma_start3A_730] : memref<4x128xi32, #tpu.memory_space<vmem>> -> memref<1x128xi32, #tpu.memory_space<vmem>>
      %dma_start3A_732 = tpu.memref_squeeze %dma_start3A_731 : memref<1x128xi32, #tpu.memory_space<vmem>> -> memref<128xi32, #tpu.memory_space<vmem>>
      %dma_start3A_733 = arith.constant 0 : i32
      %dma_start3A_734 = tpu.memref_slice %arg3[%add3A, %select_n3A_722, %dma_start3A_733] : memref<32x80x128xi32, #tpu.memory_space<hbm>> -> memref<1x1x128xi32, #tpu.memory_space<hbm>>
      %dma_start3A_735 = tpu.memref_squeeze %dma_start3A_734 : memref<1x1x128xi32, #tpu.memory_space<hbm>> -> memref<128xi32, #tpu.memory_space<hbm>>
      tpu.enqueue_dma source(%dma_start3A_735 : memref<128xi32, #tpu.memory_space<hbm>>) target(%dma_start3A_732 : memref<128xi32, #tpu.memory_space<vmem>>) target_semaphore(%arg17 : memref<!tpu.dma_semaphore, #tpu.memory_space<semaphore_mem>>)
      %dma_start3A_736 = arith.constant 2 : i32
      %dma_start3A_737 = arith.constant 0 : i32
      %dma_start3A_738 = tpu.memref_slice %arg10[%dma_start3A_736, %dma_start3A_737] : memref<4x128xi32, #tpu.memory_space<vmem>> -> memref<1x128xi32, #tpu.memory_space<vmem>>
      %dma_start3A_739 = tpu.memref_squeeze %dma_start3A_738 : memref<1x128xi32, #tpu.memory_space<vmem>> -> memref<128xi32, #tpu.memory_space<vmem>>
      %dma_start3A_740 = arith.constant 0 : i32
      %dma_start3A_741 = tpu.memref_slice %arg4[%add3A, %select_n3A_722, %dma_start3A_740] : memref<32x80x128xi32, #tpu.memory_space<hbm>> -> memref<1x1x128xi32, #tpu.memory_space<hbm>>
      %dma_start3A_742 = tpu.memref_squeeze %dma_start3A_741 : memref<1x1x128xi32, #tpu.memory_space<hbm>> -> memref<128xi32, #tpu.memory_space<hbm>>
      %dma_start3A_743 = arith.constant 0 : i32
      %dma_start3A_744 = tpu.memref_slice %arg10[%dma_start3A_736, %dma_start3A_743] : memref<4x128xi32, #tpu.memory_space<vmem>> -> memref<1x128xi32, #tpu.memory_space<vmem>>
      %dma_start3A_745 = tpu.memref_squeeze %dma_start3A_744 : memref<1x128xi32, #tpu.memory_space<vmem>> -> memref<128xi32, #tpu.memory_space<vmem>>
      %dma_start3A_746 = arith.constant 0 : i32
      %dma_start3A_747 = tpu.memref_slice %arg4[%add3A, %select_n3A_722, %dma_start3A_746] : memref<32x80x128xi32, #tpu.memory_space<hbm>> -> memref<1x1x128xi32, #tpu.memory_space<hbm>>
      %dma_start3A_748 = tpu.memref_squeeze %dma_start3A_747 : memref<1x1x128xi32, #tpu.memory_space<hbm>> -> memref<128xi32, #tpu.memory_space<hbm>>
      tpu.enqueue_dma source(%dma_start3A_748 : memref<128xi32, #tpu.memory_space<hbm>>) target(%dma_start3A_745 : memref<128xi32, #tpu.memory_space<vmem>>) target_semaphore(%arg17 : memref<!tpu.dma_semaphore, #tpu.memory_space<semaphore_mem>>)
    }
    %scan3A_173 = arith.constant 20 : i32
    %dma_wait3A_174 = arith.constant 0 : i32
    %dma_wait3A_175 = arith.constant 0 : i32
    %dma_wait3A_176 = arith.constant 0 : i32
    %dma_wait3A_177 = arith.constant 0 : i32
    %dma_wait3A_178 = tpu.memref_slice %arg8[%dma_wait3A_175, %dma_wait3A_176, %dma_wait3A_177] : memref<2x128x64xf32, #tpu.memory_space<vmem>> -> memref<1x128x64xf32, #tpu.memory_space<vmem>>
    %dma_wait3A_179 = tpu.memref_squeeze %dma_wait3A_178 : memref<1x128x64xf32, #tpu.memory_space<vmem>> -> memref<128x64xf32, #tpu.memory_space<vmem>>
    %dma_wait3A_180 = arith.constant 0 : i32
    %dma_wait3A_181 = tpu.memref_slice %arg9[%dma_wait3A_174, %dma_wait3A_180] : memref<4x128xi32, #tpu.memory_space<vmem>> -> memref<1x128xi32, #tpu.memory_space<vmem>>
    %dma_wait3A_182 = tpu.memref_squeeze %dma_wait3A_181 : memref<1x128xi32, #tpu.memory_space<vmem>> -> memref<128xi32, #tpu.memory_space<vmem>>
    %dma_wait3A_183 = arith.constant 0 : i32
    %dma_wait3A_184 = arith.constant 0 : i32
    %dma_wait3A_185 = tpu.memref_slice %arg7[%dma_wait3A_183, %dma_wait3A_184] : memref<10112x64xf32, #tpu.memory_space<vmem_shared>> -> memref<10112x64xf32, #tpu.memory_space<vmem_shared>>
    tpu.wait_indirect_dma semaphore(%arg11 : memref<!tpu.dma_semaphore, #tpu.memory_space<semaphore_mem>>) src(%dma_wait3A_185 : memref<10112x64xf32, #tpu.memory_space<vmem_shared>>) dst(%dma_wait3A_179 : memref<128x64xf32, #tpu.memory_space<vmem>>)
    %dma_wait3A_186 = arith.constant 1 : i32
    %dma_wait3A_187 = arith.constant 3 : i32
    %dma_wait3A_188 = arith.constant 0 : i32
    %dma_wait3A_189 = arith.constant 0 : i32
    %dma_wait3A_190 = tpu.memref_slice %arg8[%dma_wait3A_186, %dma_wait3A_188, %dma_wait3A_189] : memref<2x128x64xf32, #tpu.memory_space<vmem>> -> memref<1x128x64xf32, #tpu.memory_space<vmem>>
    %dma_wait3A_191 = tpu.memref_squeeze %dma_wait3A_190 : memref<1x128x64xf32, #tpu.memory_space<vmem>> -> memref<128x64xf32, #tpu.memory_space<vmem>>
    %dma_wait3A_192 = arith.constant 0 : i32
    %dma_wait3A_193 = tpu.memref_slice %arg10[%dma_wait3A_187, %dma_wait3A_192] : memref<4x128xi32, #tpu.memory_space<vmem>> -> memref<1x128xi32, #tpu.memory_space<vmem>>
    %dma_wait3A_194 = tpu.memref_squeeze %dma_wait3A_193 : memref<1x128xi32, #tpu.memory_space<vmem>> -> memref<128xi32, #tpu.memory_space<vmem>>
    %dma_wait3A_195 = arith.constant 0 : i32
    %dma_wait3A_196 = arith.constant 0 : i32
    %dma_wait3A_197 = tpu.memref_slice %arg6[%dma_wait3A_195, %dma_wait3A_196] : memref<10112x64xf32, #tpu.memory_space<vmem_shared>> -> memref<10112x64xf32, #tpu.memory_space<vmem_shared>>
    tpu.wait_indirect_dma semaphore(%arg14 : memref<!tpu.dma_semaphore, #tpu.memory_space<semaphore_mem>>) src(%dma_wait3A_191 : memref<128x64xf32, #tpu.memory_space<vmem>>) dst(%dma_wait3A_197 : memref<10112x64xf32, #tpu.memory_space<vmem_shared>>)
    %dma_wait3A_198 = arith.constant 0 : i32
    %dma_wait3A_199 = arith.constant 1 : i32
    %dma_wait3A_200 = arith.constant 0 : i32
    %dma_wait3A_201 = tpu.memref_slice %arg9[%dma_wait3A_199, %dma_wait3A_200] : memref<4x128xi32, #tpu.memory_space<vmem>> -> memref<1x128xi32, #tpu.memory_space<vmem>>
    %dma_wait3A_202 = tpu.memref_squeeze %dma_wait3A_201 : memref<1x128xi32, #tpu.memory_space<vmem>> -> memref<128xi32, #tpu.memory_space<vmem>>
    %dma_wait3A_203 = arith.constant 0 : i32
    %dma_wait3A_204 = tpu.memref_slice %arg3[%add3A, %dma_wait3A_198, %dma_wait3A_203] : memref<32x80x128xi32, #tpu.memory_space<hbm>> -> memref<1x1x128xi32, #tpu.memory_space<hbm>>
    %dma_wait3A_205 = tpu.memref_squeeze %dma_wait3A_204 : memref<1x1x128xi32, #tpu.memory_space<hbm>> -> memref<128xi32, #tpu.memory_space<hbm>>
    %dma_wait3A_206 = arith.constant 0 : i32
    %dma_wait3A_207 = tpu.memref_slice %arg9[%dma_wait3A_199, %dma_wait3A_206] : memref<4x128xi32, #tpu.memory_space<vmem>> -> memref<1x128xi32, #tpu.memory_space<vmem>>
    %dma_wait3A_208 = tpu.memref_squeeze %dma_wait3A_207 : memref<1x128xi32, #tpu.memory_space<vmem>> -> memref<128xi32, #tpu.memory_space<vmem>>
    %dma_wait3A_209 = arith.constant 0 : i32
    %dma_wait3A_210 = tpu.memref_slice %arg3[%add3A, %dma_wait3A_198, %dma_wait3A_209] : memref<32x80x128xi32, #tpu.memory_space<hbm>> -> memref<1x1x128xi32, #tpu.memory_space<hbm>>
    %dma_wait3A_211 = tpu.memref_squeeze %dma_wait3A_210 : memref<1x1x128xi32, #tpu.memory_space<hbm>> -> memref<128xi32, #tpu.memory_space<hbm>>
    tpu.wait_dma2 semaphore(%arg16 : memref<!tpu.dma_semaphore, #tpu.memory_space<semaphore_mem>>) src(%dma_wait3A_211 : memref<128xi32, #tpu.memory_space<hbm>>) dst(%dma_wait3A_208 : memref<128xi32, #tpu.memory_space<vmem>>)
    %dma_wait3A_212 = arith.constant 0 : i32
    %dma_wait3A_213 = arith.constant 1 : i32
    %dma_wait3A_214 = arith.constant 0 : i32
    %dma_wait3A_215 = tpu.memref_slice %arg10[%dma_wait3A_213, %dma_wait3A_214] : memref<4x128xi32, #tpu.memory_space<vmem>> -> memref<1x128xi32, #tpu.memory_space<vmem>>
    %dma_wait3A_216 = tpu.memref_squeeze %dma_wait3A_215 : memref<1x128xi32, #tpu.memory_space<vmem>> -> memref<128xi32, #tpu.memory_space<vmem>>
    %dma_wait3A_217 = arith.constant 0 : i32
    %dma_wait3A_218 = tpu.memref_slice %arg4[%add3A, %dma_wait3A_212, %dma_wait3A_217] : memref<32x80x128xi32, #tpu.memory_space<hbm>> -> memref<1x1x128xi32, #tpu.memory_space<hbm>>
    %dma_wait3A_219 = tpu.memref_squeeze %dma_wait3A_218 : memref<1x1x128xi32, #tpu.memory_space<hbm>> -> memref<128xi32, #tpu.memory_space<hbm>>
    %dma_wait3A_220 = arith.constant 0 : i32
    %dma_wait3A_221 = tpu.memref_slice %arg10[%dma_wait3A_213, %dma_wait3A_220] : memref<4x128xi32, #tpu.memory_space<vmem>> -> memref<1x128xi32, #tpu.memory_space<vmem>>
    %dma_wait3A_222 = tpu.memref_squeeze %dma_wait3A_221 : memref<1x128xi32, #tpu.memory_space<vmem>> -> memref<128xi32, #tpu.memory_space<vmem>>
    %dma_wait3A_223 = arith.constant 0 : i32
    %dma_wait3A_224 = tpu.memref_slice %arg4[%add3A, %dma_wait3A_212, %dma_wait3A_223] : memref<32x80x128xi32, #tpu.memory_space<hbm>> -> memref<1x1x128xi32, #tpu.memory_space<hbm>>
    %dma_wait3A_225 = tpu.memref_squeeze %dma_wait3A_224 : memref<1x1x128xi32, #tpu.memory_space<hbm>> -> memref<128xi32, #tpu.memory_space<hbm>>
    tpu.wait_dma2 semaphore(%arg16 : memref<!tpu.dma_semaphore, #tpu.memory_space<semaphore_mem>>) src(%dma_wait3A_225 : memref<128xi32, #tpu.memory_space<hbm>>) dst(%dma_wait3A_222 : memref<128xi32, #tpu.memory_space<vmem>>)
    %dma_wait3A_226 = arith.constant 0 : i32
    %dma_wait3A_227 = arith.constant 2 : i32
    %dma_wait3A_228 = arith.constant 0 : i32
    %dma_wait3A_229 = tpu.memref_slice %arg9[%dma_wait3A_227, %dma_wait3A_228] : memref<4x128xi32, #tpu.memory_space<vmem>> -> memref<1x128xi32, #tpu.memory_space<vmem>>
    %dma_wait3A_230 = tpu.memref_squeeze %dma_wait3A_229 : memref<1x128xi32, #tpu.memory_space<vmem>> -> memref<128xi32, #tpu.memory_space<vmem>>
    %dma_wait3A_231 = arith.constant 0 : i32
    %dma_wait3A_232 = tpu.memref_slice %arg3[%add3A, %dma_wait3A_226, %dma_wait3A_231] : memref<32x80x128xi32, #tpu.memory_space<hbm>> -> memref<1x1x128xi32, #tpu.memory_space<hbm>>
    %dma_wait3A_233 = tpu.memref_squeeze %dma_wait3A_232 : memref<1x1x128xi32, #tpu.memory_space<hbm>> -> memref<128xi32, #tpu.memory_space<hbm>>
    %dma_wait3A_234 = arith.constant 0 : i32
    %dma_wait3A_235 = tpu.memref_slice %arg9[%dma_wait3A_227, %dma_wait3A_234] : memref<4x128xi32, #tpu.memory_space<vmem>> -> memref<1x128xi32, #tpu.memory_space<vmem>>
    %dma_wait3A_236 = tpu.memref_squeeze %dma_wait3A_235 : memref<1x128xi32, #tpu.memory_space<vmem>> -> memref<128xi32, #tpu.memory_space<vmem>>
    %dma_wait3A_237 = arith.constant 0 : i32
    %dma_wait3A_238 = tpu.memref_slice %arg3[%add3A, %dma_wait3A_226, %dma_wait3A_237] : memref<32x80x128xi32, #tpu.memory_space<hbm>> -> memref<1x1x128xi32, #tpu.memory_space<hbm>>
    %dma_wait3A_239 = tpu.memref_squeeze %dma_wait3A_238 : memref<1x1x128xi32, #tpu.memory_space<hbm>> -> memref<128xi32, #tpu.memory_space<hbm>>
    tpu.wait_dma2 semaphore(%arg17 : memref<!tpu.dma_semaphore, #tpu.memory_space<semaphore_mem>>) src(%dma_wait3A_239 : memref<128xi32, #tpu.memory_space<hbm>>) dst(%dma_wait3A_236 : memref<128xi32, #tpu.memory_space<vmem>>)
    %dma_wait3A_240 = arith.constant 0 : i32
    %dma_wait3A_241 = arith.constant 2 : i32
    %dma_wait3A_242 = arith.constant 0 : i32
    %dma_wait3A_243 = tpu.memref_slice %arg10[%dma_wait3A_241, %dma_wait3A_242] : memref<4x128xi32, #tpu.memory_space<vmem>> -> memref<1x128xi32, #tpu.memory_space<vmem>>
    %dma_wait3A_244 = tpu.memref_squeeze %dma_wait3A_243 : memref<1x128xi32, #tpu.memory_space<vmem>> -> memref<128xi32, #tpu.memory_space<vmem>>
    %dma_wait3A_245 = arith.constant 0 : i32
    %dma_wait3A_246 = tpu.memref_slice %arg4[%add3A, %dma_wait3A_240, %dma_wait3A_245] : memref<32x80x128xi32, #tpu.memory_space<hbm>> -> memref<1x1x128xi32, #tpu.memory_space<hbm>>
    %dma_wait3A_247 = tpu.memref_squeeze %dma_wait3A_246 : memref<1x1x128xi32, #tpu.memory_space<hbm>> -> memref<128xi32, #tpu.memory_space<hbm>>
    %dma_wait3A_248 = arith.constant 0 : i32
    %dma_wait3A_249 = tpu.memref_slice %arg10[%dma_wait3A_241, %dma_wait3A_248] : memref<4x128xi32, #tpu.memory_space<vmem>> -> memref<1x128xi32, #tpu.memory_space<vmem>>
    %dma_wait3A_250 = tpu.memref_squeeze %dma_wait3A_249 : memref<1x128xi32, #tpu.memory_space<vmem>> -> memref<128xi32, #tpu.memory_space<vmem>>
    %dma_wait3A_251 = arith.constant 0 : i32
    %dma_wait3A_252 = tpu.memref_slice %arg4[%add3A, %dma_wait3A_240, %dma_wait3A_251] : memref<32x80x128xi32, #tpu.memory_space<hbm>> -> memref<1x1x128xi32, #tpu.memory_space<hbm>>
    %dma_wait3A_253 = tpu.memref_squeeze %dma_wait3A_252 : memref<1x1x128xi32, #tpu.memory_space<hbm>> -> memref<128xi32, #tpu.memory_space<hbm>>
    tpu.wait_dma2 semaphore(%arg17 : memref<!tpu.dma_semaphore, #tpu.memory_space<semaphore_mem>>) src(%dma_wait3A_253 : memref<128xi32, #tpu.memory_space<hbm>>) dst(%dma_wait3A_250 : memref<128xi32, #tpu.memory_space<vmem>>)
    %barrier3A_254 = arith.constant 0 : index
    tpu.barrier barrier_id(%barrier3A_254)
    %mul3A_255 = arith.constant 632 : i32
    %mul3A_256 = arith.muli %arg1, %mul3A_255 : i32
    %mul3A_257 = arith.constant 632 : i32
    %mul3A_258 = arith.muli %arg1, %mul3A_257 : i32
    "tpu.region"() ({
      %run_scoped3A_259 = tpu.sem_alloc : memref<!tpu.dma_semaphore, #tpu.memory_space<semaphore_mem>>
      %dma_start3A_260 = arith.constant 0 : i32
      %dma_start3A_261 = tpu.memref_slice %arg5[%arg0, %mul3A_258, %dma_start3A_260] : memref<2x10112x64xf32, #tpu.memory_space<hbm>> -> memref<1x632x64xf32, #tpu.memory_space<hbm>>
      %dma_start3A_262 = tpu.memref_squeeze %dma_start3A_261 : memref<1x632x64xf32, #tpu.memory_space<hbm>> -> memref<632x64xf32, #tpu.memory_space<hbm>>
      %dma_start3A_263 = arith.constant 0 : i32
      %dma_start3A_264 = tpu.memref_slice %arg6[%mul3A_256, %dma_start3A_263] : memref<10112x64xf32, #tpu.memory_space<vmem_shared>> -> memref<632x64xf32, #tpu.memory_space<vmem_shared>>
      tpu.enqueue_dma source(%dma_start3A_264 : memref<632x64xf32, #tpu.memory_space<vmem_shared>>) target(%dma_start3A_262 : memref<632x64xf32, #tpu.memory_space<hbm>>) target_semaphore(%run_scoped3A_259 : memref<!tpu.dma_semaphore, #tpu.memory_space<semaphore_mem>>)
      %dma_wait3A_265 = arith.constant 0 : i32
      %dma_wait3A_266 = tpu.memref_slice %arg5[%arg0, %mul3A_258, %dma_wait3A_265] : memref<2x10112x64xf32, #tpu.memory_space<hbm>> -> memref<1x632x64xf32, #tpu.memory_space<hbm>>
      %dma_wait3A_267 = tpu.memref_squeeze %dma_wait3A_266 : memref<1x632x64xf32, #tpu.memory_space<hbm>> -> memref<632x64xf32, #tpu.memory_space<hbm>>
      %dma_wait3A_268 = arith.constant 0 : i32
      %dma_wait3A_269 = tpu.memref_slice %arg6[%mul3A_256, %dma_wait3A_268] : memref<10112x64xf32, #tpu.memory_space<vmem_shared>> -> memref<632x64xf32, #tpu.memory_space<vmem_shared>>
      tpu.wait_dma2 semaphore(%run_scoped3A_259 : memref<!tpu.dma_semaphore, #tpu.memory_space<semaphore_mem>>) src(%dma_wait3A_269 : memref<632x64xf32, #tpu.memory_space<vmem_shared>>) dst(%dma_wait3A_267 : memref<632x64xf32, #tpu.memory_space<hbm>>)
      tpu.yield
    }) : () -> ()
    return
  }
}

#map = affine_map<(d0, d1) -> (0, 0, 0)>
module attributes {stable_mosaic.version = 14 : i64} {
  func.func @deg_kernel(%arg0: i32, %arg1: i32, %arg2: memref<32x80x128xi32, #tpu.memory_space<hbm>>, %arg3: memref<2x10112x16xf32, #tpu.memory_space<hbm>>, %arg4: memref<10112x16xf32, #tpu.memory_space<vmem_shared>>, %arg5: memref<80x128xi32, #tpu.memory_space<vmem>>, %arg6: memref<128x16xf32, #tpu.memory_space<vmem>>, %arg7: memref<128x16xf32, #tpu.memory_space<vmem>>, %arg8: memref<!tpu.dma_semaphore, #tpu.memory_space<semaphore_mem>>, %arg9: memref<!tpu.dma_semaphore, #tpu.memory_space<semaphore_mem>>) attributes {dimension_semantics = [#tpu.dimension_semantics<core_parallel>, #tpu.dimension_semantics<subcore_parallel>], iteration_bounds = array<i64: 2, 16>, scalar_prefetch = 0 : i64, scratch_operands = 6 : i64, tpu.core_type = #tpu.core_type<sc_vector_subcore>, window_params = [{transform_indices = #map}, {transform_indices = #map}]} {
    %mul3A = arith.constant 2 : i32
    %mul3A_0 = arith.muli %arg1, %mul3A : i32
    %add3A = arith.addi %mul3A_0, %arg0 : i32
    %scan3A = arith.constant 0 : i32
    %scan3A_1 = arith.constant 0 : i32
    %scan3A_2 = arith.constant 128 : i32
    %scan3A_3 = arith.addi %scan3A_1, %scan3A_2 : i32
    %scan3A_4 = arith.constant 1 : i32
    scf.for %scan3A_49 = %scan3A_1 to %scan3A_3 step %scan3A_4  : i32 {
      %broadcast_in_dim3A = arith.constant 1.000000e+00 : f32
      %broadcast_in_dim3A_50 = vector.broadcast %broadcast_in_dim3A : f32 to vector<16xf32>
      %swap3A = arith.index_cast %scan3A_49 : i32 to index
      %swap3A_51 = arith.constant 0 : index
      %swap3A_52 = tpu.vector_load %arg6[%swap3A, %swap3A_51] {strides = array<i32>} : memref<128x16xf32, #tpu.memory_space<vmem>>, vector<1x16xf32>,
      %swap3A_53 = vector.shape_cast %swap3A_52 : vector<1x16xf32> to vector<16xf32>
      %swap3A_54 = vector.shape_cast %broadcast_in_dim3A_50 : vector<16xf32> to vector<1x16xf32>
      tpu.vector_store %arg6[%swap3A, %swap3A_51], %swap3A_54 {strides = array<i32>} : memref<128x16xf32, #tpu.memory_space<vmem>>, vector<1x16xf32>,
      %broadcast_in_dim3A_55 = arith.constant 0.000000e+00 : f32
      %broadcast_in_dim3A_56 = vector.broadcast %broadcast_in_dim3A_55 : f32 to vector<16xf32>
      %swap3A_57 = arith.index_cast %scan3A_49 : i32 to index
      %swap3A_58 = arith.constant 0 : index
      %swap3A_59 = tpu.vector_load %arg7[%swap3A_57, %swap3A_58] {strides = array<i32>} : memref<128x16xf32, #tpu.memory_space<vmem>>, vector<1x16xf32>,
      %swap3A_60 = vector.shape_cast %swap3A_59 : vector<1x16xf32> to vector<16xf32>
      %swap3A_61 = vector.shape_cast %broadcast_in_dim3A_56 : vector<16xf32> to vector<1x16xf32>
      tpu.vector_store %arg7[%swap3A_57, %swap3A_58], %swap3A_61 {strides = array<i32>} : memref<128x16xf32, #tpu.memory_space<vmem>>, vector<1x16xf32>,
    }
    %scan3A_5 = arith.constant 128 : i32
    %mul3A_6 = arith.constant 632 : i32
    %mul3A_7 = arith.muli %arg1, %mul3A_6 : i32
    %add3A_8 = arith.constant 0 : i32
    %add3A_9 = arith.addi %mul3A_7, %add3A_8 : i32
    "tpu.region"() ({
      %run_scoped3A = tpu.sem_alloc : memref<!tpu.dma_semaphore, #tpu.memory_space<semaphore_mem>>
      %dma_start3A_49 = arith.constant 0 : i32
      %dma_start3A_50 = arith.constant 0 : i32
      %dma_start3A_51 = tpu.memref_slice %arg7[%dma_start3A_49, %dma_start3A_50] : memref<128x16xf32, #tpu.memory_space<vmem>> -> memref<128x16xf32, #tpu.memory_space<vmem>>
      %dma_start3A_52 = arith.constant 0 : i32
      %dma_start3A_53 = tpu.memref_slice %arg4[%add3A_9, %dma_start3A_52] : memref<10112x16xf32, #tpu.memory_space<vmem_shared>> -> memref<128x16xf32, #tpu.memory_space<vmem_shared>>
      %dma_start3A_54 = arith.constant 0 : i32
      %dma_start3A_55 = tpu.memref_slice %arg4[%add3A_9, %dma_start3A_54] : memref<10112x16xf32, #tpu.memory_space<vmem_shared>> -> memref<128x16xf32, #tpu.memory_space<vmem_shared>>
      %dma_start3A_56 = arith.constant 0 : i32
      %dma_start3A_57 = arith.constant 0 : i32
      %dma_start3A_58 = tpu.memref_slice %arg7[%dma_start3A_56, %dma_start3A_57] : memref<128x16xf32, #tpu.memory_space<vmem>> -> memref<128x16xf32, #tpu.memory_space<vmem>>
      tpu.enqueue_dma source(%dma_start3A_58 : memref<128x16xf32, #tpu.memory_space<vmem>>) target(%dma_start3A_55 : memref<128x16xf32, #tpu.memory_space<vmem_shared>>) target_semaphore(%run_scoped3A : memref<!tpu.dma_semaphore, #tpu.memory_space<semaphore_mem>>)
      %dma_wait3A_59 = arith.constant 0 : i32
      %dma_wait3A_60 = arith.constant 0 : i32
      %dma_wait3A_61 = tpu.memref_slice %arg7[%dma_wait3A_59, %dma_wait3A_60] : memref<128x16xf32, #tpu.memory_space<vmem>> -> memref<128x16xf32, #tpu.memory_space<vmem>>
      %dma_wait3A_62 = arith.constant 0 : i32
      %dma_wait3A_63 = tpu.memref_slice %arg4[%add3A_9, %dma_wait3A_62] : memref<10112x16xf32, #tpu.memory_space<vmem_shared>> -> memref<128x16xf32, #tpu.memory_space<vmem_shared>>
      %dma_wait3A_64 = arith.constant 0 : i32
      %dma_wait3A_65 = tpu.memref_slice %arg4[%add3A_9, %dma_wait3A_64] : memref<10112x16xf32, #tpu.memory_space<vmem_shared>> -> memref<128x16xf32, #tpu.memory_space<vmem_shared>>
      %dma_wait3A_66 = arith.constant 0 : i32
      %dma_wait3A_67 = arith.constant 0 : i32
      %dma_wait3A_68 = tpu.memref_slice %arg7[%dma_wait3A_66, %dma_wait3A_67] : memref<128x16xf32, #tpu.memory_space<vmem>> -> memref<128x16xf32, #tpu.memory_space<vmem>>
      tpu.wait_dma2 semaphore(%run_scoped3A : memref<!tpu.dma_semaphore, #tpu.memory_space<semaphore_mem>>) src(%dma_wait3A_68 : memref<128x16xf32, #tpu.memory_space<vmem>>) dst(%dma_wait3A_65 : memref<128x16xf32, #tpu.memory_space<vmem_shared>>)
      tpu.yield
    }) : () -> ()
    %mul3A_10 = arith.constant 632 : i32
    %mul3A_11 = arith.muli %arg1, %mul3A_10 : i32
    %add3A_12 = arith.constant 128 : i32
    %add3A_13 = arith.addi %mul3A_11, %add3A_12 : i32
    "tpu.region"() ({
      %run_scoped3A = tpu.sem_alloc : memref<!tpu.dma_semaphore, #tpu.memory_space<semaphore_mem>>
      %dma_start3A_49 = arith.constant 0 : i32
      %dma_start3A_50 = arith.constant 0 : i32
      %dma_start3A_51 = tpu.memref_slice %arg7[%dma_start3A_49, %dma_start3A_50] : memref<128x16xf32, #tpu.memory_space<vmem>> -> memref<128x16xf32, #tpu.memory_space<vmem>>
      %dma_start3A_52 = arith.constant 0 : i32
      %dma_start3A_53 = tpu.memref_slice %arg4[%add3A_13, %dma_start3A_52] : memref<10112x16xf32, #tpu.memory_space<vmem_shared>> -> memref<128x16xf32, #tpu.memory_space<vmem_shared>>
      %dma_start3A_54 = arith.constant 0 : i32
      %dma_start3A_55 = tpu.memref_slice %arg4[%add3A_13, %dma_start3A_54] : memref<10112x16xf32, #tpu.memory_space<vmem_shared>> -> memref<128x16xf32, #tpu.memory_space<vmem_shared>>
      %dma_start3A_56 = arith.constant 0 : i32
      %dma_start3A_57 = arith.constant 0 : i32
      %dma_start3A_58 = tpu.memref_slice %arg7[%dma_start3A_56, %dma_start3A_57] : memref<128x16xf32, #tpu.memory_space<vmem>> -> memref<128x16xf32, #tpu.memory_space<vmem>>
      tpu.enqueue_dma source(%dma_start3A_58 : memref<128x16xf32, #tpu.memory_space<vmem>>) target(%dma_start3A_55 : memref<128x16xf32, #tpu.memory_space<vmem_shared>>) target_semaphore(%run_scoped3A : memref<!tpu.dma_semaphore, #tpu.memory_space<semaphore_mem>>)
      %dma_wait3A_59 = arith.constant 0 : i32
      %dma_wait3A_60 = arith.constant 0 : i32
      %dma_wait3A_61 = tpu.memref_slice %arg7[%dma_wait3A_59, %dma_wait3A_60] : memref<128x16xf32, #tpu.memory_space<vmem>> -> memref<128x16xf32, #tpu.memory_space<vmem>>
      %dma_wait3A_62 = arith.constant 0 : i32
      %dma_wait3A_63 = tpu.memref_slice %arg4[%add3A_13, %dma_wait3A_62] : memref<10112x16xf32, #tpu.memory_space<vmem_shared>> -> memref<128x16xf32, #tpu.memory_space<vmem_shared>>
      %dma_wait3A_64 = arith.constant 0 : i32
      %dma_wait3A_65 = tpu.memref_slice %arg4[%add3A_13, %dma_wait3A_64] : memref<10112x16xf32, #tpu.memory_space<vmem_shared>> -> memref<128x16xf32, #tpu.memory_space<vmem_shared>>
      %dma_wait3A_66 = arith.constant 0 : i32
      %dma_wait3A_67 = arith.constant 0 : i32
      %dma_wait3A_68 = tpu.memref_slice %arg7[%dma_wait3A_66, %dma_wait3A_67] : memref<128x16xf32, #tpu.memory_space<vmem>> -> memref<128x16xf32, #tpu.memory_space<vmem>>
      tpu.wait_dma2 semaphore(%run_scoped3A : memref<!tpu.dma_semaphore, #tpu.memory_space<semaphore_mem>>) src(%dma_wait3A_68 : memref<128x16xf32, #tpu.memory_space<vmem>>) dst(%dma_wait3A_65 : memref<128x16xf32, #tpu.memory_space<vmem_shared>>)
      tpu.yield
    }) : () -> ()
    %mul3A_14 = arith.constant 632 : i32
    %mul3A_15 = arith.muli %arg1, %mul3A_14 : i32
    %add3A_16 = arith.constant 256 : i32
    %add3A_17 = arith.addi %mul3A_15, %add3A_16 : i32
    "tpu.region"() ({
      %run_scoped3A = tpu.sem_alloc : memref<!tpu.dma_semaphore, #tpu.memory_space<semaphore_mem>>
      %dma_start3A_49 = arith.constant 0 : i32
      %dma_start3A_50 = arith.constant 0 : i32
      %dma_start3A_51 = tpu.memref_slice %arg7[%dma_start3A_49, %dma_start3A_50] : memref<128x16xf32, #tpu.memory_space<vmem>> -> memref<128x16xf32, #tpu.memory_space<vmem>>
      %dma_start3A_52 = arith.constant 0 : i32
      %dma_start3A_53 = tpu.memref_slice %arg4[%add3A_17, %dma_start3A_52] : memref<10112x16xf32, #tpu.memory_space<vmem_shared>> -> memref<128x16xf32, #tpu.memory_space<vmem_shared>>
      %dma_start3A_54 = arith.constant 0 : i32
      %dma_start3A_55 = tpu.memref_slice %arg4[%add3A_17, %dma_start3A_54] : memref<10112x16xf32, #tpu.memory_space<vmem_shared>> -> memref<128x16xf32, #tpu.memory_space<vmem_shared>>
      %dma_start3A_56 = arith.constant 0 : i32
      %dma_start3A_57 = arith.constant 0 : i32
      %dma_start3A_58 = tpu.memref_slice %arg7[%dma_start3A_56, %dma_start3A_57] : memref<128x16xf32, #tpu.memory_space<vmem>> -> memref<128x16xf32, #tpu.memory_space<vmem>>
      tpu.enqueue_dma source(%dma_start3A_58 : memref<128x16xf32, #tpu.memory_space<vmem>>) target(%dma_start3A_55 : memref<128x16xf32, #tpu.memory_space<vmem_shared>>) target_semaphore(%run_scoped3A : memref<!tpu.dma_semaphore, #tpu.memory_space<semaphore_mem>>)
      %dma_wait3A_59 = arith.constant 0 : i32
      %dma_wait3A_60 = arith.constant 0 : i32
      %dma_wait3A_61 = tpu.memref_slice %arg7[%dma_wait3A_59, %dma_wait3A_60] : memref<128x16xf32, #tpu.memory_space<vmem>> -> memref<128x16xf32, #tpu.memory_space<vmem>>
      %dma_wait3A_62 = arith.constant 0 : i32
      %dma_wait3A_63 = tpu.memref_slice %arg4[%add3A_17, %dma_wait3A_62] : memref<10112x16xf32, #tpu.memory_space<vmem_shared>> -> memref<128x16xf32, #tpu.memory_space<vmem_shared>>
      %dma_wait3A_64 = arith.constant 0 : i32
      %dma_wait3A_65 = tpu.memref_slice %arg4[%add3A_17, %dma_wait3A_64] : memref<10112x16xf32, #tpu.memory_space<vmem_shared>> -> memref<128x16xf32, #tpu.memory_space<vmem_shared>>
      %dma_wait3A_66 = arith.constant 0 : i32
      %dma_wait3A_67 = arith.constant 0 : i32
      %dma_wait3A_68 = tpu.memref_slice %arg7[%dma_wait3A_66, %dma_wait3A_67] : memref<128x16xf32, #tpu.memory_space<vmem>> -> memref<128x16xf32, #tpu.memory_space<vmem>>
      tpu.wait_dma2 semaphore(%run_scoped3A : memref<!tpu.dma_semaphore, #tpu.memory_space<semaphore_mem>>) src(%dma_wait3A_68 : memref<128x16xf32, #tpu.memory_space<vmem>>) dst(%dma_wait3A_65 : memref<128x16xf32, #tpu.memory_space<vmem_shared>>)
      tpu.yield
    }) : () -> ()
    %mul3A_18 = arith.constant 632 : i32
    %mul3A_19 = arith.muli %arg1, %mul3A_18 : i32
    %add3A_20 = arith.constant 384 : i32
    %add3A_21 = arith.addi %mul3A_19, %add3A_20 : i32
    "tpu.region"() ({
      %run_scoped3A = tpu.sem_alloc : memref<!tpu.dma_semaphore, #tpu.memory_space<semaphore_mem>>
      %dma_start3A_49 = arith.constant 0 : i32
      %dma_start3A_50 = arith.constant 0 : i32
      %dma_start3A_51 = tpu.memref_slice %arg7[%dma_start3A_49, %dma_start3A_50] : memref<128x16xf32, #tpu.memory_space<vmem>> -> memref<128x16xf32, #tpu.memory_space<vmem>>
      %dma_start3A_52 = arith.constant 0 : i32
      %dma_start3A_53 = tpu.memref_slice %arg4[%add3A_21, %dma_start3A_52] : memref<10112x16xf32, #tpu.memory_space<vmem_shared>> -> memref<128x16xf32, #tpu.memory_space<vmem_shared>>
      %dma_start3A_54 = arith.constant 0 : i32
      %dma_start3A_55 = tpu.memref_slice %arg4[%add3A_21, %dma_start3A_54] : memref<10112x16xf32, #tpu.memory_space<vmem_shared>> -> memref<128x16xf32, #tpu.memory_space<vmem_shared>>
      %dma_start3A_56 = arith.constant 0 : i32
      %dma_start3A_57 = arith.constant 0 : i32
      %dma_start3A_58 = tpu.memref_slice %arg7[%dma_start3A_56, %dma_start3A_57] : memref<128x16xf32, #tpu.memory_space<vmem>> -> memref<128x16xf32, #tpu.memory_space<vmem>>
      tpu.enqueue_dma source(%dma_start3A_58 : memref<128x16xf32, #tpu.memory_space<vmem>>) target(%dma_start3A_55 : memref<128x16xf32, #tpu.memory_space<vmem_shared>>) target_semaphore(%run_scoped3A : memref<!tpu.dma_semaphore, #tpu.memory_space<semaphore_mem>>)
      %dma_wait3A_59 = arith.constant 0 : i32
      %dma_wait3A_60 = arith.constant 0 : i32
      %dma_wait3A_61 = tpu.memref_slice %arg7[%dma_wait3A_59, %dma_wait3A_60] : memref<128x16xf32, #tpu.memory_space<vmem>> -> memref<128x16xf32, #tpu.memory_space<vmem>>
      %dma_wait3A_62 = arith.constant 0 : i32
      %dma_wait3A_63 = tpu.memref_slice %arg4[%add3A_21, %dma_wait3A_62] : memref<10112x16xf32, #tpu.memory_space<vmem_shared>> -> memref<128x16xf32, #tpu.memory_space<vmem_shared>>
      %dma_wait3A_64 = arith.constant 0 : i32
      %dma_wait3A_65 = tpu.memref_slice %arg4[%add3A_21, %dma_wait3A_64] : memref<10112x16xf32, #tpu.memory_space<vmem_shared>> -> memref<128x16xf32, #tpu.memory_space<vmem_shared>>
      %dma_wait3A_66 = arith.constant 0 : i32
      %dma_wait3A_67 = arith.constant 0 : i32
      %dma_wait3A_68 = tpu.memref_slice %arg7[%dma_wait3A_66, %dma_wait3A_67] : memref<128x16xf32, #tpu.memory_space<vmem>> -> memref<128x16xf32, #tpu.memory_space<vmem>>
      tpu.wait_dma2 semaphore(%run_scoped3A : memref<!tpu.dma_semaphore, #tpu.memory_space<semaphore_mem>>) src(%dma_wait3A_68 : memref<128x16xf32, #tpu.memory_space<vmem>>) dst(%dma_wait3A_65 : memref<128x16xf32, #tpu.memory_space<vmem_shared>>)
      tpu.yield
    }) : () -> ()
    %mul3A_22 = arith.constant 632 : i32
    %mul3A_23 = arith.muli %arg1, %mul3A_22 : i32
    %add3A_24 = arith.constant 512 : i32
    %add3A_25 = arith.addi %mul3A_23, %add3A_24 : i32
    "tpu.region"() ({
      %run_scoped3A = tpu.sem_alloc : memref<!tpu.dma_semaphore, #tpu.memory_space<semaphore_mem>>
      %dma_start3A_49 = arith.constant 0 : i32
      %dma_start3A_50 = arith.constant 0 : i32
      %dma_start3A_51 = tpu.memref_slice %arg7[%dma_start3A_49, %dma_start3A_50] : memref<128x16xf32, #tpu.memory_space<vmem>> -> memref<120x16xf32, #tpu.memory_space<vmem>>
      %dma_start3A_52 = arith.constant 0 : i32
      %dma_start3A_53 = tpu.memref_slice %arg4[%add3A_25, %dma_start3A_52] : memref<10112x16xf32, #tpu.memory_space<vmem_shared>> -> memref<120x16xf32, #tpu.memory_space<vmem_shared>>
      %dma_start3A_54 = arith.constant 0 : i32
      %dma_start3A_55 = tpu.memref_slice %arg4[%add3A_25, %dma_start3A_54] : memref<10112x16xf32, #tpu.memory_space<vmem_shared>> -> memref<120x16xf32, #tpu.memory_space<vmem_shared>>
      %dma_start3A_56 = arith.constant 0 : i32
      %dma_start3A_57 = arith.constant 0 : i32
      %dma_start3A_58 = tpu.memref_slice %arg7[%dma_start3A_56, %dma_start3A_57] : memref<128x16xf32, #tpu.memory_space<vmem>> -> memref<120x16xf32, #tpu.memory_space<vmem>>
      tpu.enqueue_dma source(%dma_start3A_58 : memref<120x16xf32, #tpu.memory_space<vmem>>) target(%dma_start3A_55 : memref<120x16xf32, #tpu.memory_space<vmem_shared>>) target_semaphore(%run_scoped3A : memref<!tpu.dma_semaphore, #tpu.memory_space<semaphore_mem>>)
      %dma_wait3A_59 = arith.constant 0 : i32
      %dma_wait3A_60 = arith.constant 0 : i32
      %dma_wait3A_61 = tpu.memref_slice %arg7[%dma_wait3A_59, %dma_wait3A_60] : memref<128x16xf32, #tpu.memory_space<vmem>> -> memref<120x16xf32, #tpu.memory_space<vmem>>
      %dma_wait3A_62 = arith.constant 0 : i32
      %dma_wait3A_63 = tpu.memref_slice %arg4[%add3A_25, %dma_wait3A_62] : memref<10112x16xf32, #tpu.memory_space<vmem_shared>> -> memref<120x16xf32, #tpu.memory_space<vmem_shared>>
      %dma_wait3A_64 = arith.constant 0 : i32
      %dma_wait3A_65 = tpu.memref_slice %arg4[%add3A_25, %dma_wait3A_64] : memref<10112x16xf32, #tpu.memory_space<vmem_shared>> -> memref<120x16xf32, #tpu.memory_space<vmem_shared>>
      %dma_wait3A_66 = arith.constant 0 : i32
      %dma_wait3A_67 = arith.constant 0 : i32
      %dma_wait3A_68 = tpu.memref_slice %arg7[%dma_wait3A_66, %dma_wait3A_67] : memref<128x16xf32, #tpu.memory_space<vmem>> -> memref<120x16xf32, #tpu.memory_space<vmem>>
      tpu.wait_dma2 semaphore(%run_scoped3A : memref<!tpu.dma_semaphore, #tpu.memory_space<semaphore_mem>>) src(%dma_wait3A_68 : memref<120x16xf32, #tpu.memory_space<vmem>>) dst(%dma_wait3A_65 : memref<120x16xf32, #tpu.memory_space<vmem_shared>>)
      tpu.yield
    }) : () -> ()
    "tpu.region"() ({
      %run_scoped3A = tpu.sem_alloc : memref<!tpu.dma_semaphore, #tpu.memory_space<semaphore_mem>>
      %dma_start3A_49 = arith.constant 0 : i32
      %dma_start3A_50 = arith.constant 0 : i32
      %dma_start3A_51 = tpu.memref_slice %arg2[%add3A, %dma_start3A_49, %dma_start3A_50] : memref<32x80x128xi32, #tpu.memory_space<hbm>> -> memref<1x80x128xi32, #tpu.memory_space<hbm>>
      %dma_start3A_52 = tpu.memref_squeeze %dma_start3A_51 : memref<1x80x128xi32, #tpu.memory_space<hbm>> -> memref<80x128xi32, #tpu.memory_space<hbm>>
      %dma_start3A_53 = arith.constant 0 : i32
      %dma_start3A_54 = arith.constant 0 : i32
      %dma_start3A_55 = tpu.memref_slice %arg2[%add3A, %dma_start3A_53, %dma_start3A_54] : memref<32x80x128xi32, #tpu.memory_space<hbm>> -> memref<1x80x128xi32, #tpu.memory_space<hbm>>
      %dma_start3A_56 = tpu.memref_squeeze %dma_start3A_55 : memref<1x80x128xi32, #tpu.memory_space<hbm>> -> memref<80x128xi32, #tpu.memory_space<hbm>>
      tpu.enqueue_dma source(%dma_start3A_56 : memref<80x128xi32, #tpu.memory_space<hbm>>) target(%arg5 : memref<80x128xi32, #tpu.memory_space<vmem>>) target_semaphore(%run_scoped3A : memref<!tpu.dma_semaphore, #tpu.memory_space<semaphore_mem>>)
      %dma_wait3A_57 = arith.constant 0 : i32
      %dma_wait3A_58 = arith.constant 0 : i32
      %dma_wait3A_59 = tpu.memref_slice %arg2[%add3A, %dma_wait3A_57, %dma_wait3A_58] : memref<32x80x128xi32, #tpu.memory_space<hbm>> -> memref<1x80x128xi32, #tpu.memory_space<hbm>>
      %dma_wait3A_60 = tpu.memref_squeeze %dma_wait3A_59 : memref<1x80x128xi32, #tpu.memory_space<hbm>> -> memref<80x128xi32, #tpu.memory_space<hbm>>
      %dma_wait3A_61 = arith.constant 0 : i32
      %dma_wait3A_62 = arith.constant 0 : i32
      %dma_wait3A_63 = tpu.memref_slice %arg2[%add3A, %dma_wait3A_61, %dma_wait3A_62] : memref<32x80x128xi32, #tpu.memory_space<hbm>> -> memref<1x80x128xi32, #tpu.memory_space<hbm>>
      %dma_wait3A_64 = tpu.memref_squeeze %dma_wait3A_63 : memref<1x80x128xi32, #tpu.memory_space<hbm>> -> memref<80x128xi32, #tpu.memory_space<hbm>>
      tpu.wait_dma2 semaphore(%run_scoped3A : memref<!tpu.dma_semaphore, #tpu.memory_space<semaphore_mem>>) src(%dma_wait3A_64 : memref<80x128xi32, #tpu.memory_space<hbm>>) dst(%arg5 : memref<80x128xi32, #tpu.memory_space<vmem>>)
      tpu.yield
    }) : () -> ()
    %barrier3A = arith.constant 0 : index
    tpu.barrier barrier_id(%barrier3A)
    %dma_start3A = arith.constant 0 : i32
    %dma_start3A_26 = arith.constant 0 : i32
    %dma_start3A_27 = tpu.memref_slice %arg5[%dma_start3A, %dma_start3A_26] : memref<80x128xi32, #tpu.memory_space<vmem>> -> memref<1x128xi32, #tpu.memory_space<vmem>>
    %dma_start3A_28 = tpu.memref_squeeze %dma_start3A_27 : memref<1x128xi32, #tpu.memory_space<vmem>> -> memref<128xi32, #tpu.memory_space<vmem>>
    %dma_start3A_29 = arith.constant 0 : i32
    %dma_start3A_30 = arith.constant 0 : i32
    %dma_start3A_31 = tpu.memref_slice %arg4[%dma_start3A_29, %dma_start3A_30] : memref<10112x16xf32, #tpu.memory_space<vmem_shared>> -> memref<10112x16xf32, #tpu.memory_space<vmem_shared>>
    tpu.enqueue_indirect_dma source(%arg7 : memref<128x16xf32, #tpu.memory_space<vmem>>) target(%dma_start3A_31 : memref<10112x16xf32, #tpu.memory_space<vmem_shared>>) offsets(%dma_start3A_28 : memref<128xi32, #tpu.memory_space<vmem>>) semaphore(%arg9 : memref<!tpu.dma_semaphore, #tpu.memory_space<semaphore_mem>>) {add = true}
    %scan3A_32 = arith.constant 0 : i32
    %scan3A_33 = arith.constant 0 : i32
    %scan3A_34 = arith.constant 40 : i32
    %scan3A_35 = arith.addi %scan3A_33, %scan3A_34 : i32
    %scan3A_36 = arith.constant 1 : i32
    scf.for %scan3A_49 = %scan3A_33 to %scan3A_35 step %scan3A_36  : i32 {
      %mul3A_50 = arith.constant 2 : i32
      %mul3A_51 = arith.muli %scan3A_49, %mul3A_50 : i32
      %add3A_52 = arith.constant 0 : i32
      %add3A_53 = arith.addi %mul3A_51, %add3A_52 : i32
      %dma_start3A_54 = arith.constant 0 : i32
      %dma_start3A_55 = tpu.memref_slice %arg5[%add3A_53, %dma_start3A_54] : memref<80x128xi32, #tpu.memory_space<vmem>> -> memref<1x128xi32, #tpu.memory_space<vmem>>
      %dma_start3A_56 = tpu.memref_squeeze %dma_start3A_55 : memref<1x128xi32, #tpu.memory_space<vmem>> -> memref<128xi32, #tpu.memory_space<vmem>>
      %dma_start3A_57 = arith.constant 0 : i32
      %dma_start3A_58 = arith.constant 0 : i32
      %dma_start3A_59 = tpu.memref_slice %arg4[%dma_start3A_57, %dma_start3A_58] : memref<10112x16xf32, #tpu.memory_space<vmem_shared>> -> memref<10112x16xf32, #tpu.memory_space<vmem_shared>>
      tpu.enqueue_indirect_dma source(%arg6 : memref<128x16xf32, #tpu.memory_space<vmem>>) target(%dma_start3A_59 : memref<10112x16xf32, #tpu.memory_space<vmem_shared>>) offsets(%dma_start3A_56 : memref<128xi32, #tpu.memory_space<vmem>>) semaphore(%arg8 : memref<!tpu.dma_semaphore, #tpu.memory_space<semaphore_mem>>) {add = true}
      %dma_wait3A_60 = arith.constant 0 : i32
      %dma_wait3A_61 = arith.constant 0 : i32
      %dma_wait3A_62 = tpu.memref_slice %arg5[%dma_wait3A_60, %dma_wait3A_61] : memref<80x128xi32, #tpu.memory_space<vmem>> -> memref<1x128xi32, #tpu.memory_space<vmem>>
      %dma_wait3A_63 = tpu.memref_squeeze %dma_wait3A_62 : memref<1x128xi32, #tpu.memory_space<vmem>> -> memref<128xi32, #tpu.memory_space<vmem>>
      %dma_wait3A_64 = arith.constant 0 : i32
      %dma_wait3A_65 = arith.constant 0 : i32
      %dma_wait3A_66 = tpu.memref_slice %arg4[%dma_wait3A_64, %dma_wait3A_65] : memref<10112x16xf32, #tpu.memory_space<vmem_shared>> -> memref<10112x16xf32, #tpu.memory_space<vmem_shared>>
      tpu.wait_indirect_dma semaphore(%arg9 : memref<!tpu.dma_semaphore, #tpu.memory_space<semaphore_mem>>) src(%arg7 : memref<128x16xf32, #tpu.memory_space<vmem>>) dst(%dma_wait3A_66 : memref<10112x16xf32, #tpu.memory_space<vmem_shared>>)
      %mul3A_67 = arith.constant 2 : i32
      %mul3A_68 = arith.muli %scan3A_49, %mul3A_67 : i32
      %add3A_69 = arith.constant 1 : i32
      %add3A_70 = arith.addi %mul3A_68, %add3A_69 : i32
      %dma_start3A_71 = arith.constant 0 : i32
      %dma_start3A_72 = tpu.memref_slice %arg5[%add3A_70, %dma_start3A_71] : memref<80x128xi32, #tpu.memory_space<vmem>> -> memref<1x128xi32, #tpu.memory_space<vmem>>
      %dma_start3A_73 = tpu.memref_squeeze %dma_start3A_72 : memref<1x128xi32, #tpu.memory_space<vmem>> -> memref<128xi32, #tpu.memory_space<vmem>>
      %dma_start3A_74 = arith.constant 0 : i32
      %dma_start3A_75 = arith.constant 0 : i32
      %dma_start3A_76 = tpu.memref_slice %arg4[%dma_start3A_74, %dma_start3A_75] : memref<10112x16xf32, #tpu.memory_space<vmem_shared>> -> memref<10112x16xf32, #tpu.memory_space<vmem_shared>>
      tpu.enqueue_indirect_dma source(%arg6 : memref<128x16xf32, #tpu.memory_space<vmem>>) target(%dma_start3A_76 : memref<10112x16xf32, #tpu.memory_space<vmem_shared>>) offsets(%dma_start3A_73 : memref<128xi32, #tpu.memory_space<vmem>>) semaphore(%arg9 : memref<!tpu.dma_semaphore, #tpu.memory_space<semaphore_mem>>) {add = true}
      %dma_wait3A_77 = arith.constant 0 : i32
      %dma_wait3A_78 = arith.constant 0 : i32
      %dma_wait3A_79 = tpu.memref_slice %arg5[%dma_wait3A_77, %dma_wait3A_78] : memref<80x128xi32, #tpu.memory_space<vmem>> -> memref<1x128xi32, #tpu.memory_space<vmem>>
      %dma_wait3A_80 = tpu.memref_squeeze %dma_wait3A_79 : memref<1x128xi32, #tpu.memory_space<vmem>> -> memref<128xi32, #tpu.memory_space<vmem>>
      %dma_wait3A_81 = arith.constant 0 : i32
      %dma_wait3A_82 = arith.constant 0 : i32
      %dma_wait3A_83 = tpu.memref_slice %arg4[%dma_wait3A_81, %dma_wait3A_82] : memref<10112x16xf32, #tpu.memory_space<vmem_shared>> -> memref<10112x16xf32, #tpu.memory_space<vmem_shared>>
      tpu.wait_indirect_dma semaphore(%arg8 : memref<!tpu.dma_semaphore, #tpu.memory_space<semaphore_mem>>) src(%arg7 : memref<128x16xf32, #tpu.memory_space<vmem>>) dst(%dma_wait3A_83 : memref<10112x16xf32, #tpu.memory_space<vmem_shared>>)
    }
    %scan3A_37 = arith.constant 40 : i32
    %dma_wait3A = arith.constant 0 : i32
    %dma_wait3A_38 = arith.constant 0 : i32
    %dma_wait3A_39 = tpu.memref_slice %arg5[%dma_wait3A, %dma_wait3A_38] : memref<80x128xi32, #tpu.memory_space<vmem>> -> memref<1x128xi32, #tpu.memory_space<vmem>>
    %dma_wait3A_40 = tpu.memref_squeeze %dma_wait3A_39 : memref<1x128xi32, #tpu.memory_space<vmem>> -> memref<128xi32, #tpu.memory_space<vmem>>
    %dma_wait3A_41 = arith.constant 0 : i32
    %dma_wait3A_42 = arith.constant 0 : i32
    %dma_wait3A_43 = tpu.memref_slice %arg4[%dma_wait3A_41, %dma_wait3A_42] : memref<10112x16xf32, #tpu.memory_space<vmem_shared>> -> memref<10112x16xf32, #tpu.memory_space<vmem_shared>>
    tpu.wait_indirect_dma semaphore(%arg9 : memref<!tpu.dma_semaphore, #tpu.memory_space<semaphore_mem>>) src(%arg7 : memref<128x16xf32, #tpu.memory_space<vmem>>) dst(%dma_wait3A_43 : memref<10112x16xf32, #tpu.memory_space<vmem_shared>>)
    %barrier3A_44 = arith.constant 0 : index
    tpu.barrier barrier_id(%barrier3A_44)
    %mul3A_45 = arith.constant 632 : i32
    %mul3A_46 = arith.muli %arg1, %mul3A_45 : i32
    %mul3A_47 = arith.constant 632 : i32
    %mul3A_48 = arith.muli %arg1, %mul3A_47 : i32
    "tpu.region"() ({
      %run_scoped3A = tpu.sem_alloc : memref<!tpu.dma_semaphore, #tpu.memory_space<semaphore_mem>>
      %dma_start3A_49 = arith.constant 0 : i32
      %dma_start3A_50 = tpu.memref_slice %arg3[%arg0, %mul3A_48, %dma_start3A_49] : memref<2x10112x16xf32, #tpu.memory_space<hbm>> -> memref<1x632x16xf32, #tpu.memory_space<hbm>>
      %dma_start3A_51 = tpu.memref_squeeze %dma_start3A_50 : memref<1x632x16xf32, #tpu.memory_space<hbm>> -> memref<632x16xf32, #tpu.memory_space<hbm>>
      %dma_start3A_52 = arith.constant 0 : i32
      %dma_start3A_53 = tpu.memref_slice %arg4[%mul3A_46, %dma_start3A_52] : memref<10112x16xf32, #tpu.memory_space<vmem_shared>> -> memref<632x16xf32, #tpu.memory_space<vmem_shared>>
      tpu.enqueue_dma source(%dma_start3A_53 : memref<632x16xf32, #tpu.memory_space<vmem_shared>>) target(%dma_start3A_51 : memref<632x16xf32, #tpu.memory_space<hbm>>) target_semaphore(%run_scoped3A : memref<!tpu.dma_semaphore, #tpu.memory_space<semaphore_mem>>)
      %dma_wait3A_54 = arith.constant 0 : i32
      %dma_wait3A_55 = tpu.memref_slice %arg3[%arg0, %mul3A_48, %dma_wait3A_54] : memref<2x10112x16xf32, #tpu.memory_space<hbm>> -> memref<1x632x16xf32, #tpu.memory_space<hbm>>
      %dma_wait3A_56 = tpu.memref_squeeze %dma_wait3A_55 : memref<1x632x16xf32, #tpu.memory_space<hbm>> -> memref<632x16xf32, #tpu.memory_space<hbm>>
      %dma_wait3A_57 = arith.constant 0 : i32
      %dma_wait3A_58 = tpu.memref_slice %arg4[%mul3A_46, %dma_wait3A_57] : memref<10112x16xf32, #tpu.memory_space<vmem_shared>> -> memref<632x16xf32, #tpu.memory_space<vmem_shared>>
      tpu.wait_dma2 semaphore(%run_scoped3A : memref<!tpu.dma_semaphore, #tpu.memory_space<semaphore_mem>>) src(%dma_wait3A_58 : memref<632x16xf32, #tpu.memory_space<vmem_shared>>) dst(%dma_wait3A_56 : memref<632x16xf32, #tpu.memory_space<hbm>>)
      tpu.yield
    }) : () -> ()
    return
  }
}

#map = affine_map<(d0, d1) -> (0, 0)>
#map1 = affine_map<(d0, d1) -> (0, 0, 0)>
module attributes {stable_mosaic.version = 14 : i64} {
  func.func @msg_kernel(%arg0: i32, %arg1: i32, %arg2: memref<10112x64xf32, #tpu.memory_space<hbm>>, %arg3: memref<32x80x128xi32, #tpu.memory_space<hbm>>, %arg4: memref<32x80x128xi32, #tpu.memory_space<hbm>>, %arg5: memref<2x10112x64xf32, #tpu.memory_space<hbm>>, %arg6: memref<10112x64xf32, #tpu.memory_space<vmem_shared>>, %arg7: memref<10112x64xf32, #tpu.memory_space<vmem_shared>>, %arg8: memref<2x128x64xf32, #tpu.memory_space<vmem>>, %arg9: memref<4x128xi32, #tpu.memory_space<vmem>>, %arg10: memref<4x128xi32, #tpu.memory_space<vmem>>, %arg11: memref<!tpu.dma_semaphore, #tpu.memory_space<semaphore_mem>>, %arg12: memref<!tpu.dma_semaphore, #tpu.memory_space<semaphore_mem>>, %arg13: memref<!tpu.dma_semaphore, #tpu.memory_space<semaphore_mem>>, %arg14: memref<!tpu.dma_semaphore, #tpu.memory_space<semaphore_mem>>, %arg15: memref<!tpu.dma_semaphore, #tpu.memory_space<semaphore_mem>>, %arg16: memref<!tpu.dma_semaphore, #tpu.memory_space<semaphore_mem>>, %arg17: memref<!tpu.dma_semaphore, #tpu.memory_space<semaphore_mem>>, %arg18: memref<!tpu.dma_semaphore, #tpu.memory_space<semaphore_mem>>) attributes {dimension_semantics = [#tpu.dimension_semantics<core_parallel>, #tpu.dimension_semantics<subcore_parallel>], iteration_bounds = array<i64: 2, 16>, scalar_prefetch = 0 : i64, scratch_operands = 13 : i64, tpu.core_type = #tpu.core_type<sc_vector_subcore>, window_params = [{transform_indices = #map}, {transform_indices = #map1}, {transform_indices = #map1}, {transform_indices = #map1}]} {
    %mul3A = arith.constant 2 : i32
    %mul3A_0 = arith.muli %arg1, %mul3A : i32
    %add3A = arith.addi %mul3A_0, %arg0 : i32
    %scan3A = arith.constant 0 : i32
    %scan3A_1 = arith.constant 0 : i32
    %scan3A_2 = arith.constant 512 : i32
    %scan3A_3 = arith.addi %scan3A_1, %scan3A_2 : i32
    %scan3A_4 = arith.constant 1 : i32
    scf.for %scan3A_259 = %scan3A_1 to %scan3A_3 step %scan3A_4  : i32 {
      %jit3A = arith.constant 4 : i32
      %div3A = arith.divsi %scan3A_259, %jit3A : i32
      %sign3A = arith.constant 0 : i32
      %sign3A_260 = arith.cmpi sgt, %scan3A_259, %sign3A : i32
      %sign3A_261 = arith.extui %sign3A_260 : i1 to i32
      %sign3A_262 = arith.constant 0 : i32
      %sign3A_263 = arith.cmpi slt, %scan3A_259, %sign3A_262 : i32
      %sign3A_264 = arith.extui %sign3A_263 : i1 to i32
      %sign3A_265 = arith.subi %sign3A_261, %sign3A_264 : i32
      %sign3A_266 = arith.constant 0 : i32
      %sign3A_267 = arith.cmpi sgt, %jit3A, %sign3A_266 : i32
      %sign3A_268 = arith.extui %sign3A_267 : i1 to i32
      %sign3A_269 = arith.constant 0 : i32
      %sign3A_270 = arith.cmpi slt, %jit3A, %sign3A_269 : i32
      %sign3A_271 = arith.extui %sign3A_270 : i1 to i32
      %sign3A_272 = arith.subi %sign3A_268, %sign3A_271 : i32
      %ne3A = arith.cmpi ne, %sign3A_265, %sign3A_272 : i32
      %rem3A = arith.remsi %scan3A_259, %jit3A : i32
      %ne3A_273 = arith.constant 0 : i32
      %ne3A_274 = arith.cmpi ne, %rem3A, %ne3A_273 : i32
      %and3A = arith.andi %ne3A, %ne3A_274 : i1
      %sub3A = arith.constant 1 : i32
      %sub3A_275 = arith.subi %div3A, %sub3A : i32
      %select_n3A = arith.select %and3A, %sub3A_275, %div3A : i32
      %jit3A_276 = arith.constant 4 : i32
      %eq3A = arith.constant 0 : i32
      %eq3A_277 = arith.cmpi eq, %jit3A_276, %eq3A : i32
      %jit3A_278 = arith.constant 1 : i32
      %select_n3A_279 = arith.select %eq3A_277, %jit3A_278, %jit3A_276 : i32
      %rem3A_280 = arith.remsi %scan3A_259, %select_n3A_279 : i32
      %ne3A_281 = arith.constant 0 : i32
      %ne3A_282 = arith.cmpi ne, %rem3A_280, %ne3A_281 : i32
      %lt3A = arith.constant 0 : i32
      %lt3A_283 = arith.cmpi slt, %rem3A_280, %lt3A : i32
      %lt3A_284 = arith.constant 0 : i32
      %lt3A_285 = arith.cmpi slt, %select_n3A_279, %lt3A_284 : i32
      %ne3A_286 = arith.xori %lt3A_283, %lt3A_285 : i1
      %and3A_287 = arith.andi %ne3A_286, %ne3A_282 : i1
      %add3A_288 = arith.addi %rem3A_280, %select_n3A_279 : i32
      %select_n3A_289 = arith.select %and3A_287, %add3A_288, %rem3A_280 : i32
      %mul3A_290 = arith.constant 16 : i32
      %mul3A_291 = arith.muli %select_n3A_289, %mul3A_290 : i32
      %broadcast_in_dim3A = arith.constant 0.000000e+00 : f32
      %broadcast_in_dim3A_292 = vector.broadcast %broadcast_in_dim3A : f32 to vector<16xf32>
      %swap3A = arith.constant 0 : i32
      %swap3A_293 = arith.index_cast %swap3A : i32 to index
      %swap3A_294 = arith.index_cast %select_n3A : i32 to index
      %swap3A_295 = arith.index_cast %mul3A_291 : i32 to index
      %swap3A_296 = tpu.vector_load %arg8[%swap3A_293, %swap3A_294, %swap3A_295] {strides = array<i32>} : memref<2x128x64xf32, #tpu.memory_space<vmem>>, vector<1x1x16xf32>,
      %swap3A_297 = vector.shape_cast %swap3A_296 : vector<1x1x16xf32> to vector<16xf32>
      %swap3A_298 = vector.shape_cast %broadcast_in_dim3A_292 : vector<16xf32> to vector<1x1x16xf32>
      tpu.vector_store %arg8[%swap3A_293, %swap3A_294, %swap3A_295], %swap3A_298 {strides = array<i32>} : memref<2x128x64xf32, #tpu.memory_space<vmem>>, vector<1x1x16xf32>,
      %broadcast_in_dim3A_299 = arith.constant 0.000000e+00 : f32
      %broadcast_in_dim3A_300 = vector.broadcast %broadcast_in_dim3A_299 : f32 to vector<16xf32>
      %swap3A_301 = arith.constant 1 : i32
      %swap3A_302 = arith.index_cast %swap3A_301 : i32 to index
      %swap3A_303 = arith.index_cast %select_n3A : i32 to index
      %swap3A_304 = arith.index_cast %mul3A_291 : i32 to index
      %swap3A_305 = tpu.vector_load %arg8[%swap3A_302, %swap3A_303, %swap3A_304] {strides = array<i32>} : memref<2x128x64xf32, #tpu.memory_space<vmem>>, vector<1x1x16xf32>,
      %swap3A_306 = vector.shape_cast %swap3A_305 : vector<1x1x16xf32> to vector<16xf32>
      %swap3A_307 = vector.shape_cast %broadcast_in_dim3A_300 : vector<16xf32> to vector<1x1x16xf32>
      tpu.vector_store %arg8[%swap3A_302, %swap3A_303, %swap3A_304], %swap3A_307 {strides = array<i32>} : memref<2x128x64xf32, #tpu.memory_space<vmem>>, vector<1x1x16xf32>,
    }
    %scan3A_5 = arith.constant 512 : i32
    %mul3A_6 = arith.constant 632 : i32
    %mul3A_7 = arith.muli %arg1, %mul3A_6 : i32
    %add3A_8 = arith.constant 0 : i32
    %add3A_9 = arith.addi %mul3A_7, %add3A_8 : i32
    %run_scoped3A = arith.constant 0 : i32
    "tpu.region"() ({
      %run_scoped3A_259 = tpu.sem_alloc : memref<!tpu.dma_semaphore, #tpu.memory_space<semaphore_mem>>
      %dma_start3A_260 = arith.constant 0 : i32
      %dma_start3A_261 = arith.constant 0 : i32
      %dma_start3A_262 = tpu.memref_slice %arg8[%run_scoped3A, %dma_start3A_260, %dma_start3A_261] : memref<2x128x64xf32, #tpu.memory_space<vmem>> -> memref<1x128x64xf32, #tpu.memory_space<vmem>>
      %dma_start3A_263 = tpu.memref_squeeze %dma_start3A_262 : memref<1x128x64xf32, #tpu.memory_space<vmem>> -> memref<128x64xf32, #tpu.memory_space<vmem>>
      %dma_start3A_264 = arith.constant 0 : i32
      %dma_start3A_265 = tpu.memref_slice %arg6[%add3A_9, %dma_start3A_264] : memref<10112x64xf32, #tpu.memory_space<vmem_shared>> -> memref<128x64xf32, #tpu.memory_space<vmem_shared>>
      %dma_start3A_266 = arith.constant 0 : i32
      %dma_start3A_267 = tpu.memref_slice %arg6[%add3A_9, %dma_start3A_266] : memref<10112x64xf32, #tpu.memory_space<vmem_shared>> -> memref<128x64xf32, #tpu.memory_space<vmem_shared>>
      %dma_start3A_268 = arith.constant 0 : i32
      %dma_start3A_269 = arith.constant 0 : i32
      %dma_start3A_270 = tpu.memref_slice %arg8[%run_scoped3A, %dma_start3A_268, %dma_start3A_269] : memref<2x128x64xf32, #tpu.memory_space<vmem>> -> memref<1x128x64xf32, #tpu.memory_space<vmem>>
      %dma_start3A_271 = tpu.memref_squeeze %dma_start3A_270 : memref<1x128x64xf32, #tpu.memory_space<vmem>> -> memref<128x64xf32, #tpu.memory_space<vmem>>
      tpu.enqueue_dma source(%dma_start3A_271 : memref<128x64xf32, #tpu.memory_space<vmem>>) target(%dma_start3A_267 : memref<128x64xf32, #tpu.memory_space<vmem_shared>>) target_semaphore(%run_scoped3A_259 : memref<!tpu.dma_semaphore, #tpu.memory_space<semaphore_mem>>)
      %dma_wait3A_272 = arith.constant 0 : i32
      %dma_wait3A_273 = arith.constant 0 : i32
      %dma_wait3A_274 = tpu.memref_slice %arg8[%run_scoped3A, %dma_wait3A_272, %dma_wait3A_273] : memref<2x128x64xf32, #tpu.memory_space<vmem>> -> memref<1x128x64xf32, #tpu.memory_space<vmem>>
      %dma_wait3A_275 = tpu.memref_squeeze %dma_wait3A_274 : memref<1x128x64xf32, #tpu.memory_space<vmem>> -> memref<128x64xf32, #tpu.memory_space<vmem>>
      %dma_wait3A_276 = arith.constant 0 : i32
      %dma_wait3A_277 = tpu.memref_slice %arg6[%add3A_9, %dma_wait3A_276] : memref<10112x64xf32, #tpu.memory_space<vmem_shared>> -> memref<128x64xf32, #tpu.memory_space<vmem_shared>>
      %dma_wait3A_278 = arith.constant 0 : i32
      %dma_wait3A_279 = tpu.memref_slice %arg6[%add3A_9, %dma_wait3A_278] : memref<10112x64xf32, #tpu.memory_space<vmem_shared>> -> memref<128x64xf32, #tpu.memory_space<vmem_shared>>
      %dma_wait3A_280 = arith.constant 0 : i32
      %dma_wait3A_281 = arith.constant 0 : i32
      %dma_wait3A_282 = tpu.memref_slice %arg8[%run_scoped3A, %dma_wait3A_280, %dma_wait3A_281] : memref<2x128x64xf32, #tpu.memory_space<vmem>> -> memref<1x128x64xf32, #tpu.memory_space<vmem>>
      %dma_wait3A_283 = tpu.memref_squeeze %dma_wait3A_282 : memref<1x128x64xf32, #tpu.memory_space<vmem>> -> memref<128x64xf32, #tpu.memory_space<vmem>>
      tpu.wait_dma2 semaphore(%run_scoped3A_259 : memref<!tpu.dma_semaphore, #tpu.memory_space<semaphore_mem>>) src(%dma_wait3A_283 : memref<128x64xf32, #tpu.memory_space<vmem>>) dst(%dma_wait3A_279 : memref<128x64xf32, #tpu.memory_space<vmem_shared>>)
      tpu.yield
    }) : () -> ()
    %mul3A_10 = arith.constant 632 : i32
    %mul3A_11 = arith.muli %arg1, %mul3A_10 : i32
    %add3A_12 = arith.constant 128 : i32
    %add3A_13 = arith.addi %mul3A_11, %add3A_12 : i32
    %run_scoped3A_14 = arith.constant 0 : i32
    "tpu.region"() ({
      %run_scoped3A_259 = tpu.sem_alloc : memref<!tpu.dma_semaphore, #tpu.memory_space<semaphore_mem>>
      %dma_start3A_260 = arith.constant 0 : i32
      %dma_start3A_261 = arith.constant 0 : i32
      %dma_start3A_262 = tpu.memref_slice %arg8[%run_scoped3A_14, %dma_start3A_260, %dma_start3A_261] : memref<2x128x64xf32, #tpu.memory_space<vmem>> -> memref<1x128x64xf32, #tpu.memory_space<vmem>>
      %dma_start3A_263 = tpu.memref_squeeze %dma_start3A_262 : memref<1x128x64xf32, #tpu.memory_space<vmem>> -> memref<128x64xf32, #tpu.memory_space<vmem>>
      %dma_start3A_264 = arith.constant 0 : i32
      %dma_start3A_265 = tpu.memref_slice %arg6[%add3A_13, %dma_start3A_264] : memref<10112x64xf32, #tpu.memory_space<vmem_shared>> -> memref<128x64xf32, #tpu.memory_space<vmem_shared>>
      %dma_start3A_266 = arith.constant 0 : i32
      %dma_start3A_267 = tpu.memref_slice %arg6[%add3A_13, %dma_start3A_266] : memref<10112x64xf32, #tpu.memory_space<vmem_shared>> -> memref<128x64xf32, #tpu.memory_space<vmem_shared>>
      %dma_start3A_268 = arith.constant 0 : i32
      %dma_start3A_269 = arith.constant 0 : i32
      %dma_start3A_270 = tpu.memref_slice %arg8[%run_scoped3A_14, %dma_start3A_268, %dma_start3A_269] : memref<2x128x64xf32, #tpu.memory_space<vmem>> -> memref<1x128x64xf32, #tpu.memory_space<vmem>>
      %dma_start3A_271 = tpu.memref_squeeze %dma_start3A_270 : memref<1x128x64xf32, #tpu.memory_space<vmem>> -> memref<128x64xf32, #tpu.memory_space<vmem>>
      tpu.enqueue_dma source(%dma_start3A_271 : memref<128x64xf32, #tpu.memory_space<vmem>>) target(%dma_start3A_267 : memref<128x64xf32, #tpu.memory_space<vmem_shared>>) target_semaphore(%run_scoped3A_259 : memref<!tpu.dma_semaphore, #tpu.memory_space<semaphore_mem>>)
      %dma_wait3A_272 = arith.constant 0 : i32
      %dma_wait3A_273 = arith.constant 0 : i32
      %dma_wait3A_274 = tpu.memref_slice %arg8[%run_scoped3A_14, %dma_wait3A_272, %dma_wait3A_273] : memref<2x128x64xf32, #tpu.memory_space<vmem>> -> memref<1x128x64xf32, #tpu.memory_space<vmem>>
      %dma_wait3A_275 = tpu.memref_squeeze %dma_wait3A_274 : memref<1x128x64xf32, #tpu.memory_space<vmem>> -> memref<128x64xf32, #tpu.memory_space<vmem>>
      %dma_wait3A_276 = arith.constant 0 : i32
      %dma_wait3A_277 = tpu.memref_slice %arg6[%add3A_13, %dma_wait3A_276] : memref<10112x64xf32, #tpu.memory_space<vmem_shared>> -> memref<128x64xf32, #tpu.memory_space<vmem_shared>>
      %dma_wait3A_278 = arith.constant 0 : i32
      %dma_wait3A_279 = tpu.memref_slice %arg6[%add3A_13, %dma_wait3A_278] : memref<10112x64xf32, #tpu.memory_space<vmem_shared>> -> memref<128x64xf32, #tpu.memory_space<vmem_shared>>
      %dma_wait3A_280 = arith.constant 0 : i32
      %dma_wait3A_281 = arith.constant 0 : i32
      %dma_wait3A_282 = tpu.memref_slice %arg8[%run_scoped3A_14, %dma_wait3A_280, %dma_wait3A_281] : memref<2x128x64xf32, #tpu.memory_space<vmem>> -> memref<1x128x64xf32, #tpu.memory_space<vmem>>
      %dma_wait3A_283 = tpu.memref_squeeze %dma_wait3A_282 : memref<1x128x64xf32, #tpu.memory_space<vmem>> -> memref<128x64xf32, #tpu.memory_space<vmem>>
      tpu.wait_dma2 semaphore(%run_scoped3A_259 : memref<!tpu.dma_semaphore, #tpu.memory_space<semaphore_mem>>) src(%dma_wait3A_283 : memref<128x64xf32, #tpu.memory_space<vmem>>) dst(%dma_wait3A_279 : memref<128x64xf32, #tpu.memory_space<vmem_shared>>)
      tpu.yield
    }) : () -> ()
    %mul3A_15 = arith.constant 632 : i32
    %mul3A_16 = arith.muli %arg1, %mul3A_15 : i32
    %add3A_17 = arith.constant 256 : i32
    %add3A_18 = arith.addi %mul3A_16, %add3A_17 : i32
    %run_scoped3A_19 = arith.constant 0 : i32
    "tpu.region"() ({
      %run_scoped3A_259 = tpu.sem_alloc : memref<!tpu.dma_semaphore, #tpu.memory_space<semaphore_mem>>
      %dma_start3A_260 = arith.constant 0 : i32
      %dma_start3A_261 = arith.constant 0 : i32
      %dma_start3A_262 = tpu.memref_slice %arg8[%run_scoped3A_19, %dma_start3A_260, %dma_start3A_261] : memref<2x128x64xf32, #tpu.memory_space<vmem>> -> memref<1x128x64xf32, #tpu.memory_space<vmem>>
      %dma_start3A_263 = tpu.memref_squeeze %dma_start3A_262 : memref<1x128x64xf32, #tpu.memory_space<vmem>> -> memref<128x64xf32, #tpu.memory_space<vmem>>
      %dma_start3A_264 = arith.constant 0 : i32
      %dma_start3A_265 = tpu.memref_slice %arg6[%add3A_18, %dma_start3A_264] : memref<10112x64xf32, #tpu.memory_space<vmem_shared>> -> memref<128x64xf32, #tpu.memory_space<vmem_shared>>
      %dma_start3A_266 = arith.constant 0 : i32
      %dma_start3A_267 = tpu.memref_slice %arg6[%add3A_18, %dma_start3A_266] : memref<10112x64xf32, #tpu.memory_space<vmem_shared>> -> memref<128x64xf32, #tpu.memory_space<vmem_shared>>
      %dma_start3A_268 = arith.constant 0 : i32
      %dma_start3A_269 = arith.constant 0 : i32
      %dma_start3A_270 = tpu.memref_slice %arg8[%run_scoped3A_19, %dma_start3A_268, %dma_start3A_269] : memref<2x128x64xf32, #tpu.memory_space<vmem>> -> memref<1x128x64xf32, #tpu.memory_space<vmem>>
      %dma_start3A_271 = tpu.memref_squeeze %dma_start3A_270 : memref<1x128x64xf32, #tpu.memory_space<vmem>> -> memref<128x64xf32, #tpu.memory_space<vmem>>
      tpu.enqueue_dma source(%dma_start3A_271 : memref<128x64xf32, #tpu.memory_space<vmem>>) target(%dma_start3A_267 : memref<128x64xf32, #tpu.memory_space<vmem_shared>>) target_semaphore(%run_scoped3A_259 : memref<!tpu.dma_semaphore, #tpu.memory_space<semaphore_mem>>)
      %dma_wait3A_272 = arith.constant 0 : i32
      %dma_wait3A_273 = arith.constant 0 : i32
      %dma_wait3A_274 = tpu.memref_slice %arg8[%run_scoped3A_19, %dma_wait3A_272, %dma_wait3A_273] : memref<2x128x64xf32, #tpu.memory_space<vmem>> -> memref<1x128x64xf32, #tpu.memory_space<vmem>>
      %dma_wait3A_275 = tpu.memref_squeeze %dma_wait3A_274 : memref<1x128x64xf32, #tpu.memory_space<vmem>> -> memref<128x64xf32, #tpu.memory_space<vmem>>
      %dma_wait3A_276 = arith.constant 0 : i32
      %dma_wait3A_277 = tpu.memref_slice %arg6[%add3A_18, %dma_wait3A_276] : memref<10112x64xf32, #tpu.memory_space<vmem_shared>> -> memref<128x64xf32, #tpu.memory_space<vmem_shared>>
      %dma_wait3A_278 = arith.constant 0 : i32
      %dma_wait3A_279 = tpu.memref_slice %arg6[%add3A_18, %dma_wait3A_278] : memref<10112x64xf32, #tpu.memory_space<vmem_shared>> -> memref<128x64xf32, #tpu.memory_space<vmem_shared>>
      %dma_wait3A_280 = arith.constant 0 : i32
      %dma_wait3A_281 = arith.constant 0 : i32
      %dma_wait3A_282 = tpu.memref_slice %arg8[%run_scoped3A_19, %dma_wait3A_280, %dma_wait3A_281] : memref<2x128x64xf32, #tpu.memory_space<vmem>> -> memref<1x128x64xf32, #tpu.memory_space<vmem>>
      %dma_wait3A_283 = tpu.memref_squeeze %dma_wait3A_282 : memref<1x128x64xf32, #tpu.memory_space<vmem>> -> memref<128x64xf32, #tpu.memory_space<vmem>>
      tpu.wait_dma2 semaphore(%run_scoped3A_259 : memref<!tpu.dma_semaphore, #tpu.memory_space<semaphore_mem>>) src(%dma_wait3A_283 : memref<128x64xf32, #tpu.memory_space<vmem>>) dst(%dma_wait3A_279 : memref<128x64xf32, #tpu.memory_space<vmem_shared>>)
      tpu.yield
    }) : () -> ()
    %mul3A_20 = arith.constant 632 : i32
    %mul3A_21 = arith.muli %arg1, %mul3A_20 : i32
    %add3A_22 = arith.constant 384 : i32
    %add3A_23 = arith.addi %mul3A_21, %add3A_22 : i32
    %run_scoped3A_24 = arith.constant 0 : i32
    "tpu.region"() ({
      %run_scoped3A_259 = tpu.sem_alloc : memref<!tpu.dma_semaphore, #tpu.memory_space<semaphore_mem>>
      %dma_start3A_260 = arith.constant 0 : i32
      %dma_start3A_261 = arith.constant 0 : i32
      %dma_start3A_262 = tpu.memref_slice %arg8[%run_scoped3A_24, %dma_start3A_260, %dma_start3A_261] : memref<2x128x64xf32, #tpu.memory_space<vmem>> -> memref<1x128x64xf32, #tpu.memory_space<vmem>>
      %dma_start3A_263 = tpu.memref_squeeze %dma_start3A_262 : memref<1x128x64xf32, #tpu.memory_space<vmem>> -> memref<128x64xf32, #tpu.memory_space<vmem>>
      %dma_start3A_264 = arith.constant 0 : i32
      %dma_start3A_265 = tpu.memref_slice %arg6[%add3A_23, %dma_start3A_264] : memref<10112x64xf32, #tpu.memory_space<vmem_shared>> -> memref<128x64xf32, #tpu.memory_space<vmem_shared>>
      %dma_start3A_266 = arith.constant 0 : i32
      %dma_start3A_267 = tpu.memref_slice %arg6[%add3A_23, %dma_start3A_266] : memref<10112x64xf32, #tpu.memory_space<vmem_shared>> -> memref<128x64xf32, #tpu.memory_space<vmem_shared>>
      %dma_start3A_268 = arith.constant 0 : i32
      %dma_start3A_269 = arith.constant 0 : i32
      %dma_start3A_270 = tpu.memref_slice %arg8[%run_scoped3A_24, %dma_start3A_268, %dma_start3A_269] : memref<2x128x64xf32, #tpu.memory_space<vmem>> -> memref<1x128x64xf32, #tpu.memory_space<vmem>>
      %dma_start3A_271 = tpu.memref_squeeze %dma_start3A_270 : memref<1x128x64xf32, #tpu.memory_space<vmem>> -> memref<128x64xf32, #tpu.memory_space<vmem>>
      tpu.enqueue_dma source(%dma_start3A_271 : memref<128x64xf32, #tpu.memory_space<vmem>>) target(%dma_start3A_267 : memref<128x64xf32, #tpu.memory_space<vmem_shared>>) target_semaphore(%run_scoped3A_259 : memref<!tpu.dma_semaphore, #tpu.memory_space<semaphore_mem>>)
      %dma_wait3A_272 = arith.constant 0 : i32
      %dma_wait3A_273 = arith.constant 0 : i32
      %dma_wait3A_274 = tpu.memref_slice %arg8[%run_scoped3A_24, %dma_wait3A_272, %dma_wait3A_273] : memref<2x128x64xf32, #tpu.memory_space<vmem>> -> memref<1x128x64xf32, #tpu.memory_space<vmem>>
      %dma_wait3A_275 = tpu.memref_squeeze %dma_wait3A_274 : memref<1x128x64xf32, #tpu.memory_space<vmem>> -> memref<128x64xf32, #tpu.memory_space<vmem>>
      %dma_wait3A_276 = arith.constant 0 : i32
      %dma_wait3A_277 = tpu.memref_slice %arg6[%add3A_23, %dma_wait3A_276] : memref<10112x64xf32, #tpu.memory_space<vmem_shared>> -> memref<128x64xf32, #tpu.memory_space<vmem_shared>>
      %dma_wait3A_278 = arith.constant 0 : i32
      %dma_wait3A_279 = tpu.memref_slice %arg6[%add3A_23, %dma_wait3A_278] : memref<10112x64xf32, #tpu.memory_space<vmem_shared>> -> memref<128x64xf32, #tpu.memory_space<vmem_shared>>
      %dma_wait3A_280 = arith.constant 0 : i32
      %dma_wait3A_281 = arith.constant 0 : i32
      %dma_wait3A_282 = tpu.memref_slice %arg8[%run_scoped3A_24, %dma_wait3A_280, %dma_wait3A_281] : memref<2x128x64xf32, #tpu.memory_space<vmem>> -> memref<1x128x64xf32, #tpu.memory_space<vmem>>
      %dma_wait3A_283 = tpu.memref_squeeze %dma_wait3A_282 : memref<1x128x64xf32, #tpu.memory_space<vmem>> -> memref<128x64xf32, #tpu.memory_space<vmem>>
      tpu.wait_dma2 semaphore(%run_scoped3A_259 : memref<!tpu.dma_semaphore, #tpu.memory_space<semaphore_mem>>) src(%dma_wait3A_283 : memref<128x64xf32, #tpu.memory_space<vmem>>) dst(%dma_wait3A_279 : memref<128x64xf32, #tpu.memory_space<vmem_shared>>)
      tpu.yield
    }) : () -> ()
    %mul3A_25 = arith.constant 632 : i32
    %mul3A_26 = arith.muli %arg1, %mul3A_25 : i32
    %add3A_27 = arith.constant 512 : i32
    %add3A_28 = arith.addi %mul3A_26, %add3A_27 : i32
    %run_scoped3A_29 = arith.constant 0 : i32
    "tpu.region"() ({
      %run_scoped3A_259 = tpu.sem_alloc : memref<!tpu.dma_semaphore, #tpu.memory_space<semaphore_mem>>
      %dma_start3A_260 = arith.constant 0 : i32
      %dma_start3A_261 = arith.constant 0 : i32
      %dma_start3A_262 = tpu.memref_slice %arg8[%run_scoped3A_29, %dma_start3A_260, %dma_start3A_261] : memref<2x128x64xf32, #tpu.memory_space<vmem>> -> memref<1x120x64xf32, #tpu.memory_space<vmem>>
      %dma_start3A_263 = tpu.memref_squeeze %dma_start3A_262 : memref<1x120x64xf32, #tpu.memory_space<vmem>> -> memref<120x64xf32, #tpu.memory_space<vmem>>
      %dma_start3A_264 = arith.constant 0 : i32
      %dma_start3A_265 = tpu.memref_slice %arg6[%add3A_28, %dma_start3A_264] : memref<10112x64xf32, #tpu.memory_space<vmem_shared>> -> memref<120x64xf32, #tpu.memory_space<vmem_shared>>
      %dma_start3A_266 = arith.constant 0 : i32
      %dma_start3A_267 = tpu.memref_slice %arg6[%add3A_28, %dma_start3A_266] : memref<10112x64xf32, #tpu.memory_space<vmem_shared>> -> memref<120x64xf32, #tpu.memory_space<vmem_shared>>
      %dma_start3A_268 = arith.constant 0 : i32
      %dma_start3A_269 = arith.constant 0 : i32
      %dma_start3A_270 = tpu.memref_slice %arg8[%run_scoped3A_29, %dma_start3A_268, %dma_start3A_269] : memref<2x128x64xf32, #tpu.memory_space<vmem>> -> memref<1x120x64xf32, #tpu.memory_space<vmem>>
      %dma_start3A_271 = tpu.memref_squeeze %dma_start3A_270 : memref<1x120x64xf32, #tpu.memory_space<vmem>> -> memref<120x64xf32, #tpu.memory_space<vmem>>
      tpu.enqueue_dma source(%dma_start3A_271 : memref<120x64xf32, #tpu.memory_space<vmem>>) target(%dma_start3A_267 : memref<120x64xf32, #tpu.memory_space<vmem_shared>>) target_semaphore(%run_scoped3A_259 : memref<!tpu.dma_semaphore, #tpu.memory_space<semaphore_mem>>)
      %dma_wait3A_272 = arith.constant 0 : i32
      %dma_wait3A_273 = arith.constant 0 : i32
      %dma_wait3A_274 = tpu.memref_slice %arg8[%run_scoped3A_29, %dma_wait3A_272, %dma_wait3A_273] : memref<2x128x64xf32, #tpu.memory_space<vmem>> -> memref<1x120x64xf32, #tpu.memory_space<vmem>>
      %dma_wait3A_275 = tpu.memref_squeeze %dma_wait3A_274 : memref<1x120x64xf32, #tpu.memory_space<vmem>> -> memref<120x64xf32, #tpu.memory_space<vmem>>
      %dma_wait3A_276 = arith.constant 0 : i32
      %dma_wait3A_277 = tpu.memref_slice %arg6[%add3A_28, %dma_wait3A_276] : memref<10112x64xf32, #tpu.memory_space<vmem_shared>> -> memref<120x64xf32, #tpu.memory_space<vmem_shared>>
      %dma_wait3A_278 = arith.constant 0 : i32
      %dma_wait3A_279 = tpu.memref_slice %arg6[%add3A_28, %dma_wait3A_278] : memref<10112x64xf32, #tpu.memory_space<vmem_shared>> -> memref<120x64xf32, #tpu.memory_space<vmem_shared>>
      %dma_wait3A_280 = arith.constant 0 : i32
      %dma_wait3A_281 = arith.constant 0 : i32
      %dma_wait3A_282 = tpu.memref_slice %arg8[%run_scoped3A_29, %dma_wait3A_280, %dma_wait3A_281] : memref<2x128x64xf32, #tpu.memory_space<vmem>> -> memref<1x120x64xf32, #tpu.memory_space<vmem>>
      %dma_wait3A_283 = tpu.memref_squeeze %dma_wait3A_282 : memref<1x120x64xf32, #tpu.memory_space<vmem>> -> memref<120x64xf32, #tpu.memory_space<vmem>>
      tpu.wait_dma2 semaphore(%run_scoped3A_259 : memref<!tpu.dma_semaphore, #tpu.memory_space<semaphore_mem>>) src(%dma_wait3A_283 : memref<120x64xf32, #tpu.memory_space<vmem>>) dst(%dma_wait3A_279 : memref<120x64xf32, #tpu.memory_space<vmem_shared>>)
      tpu.yield
    }) : () -> ()
    %mul3A_30 = arith.constant 632 : i32
    %mul3A_31 = arith.muli %arg1, %mul3A_30 : i32
    %mul3A_32 = arith.constant 632 : i32
    %mul3A_33 = arith.muli %arg1, %mul3A_32 : i32
    "tpu.region"() ({
      %run_scoped3A_259 = tpu.sem_alloc : memref<!tpu.dma_semaphore, #tpu.memory_space<semaphore_mem>>
      %dma_start3A_260 = arith.constant 0 : i32
      %dma_start3A_261 = tpu.memref_slice %arg7[%mul3A_33, %dma_start3A_260] : memref<10112x64xf32, #tpu.memory_space<vmem_shared>> -> memref<632x64xf32, #tpu.memory_space<vmem_shared>>
      %dma_start3A_262 = arith.constant 0 : i32
      %dma_start3A_263 = tpu.memref_slice %arg2[%mul3A_31, %dma_start3A_262] : memref<10112x64xf32, #tpu.memory_space<hbm>> -> memref<632x64xf32, #tpu.memory_space<hbm>>
      tpu.enqueue_dma source(%dma_start3A_263 : memref<632x64xf32, #tpu.memory_space<hbm>>) target(%dma_start3A_261 : memref<632x64xf32, #tpu.memory_space<vmem_shared>>) target_semaphore(%run_scoped3A_259 : memref<!tpu.dma_semaphore, #tpu.memory_space<semaphore_mem>>)
      %dma_wait3A_264 = arith.constant 0 : i32
      %dma_wait3A_265 = tpu.memref_slice %arg7[%mul3A_33, %dma_wait3A_264] : memref<10112x64xf32, #tpu.memory_space<vmem_shared>> -> memref<632x64xf32, #tpu.memory_space<vmem_shared>>
      %dma_wait3A_266 = arith.constant 0 : i32
      %dma_wait3A_267 = tpu.memref_slice %arg2[%mul3A_31, %dma_wait3A_266] : memref<10112x64xf32, #tpu.memory_space<hbm>> -> memref<632x64xf32, #tpu.memory_space<hbm>>
      tpu.wait_dma2 semaphore(%run_scoped3A_259 : memref<!tpu.dma_semaphore, #tpu.memory_space<semaphore_mem>>) src(%dma_wait3A_267 : memref<632x64xf32, #tpu.memory_space<hbm>>) dst(%dma_wait3A_265 : memref<632x64xf32, #tpu.memory_space<vmem_shared>>)
      tpu.yield
    }) : () -> ()
    %barrier3A = arith.constant 0 : index
    tpu.barrier barrier_id(%barrier3A)
    %dma_start3A = arith.constant 0 : i32
    %dma_start3A_34 = arith.constant 0 : i32
    %dma_start3A_35 = arith.constant 0 : i32
    %dma_start3A_36 = tpu.memref_slice %arg9[%dma_start3A_34, %dma_start3A_35] : memref<4x128xi32, #tpu.memory_space<vmem>> -> memref<1x128xi32, #tpu.memory_space<vmem>>
    %dma_start3A_37 = tpu.memref_squeeze %dma_start3A_36 : memref<1x128xi32, #tpu.memory_space<vmem>> -> memref<128xi32, #tpu.memory_space<vmem>>
    %dma_start3A_38 = arith.constant 0 : i32
    %dma_start3A_39 = tpu.memref_slice %arg3[%add3A, %dma_start3A, %dma_start3A_38] : memref<32x80x128xi32, #tpu.memory_space<hbm>> -> memref<1x1x128xi32, #tpu.memory_space<hbm>>
    %dma_start3A_40 = tpu.memref_squeeze %dma_start3A_39 : memref<1x1x128xi32, #tpu.memory_space<hbm>> -> memref<128xi32, #tpu.memory_space<hbm>>
    %dma_start3A_41 = arith.constant 0 : i32
    %dma_start3A_42 = tpu.memref_slice %arg9[%dma_start3A_34, %dma_start3A_41] : memref<4x128xi32, #tpu.memory_space<vmem>> -> memref<1x128xi32, #tpu.memory_space<vmem>>
    %dma_start3A_43 = tpu.memref_squeeze %dma_start3A_42 : memref<1x128xi32, #tpu.memory_space<vmem>> -> memref<128xi32, #tpu.memory_space<vmem>>
    %dma_start3A_44 = arith.constant 0 : i32
    %dma_start3A_45 = tpu.memref_slice %arg3[%add3A, %dma_start3A, %dma_start3A_44] : memref<32x80x128xi32, #tpu.memory_space<hbm>> -> memref<1x1x128xi32, #tpu.memory_space<hbm>>
    %dma_start3A_46 = tpu.memref_squeeze %dma_start3A_45 : memref<1x1x128xi32, #tpu.memory_space<hbm>> -> memref<128xi32, #tpu.memory_space<hbm>>
    tpu.enqueue_dma source(%dma_start3A_46 : memref<128xi32, #tpu.memory_space<hbm>>) target(%dma_start3A_43 : memref<128xi32, #tpu.memory_space<vmem>>) target_semaphore(%arg15 : memref<!tpu.dma_semaphore, #tpu.memory_space<semaphore_mem>>)
    %dma_start3A_47 = arith.constant 0 : i32
    %dma_start3A_48 = arith.constant 0 : i32
    %dma_start3A_49 = arith.constant 0 : i32
    %dma_start3A_50 = tpu.memref_slice %arg10[%dma_start3A_48, %dma_start3A_49] : memref<4x128xi32, #tpu.memory_space<vmem>> -> memref<1x128xi32, #tpu.memory_space<vmem>>
    %dma_start3A_51 = tpu.memref_squeeze %dma_start3A_50 : memref<1x128xi32, #tpu.memory_space<vmem>> -> memref<128xi32, #tpu.memory_space<vmem>>
    %dma_start3A_52 = arith.constant 0 : i32
    %dma_start3A_53 = tpu.memref_slice %arg4[%add3A, %dma_start3A_47, %dma_start3A_52] : memref<32x80x128xi32, #tpu.memory_space<hbm>> -> memref<1x1x128xi32, #tpu.memory_space<hbm>>
    %dma_start3A_54 = tpu.memref_squeeze %dma_start3A_53 : memref<1x1x128xi32, #tpu.memory_space<hbm>> -> memref<128xi32, #tpu.memory_space<hbm>>
    %dma_start3A_55 = arith.constant 0 : i32
    %dma_start3A_56 = tpu.memref_slice %arg10[%dma_start3A_48, %dma_start3A_55] : memref<4x128xi32, #tpu.memory_space<vmem>> -> memref<1x128xi32, #tpu.memory_space<vmem>>
    %dma_start3A_57 = tpu.memref_squeeze %dma_start3A_56 : memref<1x128xi32, #tpu.memory_space<vmem>> -> memref<128xi32, #tpu.memory_space<vmem>>
    %dma_start3A_58 = arith.constant 0 : i32
    %dma_start3A_59 = tpu.memref_slice %arg4[%add3A, %dma_start3A_47, %dma_start3A_58] : memref<32x80x128xi32, #tpu.memory_space<hbm>> -> memref<1x1x128xi32, #tpu.memory_space<hbm>>
    %dma_start3A_60 = tpu.memref_squeeze %dma_start3A_59 : memref<1x1x128xi32, #tpu.memory_space<hbm>> -> memref<128xi32, #tpu.memory_space<hbm>>
    tpu.enqueue_dma source(%dma_start3A_60 : memref<128xi32, #tpu.memory_space<hbm>>) target(%dma_start3A_57 : memref<128xi32, #tpu.memory_space<vmem>>) target_semaphore(%arg15 : memref<!tpu.dma_semaphore, #tpu.memory_space<semaphore_mem>>)
    %dma_start3A_61 = arith.constant 1 : i32
    %dma_start3A_62 = arith.constant 1 : i32
    %dma_start3A_63 = arith.constant 0 : i32
    %dma_start3A_64 = tpu.memref_slice %arg9[%dma_start3A_62, %dma_start3A_63] : memref<4x128xi32, #tpu.memory_space<vmem>> -> memref<1x128xi32, #tpu.memory_space<vmem>>
    %dma_start3A_65 = tpu.memref_squeeze %dma_start3A_64 : memref<1x128xi32, #tpu.memory_space<vmem>> -> memref<128xi32, #tpu.memory_space<vmem>>
    %dma_start3A_66 = arith.constant 0 : i32
    %dma_start3A_67 = tpu.memref_slice %arg3[%add3A, %dma_start3A_61, %dma_start3A_66] : memref<32x80x128xi32, #tpu.memory_space<hbm>> -> memref<1x1x128xi32, #tpu.memory_space<hbm>>
    %dma_start3A_68 = tpu.memref_squeeze %dma_start3A_67 : memref<1x1x128xi32, #tpu.memory_space<hbm>> -> memref<128xi32, #tpu.memory_space<hbm>>
    %dma_start3A_69 = arith.constant 0 : i32
    %dma_start3A_70 = tpu.memref_slice %arg9[%dma_start3A_62, %dma_start3A_69] : memref<4x128xi32, #tpu.memory_space<vmem>> -> memref<1x128xi32, #tpu.memory_space<vmem>>
    %dma_start3A_71 = tpu.memref_squeeze %dma_start3A_70 : memref<1x128xi32, #tpu.memory_space<vmem>> -> memref<128xi32, #tpu.memory_space<vmem>>
    %dma_start3A_72 = arith.constant 0 : i32
    %dma_start3A_73 = tpu.memref_slice %arg3[%add3A, %dma_start3A_61, %dma_start3A_72] : memref<32x80x128xi32, #tpu.memory_space<hbm>> -> memref<1x1x128xi32, #tpu.memory_space<hbm>>
    %dma_start3A_74 = tpu.memref_squeeze %dma_start3A_73 : memref<1x1x128xi32, #tpu.memory_space<hbm>> -> memref<128xi32, #tpu.memory_space<hbm>>
    tpu.enqueue_dma source(%dma_start3A_74 : memref<128xi32, #tpu.memory_space<hbm>>) target(%dma_start3A_71 : memref<128xi32, #tpu.memory_space<vmem>>) target_semaphore(%arg16 : memref<!tpu.dma_semaphore, #tpu.memory_space<semaphore_mem>>)
    %dma_start3A_75 = arith.constant 1 : i32
    %dma_start3A_76 = arith.constant 1 : i32
    %dma_start3A_77 = arith.constant 0 : i32
    %dma_start3A_78 = tpu.memref_slice %arg10[%dma_start3A_76, %dma_start3A_77] : memref<4x128xi32, #tpu.memory_space<vmem>> -> memref<1x128xi32, #tpu.memory_space<vmem>>
    %dma_start3A_79 = tpu.memref_squeeze %dma_start3A_78 : memref<1x128xi32, #tpu.memory_space<vmem>> -> memref<128xi32, #tpu.memory_space<vmem>>
    %dma_start3A_80 = arith.constant 0 : i32
    %dma_start3A_81 = tpu.memref_slice %arg4[%add3A, %dma_start3A_75, %dma_start3A_80] : memref<32x80x128xi32, #tpu.memory_space<hbm>> -> memref<1x1x128xi32, #tpu.memory_space<hbm>>
    %dma_start3A_82 = tpu.memref_squeeze %dma_start3A_81 : memref<1x1x128xi32, #tpu.memory_space<hbm>> -> memref<128xi32, #tpu.memory_space<hbm>>
    %dma_start3A_83 = arith.constant 0 : i32
    %dma_start3A_84 = tpu.memref_slice %arg10[%dma_start3A_76, %dma_start3A_83] : memref<4x128xi32, #tpu.memory_space<vmem>> -> memref<1x128xi32, #tpu.memory_space<vmem>>
    %dma_start3A_85 = tpu.memref_squeeze %dma_start3A_84 : memref<1x128xi32, #tpu.memory_space<vmem>> -> memref<128xi32, #tpu.memory_space<vmem>>
    %dma_start3A_86 = arith.constant 0 : i32
    %dma_start3A_87 = tpu.memref_slice %arg4[%add3A, %dma_start3A_75, %dma_start3A_86] : memref<32x80x128xi32, #tpu.memory_space<hbm>> -> memref<1x1x128xi32, #tpu.memory_space<hbm>>
    %dma_start3A_88 = tpu.memref_squeeze %dma_start3A_87 : memref<1x1x128xi32, #tpu.memory_space<hbm>> -> memref<128xi32, #tpu.memory_space<hbm>>
    tpu.enqueue_dma source(%dma_start3A_88 : memref<128xi32, #tpu.memory_space<hbm>>) target(%dma_start3A_85 : memref<128xi32, #tpu.memory_space<vmem>>) target_semaphore(%arg16 : memref<!tpu.dma_semaphore, #tpu.memory_space<semaphore_mem>>)
    %dma_start3A_89 = arith.constant 2 : i32
    %dma_start3A_90 = arith.constant 2 : i32
    %dma_start3A_91 = arith.constant 0 : i32
    %dma_start3A_92 = tpu.memref_slice %arg9[%dma_start3A_90, %dma_start3A_91] : memref<4x128xi32, #tpu.memory_space<vmem>> -> memref<1x128xi32, #tpu.memory_space<vmem>>
    %dma_start3A_93 = tpu.memref_squeeze %dma_start3A_92 : memref<1x128xi32, #tpu.memory_space<vmem>> -> memref<128xi32, #tpu.memory_space<vmem>>
    %dma_start3A_94 = arith.constant 0 : i32
    %dma_start3A_95 = tpu.memref_slice %arg3[%add3A, %dma_start3A_89, %dma_start3A_94] : memref<32x80x128xi32, #tpu.memory_space<hbm>> -> memref<1x1x128xi32, #tpu.memory_space<hbm>>
    %dma_start3A_96 = tpu.memref_squeeze %dma_start3A_95 : memref<1x1x128xi32, #tpu.memory_space<hbm>> -> memref<128xi32, #tpu.memory_space<hbm>>
    %dma_start3A_97 = arith.constant 0 : i32
    %dma_start3A_98 = tpu.memref_slice %arg9[%dma_start3A_90, %dma_start3A_97] : memref<4x128xi32, #tpu.memory_space<vmem>> -> memref<1x128xi32, #tpu.memory_space<vmem>>
    %dma_start3A_99 = tpu.memref_squeeze %dma_start3A_98 : memref<1x128xi32, #tpu.memory_space<vmem>> -> memref<128xi32, #tpu.memory_space<vmem>>
    %dma_start3A_100 = arith.constant 0 : i32
    %dma_start3A_101 = tpu.memref_slice %arg3[%add3A, %dma_start3A_89, %dma_start3A_100] : memref<32x80x128xi32, #tpu.memory_space<hbm>> -> memref<1x1x128xi32, #tpu.memory_space<hbm>>
    %dma_start3A_102 = tpu.memref_squeeze %dma_start3A_101 : memref<1x1x128xi32, #tpu.memory_space<hbm>> -> memref<128xi32, #tpu.memory_space<hbm>>
    tpu.enqueue_dma source(%dma_start3A_102 : memref<128xi32, #tpu.memory_space<hbm>>) target(%dma_start3A_99 : memref<128xi32, #tpu.memory_space<vmem>>) target_semaphore(%arg17 : memref<!tpu.dma_semaphore, #tpu.memory_space<semaphore_mem>>)
    %dma_start3A_103 = arith.constant 2 : i32
    %dma_start3A_104 = arith.constant 2 : i32
    %dma_start3A_105 = arith.constant 0 : i32
    %dma_start3A_106 = tpu.memref_slice %arg10[%dma_start3A_104, %dma_start3A_105] : memref<4x128xi32, #tpu.memory_space<vmem>> -> memref<1x128xi32, #tpu.memory_space<vmem>>
    %dma_start3A_107 = tpu.memref_squeeze %dma_start3A_106 : memref<1x128xi32, #tpu.memory_space<vmem>> -> memref<128xi32, #tpu.memory_space<vmem>>
    %dma_start3A_108 = arith.constant 0 : i32
    %dma_start3A_109 = tpu.memref_slice %arg4[%add3A, %dma_start3A_103, %dma_start3A_108] : memref<32x80x128xi32, #tpu.memory_space<hbm>> -> memref<1x1x128xi32, #tpu.memory_space<hbm>>
    %dma_start3A_110 = tpu.memref_squeeze %dma_start3A_109 : memref<1x1x128xi32, #tpu.memory_space<hbm>> -> memref<128xi32, #tpu.memory_space<hbm>>
    %dma_start3A_111 = arith.constant 0 : i32
    %dma_start3A_112 = tpu.memref_slice %arg10[%dma_start3A_104, %dma_start3A_111] : memref<4x128xi32, #tpu.memory_space<vmem>> -> memref<1x128xi32, #tpu.memory_space<vmem>>
    %dma_start3A_113 = tpu.memref_squeeze %dma_start3A_112 : memref<1x128xi32, #tpu.memory_space<vmem>> -> memref<128xi32, #tpu.memory_space<vmem>>
    %dma_start3A_114 = arith.constant 0 : i32
    %dma_start3A_115 = tpu.memref_slice %arg4[%add3A, %dma_start3A_103, %dma_start3A_114] : memref<32x80x128xi32, #tpu.memory_space<hbm>> -> memref<1x1x128xi32, #tpu.memory_space<hbm>>
    %dma_start3A_116 = tpu.memref_squeeze %dma_start3A_115 : memref<1x1x128xi32, #tpu.memory_space<hbm>> -> memref<128xi32, #tpu.memory_space<hbm>>
    tpu.enqueue_dma source(%dma_start3A_116 : memref<128xi32, #tpu.memory_space<hbm>>) target(%dma_start3A_113 : memref<128xi32, #tpu.memory_space<vmem>>) target_semaphore(%arg17 : memref<!tpu.dma_semaphore, #tpu.memory_space<semaphore_mem>>)
    %dma_wait3A = arith.constant 0 : i32
    %dma_wait3A_117 = arith.constant 0 : i32
    %dma_wait3A_118 = arith.constant 0 : i32
    %dma_wait3A_119 = tpu.memref_slice %arg9[%dma_wait3A_117, %dma_wait3A_118] : memref<4x128xi32, #tpu.memory_space<vmem>> -> memref<1x128xi32, #tpu.memory_space<vmem>>
    %dma_wait3A_120 = tpu.memref_squeeze %dma_wait3A_119 : memref<1x128xi32, #tpu.memory_space<vmem>> -> memref<128xi32, #tpu.memory_space<vmem>>
    %dma_wait3A_121 = arith.constant 0 : i32
    %dma_wait3A_122 = tpu.memref_slice %arg3[%add3A, %dma_wait3A, %dma_wait3A_121] : memref<32x80x128xi32, #tpu.memory_space<hbm>> -> memref<1x1x128xi32, #tpu.memory_space<hbm>>
    %dma_wait3A_123 = tpu.memref_squeeze %dma_wait3A_122 : memref<1x1x128xi32, #tpu.memory_space<hbm>> -> memref<128xi32, #tpu.memory_space<hbm>>
    %dma_wait3A_124 = arith.constant 0 : i32
    %dma_wait3A_125 = tpu.memref_slice %arg9[%dma_wait3A_117, %dma_wait3A_124] : memref<4x128xi32, #tpu.memory_space<vmem>> -> memref<1x128xi32, #tpu.memory_space<vmem>>
    %dma_wait3A_126 = tpu.memref_squeeze %dma_wait3A_125 : memref<1x128xi32, #tpu.memory_space<vmem>> -> memref<128xi32, #tpu.memory_space<vmem>>
    %dma_wait3A_127 = arith.constant 0 : i32
    %dma_wait3A_128 = tpu.memref_slice %arg3[%add3A, %dma_wait3A, %dma_wait3A_127] : memref<32x80x128xi32, #tpu.memory_space<hbm>> -> memref<1x1x128xi32, #tpu.memory_space<hbm>>
    %dma_wait3A_129 = tpu.memref_squeeze %dma_wait3A_128 : memref<1x1x128xi32, #tpu.memory_space<hbm>> -> memref<128xi32, #tpu.memory_space<hbm>>
    tpu.wait_dma2 semaphore(%arg15 : memref<!tpu.dma_semaphore, #tpu.memory_space<semaphore_mem>>) src(%dma_wait3A_129 : memref<128xi32, #tpu.memory_space<hbm>>) dst(%dma_wait3A_126 : memref<128xi32, #tpu.memory_space<vmem>>)
    %dma_wait3A_130 = arith.constant 0 : i32
    %dma_wait3A_131 = arith.constant 0 : i32
    %dma_wait3A_132 = arith.constant 0 : i32
    %dma_wait3A_133 = tpu.memref_slice %arg10[%dma_wait3A_131, %dma_wait3A_132] : memref<4x128xi32, #tpu.memory_space<vmem>> -> memref<1x128xi32, #tpu.memory_space<vmem>>
    %dma_wait3A_134 = tpu.memref_squeeze %dma_wait3A_133 : memref<1x128xi32, #tpu.memory_space<vmem>> -> memref<128xi32, #tpu.memory_space<vmem>>
    %dma_wait3A_135 = arith.constant 0 : i32
    %dma_wait3A_136 = tpu.memref_slice %arg4[%add3A, %dma_wait3A_130, %dma_wait3A_135] : memref<32x80x128xi32, #tpu.memory_space<hbm>> -> memref<1x1x128xi32, #tpu.memory_space<hbm>>
    %dma_wait3A_137 = tpu.memref_squeeze %dma_wait3A_136 : memref<1x1x128xi32, #tpu.memory_space<hbm>> -> memref<128xi32, #tpu.memory_space<hbm>>
    %dma_wait3A_138 = arith.constant 0 : i32
    %dma_wait3A_139 = tpu.memref_slice %arg10[%dma_wait3A_131, %dma_wait3A_138] : memref<4x128xi32, #tpu.memory_space<vmem>> -> memref<1x128xi32, #tpu.memory_space<vmem>>
    %dma_wait3A_140 = tpu.memref_squeeze %dma_wait3A_139 : memref<1x128xi32, #tpu.memory_space<vmem>> -> memref<128xi32, #tpu.memory_space<vmem>>
    %dma_wait3A_141 = arith.constant 0 : i32
    %dma_wait3A_142 = tpu.memref_slice %arg4[%add3A, %dma_wait3A_130, %dma_wait3A_141] : memref<32x80x128xi32, #tpu.memory_space<hbm>> -> memref<1x1x128xi32, #tpu.memory_space<hbm>>
    %dma_wait3A_143 = tpu.memref_squeeze %dma_wait3A_142 : memref<1x1x128xi32, #tpu.memory_space<hbm>> -> memref<128xi32, #tpu.memory_space<hbm>>
    tpu.wait_dma2 semaphore(%arg15 : memref<!tpu.dma_semaphore, #tpu.memory_space<semaphore_mem>>) src(%dma_wait3A_143 : memref<128xi32, #tpu.memory_space<hbm>>) dst(%dma_wait3A_140 : memref<128xi32, #tpu.memory_space<vmem>>)
    %dma_start3A_144 = arith.constant 1 : i32
    %dma_start3A_145 = arith.constant 0 : i32
    %dma_start3A_146 = arith.constant 0 : i32
    %dma_start3A_147 = arith.constant 0 : i32
    %dma_start3A_148 = tpu.memref_slice %arg8[%dma_start3A_144, %dma_start3A_146, %dma_start3A_147] : memref<2x128x64xf32, #tpu.memory_space<vmem>> -> memref<1x128x64xf32, #tpu.memory_space<vmem>>
    %dma_start3A_149 = tpu.memref_squeeze %dma_start3A_148 : memref<1x128x64xf32, #tpu.memory_space<vmem>> -> memref<128x64xf32, #tpu.memory_space<vmem>>
    %dma_start3A_150 = arith.constant 0 : i32
    %dma_start3A_151 = tpu.memref_slice %arg10[%dma_start3A_145, %dma_start3A_150] : memref<4x128xi32, #tpu.memory_space<vmem>> -> memref<1x128xi32, #tpu.memory_space<vmem>>
    %dma_start3A_152 = tpu.memref_squeeze %dma_start3A_151 : memref<1x128xi32, #tpu.memory_space<vmem>> -> memref<128xi32, #tpu.memory_space<vmem>>
    %dma_start3A_153 = arith.constant 0 : i32
    %dma_start3A_154 = arith.constant 0 : i32
    %dma_start3A_155 = tpu.memref_slice %arg6[%dma_start3A_153, %dma_start3A_154] : memref<10112x64xf32, #tpu.memory_space<vmem_shared>> -> memref<10112x64xf32, #tpu.memory_space<vmem_shared>>
    tpu.enqueue_indirect_dma source(%dma_start3A_149 : memref<128x64xf32, #tpu.memory_space<vmem>>) target(%dma_start3A_155 : memref<10112x64xf32, #tpu.memory_space<vmem_shared>>) offsets(%dma_start3A_152 : memref<128xi32, #tpu.memory_space<vmem>>) semaphore(%arg14 : memref<!tpu.dma_semaphore, #tpu.memory_space<semaphore_mem>>) {add = true}
    %dma_start3A_156 = arith.constant 0 : i32
    %dma_start3A_157 = arith.constant 0 : i32
    %dma_start3A_158 = arith.constant 0 : i32
    %dma_start3A_159 = arith.constant 0 : i32
    %dma_start3A_160 = tpu.memref_slice %arg8[%dma_start3A_157, %dma_start3A_158, %dma_start3A_159] : memref<2x128x64xf32, #tpu.memory_space<vmem>> -> memref<1x128x64xf32, #tpu.memory_space<vmem>>
    %dma_start3A_161 = tpu.memref_squeeze %dma_start3A_160 : memref<1x128x64xf32, #tpu.memory_space<vmem>> -> memref<128x64xf32, #tpu.memory_space<vmem>>
    %dma_start3A_162 = arith.constant 0 : i32
    %dma_start3A_163 = tpu.memref_slice %arg9[%dma_start3A_156, %dma_start3A_162] : memref<4x128xi32, #tpu.memory_space<vmem>> -> memref<1x128xi32, #tpu.memory_space<vmem>>
    %dma_start3A_164 = tpu.memref_squeeze %dma_start3A_163 : memref<1x128xi32, #tpu.memory_space<vmem>> -> memref<128xi32, #tpu.memory_space<vmem>>
    %dma_start3A_165 = arith.constant 0 : i32
    %dma_start3A_166 = arith.constant 0 : i32
    %dma_start3A_167 = tpu.memref_slice %arg7[%dma_start3A_165, %dma_start3A_166] : memref<10112x64xf32, #tpu.memory_space<vmem_shared>> -> memref<10112x64xf32, #tpu.memory_space<vmem_shared>>
    tpu.enqueue_indirect_dma source(%dma_start3A_167 : memref<10112x64xf32, #tpu.memory_space<vmem_shared>>) target(%dma_start3A_161 : memref<128x64xf32, #tpu.memory_space<vmem>>) offsets(%dma_start3A_164 : memref<128xi32, #tpu.memory_space<vmem>>) semaphore(%arg11 : memref<!tpu.dma_semaphore, #tpu.memory_space<semaphore_mem>>)
    %scan3A_168 = arith.constant 0 : i32
    %scan3A_169 = arith.constant 0 : i32
    %scan3A_170 = arith.constant 20 : i32
    %scan3A_171 = arith.addi %scan3A_169, %scan3A_170 : i32
    %scan3A_172 = arith.constant 1 : i32
    scf.for %scan3A_259 = %scan3A_169 to %scan3A_171 step %scan3A_172  : i32 {
      %mul3A_260 = arith.constant 4 : i32
      %mul3A_261 = arith.muli %scan3A_259, %mul3A_260 : i32
      %add3A_262 = arith.constant 0 : i32
      %add3A_263 = arith.addi %mul3A_261, %add3A_262 : i32
      %dma_wait3A_264 = arith.constant 0 : i32
      %dma_wait3A_265 = arith.constant 0 : i32
      %dma_wait3A_266 = arith.constant 0 : i32
      %dma_wait3A_267 = arith.constant 0 : i32
      %dma_wait3A_268 = tpu.memref_slice %arg8[%dma_wait3A_265, %dma_wait3A_266, %dma_wait3A_267] : memref<2x128x64xf32, #tpu.memory_space<vmem>> -> memref<1x128x64xf32, #tpu.memory_space<vmem>>
      %dma_wait3A_269 = tpu.memref_squeeze %dma_wait3A_268 : memref<1x128x64xf32, #tpu.memory_space<vmem>> -> memref<128x64xf32, #tpu.memory_space<vmem>>
      %dma_wait3A_270 = arith.constant 0 : i32
      %dma_wait3A_271 = tpu.memref_slice %arg9[%dma_wait3A_264, %dma_wait3A_270] : memref<4x128xi32, #tpu.memory_space<vmem>> -> memref<1x128xi32, #tpu.memory_space<vmem>>
      %dma_wait3A_272 = tpu.memref_squeeze %dma_wait3A_271 : memref<1x128xi32, #tpu.memory_space<vmem>> -> memref<128xi32, #tpu.memory_space<vmem>>
      %dma_wait3A_273 = arith.constant 0 : i32
      %dma_wait3A_274 = arith.constant 0 : i32
      %dma_wait3A_275 = tpu.memref_slice %arg7[%dma_wait3A_273, %dma_wait3A_274] : memref<10112x64xf32, #tpu.memory_space<vmem_shared>> -> memref<10112x64xf32, #tpu.memory_space<vmem_shared>>
      tpu.wait_indirect_dma semaphore(%arg11 : memref<!tpu.dma_semaphore, #tpu.memory_space<semaphore_mem>>) src(%dma_wait3A_275 : memref<10112x64xf32, #tpu.memory_space<vmem_shared>>) dst(%dma_wait3A_269 : memref<128x64xf32, #tpu.memory_space<vmem>>)
      %dma_wait3A_276 = arith.constant 0 : i32
      %dma_wait3A_277 = arith.constant 1 : i32
      %dma_wait3A_278 = arith.constant 0 : i32
      %dma_wait3A_279 = tpu.memref_slice %arg9[%dma_wait3A_277, %dma_wait3A_278] : memref<4x128xi32, #tpu.memory_space<vmem>> -> memref<1x128xi32, #tpu.memory_space<vmem>>
      %dma_wait3A_280 = tpu.memref_squeeze %dma_wait3A_279 : memref<1x128xi32, #tpu.memory_space<vmem>> -> memref<128xi32, #tpu.memory_space<vmem>>
      %dma_wait3A_281 = arith.constant 0 : i32
      %dma_wait3A_282 = tpu.memref_slice %arg3[%add3A, %dma_wait3A_276, %dma_wait3A_281] : memref<32x80x128xi32, #tpu.memory_space<hbm>> -> memref<1x1x128xi32, #tpu.memory_space<hbm>>
      %dma_wait3A_283 = tpu.memref_squeeze %dma_wait3A_282 : memref<1x1x128xi32, #tpu.memory_space<hbm>> -> memref<128xi32, #tpu.memory_space<hbm>>
      %dma_wait3A_284 = arith.constant 0 : i32
      %dma_wait3A_285 = tpu.memref_slice %arg9[%dma_wait3A_277, %dma_wait3A_284] : memref<4x128xi32, #tpu.memory_space<vmem>> -> memref<1x128xi32, #tpu.memory_space<vmem>>
      %dma_wait3A_286 = tpu.memref_squeeze %dma_wait3A_285 : memref<1x128xi32, #tpu.memory_space<vmem>> -> memref<128xi32, #tpu.memory_space<vmem>>
      %dma_wait3A_287 = arith.constant 0 : i32
      %dma_wait3A_288 = tpu.memref_slice %arg3[%add3A, %dma_wait3A_276, %dma_wait3A_287] : memref<32x80x128xi32, #tpu.memory_space<hbm>> -> memref<1x1x128xi32, #tpu.memory_space<hbm>>
      %dma_wait3A_289 = tpu.memref_squeeze %dma_wait3A_288 : memref<1x1x128xi32, #tpu.memory_space<hbm>> -> memref<128xi32, #tpu.memory_space<hbm>>
      tpu.wait_dma2 semaphore(%arg16 : memref<!tpu.dma_semaphore, #tpu.memory_space<semaphore_mem>>) src(%dma_wait3A_289 : memref<128xi32, #tpu.memory_space<hbm>>) dst(%dma_wait3A_286 : memref<128xi32, #tpu.memory_space<vmem>>)
      %dma_wait3A_290 = arith.constant 0 : i32
      %dma_wait3A_291 = arith.constant 1 : i32
      %dma_wait3A_292 = arith.constant 0 : i32
      %dma_wait3A_293 = tpu.memref_slice %arg10[%dma_wait3A_291, %dma_wait3A_292] : memref<4x128xi32, #tpu.memory_space<vmem>> -> memref<1x128xi32, #tpu.memory_space<vmem>>
      %dma_wait3A_294 = tpu.memref_squeeze %dma_wait3A_293 : memref<1x128xi32, #tpu.memory_space<vmem>> -> memref<128xi32, #tpu.memory_space<vmem>>
      %dma_wait3A_295 = arith.constant 0 : i32
      %dma_wait3A_296 = tpu.memref_slice %arg4[%add3A, %dma_wait3A_290, %dma_wait3A_295] : memref<32x80x128xi32, #tpu.memory_space<hbm>> -> memref<1x1x128xi32, #tpu.memory_space<hbm>>
      %dma_wait3A_297 = tpu.memref_squeeze %dma_wait3A_296 : memref<1x1x128xi32, #tpu.memory_space<hbm>> -> memref<128xi32, #tpu.memory_space<hbm>>
      %dma_wait3A_298 = arith.constant 0 : i32
      %dma_wait3A_299 = tpu.memref_slice %arg10[%dma_wait3A_291, %dma_wait3A_298] : memref<4x128xi32, #tpu.memory_space<vmem>> -> memref<1x128xi32, #tpu.memory_space<vmem>>
      %dma_wait3A_300 = tpu.memref_squeeze %dma_wait3A_299 : memref<1x128xi32, #tpu.memory_space<vmem>> -> memref<128xi32, #tpu.memory_space<vmem>>
      %dma_wait3A_301 = arith.constant 0 : i32
      %dma_wait3A_302 = tpu.memref_slice %arg4[%add3A, %dma_wait3A_290, %dma_wait3A_301] : memref<32x80x128xi32, #tpu.memory_space<hbm>> -> memref<1x1x128xi32, #tpu.memory_space<hbm>>
      %dma_wait3A_303 = tpu.memref_squeeze %dma_wait3A_302 : memref<1x1x128xi32, #tpu.memory_space<hbm>> -> memref<128xi32, #tpu.memory_space<hbm>>
      tpu.wait_dma2 semaphore(%arg16 : memref<!tpu.dma_semaphore, #tpu.memory_space<semaphore_mem>>) src(%dma_wait3A_303 : memref<128xi32, #tpu.memory_space<hbm>>) dst(%dma_wait3A_300 : memref<128xi32, #tpu.memory_space<vmem>>)
      %dma_start3A_304 = arith.constant 0 : i32
      %dma_start3A_305 = arith.constant 0 : i32
      %dma_start3A_306 = arith.constant 0 : i32
      %dma_start3A_307 = arith.constant 0 : i32
      %dma_start3A_308 = tpu.memref_slice %arg8[%dma_start3A_304, %dma_start3A_306, %dma_start3A_307] : memref<2x128x64xf32, #tpu.memory_space<vmem>> -> memref<1x128x64xf32, #tpu.memory_space<vmem>>
      %dma_start3A_309 = tpu.memref_squeeze %dma_start3A_308 : memref<1x128x64xf32, #tpu.memory_space<vmem>> -> memref<128x64xf32, #tpu.memory_space<vmem>>
      %dma_start3A_310 = arith.constant 0 : i32
      %dma_start3A_311 = tpu.memref_slice %arg10[%dma_start3A_305, %dma_start3A_310] : memref<4x128xi32, #tpu.memory_space<vmem>> -> memref<1x128xi32, #tpu.memory_space<vmem>>
      %dma_start3A_312 = tpu.memref_squeeze %dma_start3A_311 : memref<1x128xi32, #tpu.memory_space<vmem>> -> memref<128xi32, #tpu.memory_space<vmem>>
      %dma_start3A_313 = arith.constant 0 : i32
      %dma_start3A_314 = arith.constant 0 : i32
      %dma_start3A_315 = tpu.memref_slice %arg6[%dma_start3A_313, %dma_start3A_314] : memref<10112x64xf32, #tpu.memory_space<vmem_shared>> -> memref<10112x64xf32, #tpu.memory_space<vmem_shared>>
      tpu.enqueue_indirect_dma source(%dma_start3A_309 : memref<128x64xf32, #tpu.memory_space<vmem>>) target(%dma_start3A_315 : memref<10112x64xf32, #tpu.memory_space<vmem_shared>>) offsets(%dma_start3A_312 : memref<128xi32, #tpu.memory_space<vmem>>) semaphore(%arg13 : memref<!tpu.dma_semaphore, #tpu.memory_space<semaphore_mem>>) {add = true}
      %dma_wait3A_316 = arith.constant 1 : i32
      %dma_wait3A_317 = arith.constant 3 : i32
      %dma_wait3A_318 = arith.constant 0 : i32
      %dma_wait3A_319 = arith.constant 0 : i32
      %dma_wait3A_320 = tpu.memref_slice %arg8[%dma_wait3A_316, %dma_wait3A_318, %dma_wait3A_319] : memref<2x128x64xf32, #tpu.memory_space<vmem>> -> memref<1x128x64xf32, #tpu.memory_space<vmem>>
      %dma_wait3A_321 = tpu.memref_squeeze %dma_wait3A_320 : memref<1x128x64xf32, #tpu.memory_space<vmem>> -> memref<128x64xf32, #tpu.memory_space<vmem>>
      %dma_wait3A_322 = arith.constant 0 : i32
      %dma_wait3A_323 = tpu.memref_slice %arg10[%dma_wait3A_317, %dma_wait3A_322] : memref<4x128xi32, #tpu.memory_space<vmem>> -> memref<1x128xi32, #tpu.memory_space<vmem>>
      %dma_wait3A_324 = tpu.memref_squeeze %dma_wait3A_323 : memref<1x128xi32, #tpu.memory_space<vmem>> -> memref<128xi32, #tpu.memory_space<vmem>>
      %dma_wait3A_325 = arith.constant 0 : i32
      %dma_wait3A_326 = arith.constant 0 : i32
      %dma_wait3A_327 = tpu.memref_slice %arg6[%dma_wait3A_325, %dma_wait3A_326] : memref<10112x64xf32, #tpu.memory_space<vmem_shared>> -> memref<10112x64xf32, #tpu.memory_space<vmem_shared>>
      tpu.wait_indirect_dma semaphore(%arg14 : memref<!tpu.dma_semaphore, #tpu.memory_space<semaphore_mem>>) src(%dma_wait3A_321 : memref<128x64xf32, #tpu.memory_space<vmem>>) dst(%dma_wait3A_327 : memref<10112x64xf32, #tpu.memory_space<vmem_shared>>)
      %dma_start3A_328 = arith.constant 1 : i32
      %dma_start3A_329 = arith.constant 1 : i32
      %dma_start3A_330 = arith.constant 0 : i32
      %dma_start3A_331 = arith.constant 0 : i32
      %dma_start3A_332 = tpu.memref_slice %arg8[%dma_start3A_329, %dma_start3A_330, %dma_start3A_331] : memref<2x128x64xf32, #tpu.memory_space<vmem>> -> memref<1x128x64xf32, #tpu.memory_space<vmem>>
      %dma_start3A_333 = tpu.memref_squeeze %dma_start3A_332 : memref<1x128x64xf32, #tpu.memory_space<vmem>> -> memref<128x64xf32, #tpu.memory_space<vmem>>
      %dma_start3A_334 = arith.constant 0 : i32
      %dma_start3A_335 = tpu.memref_slice %arg9[%dma_start3A_328, %dma_start3A_334] : memref<4x128xi32, #tpu.memory_space<vmem>> -> memref<1x128xi32, #tpu.memory_space<vmem>>
      %dma_start3A_336 = tpu.memref_squeeze %dma_start3A_335 : memref<1x128xi32, #tpu.memory_space<vmem>> -> memref<128xi32, #tpu.memory_space<vmem>>
      %dma_start3A_337 = arith.constant 0 : i32
      %dma_start3A_338 = arith.constant 0 : i32
      %dma_start3A_339 = tpu.memref_slice %arg7[%dma_start3A_337, %dma_start3A_338] : memref<10112x64xf32, #tpu.memory_space<vmem_shared>> -> memref<10112x64xf32, #tpu.memory_space<vmem_shared>>
      tpu.enqueue_indirect_dma source(%dma_start3A_339 : memref<10112x64xf32, #tpu.memory_space<vmem_shared>>) target(%dma_start3A_333 : memref<128x64xf32, #tpu.memory_space<vmem>>) offsets(%dma_start3A_336 : memref<128xi32, #tpu.memory_space<vmem>>) semaphore(%arg12 : memref<!tpu.dma_semaphore, #tpu.memory_space<semaphore_mem>>)
      %add3A_340 = arith.constant 3 : i32
      %add3A_341 = arith.addi %add3A_263, %add3A_340 : i32
      %jit3A = arith.constant 80 : i32
      %eq3A = arith.constant 0 : i32
      %eq3A_342 = arith.cmpi eq, %jit3A, %eq3A : i32
      %jit3A_343 = arith.constant 1 : i32
      %select_n3A = arith.select %eq3A_342, %jit3A_343, %jit3A : i32
      %rem3A = arith.remsi %add3A_341, %select_n3A : i32
      %ne3A = arith.constant 0 : i32
      %ne3A_344 = arith.cmpi ne, %rem3A, %ne3A : i32
      %lt3A = arith.constant 0 : i32
      %lt3A_345 = arith.cmpi slt, %rem3A, %lt3A : i32
      %lt3A_346 = arith.constant 0 : i32
      %lt3A_347 = arith.cmpi slt, %select_n3A, %lt3A_346 : i32
      %ne3A_348 = arith.xori %lt3A_345, %lt3A_347 : i1
      %and3A = arith.andi %ne3A_348, %ne3A_344 : i1
      %add3A_349 = arith.addi %rem3A, %select_n3A : i32
      %select_n3A_350 = arith.select %and3A, %add3A_349, %rem3A : i32
      %dma_start3A_351 = arith.constant 3 : i32
      %dma_start3A_352 = arith.constant 0 : i32
      %dma_start3A_353 = tpu.memref_slice %arg9[%dma_start3A_351, %dma_start3A_352] : memref<4x128xi32, #tpu.memory_space<vmem>> -> memref<1x128xi32, #tpu.memory_space<vmem>>
      %dma_start3A_354 = tpu.memref_squeeze %dma_start3A_353 : memref<1x128xi32, #tpu.memory_space<vmem>> -> memref<128xi32, #tpu.memory_space<vmem>>
      %dma_start3A_355 = arith.constant 0 : i32
      %dma_start3A_356 = tpu.memref_slice %arg3[%add3A, %select_n3A_350, %dma_start3A_355] : memref<32x80x128xi32, #tpu.memory_space<hbm>> -> memref<1x1x128xi32, #tpu.memory_space<hbm>>
      %dma_start3A_357 = tpu.memref_squeeze %dma_start3A_356 : memref<1x1x128xi32, #tpu.memory_space<hbm>> -> memref<128xi32, #tpu.memory_space<hbm>>
      %dma_start3A_358 = arith.constant 0 : i32
      %dma_start3A_359 = tpu.memref_slice %arg9[%dma_start3A_351, %dma_start3A_358] : memref<4x128xi32, #tpu.memory_space<vmem>> -> memref<1x128xi32, #tpu.memory_space<vmem>>
      %dma_start3A_360 = tpu.memref_squeeze %dma_start3A_359 : memref<1x128xi32, #tpu.memory_space<vmem>> -> memref<128xi32, #tpu.memory_space<vmem>>
      %dma_start3A_361 = arith.constant 0 : i32
      %dma_start3A_362 = tpu.memref_slice %arg3[%add3A, %select_n3A_350, %dma_start3A_361] : memref<32x80x128xi32, #tpu.memory_space<hbm>> -> memref<1x1x128xi32, #tpu.memory_space<hbm>>
      %dma_start3A_363 = tpu.memref_squeeze %dma_start3A_362 : memref<1x1x128xi32, #tpu.memory_space<hbm>> -> memref<128xi32, #tpu.memory_space<hbm>>
      tpu.enqueue_dma source(%dma_start3A_363 : memref<128xi32, #tpu.memory_space<hbm>>) target(%dma_start3A_360 : memref<128xi32, #tpu.memory_space<vmem>>) target_semaphore(%arg18 : memref<!tpu.dma_semaphore, #tpu.memory_space<semaphore_mem>>)
      %dma_start3A_364 = arith.constant 3 : i32
      %dma_start3A_365 = arith.constant 0 : i32
      %dma_start3A_366 = tpu.memref_slice %arg10[%dma_start3A_364, %dma_start3A_365] : memref<4x128xi32, #tpu.memory_space<vmem>> -> memref<1x128xi32, #tpu.memory_space<vmem>>
      %dma_start3A_367 = tpu.memref_squeeze %dma_start3A_366 : memref<1x128xi32, #tpu.memory_space<vmem>> -> memref<128xi32, #tpu.memory_space<vmem>>
      %dma_start3A_368 = arith.constant 0 : i32
      %dma_start3A_369 = tpu.memref_slice %arg4[%add3A, %select_n3A_350, %dma_start3A_368] : memref<32x80x128xi32, #tpu.memory_space<hbm>> -> memref<1x1x128xi32, #tpu.memory_space<hbm>>
      %dma_start3A_370 = tpu.memref_squeeze %dma_start3A_369 : memref<1x1x128xi32, #tpu.memory_space<hbm>> -> memref<128xi32, #tpu.memory_space<hbm>>
      %dma_start3A_371 = arith.constant 0 : i32
      %dma_start3A_372 = tpu.memref_slice %arg10[%dma_start3A_364, %dma_start3A_371] : memref<4x128xi32, #tpu.memory_space<vmem>> -> memref<1x128xi32, #tpu.memory_space<vmem>>
      %dma_start3A_373 = tpu.memref_squeeze %dma_start3A_372 : memref<1x128xi32, #tpu.memory_space<vmem>> -> memref<128xi32, #tpu.memory_space<vmem>>
      %dma_start3A_374 = arith.constant 0 : i32
      %dma_start3A_375 = tpu.memref_slice %arg4[%add3A, %select_n3A_350, %dma_start3A_374] : memref<32x80x128xi32, #tpu.memory_space<hbm>> -> memref<1x1x128xi32, #tpu.memory_space<hbm>>
      %dma_start3A_376 = tpu.memref_squeeze %dma_start3A_375 : memref<1x1x128xi32, #tpu.memory_space<hbm>> -> memref<128xi32, #tpu.memory_space<hbm>>
      tpu.enqueue_dma source(%dma_start3A_376 : memref<128xi32, #tpu.memory_space<hbm>>) target(%dma_start3A_373 : memref<128xi32, #tpu.memory_space<vmem>>) target_semaphore(%arg18 : memref<!tpu.dma_semaphore, #tpu.memory_space<semaphore_mem>>)
      %mul3A_377 = arith.constant 4 : i32
      %mul3A_378 = arith.muli %scan3A_259, %mul3A_377 : i32
      %add3A_379 = arith.constant 1 : i32
      %add3A_380 = arith.addi %mul3A_378, %add3A_379 : i32
      %dma_wait3A_381 = arith.constant 1 : i32
      %dma_wait3A_382 = arith.constant 1 : i32
      %dma_wait3A_383 = arith.constant 0 : i32
      %dma_wait3A_384 = arith.constant 0 : i32
      %dma_wait3A_385 = tpu.memref_slice %arg8[%dma_wait3A_382, %dma_wait3A_383, %dma_wait3A_384] : memref<2x128x64xf32, #tpu.memory_space<vmem>> -> memref<1x128x64xf32, #tpu.memory_space<vmem>>
      %dma_wait3A_386 = tpu.memref_squeeze %dma_wait3A_385 : memref<1x128x64xf32, #tpu.memory_space<vmem>> -> memref<128x64xf32, #tpu.memory_space<vmem>>
      %dma_wait3A_387 = arith.constant 0 : i32
      %dma_wait3A_388 = tpu.memref_slice %arg9[%dma_wait3A_381, %dma_wait3A_387] : memref<4x128xi32, #tpu.memory_space<vmem>> -> memref<1x128xi32, #tpu.memory_space<vmem>>
      %dma_wait3A_389 = tpu.memref_squeeze %dma_wait3A_388 : memref<1x128xi32, #tpu.memory_space<vmem>> -> memref<128xi32, #tpu.memory_space<vmem>>
      %dma_wait3A_390 = arith.constant 0 : i32
      %dma_wait3A_391 = arith.constant 0 : i32
      %dma_wait3A_392 = tpu.memref_slice %arg7[%dma_wait3A_390, %dma_wait3A_391] : memref<10112x64xf32, #tpu.memory_space<vmem_shared>> -> memref<10112x64xf32, #tpu.memory_space<vmem_shared>>
      tpu.wait_indirect_dma semaphore(%arg12 : memref<!tpu.dma_semaphore, #tpu.memory_space<semaphore_mem>>) src(%dma_wait3A_392 : memref<10112x64xf32, #tpu.memory_space<vmem_shared>>) dst(%dma_wait3A_386 : memref<128x64xf32, #tpu.memory_space<vmem>>)
      %dma_wait3A_393 = arith.constant 0 : i32
      %dma_wait3A_394 = arith.constant 2 : i32
      %dma_wait3A_395 = arith.constant 0 : i32
      %dma_wait3A_396 = tpu.memref_slice %arg9[%dma_wait3A_394, %dma_wait3A_395] : memref<4x128xi32, #tpu.memory_space<vmem>> -> memref<1x128xi32, #tpu.memory_space<vmem>>
      %dma_wait3A_397 = tpu.memref_squeeze %dma_wait3A_396 : memref<1x128xi32, #tpu.memory_space<vmem>> -> memref<128xi32, #tpu.memory_space<vmem>>
      %dma_wait3A_398 = arith.constant 0 : i32
      %dma_wait3A_399 = tpu.memref_slice %arg3[%add3A, %dma_wait3A_393, %dma_wait3A_398] : memref<32x80x128xi32, #tpu.memory_space<hbm>> -> memref<1x1x128xi32, #tpu.memory_space<hbm>>
      %dma_wait3A_400 = tpu.memref_squeeze %dma_wait3A_399 : memref<1x1x128xi32, #tpu.memory_space<hbm>> -> memref<128xi32, #tpu.memory_space<hbm>>
      %dma_wait3A_401 = arith.constant 0 : i32
      %dma_wait3A_402 = tpu.memref_slice %arg9[%dma_wait3A_394, %dma_wait3A_401] : memref<4x128xi32, #tpu.memory_space<vmem>> -> memref<1x128xi32, #tpu.memory_space<vmem>>
      %dma_wait3A_403 = tpu.memref_squeeze %dma_wait3A_402 : memref<1x128xi32, #tpu.memory_space<vmem>> -> memref<128xi32, #tpu.memory_space<vmem>>
      %dma_wait3A_404 = arith.constant 0 : i32
      %dma_wait3A_405 = tpu.memref_slice %arg3[%add3A, %dma_wait3A_393, %dma_wait3A_404] : memref<32x80x128xi32, #tpu.memory_space<hbm>> -> memref<1x1x128xi32, #tpu.memory_space<hbm>>
      %dma_wait3A_406 = tpu.memref_squeeze %dma_wait3A_405 : memref<1x1x128xi32, #tpu.memory_space<hbm>> -> memref<128xi32, #tpu.memory_space<hbm>>
      tpu.wait_dma2 semaphore(%arg17 : memref<!tpu.dma_semaphore, #tpu.memory_space<semaphore_mem>>) src(%dma_wait3A_406 : memref<128xi32, #tpu.memory_space<hbm>>) dst(%dma_wait3A_403 : memref<128xi32, #tpu.memory_space<vmem>>)
      %dma_wait3A_407 = arith.constant 0 : i32
      %dma_wait3A_408 = arith.constant 2 : i32
      %dma_wait3A_409 = arith.constant 0 : i32
      %dma_wait3A_410 = tpu.memref_slice %arg10[%dma_wait3A_408, %dma_wait3A_409] : memref<4x128xi32, #tpu.memory_space<vmem>> -> memref<1x128xi32, #tpu.memory_space<vmem>>
      %dma_wait3A_411 = tpu.memref_squeeze %dma_wait3A_410 : memref<1x128xi32, #tpu.memory_space<vmem>> -> memref<128xi32, #tpu.memory_space<vmem>>
      %dma_wait3A_412 = arith.constant 0 : i32
      %dma_wait3A_413 = tpu.memref_slice %arg4[%add3A, %dma_wait3A_407, %dma_wait3A_412] : memref<32x80x128xi32, #tpu.memory_space<hbm>> -> memref<1x1x128xi32, #tpu.memory_space<hbm>>
      %dma_wait3A_414 = tpu.memref_squeeze %dma_wait3A_413 : memref<1x1x128xi32, #tpu.memory_space<hbm>> -> memref<128xi32, #tpu.memory_space<hbm>>
      %dma_wait3A_415 = arith.constant 0 : i32
      %dma_wait3A_416 = tpu.memref_slice %arg10[%dma_wait3A_408, %dma_wait3A_415] : memref<4x128xi32, #tpu.memory_space<vmem>> -> memref<1x128xi32, #tpu.memory_space<vmem>>
      %dma_wait3A_417 = tpu.memref_squeeze %dma_wait3A_416 : memref<1x128xi32, #tpu.memory_space<vmem>> -> memref<128xi32, #tpu.memory_space<vmem>>
      %dma_wait3A_418 = arith.constant 0 : i32
      %dma_wait3A_419 = tpu.memref_slice %arg4[%add3A, %dma_wait3A_407, %dma_wait3A_418] : memref<32x80x128xi32, #tpu.memory_space<hbm>> -> memref<1x1x128xi32, #tpu.memory_space<hbm>>
      %dma_wait3A_420 = tpu.memref_squeeze %dma_wait3A_419 : memref<1x1x128xi32, #tpu.memory_space<hbm>> -> memref<128xi32, #tpu.memory_space<hbm>>
      tpu.wait_dma2 semaphore(%arg17 : memref<!tpu.dma_semaphore, #tpu.memory_space<semaphore_mem>>) src(%dma_wait3A_420 : memref<128xi32, #tpu.memory_space<hbm>>) dst(%dma_wait3A_417 : memref<128xi32, #tpu.memory_space<vmem>>)
      %dma_start3A_421 = arith.constant 1 : i32
      %dma_start3A_422 = arith.constant 1 : i32
      %dma_start3A_423 = arith.constant 0 : i32
      %dma_start3A_424 = arith.constant 0 : i32
      %dma_start3A_425 = tpu.memref_slice %arg8[%dma_start3A_421, %dma_start3A_423, %dma_start3A_424] : memref<2x128x64xf32, #tpu.memory_space<vmem>> -> memref<1x128x64xf32, #tpu.memory_space<vmem>>
      %dma_start3A_426 = tpu.memref_squeeze %dma_start3A_425 : memref<1x128x64xf32, #tpu.memory_space<vmem>> -> memref<128x64xf32, #tpu.memory_space<vmem>>
      %dma_start3A_427 = arith.constant 0 : i32
      %dma_start3A_428 = tpu.memref_slice %arg10[%dma_start3A_422, %dma_start3A_427] : memref<4x128xi32, #tpu.memory_space<vmem>> -> memref<1x128xi32, #tpu.memory_space<vmem>>
      %dma_start3A_429 = tpu.memref_squeeze %dma_start3A_428 : memref<1x128xi32, #tpu.memory_space<vmem>> -> memref<128xi32, #tpu.memory_space<vmem>>
      %dma_start3A_430 = arith.constant 0 : i32
      %dma_start3A_431 = arith.constant 0 : i32
      %dma_start3A_432 = tpu.memref_slice %arg6[%dma_start3A_430, %dma_start3A_431] : memref<10112x64xf32, #tpu.memory_space<vmem_shared>> -> memref<10112x64xf32, #tpu.memory_space<vmem_shared>>
      tpu.enqueue_indirect_dma source(%dma_start3A_426 : memref<128x64xf32, #tpu.memory_space<vmem>>) target(%dma_start3A_432 : memref<10112x64xf32, #tpu.memory_space<vmem_shared>>) offsets(%dma_start3A_429 : memref<128xi32, #tpu.memory_space<vmem>>) semaphore(%arg14 : memref<!tpu.dma_semaphore, #tpu.memory_space<semaphore_mem>>) {add = true}
      %dma_wait3A_433 = arith.constant 0 : i32
      %dma_wait3A_434 = arith.constant 0 : i32
      %dma_wait3A_435 = arith.constant 0 : i32
      %dma_wait3A_436 = arith.constant 0 : i32
      %dma_wait3A_437 = tpu.memref_slice %arg8[%dma_wait3A_433, %dma_wait3A_435, %dma_wait3A_436] : memref<2x128x64xf32, #tpu.memory_space<vmem>> -> memref<1x128x64xf32, #tpu.memory_space<vmem>>
      %dma_wait3A_438 = tpu.memref_squeeze %dma_wait3A_437 : memref<1x128x64xf32, #tpu.memory_space<vmem>> -> memref<128x64xf32, #tpu.memory_space<vmem>>
      %dma_wait3A_439 = arith.constant 0 : i32
      %dma_wait3A_440 = tpu.memref_slice %arg10[%dma_wait3A_434, %dma_wait3A_439] : memref<4x128xi32, #tpu.memory_space<vmem>> -> memref<1x128xi32, #tpu.memory_space<vmem>>
      %dma_wait3A_441 = tpu.memref_squeeze %dma_wait3A_440 : memref<1x128xi32, #tpu.memory_space<vmem>> -> memref<128xi32, #tpu.memory_space<vmem>>
      %dma_wait3A_442 = arith.constant 0 : i32
      %dma_wait3A_443 = arith.constant 0 : i32
      %dma_wait3A_444 = tpu.memref_slice %arg6[%dma_wait3A_442, %dma_wait3A_443] : memref<10112x64xf32, #tpu.memory_space<vmem_shared>> -> memref<10112x64xf32, #tpu.memory_space<vmem_shared>>
      tpu.wait_indirect_dma semaphore(%arg13 : memref<!tpu.dma_semaphore, #tpu.memory_space<semaphore_mem>>) src(%dma_wait3A_438 : memref<128x64xf32, #tpu.memory_space<vmem>>) dst(%dma_wait3A_444 : memref<10112x64xf32, #tpu.memory_space<vmem_shared>>)
      %dma_start3A_445 = arith.constant 2 : i32
      %dma_start3A_446 = arith.constant 0 : i32
      %dma_start3A_447 = arith.constant 0 : i32
      %dma_start3A_448 = arith.constant 0 : i32
      %dma_start3A_449 = tpu.memref_slice %arg8[%dma_start3A_446, %dma_start3A_447, %dma_start3A_448] : memref<2x128x64xf32, #tpu.memory_space<vmem>> -> memref<1x128x64xf32, #tpu.memory_space<vmem>>
      %dma_start3A_450 = tpu.memref_squeeze %dma_start3A_449 : memref<1x128x64xf32, #tpu.memory_space<vmem>> -> memref<128x64xf32, #tpu.memory_space<vmem>>
      %dma_start3A_451 = arith.constant 0 : i32
      %dma_start3A_452 = tpu.memref_slice %arg9[%dma_start3A_445, %dma_start3A_451] : memref<4x128xi32, #tpu.memory_space<vmem>> -> memref<1x128xi32, #tpu.memory_space<vmem>>
      %dma_start3A_453 = tpu.memref_squeeze %dma_start3A_452 : memref<1x128xi32, #tpu.memory_space<vmem>> -> memref<128xi32, #tpu.memory_space<vmem>>
      %dma_start3A_454 = arith.constant 0 : i32
      %dma_start3A_455 = arith.constant 0 : i32
      %dma_start3A_456 = tpu.memref_slice %arg7[%dma_start3A_454, %dma_start3A_455] : memref<10112x64xf32, #tpu.memory_space<vmem_shared>> -> memref<10112x64xf32, #tpu.memory_space<vmem_shared>>
      tpu.enqueue_indirect_dma source(%dma_start3A_456 : memref<10112x64xf32, #tpu.memory_space<vmem_shared>>) target(%dma_start3A_450 : memref<128x64xf32, #tpu.memory_space<vmem>>) offsets(%dma_start3A_453 : memref<128xi32, #tpu.memory_space<vmem>>) semaphore(%arg11 : memref<!tpu.dma_semaphore, #tpu.memory_space<semaphore_mem>>)
      %add3A_457 = arith.constant 3 : i32
      %add3A_458 = arith.addi %add3A_380, %add3A_457 : i32
      %jit3A_459 = arith.constant 80 : i32
      %eq3A_460 = arith.constant 0 : i32
      %eq3A_461 = arith.cmpi eq, %jit3A_459, %eq3A_460 : i32
      %jit3A_462 = arith.constant 1 : i32
      %select_n3A_463 = arith.select %eq3A_461, %jit3A_462, %jit3A_459 : i32
      %rem3A_464 = arith.remsi %add3A_458, %select_n3A_463 : i32
      %ne3A_465 = arith.constant 0 : i32
      %ne3A_466 = arith.cmpi ne, %rem3A_464, %ne3A_465 : i32
      %lt3A_467 = arith.constant 0 : i32
      %lt3A_468 = arith.cmpi slt, %rem3A_464, %lt3A_467 : i32
      %lt3A_469 = arith.constant 0 : i32
      %lt3A_470 = arith.cmpi slt, %select_n3A_463, %lt3A_469 : i32
      %ne3A_471 = arith.xori %lt3A_468, %lt3A_470 : i1
      %and3A_472 = arith.andi %ne3A_471, %ne3A_466 : i1
      %add3A_473 = arith.addi %rem3A_464, %select_n3A_463 : i32
      %select_n3A_474 = arith.select %and3A_472, %add3A_473, %rem3A_464 : i32
      %dma_start3A_475 = arith.constant 0 : i32
      %dma_start3A_476 = arith.constant 0 : i32
      %dma_start3A_477 = tpu.memref_slice %arg9[%dma_start3A_475, %dma_start3A_476] : memref<4x128xi32, #tpu.memory_space<vmem>> -> memref<1x128xi32, #tpu.memory_space<vmem>>
      %dma_start3A_478 = tpu.memref_squeeze %dma_start3A_477 : memref<1x128xi32, #tpu.memory_space<vmem>> -> memref<128xi32, #tpu.memory_space<vmem>>
      %dma_start3A_479 = arith.constant 0 : i32
      %dma_start3A_480 = tpu.memref_slice %arg3[%add3A, %select_n3A_474, %dma_start3A_479] : memref<32x80x128xi32, #tpu.memory_space<hbm>> -> memref<1x1x128xi32, #tpu.memory_space<hbm>>
      %dma_start3A_481 = tpu.memref_squeeze %dma_start3A_480 : memref<1x1x128xi32, #tpu.memory_space<hbm>> -> memref<128xi32, #tpu.memory_space<hbm>>
      %dma_start3A_482 = arith.constant 0 : i32
      %dma_start3A_483 = tpu.memref_slice %arg9[%dma_start3A_475, %dma_start3A_482] : memref<4x128xi32, #tpu.memory_space<vmem>> -> memref<1x128xi32, #tpu.memory_space<vmem>>
      %dma_start3A_484 = tpu.memref_squeeze %dma_start3A_483 : memref<1x128xi32, #tpu.memory_space<vmem>> -> memref<128xi32, #tpu.memory_space<vmem>>
      %dma_start3A_485 = arith.constant 0 : i32
      %dma_start3A_486 = tpu.memref_slice %arg3[%add3A, %select_n3A_474, %dma_start3A_485] : memref<32x80x128xi32, #tpu.memory_space<hbm>> -> memref<1x1x128xi32, #tpu.memory_space<hbm>>
      %dma_start3A_487 = tpu.memref_squeeze %dma_start3A_486 : memref<1x1x128xi32, #tpu.memory_space<hbm>> -> memref<128xi32, #tpu.memory_space<hbm>>
      tpu.enqueue_dma source(%dma_start3A_487 : memref<128xi32, #tpu.memory_space<hbm>>) target(%dma_start3A_484 : memref<128xi32, #tpu.memory_space<vmem>>) target_semaphore(%arg15 : memref<!tpu.dma_semaphore, #tpu.memory_space<semaphore_mem>>)
      %dma_start3A_488 = arith.constant 0 : i32
      %dma_start3A_489 = arith.constant 0 : i32
      %dma_start3A_490 = tpu.memref_slice %arg10[%dma_start3A_488, %dma_start3A_489] : memref<4x128xi32, #tpu.memory_space<vmem>> -> memref<1x128xi32, #tpu.memory_space<vmem>>
      %dma_start3A_491 = tpu.memref_squeeze %dma_start3A_490 : memref<1x128xi32, #tpu.memory_space<vmem>> -> memref<128xi32, #tpu.memory_space<vmem>>
      %dma_start3A_492 = arith.constant 0 : i32
      %dma_start3A_493 = tpu.memref_slice %arg4[%add3A, %select_n3A_474, %dma_start3A_492] : memref<32x80x128xi32, #tpu.memory_space<hbm>> -> memref<1x1x128xi32, #tpu.memory_space<hbm>>
      %dma_start3A_494 = tpu.memref_squeeze %dma_start3A_493 : memref<1x1x128xi32, #tpu.memory_space<hbm>> -> memref<128xi32, #tpu.memory_space<hbm>>
      %dma_start3A_495 = arith.constant 0 : i32
      %dma_start3A_496 = tpu.memref_slice %arg10[%dma_start3A_488, %dma_start3A_495] : memref<4x128xi32, #tpu.memory_space<vmem>> -> memref<1x128xi32, #tpu.memory_space<vmem>>
      %dma_start3A_497 = tpu.memref_squeeze %dma_start3A_496 : memref<1x128xi32, #tpu.memory_space<vmem>> -> memref<128xi32, #tpu.memory_space<vmem>>
      %dma_start3A_498 = arith.constant 0 : i32
      %dma_start3A_499 = tpu.memref_slice %arg4[%add3A, %select_n3A_474, %dma_start3A_498] : memref<32x80x128xi32, #tpu.memory_space<hbm>> -> memref<1x1x128xi32, #tpu.memory_space<hbm>>
      %dma_start3A_500 = tpu.memref_squeeze %dma_start3A_499 : memref<1x1x128xi32, #tpu.memory_space<hbm>> -> memref<128xi32, #tpu.memory_space<hbm>>
      tpu.enqueue_dma source(%dma_start3A_500 : memref<128xi32, #tpu.memory_space<hbm>>) target(%dma_start3A_497 : memref<128xi32, #tpu.memory_space<vmem>>) target_semaphore(%arg15 : memref<!tpu.dma_semaphore, #tpu.memory_space<semaphore_mem>>)
      %mul3A_501 = arith.constant 4 : i32
      %mul3A_502 = arith.muli %scan3A_259, %mul3A_501 : i32
      %add3A_503 = arith.constant 2 : i32
      %add3A_504 = arith.addi %mul3A_502, %add3A_503 : i32
      %dma_wait3A_505 = arith.constant 2 : i32
      %dma_wait3A_506 = arith.constant 0 : i32
      %dma_wait3A_507 = arith.constant 0 : i32
      %dma_wait3A_508 = arith.constant 0 : i32
      %dma_wait3A_509 = tpu.memref_slice %arg8[%dma_wait3A_506, %dma_wait3A_507, %dma_wait3A_508] : memref<2x128x64xf32, #tpu.memory_space<vmem>> -> memref<1x128x64xf32, #tpu.memory_space<vmem>>
      %dma_wait3A_510 = tpu.memref_squeeze %dma_wait3A_509 : memref<1x128x64xf32, #tpu.memory_space<vmem>> -> memref<128x64xf32, #tpu.memory_space<vmem>>
      %dma_wait3A_511 = arith.constant 0 : i32
      %dma_wait3A_512 = tpu.memref_slice %arg9[%dma_wait3A_505, %dma_wait3A_511] : memref<4x128xi32, #tpu.memory_space<vmem>> -> memref<1x128xi32, #tpu.memory_space<vmem>>
      %dma_wait3A_513 = tpu.memref_squeeze %dma_wait3A_512 : memref<1x128xi32, #tpu.memory_space<vmem>> -> memref<128xi32, #tpu.memory_space<vmem>>
      %dma_wait3A_514 = arith.constant 0 : i32
      %dma_wait3A_515 = arith.constant 0 : i32
      %dma_wait3A_516 = tpu.memref_slice %arg7[%dma_wait3A_514, %dma_wait3A_515] : memref<10112x64xf32, #tpu.memory_space<vmem_shared>> -> memref<10112x64xf32, #tpu.memory_space<vmem_shared>>
      tpu.wait_indirect_dma semaphore(%arg11 : memref<!tpu.dma_semaphore, #tpu.memory_space<semaphore_mem>>) src(%dma_wait3A_516 : memref<10112x64xf32, #tpu.memory_space<vmem_shared>>) dst(%dma_wait3A_510 : memref<128x64xf32, #tpu.memory_space<vmem>>)
      %dma_wait3A_517 = arith.constant 0 : i32
      %dma_wait3A_518 = arith.constant 3 : i32
      %dma_wait3A_519 = arith.constant 0 : i32
      %dma_wait3A_520 = tpu.memref_slice %arg9[%dma_wait3A_518, %dma_wait3A_519] : memref<4x128xi32, #tpu.memory_space<vmem>> -> memref<1x128xi32, #tpu.memory_space<vmem>>
      %dma_wait3A_521 = tpu.memref_squeeze %dma_wait3A_520 : memref<1x128xi32, #tpu.memory_space<vmem>> -> memref<128xi32, #tpu.memory_space<vmem>>
      %dma_wait3A_522 = arith.constant 0 : i32
      %dma_wait3A_523 = tpu.memref_slice %arg3[%add3A, %dma_wait3A_517, %dma_wait3A_522] : memref<32x80x128xi32, #tpu.memory_space<hbm>> -> memref<1x1x128xi32, #tpu.memory_space<hbm>>
      %dma_wait3A_524 = tpu.memref_squeeze %dma_wait3A_523 : memref<1x1x128xi32, #tpu.memory_space<hbm>> -> memref<128xi32, #tpu.memory_space<hbm>>
      %dma_wait3A_525 = arith.constant 0 : i32
      %dma_wait3A_526 = tpu.memref_slice %arg9[%dma_wait3A_518, %dma_wait3A_525] : memref<4x128xi32, #tpu.memory_space<vmem>> -> memref<1x128xi32, #tpu.memory_space<vmem>>
      %dma_wait3A_527 = tpu.memref_squeeze %dma_wait3A_526 : memref<1x128xi32, #tpu.memory_space<vmem>> -> memref<128xi32, #tpu.memory_space<vmem>>
      %dma_wait3A_528 = arith.constant 0 : i32
      %dma_wait3A_529 = tpu.memref_slice %arg3[%add3A, %dma_wait3A_517, %dma_wait3A_528] : memref<32x80x128xi32, #tpu.memory_space<hbm>> -> memref<1x1x128xi32, #tpu.memory_space<hbm>>
      %dma_wait3A_530 = tpu.memref_squeeze %dma_wait3A_529 : memref<1x1x128xi32, #tpu.memory_space<hbm>> -> memref<128xi32, #tpu.memory_space<hbm>>
      tpu.wait_dma2 semaphore(%arg18 : memref<!tpu.dma_semaphore, #tpu.memory_space<semaphore_mem>>) src(%dma_wait3A_530 : memref<128xi32, #tpu.memory_space<hbm>>) dst(%dma_wait3A_527 : memref<128xi32, #tpu.memory_space<vmem>>)
      %dma_wait3A_531 = arith.constant 0 : i32
      %dma_wait3A_532 = arith.constant 3 : i32
      %dma_wait3A_533 = arith.constant 0 : i32
      %dma_wait3A_534 = tpu.memref_slice %arg10[%dma_wait3A_532, %dma_wait3A_533] : memref<4x128xi32, #tpu.memory_space<vmem>> -> memref<1x128xi32, #tpu.memory_space<vmem>>
      %dma_wait3A_535 = tpu.memref_squeeze %dma_wait3A_534 : memref<1x128xi32, #tpu.memory_space<vmem>> -> memref<128xi32, #tpu.memory_space<vmem>>
      %dma_wait3A_536 = arith.constant 0 : i32
      %dma_wait3A_537 = tpu.memref_slice %arg4[%add3A, %dma_wait3A_531, %dma_wait3A_536] : memref<32x80x128xi32, #tpu.memory_space<hbm>> -> memref<1x1x128xi32, #tpu.memory_space<hbm>>
      %dma_wait3A_538 = tpu.memref_squeeze %dma_wait3A_537 : memref<1x1x128xi32, #tpu.memory_space<hbm>> -> memref<128xi32, #tpu.memory_space<hbm>>
      %dma_wait3A_539 = arith.constant 0 : i32
      %dma_wait3A_540 = tpu.memref_slice %arg10[%dma_wait3A_532, %dma_wait3A_539] : memref<4x128xi32, #tpu.memory_space<vmem>> -> memref<1x128xi32, #tpu.memory_space<vmem>>
      %dma_wait3A_541 = tpu.memref_squeeze %dma_wait3A_540 : memref<1x128xi32, #tpu.memory_space<vmem>> -> memref<128xi32, #tpu.memory_space<vmem>>
      %dma_wait3A_542 = arith.constant 0 : i32
      %dma_wait3A_543 = tpu.memref_slice %arg4[%add3A, %dma_wait3A_531, %dma_wait3A_542] : memref<32x80x128xi32, #tpu.memory_space<hbm>> -> memref<1x1x128xi32, #tpu.memory_space<hbm>>
      %dma_wait3A_544 = tpu.memref_squeeze %dma_wait3A_543 : memref<1x1x128xi32, #tpu.memory_space<hbm>> -> memref<128xi32, #tpu.memory_space<hbm>>
      tpu.wait_dma2 semaphore(%arg18 : memref<!tpu.dma_semaphore, #tpu.memory_space<semaphore_mem>>) src(%dma_wait3A_544 : memref<128xi32, #tpu.memory_space<hbm>>) dst(%dma_wait3A_541 : memref<128xi32, #tpu.memory_space<vmem>>)
      %dma_start3A_545 = arith.constant 0 : i32
      %dma_start3A_546 = arith.constant 2 : i32
      %dma_start3A_547 = arith.constant 0 : i32
      %dma_start3A_548 = arith.constant 0 : i32
      %dma_start3A_549 = tpu.memref_slice %arg8[%dma_start3A_545, %dma_start3A_547, %dma_start3A_548] : memref<2x128x64xf32, #tpu.memory_space<vmem>> -> memref<1x128x64xf32, #tpu.memory_space<vmem>>
      %dma_start3A_550 = tpu.memref_squeeze %dma_start3A_549 : memref<1x128x64xf32, #tpu.memory_space<vmem>> -> memref<128x64xf32, #tpu.memory_space<vmem>>
      %dma_start3A_551 = arith.constant 0 : i32
      %dma_start3A_552 = tpu.memref_slice %arg10[%dma_start3A_546, %dma_start3A_551] : memref<4x128xi32, #tpu.memory_space<vmem>> -> memref<1x128xi32, #tpu.memory_space<vmem>>
      %dma_start3A_553 = tpu.memref_squeeze %dma_start3A_552 : memref<1x128xi32, #tpu.memory_space<vmem>> -> memref<128xi32, #tpu.memory_space<vmem>>
      %dma_start3A_554 = arith.constant 0 : i32
      %dma_start3A_555 = arith.constant 0 : i32
      %dma_start3A_556 = tpu.memref_slice %arg6[%dma_start3A_554, %dma_start3A_555] : memref<10112x64xf32, #tpu.memory_space<vmem_shared>> -> memref<10112x64xf32, #tpu.memory_space<vmem_shared>>
      tpu.enqueue_indirect_dma source(%dma_start3A_550 : memref<128x64xf32, #tpu.memory_space<vmem>>) target(%dma_start3A_556 : memref<10112x64xf32, #tpu.memory_space<vmem_shared>>) offsets(%dma_start3A_553 : memref<128xi32, #tpu.memory_space<vmem>>) semaphore(%arg13 : memref<!tpu.dma_semaphore, #tpu.memory_space<semaphore_mem>>) {add = true}
      %dma_wait3A_557 = arith.constant 1 : i32
      %dma_wait3A_558 = arith.constant 1 : i32
      %dma_wait3A_559 = arith.constant 0 : i32
      %dma_wait3A_560 = arith.constant 0 : i32
      %dma_wait3A_561 = tpu.memref_slice %arg8[%dma_wait3A_557, %dma_wait3A_559, %dma_wait3A_560] : memref<2x128x64xf32, #tpu.memory_space<vmem>> -> memref<1x128x64xf32, #tpu.memory_space<vmem>>
      %dma_wait3A_562 = tpu.memref_squeeze %dma_wait3A_561 : memref<1x128x64xf32, #tpu.memory_space<vmem>> -> memref<128x64xf32, #tpu.memory_space<vmem>>
      %dma_wait3A_563 = arith.constant 0 : i32
      %dma_wait3A_564 = tpu.memref_slice %arg10[%dma_wait3A_558, %dma_wait3A_563] : memref<4x128xi32, #tpu.memory_space<vmem>> -> memref<1x128xi32, #tpu.memory_space<vmem>>
      %dma_wait3A_565 = tpu.memref_squeeze %dma_wait3A_564 : memref<1x128xi32, #tpu.memory_space<vmem>> -> memref<128xi32, #tpu.memory_space<vmem>>
      %dma_wait3A_566 = arith.constant 0 : i32
      %dma_wait3A_567 = arith.constant 0 : i32
      %dma_wait3A_568 = tpu.memref_slice %arg6[%dma_wait3A_566, %dma_wait3A_567] : memref<10112x64xf32, #tpu.memory_space<vmem_shared>> -> memref<10112x64xf32, #tpu.memory_space<vmem_shared>>
      tpu.wait_indirect_dma semaphore(%arg14 : memref<!tpu.dma_semaphore, #tpu.memory_space<semaphore_mem>>) src(%dma_wait3A_562 : memref<128x64xf32, #tpu.memory_space<vmem>>) dst(%dma_wait3A_568 : memref<10112x64xf32, #tpu.memory_space<vmem_shared>>)
      %dma_start3A_569 = arith.constant 3 : i32
      %dma_start3A_570 = arith.constant 1 : i32
      %dma_start3A_571 = arith.constant 0 : i32
      %dma_start3A_572 = arith.constant 0 : i32
      %dma_start3A_573 = tpu.memref_slice %arg8[%dma_start3A_570, %dma_start3A_571, %dma_start3A_572] : memref<2x128x64xf32, #tpu.memory_space<vmem>> -> memref<1x128x64xf32, #tpu.memory_space<vmem>>
      %dma_start3A_574 = tpu.memref_squeeze %dma_start3A_573 : memref<1x128x64xf32, #tpu.memory_space<vmem>> -> memref<128x64xf32, #tpu.memory_space<vmem>>
      %dma_start3A_575 = arith.constant 0 : i32
      %dma_start3A_576 = tpu.memref_slice %arg9[%dma_start3A_569, %dma_start3A_575] : memref<4x128xi32, #tpu.memory_space<vmem>> -> memref<1x128xi32, #tpu.memory_space<vmem>>
      %dma_start3A_577 = tpu.memref_squeeze %dma_start3A_576 : memref<1x128xi32, #tpu.memory_space<vmem>> -> memref<128xi32, #tpu.memory_space<vmem>>
      %dma_start3A_578 = arith.constant 0 : i32
      %dma_start3A_579 = arith.constant 0 : i32
      %dma_start3A_580 = tpu.memref_slice %arg7[%dma_start3A_578, %dma_start3A_579] : memref<10112x64xf32, #tpu.memory_space<vmem_shared>> -> memref<10112x64xf32, #tpu.memory_space<vmem_shared>>
      tpu.enqueue_indirect_dma source(%dma_start3A_580 : memref<10112x64xf32, #tpu.memory_space<vmem_shared>>) target(%dma_start3A_574 : memref<128x64xf32, #tpu.memory_space<vmem>>) offsets(%dma_start3A_577 : memref<128xi32, #tpu.memory_space<vmem>>) semaphore(%arg12 : memref<!tpu.dma_semaphore, #tpu.memory_space<semaphore_mem>>)
      %add3A_581 = arith.constant 3 : i32
      %add3A_582 = arith.addi %add3A_504, %add3A_581 : i32
      %jit3A_583 = arith.constant 80 : i32
      %eq3A_584 = arith.constant 0 : i32
      %eq3A_585 = arith.cmpi eq, %jit3A_583, %eq3A_584 : i32
      %jit3A_586 = arith.constant 1 : i32
      %select_n3A_587 = arith.select %eq3A_585, %jit3A_586, %jit3A_583 : i32
      %rem3A_588 = arith.remsi %add3A_582, %select_n3A_587 : i32
      %ne3A_589 = arith.constant 0 : i32
      %ne3A_590 = arith.cmpi ne, %rem3A_588, %ne3A_589 : i32
      %lt3A_591 = arith.constant 0 : i32
      %lt3A_592 = arith.cmpi slt, %rem3A_588, %lt3A_591 : i32
      %lt3A_593 = arith.constant 0 : i32
      %lt3A_594 = arith.cmpi slt, %select_n3A_587, %lt3A_593 : i32
      %ne3A_595 = arith.xori %lt3A_592, %lt3A_594 : i1
      %and3A_596 = arith.andi %ne3A_595, %ne3A_590 : i1
      %add3A_597 = arith.addi %rem3A_588, %select_n3A_587 : i32
      %select_n3A_598 = arith.select %and3A_596, %add3A_597, %rem3A_588 : i32
      %dma_start3A_599 = arith.constant 1 : i32
      %dma_start3A_600 = arith.constant 0 : i32
      %dma_start3A_601 = tpu.memref_slice %arg9[%dma_start3A_599, %dma_start3A_600] : memref<4x128xi32, #tpu.memory_space<vmem>> -> memref<1x128xi32, #tpu.memory_space<vmem>>
      %dma_start3A_602 = tpu.memref_squeeze %dma_start3A_601 : memref<1x128xi32, #tpu.memory_space<vmem>> -> memref<128xi32, #tpu.memory_space<vmem>>
      %dma_start3A_603 = arith.constant 0 : i32
      %dma_start3A_604 = tpu.memref_slice %arg3[%add3A, %select_n3A_598, %dma_start3A_603] : memref<32x80x128xi32, #tpu.memory_space<hbm>> -> memref<1x1x128xi32, #tpu.memory_space<hbm>>
      %dma_start3A_605 = tpu.memref_squeeze %dma_start3A_604 : memref<1x1x128xi32, #tpu.memory_space<hbm>> -> memref<128xi32, #tpu.memory_space<hbm>>
      %dma_start3A_606 = arith.constant 0 : i32
      %dma_start3A_607 = tpu.memref_slice %arg9[%dma_start3A_599, %dma_start3A_606] : memref<4x128xi32, #tpu.memory_space<vmem>> -> memref<1x128xi32, #tpu.memory_space<vmem>>
      %dma_start3A_608 = tpu.memref_squeeze %dma_start3A_607 : memref<1x128xi32, #tpu.memory_space<vmem>> -> memref<128xi32, #tpu.memory_space<vmem>>
      %dma_start3A_609 = arith.constant 0 : i32
      %dma_start3A_610 = tpu.memref_slice %arg3[%add3A, %select_n3A_598, %dma_start3A_609] : memref<32x80x128xi32, #tpu.memory_space<hbm>> -> memref<1x1x128xi32, #tpu.memory_space<hbm>>
      %dma_start3A_611 = tpu.memref_squeeze %dma_start3A_610 : memref<1x1x128xi32, #tpu.memory_space<hbm>> -> memref<128xi32, #tpu.memory_space<hbm>>
      tpu.enqueue_dma source(%dma_start3A_611 : memref<128xi32, #tpu.memory_space<hbm>>) target(%dma_start3A_608 : memref<128xi32, #tpu.memory_space<vmem>>) target_semaphore(%arg16 : memref<!tpu.dma_semaphore, #tpu.memory_space<semaphore_mem>>)
      %dma_start3A_612 = arith.constant 1 : i32
      %dma_start3A_613 = arith.constant 0 : i32
      %dma_start3A_614 = tpu.memref_slice %arg10[%dma_start3A_612, %dma_start3A_613] : memref<4x128xi32, #tpu.memory_space<vmem>> -> memref<1x128xi32, #tpu.memory_space<vmem>>
      %dma_start3A_615 = tpu.memref_squeeze %dma_start3A_614 : memref<1x128xi32, #tpu.memory_space<vmem>> -> memref<128xi32, #tpu.memory_space<vmem>>
      %dma_start3A_616 = arith.constant 0 : i32
      %dma_start3A_617 = tpu.memref_slice %arg4[%add3A, %select_n3A_598, %dma_start3A_616] : memref<32x80x128xi32, #tpu.memory_space<hbm>> -> memref<1x1x128xi32, #tpu.memory_space<hbm>>
      %dma_start3A_618 = tpu.memref_squeeze %dma_start3A_617 : memref<1x1x128xi32, #tpu.memory_space<hbm>> -> memref<128xi32, #tpu.memory_space<hbm>>
      %dma_start3A_619 = arith.constant 0 : i32
      %dma_start3A_620 = tpu.memref_slice %arg10[%dma_start3A_612, %dma_start3A_619] : memref<4x128xi32, #tpu.memory_space<vmem>> -> memref<1x128xi32, #tpu.memory_space<vmem>>
      %dma_start3A_621 = tpu.memref_squeeze %dma_start3A_620 : memref<1x128xi32, #tpu.memory_space<vmem>> -> memref<128xi32, #tpu.memory_space<vmem>>
      %dma_start3A_622 = arith.constant 0 : i32
      %dma_start3A_623 = tpu.memref_slice %arg4[%add3A, %select_n3A_598, %dma_start3A_622] : memref<32x80x128xi32, #tpu.memory_space<hbm>> -> memref<1x1x128xi32, #tpu.memory_space<hbm>>
      %dma_start3A_624 = tpu.memref_squeeze %dma_start3A_623 : memref<1x1x128xi32, #tpu.memory_space<hbm>> -> memref<128xi32, #tpu.memory_space<hbm>>
      tpu.enqueue_dma source(%dma_start3A_624 : memref<128xi32, #tpu.memory_space<hbm>>) target(%dma_start3A_621 : memref<128xi32, #tpu.memory_space<vmem>>) target_semaphore(%arg16 : memref<!tpu.dma_semaphore, #tpu.memory_space<semaphore_mem>>)
      %mul3A_625 = arith.constant 4 : i32
      %mul3A_626 = arith.muli %scan3A_259, %mul3A_625 : i32
      %add3A_627 = arith.constant 3 : i32
      %add3A_628 = arith.addi %mul3A_626, %add3A_627 : i32
      %dma_wait3A_629 = arith.constant 3 : i32
      %dma_wait3A_630 = arith.constant 1 : i32
      %dma_wait3A_631 = arith.constant 0 : i32
      %dma_wait3A_632 = arith.constant 0 : i32
      %dma_wait3A_633 = tpu.memref_slice %arg8[%dma_wait3A_630, %dma_wait3A_631, %dma_wait3A_632] : memref<2x128x64xf32, #tpu.memory_space<vmem>> -> memref<1x128x64xf32, #tpu.memory_space<vmem>>
      %dma_wait3A_634 = tpu.memref_squeeze %dma_wait3A_633 : memref<1x128x64xf32, #tpu.memory_space<vmem>> -> memref<128x64xf32, #tpu.memory_space<vmem>>
      %dma_wait3A_635 = arith.constant 0 : i32
      %dma_wait3A_636 = tpu.memref_slice %arg9[%dma_wait3A_629, %dma_wait3A_635] : memref<4x128xi32, #tpu.memory_space<vmem>> -> memref<1x128xi32, #tpu.memory_space<vmem>>
      %dma_wait3A_637 = tpu.memref_squeeze %dma_wait3A_636 : memref<1x128xi32, #tpu.memory_space<vmem>> -> memref<128xi32, #tpu.memory_space<vmem>>
      %dma_wait3A_638 = arith.constant 0 : i32
      %dma_wait3A_639 = arith.constant 0 : i32
      %dma_wait3A_640 = tpu.memref_slice %arg7[%dma_wait3A_638, %dma_wait3A_639] : memref<10112x64xf32, #tpu.memory_space<vmem_shared>> -> memref<10112x64xf32, #tpu.memory_space<vmem_shared>>
      tpu.wait_indirect_dma semaphore(%arg12 : memref<!tpu.dma_semaphore, #tpu.memory_space<semaphore_mem>>) src(%dma_wait3A_640 : memref<10112x64xf32, #tpu.memory_space<vmem_shared>>) dst(%dma_wait3A_634 : memref<128x64xf32, #tpu.memory_space<vmem>>)
      %dma_wait3A_641 = arith.constant 0 : i32
      %dma_wait3A_642 = arith.constant 0 : i32
      %dma_wait3A_643 = arith.constant 0 : i32
      %dma_wait3A_644 = tpu.memref_slice %arg9[%dma_wait3A_642, %dma_wait3A_643] : memref<4x128xi32, #tpu.memory_space<vmem>> -> memref<1x128xi32, #tpu.memory_space<vmem>>
      %dma_wait3A_645 = tpu.memref_squeeze %dma_wait3A_644 : memref<1x128xi32, #tpu.memory_space<vmem>> -> memref<128xi32, #tpu.memory_space<vmem>>
      %dma_wait3A_646 = arith.constant 0 : i32
      %dma_wait3A_647 = tpu.memref_slice %arg3[%add3A, %dma_wait3A_641, %dma_wait3A_646] : memref<32x80x128xi32, #tpu.memory_space<hbm>> -> memref<1x1x128xi32, #tpu.memory_space<hbm>>
      %dma_wait3A_648 = tpu.memref_squeeze %dma_wait3A_647 : memref<1x1x128xi32, #tpu.memory_space<hbm>> -> memref<128xi32, #tpu.memory_space<hbm>>
      %dma_wait3A_649 = arith.constant 0 : i32
      %dma_wait3A_650 = tpu.memref_slice %arg9[%dma_wait3A_642, %dma_wait3A_649] : memref<4x128xi32, #tpu.memory_space<vmem>> -> memref<1x128xi32, #tpu.memory_space<vmem>>
      %dma_wait3A_651 = tpu.memref_squeeze %dma_wait3A_650 : memref<1x128xi32, #tpu.memory_space<vmem>> -> memref<128xi32, #tpu.memory_space<vmem>>
      %dma_wait3A_652 = arith.constant 0 : i32
      %dma_wait3A_653 = tpu.memref_slice %arg3[%add3A, %dma_wait3A_641, %dma_wait3A_652] : memref<32x80x128xi32, #tpu.memory_space<hbm>> -> memref<1x1x128xi32, #tpu.memory_space<hbm>>
      %dma_wait3A_654 = tpu.memref_squeeze %dma_wait3A_653 : memref<1x1x128xi32, #tpu.memory_space<hbm>> -> memref<128xi32, #tpu.memory_space<hbm>>
      tpu.wait_dma2 semaphore(%arg15 : memref<!tpu.dma_semaphore, #tpu.memory_space<semaphore_mem>>) src(%dma_wait3A_654 : memref<128xi32, #tpu.memory_space<hbm>>) dst(%dma_wait3A_651 : memref<128xi32, #tpu.memory_space<vmem>>)
      %dma_wait3A_655 = arith.constant 0 : i32
      %dma_wait3A_656 = arith.constant 0 : i32
      %dma_wait3A_657 = arith.constant 0 : i32
      %dma_wait3A_658 = tpu.memref_slice %arg10[%dma_wait3A_656, %dma_wait3A_657] : memref<4x128xi32, #tpu.memory_space<vmem>> -> memref<1x128xi32, #tpu.memory_space<vmem>>
      %dma_wait3A_659 = tpu.memref_squeeze %dma_wait3A_658 : memref<1x128xi32, #tpu.memory_space<vmem>> -> memref<128xi32, #tpu.memory_space<vmem>>
      %dma_wait3A_660 = arith.constant 0 : i32
      %dma_wait3A_661 = tpu.memref_slice %arg4[%add3A, %dma_wait3A_655, %dma_wait3A_660] : memref<32x80x128xi32, #tpu.memory_space<hbm>> -> memref<1x1x128xi32, #tpu.memory_space<hbm>>
      %dma_wait3A_662 = tpu.memref_squeeze %dma_wait3A_661 : memref<1x1x128xi32, #tpu.memory_space<hbm>> -> memref<128xi32, #tpu.memory_space<hbm>>
      %dma_wait3A_663 = arith.constant 0 : i32
      %dma_wait3A_664 = tpu.memref_slice %arg10[%dma_wait3A_656, %dma_wait3A_663] : memref<4x128xi32, #tpu.memory_space<vmem>> -> memref<1x128xi32, #tpu.memory_space<vmem>>
      %dma_wait3A_665 = tpu.memref_squeeze %dma_wait3A_664 : memref<1x128xi32, #tpu.memory_space<vmem>> -> memref<128xi32, #tpu.memory_space<vmem>>
      %dma_wait3A_666 = arith.constant 0 : i32
      %dma_wait3A_667 = tpu.memref_slice %arg4[%add3A, %dma_wait3A_655, %dma_wait3A_666] : memref<32x80x128xi32, #tpu.memory_space<hbm>> -> memref<1x1x128xi32, #tpu.memory_space<hbm>>
      %dma_wait3A_668 = tpu.memref_squeeze %dma_wait3A_667 : memref<1x1x128xi32, #tpu.memory_space<hbm>> -> memref<128xi32, #tpu.memory_space<hbm>>
      tpu.wait_dma2 semaphore(%arg15 : memref<!tpu.dma_semaphore, #tpu.memory_space<semaphore_mem>>) src(%dma_wait3A_668 : memref<128xi32, #tpu.memory_space<hbm>>) dst(%dma_wait3A_665 : memref<128xi32, #tpu.memory_space<vmem>>)
      %dma_start3A_669 = arith.constant 1 : i32
      %dma_start3A_670 = arith.constant 3 : i32
      %dma_start3A_671 = arith.constant 0 : i32
      %dma_start3A_672 = arith.constant 0 : i32
      %dma_start3A_673 = tpu.memref_slice %arg8[%dma_start3A_669, %dma_start3A_671, %dma_start3A_672] : memref<2x128x64xf32, #tpu.memory_space<vmem>> -> memref<1x128x64xf32, #tpu.memory_space<vmem>>
      %dma_start3A_674 = tpu.memref_squeeze %dma_start3A_673 : memref<1x128x64xf32, #tpu.memory_space<vmem>> -> memref<128x64xf32, #tpu.memory_space<vmem>>
      %dma_start3A_675 = arith.constant 0 : i32
      %dma_start3A_676 = tpu.memref_slice %arg10[%dma_start3A_670, %dma_start3A_675] : memref<4x128xi32, #tpu.memory_space<vmem>> -> memref<1x128xi32, #tpu.memory_space<vmem>>
      %dma_start3A_677 = tpu.memref_squeeze %dma_start3A_676 : memref<1x128xi32, #tpu.memory_space<vmem>> -> memref<128xi32, #tpu.memory_space<vmem>>
      %dma_start3A_678 = arith.constant 0 : i32
      %dma_start3A_679 = arith.constant 0 : i32
      %dma_start3A_680 = tpu.memref_slice %arg6[%dma_start3A_678, %dma_start3A_679] : memref<10112x64xf32, #tpu.memory_space<vmem_shared>> -> memref<10112x64xf32, #tpu.memory_space<vmem_shared>>
      tpu.enqueue_indirect_dma source(%dma_start3A_674 : memref<128x64xf32, #tpu.memory_space<vmem>>) target(%dma_start3A_680 : memref<10112x64xf32, #tpu.memory_space<vmem_shared>>) offsets(%dma_start3A_677 : memref<128xi32, #tpu.memory_space<vmem>>) semaphore(%arg14 : memref<!tpu.dma_semaphore, #tpu.memory_space<semaphore_mem>>) {add = true}
      %dma_wait3A_681 = arith.constant 0 : i32
      %dma_wait3A_682 = arith.constant 2 : i32
      %dma_wait3A_683 = arith.constant 0 : i32
      %dma_wait3A_684 = arith.constant 0 : i32
      %dma_wait3A_685 = tpu.memref_slice %arg8[%dma_wait3A_681, %dma_wait3A_683, %dma_wait3A_684] : memref<2x128x64xf32, #tpu.memory_space<vmem>> -> memref<1x128x64xf32, #tpu.memory_space<vmem>>
      %dma_wait3A_686 = tpu.memref_squeeze %dma_wait3A_685 : memref<1x128x64xf32, #tpu.memory_space<vmem>> -> memref<128x64xf32, #tpu.memory_space<vmem>>
      %dma_wait3A_687 = arith.constant 0 : i32
      %dma_wait3A_688 = tpu.memref_slice %arg10[%dma_wait3A_682, %dma_wait3A_687] : memref<4x128xi32, #tpu.memory_space<vmem>> -> memref<1x128xi32, #tpu.memory_space<vmem>>
      %dma_wait3A_689 = tpu.memref_squeeze %dma_wait3A_688 : memref<1x128xi32, #tpu.memory_space<vmem>> -> memref<128xi32, #tpu.memory_space<vmem>>
      %dma_wait3A_690 = arith.constant 0 : i32
      %dma_wait3A_691 = arith.constant 0 : i32
      %dma_wait3A_692 = tpu.memref_slice %arg6[%dma_wait3A_690, %dma_wait3A_691] : memref<10112x64xf32, #tpu.memory_space<vmem_shared>> -> memref<10112x64xf32, #tpu.memory_space<vmem_shared>>
      tpu.wait_indirect_dma semaphore(%arg13 : memref<!tpu.dma_semaphore, #tpu.memory_space<semaphore_mem>>) src(%dma_wait3A_686 : memref<128x64xf32, #tpu.memory_space<vmem>>) dst(%dma_wait3A_692 : memref<10112x64xf32, #tpu.memory_space<vmem_shared>>)
      %dma_start3A_693 = arith.constant 0 : i32
      %dma_start3A_694 = arith.constant 0 : i32
      %dma_start3A_695 = arith.constant 0 : i32
      %dma_start3A_696 = arith.constant 0 : i32
      %dma_start3A_697 = tpu.memref_slice %arg8[%dma_start3A_694, %dma_start3A_695, %dma_start3A_696] : memref<2x128x64xf32, #tpu.memory_space<vmem>> -> memref<1x128x64xf32, #tpu.memory_space<vmem>>
      %dma_start3A_698 = tpu.memref_squeeze %dma_start3A_697 : memref<1x128x64xf32, #tpu.memory_space<vmem>> -> memref<128x64xf32, #tpu.memory_space<vmem>>
      %dma_start3A_699 = arith.constant 0 : i32
      %dma_start3A_700 = tpu.memref_slice %arg9[%dma_start3A_693, %dma_start3A_699] : memref<4x128xi32, #tpu.memory_space<vmem>> -> memref<1x128xi32, #tpu.memory_space<vmem>>
      %dma_start3A_701 = tpu.memref_squeeze %dma_start3A_700 : memref<1x128xi32, #tpu.memory_space<vmem>> -> memref<128xi32, #tpu.memory_space<vmem>>
      %dma_start3A_702 = arith.constant 0 : i32
      %dma_start3A_703 = arith.constant 0 : i32
      %dma_start3A_704 = tpu.memref_slice %arg7[%dma_start3A_702, %dma_start3A_703] : memref<10112x64xf32, #tpu.memory_space<vmem_shared>> -> memref<10112x64xf32, #tpu.memory_space<vmem_shared>>
      tpu.enqueue_indirect_dma source(%dma_start3A_704 : memref<10112x64xf32, #tpu.memory_space<vmem_shared>>) target(%dma_start3A_698 : memref<128x64xf32, #tpu.memory_space<vmem>>) offsets(%dma_start3A_701 : memref<128xi32, #tpu.memory_space<vmem>>) semaphore(%arg11 : memref<!tpu.dma_semaphore, #tpu.memory_space<semaphore_mem>>)
      %add3A_705 = arith.constant 3 : i32
      %add3A_706 = arith.addi %add3A_628, %add3A_705 : i32
      %jit3A_707 = arith.constant 80 : i32
      %eq3A_708 = arith.constant 0 : i32
      %eq3A_709 = arith.cmpi eq, %jit3A_707, %eq3A_708 : i32
      %jit3A_710 = arith.constant 1 : i32
      %select_n3A_711 = arith.select %eq3A_709, %jit3A_710, %jit3A_707 : i32
      %rem3A_712 = arith.remsi %add3A_706, %select_n3A_711 : i32
      %ne3A_713 = arith.constant 0 : i32
      %ne3A_714 = arith.cmpi ne, %rem3A_712, %ne3A_713 : i32
      %lt3A_715 = arith.constant 0 : i32
      %lt3A_716 = arith.cmpi slt, %rem3A_712, %lt3A_715 : i32
      %lt3A_717 = arith.constant 0 : i32
      %lt3A_718 = arith.cmpi slt, %select_n3A_711, %lt3A_717 : i32
      %ne3A_719 = arith.xori %lt3A_716, %lt3A_718 : i1
      %and3A_720 = arith.andi %ne3A_719, %ne3A_714 : i1
      %add3A_721 = arith.addi %rem3A_712, %select_n3A_711 : i32
      %select_n3A_722 = arith.select %and3A_720, %add3A_721, %rem3A_712 : i32
      %dma_start3A_723 = arith.constant 2 : i32
      %dma_start3A_724 = arith.constant 0 : i32
      %dma_start3A_725 = tpu.memref_slice %arg9[%dma_start3A_723, %dma_start3A_724] : memref<4x128xi32, #tpu.memory_space<vmem>> -> memref<1x128xi32, #tpu.memory_space<vmem>>
      %dma_start3A_726 = tpu.memref_squeeze %dma_start3A_725 : memref<1x128xi32, #tpu.memory_space<vmem>> -> memref<128xi32, #tpu.memory_space<vmem>>
      %dma_start3A_727 = arith.constant 0 : i32
      %dma_start3A_728 = tpu.memref_slice %arg3[%add3A, %select_n3A_722, %dma_start3A_727] : memref<32x80x128xi32, #tpu.memory_space<hbm>> -> memref<1x1x128xi32, #tpu.memory_space<hbm>>
      %dma_start3A_729 = tpu.memref_squeeze %dma_start3A_728 : memref<1x1x128xi32, #tpu.memory_space<hbm>> -> memref<128xi32, #tpu.memory_space<hbm>>
      %dma_start3A_730 = arith.constant 0 : i32
      %dma_start3A_731 = tpu.memref_slice %arg9[%dma_start3A_723, %dma_start3A_730] : memref<4x128xi32, #tpu.memory_space<vmem>> -> memref<1x128xi32, #tpu.memory_space<vmem>>
      %dma_start3A_732 = tpu.memref_squeeze %dma_start3A_731 : memref<1x128xi32, #tpu.memory_space<vmem>> -> memref<128xi32, #tpu.memory_space<vmem>>
      %dma_start3A_733 = arith.constant 0 : i32
      %dma_start3A_734 = tpu.memref_slice %arg3[%add3A, %select_n3A_722, %dma_start3A_733] : memref<32x80x128xi32, #tpu.memory_space<hbm>> -> memref<1x1x128xi32, #tpu.memory_space<hbm>>
      %dma_start3A_735 = tpu.memref_squeeze %dma_start3A_734 : memref<1x1x128xi32, #tpu.memory_space<hbm>> -> memref<128xi32, #tpu.memory_space<hbm>>
      tpu.enqueue_dma source(%dma_start3A_735 : memref<128xi32, #tpu.memory_space<hbm>>) target(%dma_start3A_732 : memref<128xi32, #tpu.memory_space<vmem>>) target_semaphore(%arg17 : memref<!tpu.dma_semaphore, #tpu.memory_space<semaphore_mem>>)
      %dma_start3A_736 = arith.constant 2 : i32
      %dma_start3A_737 = arith.constant 0 : i32
      %dma_start3A_738 = tpu.memref_slice %arg10[%dma_start3A_736, %dma_start3A_737] : memref<4x128xi32, #tpu.memory_space<vmem>> -> memref<1x128xi32, #tpu.memory_space<vmem>>
      %dma_start3A_739 = tpu.memref_squeeze %dma_start3A_738 : memref<1x128xi32, #tpu.memory_space<vmem>> -> memref<128xi32, #tpu.memory_space<vmem>>
      %dma_start3A_740 = arith.constant 0 : i32
      %dma_start3A_741 = tpu.memref_slice %arg4[%add3A, %select_n3A_722, %dma_start3A_740] : memref<32x80x128xi32, #tpu.memory_space<hbm>> -> memref<1x1x128xi32, #tpu.memory_space<hbm>>
      %dma_start3A_742 = tpu.memref_squeeze %dma_start3A_741 : memref<1x1x128xi32, #tpu.memory_space<hbm>> -> memref<128xi32, #tpu.memory_space<hbm>>
      %dma_start3A_743 = arith.constant 0 : i32
      %dma_start3A_744 = tpu.memref_slice %arg10[%dma_start3A_736, %dma_start3A_743] : memref<4x128xi32, #tpu.memory_space<vmem>> -> memref<1x128xi32, #tpu.memory_space<vmem>>
      %dma_start3A_745 = tpu.memref_squeeze %dma_start3A_744 : memref<1x128xi32, #tpu.memory_space<vmem>> -> memref<128xi32, #tpu.memory_space<vmem>>
      %dma_start3A_746 = arith.constant 0 : i32
      %dma_start3A_747 = tpu.memref_slice %arg4[%add3A, %select_n3A_722, %dma_start3A_746] : memref<32x80x128xi32, #tpu.memory_space<hbm>> -> memref<1x1x128xi32, #tpu.memory_space<hbm>>
      %dma_start3A_748 = tpu.memref_squeeze %dma_start3A_747 : memref<1x1x128xi32, #tpu.memory_space<hbm>> -> memref<128xi32, #tpu.memory_space<hbm>>
      tpu.enqueue_dma source(%dma_start3A_748 : memref<128xi32, #tpu.memory_space<hbm>>) target(%dma_start3A_745 : memref<128xi32, #tpu.memory_space<vmem>>) target_semaphore(%arg17 : memref<!tpu.dma_semaphore, #tpu.memory_space<semaphore_mem>>)
    }
    %scan3A_173 = arith.constant 20 : i32
    %dma_wait3A_174 = arith.constant 0 : i32
    %dma_wait3A_175 = arith.constant 0 : i32
    %dma_wait3A_176 = arith.constant 0 : i32
    %dma_wait3A_177 = arith.constant 0 : i32
    %dma_wait3A_178 = tpu.memref_slice %arg8[%dma_wait3A_175, %dma_wait3A_176, %dma_wait3A_177] : memref<2x128x64xf32, #tpu.memory_space<vmem>> -> memref<1x128x64xf32, #tpu.memory_space<vmem>>
    %dma_wait3A_179 = tpu.memref_squeeze %dma_wait3A_178 : memref<1x128x64xf32, #tpu.memory_space<vmem>> -> memref<128x64xf32, #tpu.memory_space<vmem>>
    %dma_wait3A_180 = arith.constant 0 : i32
    %dma_wait3A_181 = tpu.memref_slice %arg9[%dma_wait3A_174, %dma_wait3A_180] : memref<4x128xi32, #tpu.memory_space<vmem>> -> memref<1x128xi32, #tpu.memory_space<vmem>>
    %dma_wait3A_182 = tpu.memref_squeeze %dma_wait3A_181 : memref<1x128xi32, #tpu.memory_space<vmem>> -> memref<128xi32, #tpu.memory_space<vmem>>
    %dma_wait3A_183 = arith.constant 0 : i32
    %dma_wait3A_184 = arith.constant 0 : i32
    %dma_wait3A_185 = tpu.memref_slice %arg7[%dma_wait3A_183, %dma_wait3A_184] : memref<10112x64xf32, #tpu.memory_space<vmem_shared>> -> memref<10112x64xf32, #tpu.memory_space<vmem_shared>>
    tpu.wait_indirect_dma semaphore(%arg11 : memref<!tpu.dma_semaphore, #tpu.memory_space<semaphore_mem>>) src(%dma_wait3A_185 : memref<10112x64xf32, #tpu.memory_space<vmem_shared>>) dst(%dma_wait3A_179 : memref<128x64xf32, #tpu.memory_space<vmem>>)
    %dma_wait3A_186 = arith.constant 1 : i32
    %dma_wait3A_187 = arith.constant 3 : i32
    %dma_wait3A_188 = arith.constant 0 : i32
    %dma_wait3A_189 = arith.constant 0 : i32
    %dma_wait3A_190 = tpu.memref_slice %arg8[%dma_wait3A_186, %dma_wait3A_188, %dma_wait3A_189] : memref<2x128x64xf32, #tpu.memory_space<vmem>> -> memref<1x128x64xf32, #tpu.memory_space<vmem>>
    %dma_wait3A_191 = tpu.memref_squeeze %dma_wait3A_190 : memref<1x128x64xf32, #tpu.memory_space<vmem>> -> memref<128x64xf32, #tpu.memory_space<vmem>>
    %dma_wait3A_192 = arith.constant 0 : i32
    %dma_wait3A_193 = tpu.memref_slice %arg10[%dma_wait3A_187, %dma_wait3A_192] : memref<4x128xi32, #tpu.memory_space<vmem>> -> memref<1x128xi32, #tpu.memory_space<vmem>>
    %dma_wait3A_194 = tpu.memref_squeeze %dma_wait3A_193 : memref<1x128xi32, #tpu.memory_space<vmem>> -> memref<128xi32, #tpu.memory_space<vmem>>
    %dma_wait3A_195 = arith.constant 0 : i32
    %dma_wait3A_196 = arith.constant 0 : i32
    %dma_wait3A_197 = tpu.memref_slice %arg6[%dma_wait3A_195, %dma_wait3A_196] : memref<10112x64xf32, #tpu.memory_space<vmem_shared>> -> memref<10112x64xf32, #tpu.memory_space<vmem_shared>>
    tpu.wait_indirect_dma semaphore(%arg14 : memref<!tpu.dma_semaphore, #tpu.memory_space<semaphore_mem>>) src(%dma_wait3A_191 : memref<128x64xf32, #tpu.memory_space<vmem>>) dst(%dma_wait3A_197 : memref<10112x64xf32, #tpu.memory_space<vmem_shared>>)
    %dma_wait3A_198 = arith.constant 0 : i32
    %dma_wait3A_199 = arith.constant 1 : i32
    %dma_wait3A_200 = arith.constant 0 : i32
    %dma_wait3A_201 = tpu.memref_slice %arg9[%dma_wait3A_199, %dma_wait3A_200] : memref<4x128xi32, #tpu.memory_space<vmem>> -> memref<1x128xi32, #tpu.memory_space<vmem>>
    %dma_wait3A_202 = tpu.memref_squeeze %dma_wait3A_201 : memref<1x128xi32, #tpu.memory_space<vmem>> -> memref<128xi32, #tpu.memory_space<vmem>>
    %dma_wait3A_203 = arith.constant 0 : i32
    %dma_wait3A_204 = tpu.memref_slice %arg3[%add3A, %dma_wait3A_198, %dma_wait3A_203] : memref<32x80x128xi32, #tpu.memory_space<hbm>> -> memref<1x1x128xi32, #tpu.memory_space<hbm>>
    %dma_wait3A_205 = tpu.memref_squeeze %dma_wait3A_204 : memref<1x1x128xi32, #tpu.memory_space<hbm>> -> memref<128xi32, #tpu.memory_space<hbm>>
    %dma_wait3A_206 = arith.constant 0 : i32
    %dma_wait3A_207 = tpu.memref_slice %arg9[%dma_wait3A_199, %dma_wait3A_206] : memref<4x128xi32, #tpu.memory_space<vmem>> -> memref<1x128xi32, #tpu.memory_space<vmem>>
    %dma_wait3A_208 = tpu.memref_squeeze %dma_wait3A_207 : memref<1x128xi32, #tpu.memory_space<vmem>> -> memref<128xi32, #tpu.memory_space<vmem>>
    %dma_wait3A_209 = arith.constant 0 : i32
    %dma_wait3A_210 = tpu.memref_slice %arg3[%add3A, %dma_wait3A_198, %dma_wait3A_209] : memref<32x80x128xi32, #tpu.memory_space<hbm>> -> memref<1x1x128xi32, #tpu.memory_space<hbm>>
    %dma_wait3A_211 = tpu.memref_squeeze %dma_wait3A_210 : memref<1x1x128xi32, #tpu.memory_space<hbm>> -> memref<128xi32, #tpu.memory_space<hbm>>
    tpu.wait_dma2 semaphore(%arg16 : memref<!tpu.dma_semaphore, #tpu.memory_space<semaphore_mem>>) src(%dma_wait3A_211 : memref<128xi32, #tpu.memory_space<hbm>>) dst(%dma_wait3A_208 : memref<128xi32, #tpu.memory_space<vmem>>)
    %dma_wait3A_212 = arith.constant 0 : i32
    %dma_wait3A_213 = arith.constant 1 : i32
    %dma_wait3A_214 = arith.constant 0 : i32
    %dma_wait3A_215 = tpu.memref_slice %arg10[%dma_wait3A_213, %dma_wait3A_214] : memref<4x128xi32, #tpu.memory_space<vmem>> -> memref<1x128xi32, #tpu.memory_space<vmem>>
    %dma_wait3A_216 = tpu.memref_squeeze %dma_wait3A_215 : memref<1x128xi32, #tpu.memory_space<vmem>> -> memref<128xi32, #tpu.memory_space<vmem>>
    %dma_wait3A_217 = arith.constant 0 : i32
    %dma_wait3A_218 = tpu.memref_slice %arg4[%add3A, %dma_wait3A_212, %dma_wait3A_217] : memref<32x80x128xi32, #tpu.memory_space<hbm>> -> memref<1x1x128xi32, #tpu.memory_space<hbm>>
    %dma_wait3A_219 = tpu.memref_squeeze %dma_wait3A_218 : memref<1x1x128xi32, #tpu.memory_space<hbm>> -> memref<128xi32, #tpu.memory_space<hbm>>
    %dma_wait3A_220 = arith.constant 0 : i32
    %dma_wait3A_221 = tpu.memref_slice %arg10[%dma_wait3A_213, %dma_wait3A_220] : memref<4x128xi32, #tpu.memory_space<vmem>> -> memref<1x128xi32, #tpu.memory_space<vmem>>
    %dma_wait3A_222 = tpu.memref_squeeze %dma_wait3A_221 : memref<1x128xi32, #tpu.memory_space<vmem>> -> memref<128xi32, #tpu.memory_space<vmem>>
    %dma_wait3A_223 = arith.constant 0 : i32
    %dma_wait3A_224 = tpu.memref_slice %arg4[%add3A, %dma_wait3A_212, %dma_wait3A_223] : memref<32x80x128xi32, #tpu.memory_space<hbm>> -> memref<1x1x128xi32, #tpu.memory_space<hbm>>
    %dma_wait3A_225 = tpu.memref_squeeze %dma_wait3A_224 : memref<1x1x128xi32, #tpu.memory_space<hbm>> -> memref<128xi32, #tpu.memory_space<hbm>>
    tpu.wait_dma2 semaphore(%arg16 : memref<!tpu.dma_semaphore, #tpu.memory_space<semaphore_mem>>) src(%dma_wait3A_225 : memref<128xi32, #tpu.memory_space<hbm>>) dst(%dma_wait3A_222 : memref<128xi32, #tpu.memory_space<vmem>>)
    %dma_wait3A_226 = arith.constant 0 : i32
    %dma_wait3A_227 = arith.constant 2 : i32
    %dma_wait3A_228 = arith.constant 0 : i32
    %dma_wait3A_229 = tpu.memref_slice %arg9[%dma_wait3A_227, %dma_wait3A_228] : memref<4x128xi32, #tpu.memory_space<vmem>> -> memref<1x128xi32, #tpu.memory_space<vmem>>
    %dma_wait3A_230 = tpu.memref_squeeze %dma_wait3A_229 : memref<1x128xi32, #tpu.memory_space<vmem>> -> memref<128xi32, #tpu.memory_space<vmem>>
    %dma_wait3A_231 = arith.constant 0 : i32
    %dma_wait3A_232 = tpu.memref_slice %arg3[%add3A, %dma_wait3A_226, %dma_wait3A_231] : memref<32x80x128xi32, #tpu.memory_space<hbm>> -> memref<1x1x128xi32, #tpu.memory_space<hbm>>
    %dma_wait3A_233 = tpu.memref_squeeze %dma_wait3A_232 : memref<1x1x128xi32, #tpu.memory_space<hbm>> -> memref<128xi32, #tpu.memory_space<hbm>>
    %dma_wait3A_234 = arith.constant 0 : i32
    %dma_wait3A_235 = tpu.memref_slice %arg9[%dma_wait3A_227, %dma_wait3A_234] : memref<4x128xi32, #tpu.memory_space<vmem>> -> memref<1x128xi32, #tpu.memory_space<vmem>>
    %dma_wait3A_236 = tpu.memref_squeeze %dma_wait3A_235 : memref<1x128xi32, #tpu.memory_space<vmem>> -> memref<128xi32, #tpu.memory_space<vmem>>
    %dma_wait3A_237 = arith.constant 0 : i32
    %dma_wait3A_238 = tpu.memref_slice %arg3[%add3A, %dma_wait3A_226, %dma_wait3A_237] : memref<32x80x128xi32, #tpu.memory_space<hbm>> -> memref<1x1x128xi32, #tpu.memory_space<hbm>>
    %dma_wait3A_239 = tpu.memref_squeeze %dma_wait3A_238 : memref<1x1x128xi32, #tpu.memory_space<hbm>> -> memref<128xi32, #tpu.memory_space<hbm>>
    tpu.wait_dma2 semaphore(%arg17 : memref<!tpu.dma_semaphore, #tpu.memory_space<semaphore_mem>>) src(%dma_wait3A_239 : memref<128xi32, #tpu.memory_space<hbm>>) dst(%dma_wait3A_236 : memref<128xi32, #tpu.memory_space<vmem>>)
    %dma_wait3A_240 = arith.constant 0 : i32
    %dma_wait3A_241 = arith.constant 2 : i32
    %dma_wait3A_242 = arith.constant 0 : i32
    %dma_wait3A_243 = tpu.memref_slice %arg10[%dma_wait3A_241, %dma_wait3A_242] : memref<4x128xi32, #tpu.memory_space<vmem>> -> memref<1x128xi32, #tpu.memory_space<vmem>>
    %dma_wait3A_244 = tpu.memref_squeeze %dma_wait3A_243 : memref<1x128xi32, #tpu.memory_space<vmem>> -> memref<128xi32, #tpu.memory_space<vmem>>
    %dma_wait3A_245 = arith.constant 0 : i32
    %dma_wait3A_246 = tpu.memref_slice %arg4[%add3A, %dma_wait3A_240, %dma_wait3A_245] : memref<32x80x128xi32, #tpu.memory_space<hbm>> -> memref<1x1x128xi32, #tpu.memory_space<hbm>>
    %dma_wait3A_247 = tpu.memref_squeeze %dma_wait3A_246 : memref<1x1x128xi32, #tpu.memory_space<hbm>> -> memref<128xi32, #tpu.memory_space<hbm>>
    %dma_wait3A_248 = arith.constant 0 : i32
    %dma_wait3A_249 = tpu.memref_slice %arg10[%dma_wait3A_241, %dma_wait3A_248] : memref<4x128xi32, #tpu.memory_space<vmem>> -> memref<1x128xi32, #tpu.memory_space<vmem>>
    %dma_wait3A_250 = tpu.memref_squeeze %dma_wait3A_249 : memref<1x128xi32, #tpu.memory_space<vmem>> -> memref<128xi32, #tpu.memory_space<vmem>>
    %dma_wait3A_251 = arith.constant 0 : i32
    %dma_wait3A_252 = tpu.memref_slice %arg4[%add3A, %dma_wait3A_240, %dma_wait3A_251] : memref<32x80x128xi32, #tpu.memory_space<hbm>> -> memref<1x1x128xi32, #tpu.memory_space<hbm>>
    %dma_wait3A_253 = tpu.memref_squeeze %dma_wait3A_252 : memref<1x1x128xi32, #tpu.memory_space<hbm>> -> memref<128xi32, #tpu.memory_space<hbm>>
    tpu.wait_dma2 semaphore(%arg17 : memref<!tpu.dma_semaphore, #tpu.memory_space<semaphore_mem>>) src(%dma_wait3A_253 : memref<128xi32, #tpu.memory_space<hbm>>) dst(%dma_wait3A_250 : memref<128xi32, #tpu.memory_space<vmem>>)
    %barrier3A_254 = arith.constant 0 : index
    tpu.barrier barrier_id(%barrier3A_254)
    %mul3A_255 = arith.constant 632 : i32
    %mul3A_256 = arith.muli %arg1, %mul3A_255 : i32
    %mul3A_257 = arith.constant 632 : i32
    %mul3A_258 = arith.muli %arg1, %mul3A_257 : i32
    "tpu.region"() ({
      %run_scoped3A_259 = tpu.sem_alloc : memref<!tpu.dma_semaphore, #tpu.memory_space<semaphore_mem>>
      %dma_start3A_260 = arith.constant 0 : i32
      %dma_start3A_261 = tpu.memref_slice %arg5[%arg0, %mul3A_258, %dma_start3A_260] : memref<2x10112x64xf32, #tpu.memory_space<hbm>> -> memref<1x632x64xf32, #tpu.memory_space<hbm>>
      %dma_start3A_262 = tpu.memref_squeeze %dma_start3A_261 : memref<1x632x64xf32, #tpu.memory_space<hbm>> -> memref<632x64xf32, #tpu.memory_space<hbm>>
      %dma_start3A_263 = arith.constant 0 : i32
      %dma_start3A_264 = tpu.memref_slice %arg6[%mul3A_256, %dma_start3A_263] : memref<10112x64xf32, #tpu.memory_space<vmem_shared>> -> memref<632x64xf32, #tpu.memory_space<vmem_shared>>
      tpu.enqueue_dma source(%dma_start3A_264 : memref<632x64xf32, #tpu.memory_space<vmem_shared>>) target(%dma_start3A_262 : memref<632x64xf32, #tpu.memory_space<hbm>>) target_semaphore(%run_scoped3A_259 : memref<!tpu.dma_semaphore, #tpu.memory_space<semaphore_mem>>)
      %dma_wait3A_265 = arith.constant 0 : i32
      %dma_wait3A_266 = tpu.memref_slice %arg5[%arg0, %mul3A_258, %dma_wait3A_265] : memref<2x10112x64xf32, #tpu.memory_space<hbm>> -> memref<1x632x64xf32, #tpu.memory_space<hbm>>
      %dma_wait3A_267 = tpu.memref_squeeze %dma_wait3A_266 : memref<1x632x64xf32, #tpu.memory_space<hbm>> -> memref<632x64xf32, #tpu.memory_space<hbm>>
      %dma_wait3A_268 = arith.constant 0 : i32
      %dma_wait3A_269 = tpu.memref_slice %arg6[%mul3A_256, %dma_wait3A_268] : memref<10112x64xf32, #tpu.memory_space<vmem_shared>> -> memref<632x64xf32, #tpu.memory_space<vmem_shared>>
      tpu.wait_dma2 semaphore(%run_scoped3A_259 : memref<!tpu.dma_semaphore, #tpu.memory_space<semaphore_mem>>) src(%dma_wait3A_269 : memref<632x64xf32, #tpu.memory_space<vmem_shared>>) dst(%dma_wait3A_267 : memref<632x64xf32, #tpu.memory_space<hbm>>)
      tpu.yield
    }) : () -> ()
    return
  }
}

module attributes {stable_mosaic.version = 14 : i64} {
  func.func @_tc_a_body(%arg0: i32, %arg1: memref<2000x128xf32, #tpu.memory_space<vmem>>, %arg2: memref<128x64xf32, #tpu.memory_space<vmem>>, %arg3: memref<2x2000x16xf32, #tpu.memory_space<vmem>>, %arg4: memref<2000x64xf32, #tpu.memory_space<vmem>>) attributes {dimension_semantics = [#tpu.dimension_semantics<arbitrary>], iteration_bounds = array<i64: 5>, scalar_prefetch = 0 : i64, scratch_operands = 0 : i64, tpu.core_type = #tpu.core_type<tc>, window_params = [{transform_indices = @transform_0, window_bounds = array<i64: 2000, 128>}, {pipeline_mode = #tpu.pipeline_mode<synchronous>, transform_indices = @transform_1, window_bounds = array<i64: 128, 64>}, {transform_indices = @transform_2, window_bounds = array<i64: 2, 2000, 16>}, {transform_indices = @transform_3, window_bounds = array<i64: 2000, 64>}]} {
    %get3A = arith.constant 0 : index
    %get3A_0 = arith.constant 0 : index
    %get3A_1 = vector.load %arg1[%get3A, %get3A_0] : memref<2000x128xf32, #tpu.memory_space<vmem>>, vector<2000x128xf32>
    %get3A_2 = arith.constant 0 : index
    %get3A_3 = arith.constant 0 : index
    %get3A_4 = vector.load %arg2[%get3A_2, %get3A_3] : memref<128x64xf32, #tpu.memory_space<vmem>>, vector<128x64xf32>
    %dot_general3A = arith.constant dense<0.000000e+00> : vector<2000x64xf32>
    %dot_general3A_5 = tpu.matmul %get3A_1, %get3A_4, %dot_general3A {dimension_numbers = #tpu.dot_dimension_numbers<[1], [0], [0], [1], [0, 0, 1, 1], [], []>, precision = #tpu.contract_precision<fp32>, transpose_lhs_hint = false} : vector<2000x128xf32>, vector<128x64xf32>, vector<2000x64xf32> -> vector<2000x64xf32>
    %get3A_6 = arith.constant 0 : index
    %get3A_7 = arith.constant 0 : index
    %get3A_8 = arith.constant 0 : index
    %get3A_9 = vector.load %arg3[%get3A_6, %get3A_7, %get3A_8] : memref<2x2000x16xf32, #tpu.memory_space<vmem>>, vector<2x2000x16xf32>
    %slice3A = vector.extract_strided_slice %get3A_9 {offsets = [0, 0, 0], sizes = [1, 2000, 16], strides = [1, 1, 1]} : vector<2x2000x16xf32> to vector<1x2000x16xf32>
    %squeeze3A = vector.shape_cast %slice3A : vector<1x2000x16xf32> to vector<2000x16xf32>
    %slice3A_10 = vector.extract_strided_slice %get3A_9 {offsets = [1, 0, 0], sizes = [1, 2000, 16], strides = [1, 1, 1]} : vector<2x2000x16xf32> to vector<1x2000x16xf32>
    %squeeze3A_11 = vector.shape_cast %slice3A_10 : vector<1x2000x16xf32> to vector<2000x16xf32>
    %add3A = arith.addf %squeeze3A, %squeeze3A_11 : vector<2000x16xf32>
    %add3A_12 = arith.constant 1.000000e+00 : f32
    %add3A_13 = vector.broadcast %add3A_12 : f32 to vector<2000x16xf32>
    %add3A_14 = arith.addf %add3A, %add3A_13 : vector<2000x16xf32>
    %rsqrt3A = math.rsqrt %add3A_14 : vector<2000x16xf32>
    %slice3A_15 = vector.extract_strided_slice %rsqrt3A {offsets = [0, 0], sizes = [2000, 1], strides = [1, 1]} : vector<2000x16xf32> to vector<2000x1xf32>
    %mul3A = vector.broadcast %slice3A_15 : vector<2000x1xf32> to vector<2000x64xf32>
    %mul3A_16 = arith.mulf %dot_general3A_5, %mul3A : vector<2000x64xf32>
    %swap3A = arith.constant 0 : index
    %swap3A_17 = arith.constant 0 : index
    %swap3A_18 = vector.load %arg4[%swap3A, %swap3A_17] : memref<2000x64xf32, #tpu.memory_space<vmem>>, vector<2000x64xf32>
    tpu.vector_store %arg4[%swap3A, %swap3A_17], %mul3A_16 {strides = array<i32>} : memref<2000x64xf32, #tpu.memory_space<vmem>>, vector<2000x64xf32>,
    return
  }
  func.func @transform_0(%arg0: i32) -> (i32, i32) {
    %c0_i32 = arith.constant 0 : i32
    %c0_i32_0 = arith.constant 0 : i32
    return %arg0, %c0_i32 : i32, i32
  }
  func.func @transform_1(%arg0: i32) -> (i32, i32) {
    %c0_i32 = arith.constant 0 : i32
    %c0_i32_0 = arith.constant 0 : i32
    %c0_i32_1 = arith.constant 0 : i32
    return %c0_i32, %c0_i32_0 : i32, i32
  }
  func.func @transform_2(%arg0: i32) -> (i32, i32, i32) {
    %c0_i32 = arith.constant 0 : i32
    %c0_i32_0 = arith.constant 0 : i32
    %c0_i32_1 = arith.constant 0 : i32
    return %c0_i32, %arg0, %c0_i32_0 : i32, i32, i32
  }
  func.func @transform_3(%arg0: i32) -> (i32, i32) {
    %c0_i32 = arith.constant 0 : i32
    %c0_i32_0 = arith.constant 0 : i32
    return %arg0, %c0_i32 : i32, i32
  }
}

module attributes {stable_mosaic.version = 14 : i64} {
  func.func @_tc_b_body(%arg0: i32, %arg1: memref<2x2000x64xf32, #tpu.memory_space<vmem>>, %arg2: memref<2000x64xf32, #tpu.memory_space<vmem>>, %arg3: memref<2x2000x16xf32, #tpu.memory_space<vmem>>, %arg4: memref<64x64xf32, #tpu.memory_space<vmem>>, %arg5: memref<1x64xf32, #tpu.memory_space<vmem>>, %arg6: memref<2000x64xf32, #tpu.memory_space<vmem>>) attributes {dimension_semantics = [#tpu.dimension_semantics<arbitrary>], iteration_bounds = array<i64: 5>, scalar_prefetch = 0 : i64, scratch_operands = 0 : i64, tpu.core_type = #tpu.core_type<tc>, window_params = [{transform_indices = @transform_0, window_bounds = array<i64: 2, 2000, 64>}, {transform_indices = @transform_1, window_bounds = array<i64: 2000, 64>}, {transform_indices = @transform_2, window_bounds = array<i64: 2, 2000, 16>}, {pipeline_mode = #tpu.pipeline_mode<synchronous>, transform_indices = @transform_3, window_bounds = array<i64: 64, 64>}, {pipeline_mode = #tpu.pipeline_mode<synchronous>, transform_indices = @transform_4, window_bounds = array<i64: 1, 64>}, {transform_indices = @transform_5, window_bounds = array<i64: 2000, 64>}]} {
    %get3A = arith.constant 0 : index
    %get3A_0 = arith.constant 0 : index
    %get3A_1 = arith.constant 0 : index
    %get3A_2 = vector.load %arg1[%get3A, %get3A_0, %get3A_1] : memref<2x2000x64xf32, #tpu.memory_space<vmem>>, vector<2x2000x64xf32>
    %get3A_3 = arith.constant 0 : index
    %get3A_4 = arith.constant 0 : index
    %get3A_5 = arith.constant 0 : index
    %get3A_6 = vector.load %arg3[%get3A_3, %get3A_4, %get3A_5] : memref<2x2000x16xf32, #tpu.memory_space<vmem>>, vector<2x2000x16xf32>
    %slice3A = vector.extract_strided_slice %get3A_6 {offsets = [0, 0, 0], sizes = [1, 2000, 16], strides = [1, 1, 1]} : vector<2x2000x16xf32> to vector<1x2000x16xf32>
    %squeeze3A = vector.shape_cast %slice3A : vector<1x2000x16xf32> to vector<2000x16xf32>
    %slice3A_7 = vector.extract_strided_slice %get3A_6 {offsets = [1, 0, 0], sizes = [1, 2000, 16], strides = [1, 1, 1]} : vector<2x2000x16xf32> to vector<1x2000x16xf32>
    %squeeze3A_8 = vector.shape_cast %slice3A_7 : vector<1x2000x16xf32> to vector<2000x16xf32>
    %add3A = arith.addf %squeeze3A, %squeeze3A_8 : vector<2000x16xf32>
    %add3A_9 = arith.constant 1.000000e+00 : f32
    %add3A_10 = vector.broadcast %add3A_9 : f32 to vector<2000x16xf32>
    %add3A_11 = arith.addf %add3A, %add3A_10 : vector<2000x16xf32>
    %rsqrt3A = math.rsqrt %add3A_11 : vector<2000x16xf32>
    %slice3A_12 = vector.extract_strided_slice %rsqrt3A {offsets = [0, 0], sizes = [2000, 1], strides = [1, 1]} : vector<2000x16xf32> to vector<2000x1xf32>
    %slice3A_13 = vector.extract_strided_slice %get3A_2 {offsets = [0, 0, 0], sizes = [1, 2000, 64], strides = [1, 1, 1]} : vector<2x2000x64xf32> to vector<1x2000x64xf32>
    %squeeze3A_14 = vector.shape_cast %slice3A_13 : vector<1x2000x64xf32> to vector<2000x64xf32>
    %slice3A_15 = vector.extract_strided_slice %get3A_2 {offsets = [1, 0, 0], sizes = [1, 2000, 64], strides = [1, 1, 1]} : vector<2x2000x64xf32> to vector<1x2000x64xf32>
    %squeeze3A_16 = vector.shape_cast %slice3A_15 : vector<1x2000x64xf32> to vector<2000x64xf32>
    %add3A_17 = arith.addf %squeeze3A_14, %squeeze3A_16 : vector<2000x64xf32>
    %get3A_18 = arith.constant 0 : index
    %get3A_19 = arith.constant 0 : index
    %get3A_20 = vector.load %arg2[%get3A_18, %get3A_19] : memref<2000x64xf32, #tpu.memory_space<vmem>>, vector<2000x64xf32>
    %add3A_21 = arith.addf %add3A_17, %get3A_20 : vector<2000x64xf32>
    %mul3A = vector.broadcast %slice3A_12 : vector<2000x1xf32> to vector<2000x64xf32>
    %mul3A_22 = arith.mulf %add3A_21, %mul3A : vector<2000x64xf32>
    %get3A_23 = arith.constant 0 : index
    %get3A_24 = arith.constant 0 : index
    %get3A_25 = vector.load %arg5[%get3A_23, %get3A_24] : memref<1x64xf32, #tpu.memory_space<vmem>>, vector<1x64xf32>
    %add3A_26 = vector.broadcast %get3A_25 : vector<1x64xf32> to vector<2000x64xf32>
    %add3A_27 = arith.addf %mul3A_22, %add3A_26 : vector<2000x64xf32>
    %max3A = arith.constant 0.000000e+00 : f32
    %max3A_28 = vector.broadcast %max3A : f32 to vector<2000x64xf32>
    %max3A_29 = arith.maximumf %add3A_27, %max3A_28 : vector<2000x64xf32>
    %get3A_30 = arith.constant 0 : index
    %get3A_31 = arith.constant 0 : index
    %get3A_32 = vector.load %arg4[%get3A_30, %get3A_31] : memref<64x64xf32, #tpu.memory_space<vmem>>, vector<64x64xf32>
    %dot_general3A = arith.constant dense<0.000000e+00> : vector<2000x64xf32>
    %dot_general3A_33 = tpu.matmul %max3A_29, %get3A_32, %dot_general3A {dimension_numbers = #tpu.dot_dimension_numbers<[1], [0], [0], [1], [0, 0, 1, 1], [], []>, precision = #tpu.contract_precision<fp32>, transpose_lhs_hint = false} : vector<2000x64xf32>, vector<64x64xf32>, vector<2000x64xf32> -> vector<2000x64xf32>
    %mul3A_34 = vector.broadcast %slice3A_12 : vector<2000x1xf32> to vector<2000x64xf32>
    %mul3A_35 = arith.mulf %dot_general3A_33, %mul3A_34 : vector<2000x64xf32>
    %swap3A = arith.constant 0 : index
    %swap3A_36 = arith.constant 0 : index
    %swap3A_37 = vector.load %arg6[%swap3A, %swap3A_36] : memref<2000x64xf32, #tpu.memory_space<vmem>>, vector<2000x64xf32>
    tpu.vector_store %arg6[%swap3A, %swap3A_36], %mul3A_35 {strides = array<i32>} : memref<2000x64xf32, #tpu.memory_space<vmem>>, vector<2000x64xf32>,
    return
  }
  func.func @transform_0(%arg0: i32) -> (i32, i32, i32) {
    %c0_i32 = arith.constant 0 : i32
    %c0_i32_0 = arith.constant 0 : i32
    %c0_i32_1 = arith.constant 0 : i32
    return %c0_i32, %arg0, %c0_i32_0 : i32, i32, i32
  }
  func.func @transform_1(%arg0: i32) -> (i32, i32) {
    %c0_i32 = arith.constant 0 : i32
    %c0_i32_0 = arith.constant 0 : i32
    return %arg0, %c0_i32 : i32, i32
  }
  func.func @transform_2(%arg0: i32) -> (i32, i32, i32) {
    %c0_i32 = arith.constant 0 : i32
    %c0_i32_0 = arith.constant 0 : i32
    %c0_i32_1 = arith.constant 0 : i32
    return %c0_i32, %arg0, %c0_i32_0 : i32, i32, i32
  }
  func.func @transform_3(%arg0: i32) -> (i32, i32) {
    %c0_i32 = arith.constant 0 : i32
    %c0_i32_0 = arith.constant 0 : i32
    %c0_i32_1 = arith.constant 0 : i32
    return %c0_i32, %c0_i32_0 : i32, i32
  }
  func.func @transform_4(%arg0: i32) -> (i32, i32) {
    %c0_i32 = arith.constant 0 : i32
    %c0_i32_0 = arith.constant 0 : i32
    %c0_i32_1 = arith.constant 0 : i32
    return %c0_i32, %c0_i32_0 : i32, i32
  }
  func.func @transform_5(%arg0: i32) -> (i32, i32) {
    %c0_i32 = arith.constant 0 : i32
    %c0_i32_0 = arith.constant 0 : i32
    return %arg0, %c0_i32 : i32, i32
  }
}

module attributes {stable_mosaic.version = 14 : i64} {
  func.func @_tc_c_body(%arg0: i32, %arg1: memref<2x2000x64xf32, #tpu.memory_space<vmem>>, %arg2: memref<2000x64xf32, #tpu.memory_space<vmem>>, %arg3: memref<2x2000x16xf32, #tpu.memory_space<vmem>>, %arg4: memref<1x64xf32, #tpu.memory_space<vmem>>, %arg5: memref<2000x64xf32, #tpu.memory_space<vmem>>) attributes {dimension_semantics = [#tpu.dimension_semantics<arbitrary>], iteration_bounds = array<i64: 5>, scalar_prefetch = 0 : i64, scratch_operands = 0 : i64, tpu.core_type = #tpu.core_type<tc>, window_params = [{transform_indices = @transform_0, window_bounds = array<i64: 2, 2000, 64>}, {transform_indices = @transform_1, window_bounds = array<i64: 2000, 64>}, {transform_indices = @transform_2, window_bounds = array<i64: 2, 2000, 16>}, {pipeline_mode = #tpu.pipeline_mode<synchronous>, transform_indices = @transform_3, window_bounds = array<i64: 1, 64>}, {transform_indices = @transform_4, window_bounds = array<i64: 2000, 64>}]} {
    %get3A = arith.constant 0 : index
    %get3A_0 = arith.constant 0 : index
    %get3A_1 = arith.constant 0 : index
    %get3A_2 = vector.load %arg1[%get3A, %get3A_0, %get3A_1] : memref<2x2000x64xf32, #tpu.memory_space<vmem>>, vector<2x2000x64xf32>
    %slice3A = vector.extract_strided_slice %get3A_2 {offsets = [0, 0, 0], sizes = [1, 2000, 64], strides = [1, 1, 1]} : vector<2x2000x64xf32> to vector<1x2000x64xf32>
    %squeeze3A = vector.shape_cast %slice3A : vector<1x2000x64xf32> to vector<2000x64xf32>
    %slice3A_3 = vector.extract_strided_slice %get3A_2 {offsets = [1, 0, 0], sizes = [1, 2000, 64], strides = [1, 1, 1]} : vector<2x2000x64xf32> to vector<1x2000x64xf32>
    %squeeze3A_4 = vector.shape_cast %slice3A_3 : vector<1x2000x64xf32> to vector<2000x64xf32>
    %add3A = arith.addf %squeeze3A, %squeeze3A_4 : vector<2000x64xf32>
    %get3A_5 = arith.constant 0 : index
    %get3A_6 = arith.constant 0 : index
    %get3A_7 = vector.load %arg2[%get3A_5, %get3A_6] : memref<2000x64xf32, #tpu.memory_space<vmem>>, vector<2000x64xf32>
    %add3A_8 = arith.addf %add3A, %get3A_7 : vector<2000x64xf32>
    %get3A_9 = arith.constant 0 : index
    %get3A_10 = arith.constant 0 : index
    %get3A_11 = arith.constant 0 : index
    %get3A_12 = vector.load %arg3[%get3A_9, %get3A_10, %get3A_11] : memref<2x2000x16xf32, #tpu.memory_space<vmem>>, vector<2x2000x16xf32>
    %slice3A_13 = vector.extract_strided_slice %get3A_12 {offsets = [0, 0, 0], sizes = [1, 2000, 16], strides = [1, 1, 1]} : vector<2x2000x16xf32> to vector<1x2000x16xf32>
    %squeeze3A_14 = vector.shape_cast %slice3A_13 : vector<1x2000x16xf32> to vector<2000x16xf32>
    %slice3A_15 = vector.extract_strided_slice %get3A_12 {offsets = [1, 0, 0], sizes = [1, 2000, 16], strides = [1, 1, 1]} : vector<2x2000x16xf32> to vector<1x2000x16xf32>
    %squeeze3A_16 = vector.shape_cast %slice3A_15 : vector<1x2000x16xf32> to vector<2000x16xf32>
    %add3A_17 = arith.addf %squeeze3A_14, %squeeze3A_16 : vector<2000x16xf32>
    %add3A_18 = arith.constant 1.000000e+00 : f32
    %add3A_19 = vector.broadcast %add3A_18 : f32 to vector<2000x16xf32>
    %add3A_20 = arith.addf %add3A_17, %add3A_19 : vector<2000x16xf32>
    %rsqrt3A = math.rsqrt %add3A_20 : vector<2000x16xf32>
    %slice3A_21 = vector.extract_strided_slice %rsqrt3A {offsets = [0, 0], sizes = [2000, 1], strides = [1, 1]} : vector<2000x16xf32> to vector<2000x1xf32>
    %mul3A = vector.broadcast %slice3A_21 : vector<2000x1xf32> to vector<2000x64xf32>
    %mul3A_22 = arith.mulf %add3A_8, %mul3A : vector<2000x64xf32>
    %get3A_23 = arith.constant 0 : index
    %get3A_24 = arith.constant 0 : index
    %get3A_25 = vector.load %arg4[%get3A_23, %get3A_24] : memref<1x64xf32, #tpu.memory_space<vmem>>, vector<1x64xf32>
    %add3A_26 = vector.broadcast %get3A_25 : vector<1x64xf32> to vector<2000x64xf32>
    %add3A_27 = arith.addf %mul3A_22, %add3A_26 : vector<2000x64xf32>
    %max3A = arith.constant 0.000000e+00 : f32
    %max3A_28 = vector.broadcast %max3A : f32 to vector<2000x64xf32>
    %max3A_29 = arith.maximumf %add3A_27, %max3A_28 : vector<2000x64xf32>
    %swap3A = arith.constant 0 : index
    %swap3A_30 = arith.constant 0 : index
    %swap3A_31 = vector.load %arg5[%swap3A, %swap3A_30] : memref<2000x64xf32, #tpu.memory_space<vmem>>, vector<2000x64xf32>
    tpu.vector_store %arg5[%swap3A, %swap3A_30], %max3A_29 {strides = array<i32>} : memref<2000x64xf32, #tpu.memory_space<vmem>>, vector<2000x64xf32>,
    return
  }
  func.func @transform_0(%arg0: i32) -> (i32, i32, i32) {
    %c0_i32 = arith.constant 0 : i32
    %c0_i32_0 = arith.constant 0 : i32
    %c0_i32_1 = arith.constant 0 : i32
    return %c0_i32, %arg0, %c0_i32_0 : i32, i32, i32
  }
  func.func @transform_1(%arg0: i32) -> (i32, i32) {
    %c0_i32 = arith.constant 0 : i32
    %c0_i32_0 = arith.constant 0 : i32
    return %arg0, %c0_i32 : i32, i32
  }
  func.func @transform_2(%arg0: i32) -> (i32, i32, i32) {
    %c0_i32 = arith.constant 0 : i32
    %c0_i32_0 = arith.constant 0 : i32
    %c0_i32_1 = arith.constant 0 : i32
    return %c0_i32, %arg0, %c0_i32_0 : i32, i32, i32
  }
  func.func @transform_3(%arg0: i32) -> (i32, i32) {
    %c0_i32 = arith.constant 0 : i32
    %c0_i32_0 = arith.constant 0 : i32
    %c0_i32_1 = arith.constant 0 : i32
    return %c0_i32, %c0_i32_0 : i32, i32
  }
  func.func @transform_4(%arg0: i32) -> (i32, i32) {
    %c0_i32 = arith.constant 0 : i32
    %c0_i32_0 = arith.constant 0 : i32
    return %arg0, %c0_i32 : i32, i32
  }
}

</mosaic_0001>

<sc_bundles>
// kernel: kernel.11.cloned.1.call-start
scs
__scs_entry_jumppad:
0x0: {  	(pc) =	sbr.rel $0x88, $3  }
0x1: {  	(tag) =	ssettag $0x0;
	lr =	simm.s32 $0x1  }
0x2: {  	[smem:$0x3F9B] =	sst lr;
	_ =	strace $0xD0000000  }
0x3: {  	_ = 	snop  }
0x4: {  	_ = 	snop  }
0x5: {  	_ = 	snop  }
0x6: {  	_ = 	snop  }
0x7: {  	_ = 	snop  }
__scs_overlays_trampoline_lowered:
0x8: {  	[smem:$0x3FAA] =	sst s0  }
0x9: {  	[smem:$0x3FAB] =	sst s1  }
0xa: {  	[smem:$0x3FAC] =	sst s2  }
0xb: {  	[smem:$0x3FAD] =	sst s3  }
0xc: {  	[smem:$0x3FAE] =	sst s4  }
0xd: {  	[smem:$0x3FAF] =	sst s5  }
0xe: {  	[smem:$0x3FB0] =	sst s6  }
0xf: {  	[smem:$0x3FB1] =	sst s7  }
0x10: {  	[smem:$0x3FB2] =	sst s8  }
0x11: {  	[smem:$0x3FB3] =	sst s9;
	s0 =	simm.s32 @!p0 $0x0  }
0x12: {  	s1 =	sld [smem:$0x3F99];
	s0 =	simm.s32 @p0 $0x1  }
0x13: {  	[smem:$0x3FB4] =	sst s0;
	s0 =	simm.s32 @!p1 $0x0  }
0x14: {  	s2 =	sld [smem:$0x3F98];
	s0 =	simm.s32 @p1 $0x1  }
0x15: {  	[smem:$0x3FB5] =	sst s0;
	s0 =	simm.s32 @!p2 $0x0  }
0x16: {  	s3 =	sld [smem:$0x3FDB];
	s0 =	simm.s32 @p2 $0x1  }
0x17: {  	s4 =	simm.s32 $0x1BF5;
	[smem:$0x3FB7] =	sst s0  }
0x18: {  	s0 =	sld [smem:$0x3F9A];
	_ =	swait.ge [sflag:s4], $0x0  }
0x19: {  	s7 =	sld [smem:$0x3F9B]  }
0x1a: {  	s8 =	sadd.s32 $0xFFFFE003, lr  }
0x1b: {  	s9 =	sadd.s32 $0xFFFFFEF7, lr;
	s5 =	simm.s32 $0xFFFFFFFF;
	p2 =	slt.u32 s8, $0xFFFFF086  }
0x1c: {  	p1 =	slt.u32 s9, $0xF7A;
	s5 =	simm.s32 @!p2 $0x0  }
0x1d: {  	s5 =	simm.s32 @p1 $0x1;
	p0 =	seq.s32 s7, s2  }
0x1e: {  	s7 =	smul.u32 @!p0 $0xF7A, s2;
	p2 =	seq.s32 @!p0 s5, $0x0  }
0x1f: {  	s9 =	smul.u32 $0xF7A, s1;
	s8 =	simm.s32 @!p0 $0x1BF5;
	p2 =	por !p2, p0  }
0x20: {  	[sflag:s8] =	ssyncset.s32 @!p0 $0xFFFFF086;
	s6 =	sadd.s32 @!p0 s3, s7;
	s7 =	simm.s32 @!p0 $0x108  }
0x21: {  	s3 =	sadd.s32 s3, s9;
	s6 =	sadd.s32 @!p0 $0x88, s6;
	s7 =	simm.s32 @p2 $0x1082  }
0x22: {  	[simem:s7], [sflag:s8] =	dma.local @!p0 [hbm:s6], $0xF7A  }
0x23: {  	s9 =	sor.u32 $0xD0000000, s2;
	s6 =	simm.s32 $0x108;
	_ =	swait.ge @!p0 [sflag:s8], $0x0  }
0x24: {  	s3 =	sadd.s32 $0x88, s3;
	s6 =	simm.s32 @!p1 $0x1082;
	[sflag:s4] =	ssyncset.s32 $0xFFFFF086  }
0x25: {  	[simem:s6], [sflag:s4] =	dma.local [hbm:s3], $0xF7A  }
0x26: {  	[smem:$0x3F9B] =	sst s1;
	(tag) =	ssettag s2;
	_ =	strace s9  }
0x27: {  	s1 =	sld [smem:$0x3FAB]  }
0x28: {  	s2 =	sld [smem:$0x3FAC]  }
0x29: {  	s4 =	sld [smem:$0x3FAE]  }
0x2a: {  	p0 =	seq.s32 s5, $0x0;
	s5 =	sld [smem:$0x3FAF]  }
0x2b: {  	s6 =	sld [smem:$0x3FB0]  }
0x2c: {  	s7 =	sld [smem:$0x3FB1]  }
0x2d: {  	s3 =	simm.s32 $0x108;
	s8 =	sld [smem:$0x3FB2]  }
0x2e: {  	s3 =	simm.s32 @!p0 $0x1082;
	s9 =	sld [smem:$0x3FB3]  }
0x2f: {  	lr =	sadd.s32 s0, s3;
	s0 =	sld [smem:$0x3FAA]  }
0x30: {  	s3 =	sld [smem:$0x3FAD]  }
0x31: {  	[smem:$0x3FB6] =	sst s10  }
0x32: {  	s10 =	sld [smem:$0x3FB4];
	_ =	sdelay $0x3  }
0x33: {  	p0 =	seq.s32 s10, $0x1;
	s10 =	sld [smem:$0x3FB6];
	_ =	sdelay $0x3  }
0x34: {  	[smem:$0x3FB6] =	sst s10  }
0x35: {  	s10 =	sld [smem:$0x3FB5];
	_ =	sdelay $0x3  }
0x36: {  	p1 =	seq.s32 s10, $0x1;
	s10 =	sld [smem:$0x3FB6];
	_ =	sdelay $0x3  }
0x37: {  	[smem:$0x3FB6] =	sst s10  }
0x38: {  	s10 =	sld [smem:$0x3FB7]  }
0x39: {  	_ = 	snop;
	(pc) =	sbr.ind lr, $3  }
0x3a: {  	_ = 	snop  }
0x3b: {  	_ = 	snop  }
0x3c: {  	p2 =	seq.s32 s10, $0x1;
	s10 =	sld [smem:$0x3FB6]  }
0x3d: {  	_ =	shalt  }
0x3e: {  	_ =	shalt  }
0x3f: {  	_ =	shalt  }
0x40: {  	_ =	shalt  }
0x41: {  	_ =	shalt  }
0x42: {  	_ =	shalt  }
0x43: {  	_ =	shalt  }
0x44: {  	_ =	shalt  }
0x45: {  	_ =	shalt  }
0x46: {  	_ =	shalt  }
0x47: {  	_ =	shalt  }
0x48: {  	_ =	shalt  }
0x49: {  	_ =	shalt  }
0x4a: {  	_ =	shalt  }
0x4b: {  	_ =	shalt  }
0x4c: {  	_ =	shalt  }
0x4d: {  	_ =	shalt  }
0x4e: {  	_ =	shalt  }
0x4f: {  	_ =	shalt  }
0x50: {  	_ =	shalt  }
0x51: {  	_ =	shalt  }
0x52: {  	_ =	shalt  }
0x53: {  	_ =	shalt  }
0x54: {  	_ =	shalt  }
0x55: {  	_ =	shalt  }
0x56: {  	_ =	shalt  }
0x57: {  	_ =	shalt  }
0x58: {  	_ =	shalt  }
0x59: {  	_ =	shalt  }
0x5a: {  	_ =	shalt  }
0x5b: {  	_ =	shalt  }
0x5c: {  	_ =	shalt  }
0x5d: {  	_ =	shalt  }
0x5e: {  	_ =	shalt  }
0x5f: {  	_ =	shalt  }
0x60: {  	_ =	shalt  }
0x61: {  	_ =	shalt  }
0x62: {  	_ =	shalt  }
0x63: {  	_ =	shalt  }
0x64: {  	_ =	shalt  }
0x65: {  	_ =	shalt  }
0x66: {  	_ =	shalt  }
0x67: {  	_ =	shalt  }
0x68: {  	_ =	shalt  }
0x69: {  	_ =	shalt  }
0x6a: {  	_ =	shalt  }
0x6b: {  	_ =	shalt  }
0x6c: {  	_ =	shalt  }
0x6d: {  	_ =	shalt  }
0x6e: {  	_ =	shalt  }
0x6f: {  	_ =	shalt  }
0x70: {  	_ =	shalt  }
0x71: {  	_ =	shalt  }
0x72: {  	_ =	shalt  }
0x73: {  	_ =	shalt  }
0x74: {  	_ =	shalt  }
0x75: {  	_ =	shalt  }
0x76: {  	_ =	shalt  }
0x77: {  	_ =	shalt  }
0x78: {  	_ =	shalt  }
0x79: {  	_ =	shalt  }
0x7a: {  	_ =	shalt  }
0x7b: {  	_ =	shalt  }
0x7c: {  	_ =	shalt  }
0x7d: {  	_ =	shalt  }
0x7e: {  	_ =	shalt  }
0x7f: {  	_ =	shalt  }
0x80: {  	_ =	shalt  }
0x81: {  	_ =	shalt  }
0x82: {  	_ =	shalt  }
0x83: {  	_ =	shalt  }
0x84: {  	_ =	shalt  }
0x85: {  	_ =	shalt  }
0x86: {  	_ =	shalt  }
0x87: {  	_ =	shalt  }
.Lfunc_end0:
.L_simem_size_0:
called_computation.1_lowered:
.L_overlay_start_0:
0x88: {  	s2 =	sld [smem:$0x3FD9]  }
0x89: {  	s3 =	sld [smem:$0x3FFE];
	_ =	sdelay $0x1  }
0x8a: {  	s1 =	srdreg.scid  }
0x8b: {  	s0 =	sand.u32 $0x1, s1  }
0x8c: {  	s17 =	sshll.u32 s0, $0xA;
	s2 =	sadd.s32 s3, s2  }
0x8d: {  	s2 =	sadd.s32 s2, s17  }
0x8e: {  	[smem:$0x3FC2] =	sst s2  }
0x8f: {  	_ = 	snop  }
0x90: {  	s2 =	sld [smem:$0x3FD0];
	(tm) =	ssettm $0x1  }
0x91: {  	s18 =	sld [smem:$0x3FFB];
	_ =	sdelay $0x3  }
0x92: {  	_ =	strace s18  }
0x93: {  	s3 =	sld [smem:$0x3FFC];
	_ =	sdelay $0x3  }
0x94: {  	_ =	strace s3  }
0x95: {  	s3 =	sld [smem:$0x3FFD];
	_ =	sdelay $0x3  }
0x96: {  	_ =	strace s3  }
0x97: {  	_ =	strace $0x8FFFFFFF  }
0x98: {  	s19 =	sld [smem:$0x3FDB];
	_ =	sdelay $0x1  }
0x99: {  	s4 =	simm.s32 $_scs_section_size  }
0x9a: {  	s5 =	simm.s32 $_size__tile_overlayer_lowered;
	s6 =	simm.s32 $_tile_overlayer_lowered  }
0x9b: {  	s22 =	simm.s32 $0x1BFF;
	s21 =	sshll.u32 s6, $0x1;
	s3 =	sadd.s32 s4, s19  }
0x9c: {  	s7 =	simm.s32 $0x0;
	s20 =	sshll.u32 s5, $0x1;
	s5 =	sadd.s32 s21, s3  }
0x9d: {  	[timem:s7], [sflag:s22] =	dma.local [hbm:s5], s20  }
0x9e: {  	_ =	swait.ge [sflag:s22], s20  }
0x9f: {  	s4 =	ssub.s32 $0x0, s20;
	[sflag:s22] =	ssyncset.done $0x0  }
0xa0: {  	[sflag:s22] =	ssyncadd.s32 s4;
	_ =	sdelay $0x1  }
0xa1: {  	s23 =	simm.s32 $0x1B8B  }
0xa2: {  	_ =	swait.ge [sflag:s23], $0x1  }
0xa3: {  	[sflag:s23] =	ssyncset.done $0x0  }
0xa4: {  	s25 =	simm.s32 $0x1B8E;
	s24 =	sld [smem:$0x3FFE];
	[sflag:s23] =	ssyncadd.s32 $0xFFFFFFFF  }
0xa5: {  	s26 =	simm.s32 $execute0_lowered;
	[smem:$0x3FD2] =	sst s25  }
0xa6: {  	s5 =	sshll.u32 s26, $0x1;
	_ =	strace $0x80000049;
	[dreg:$0x1] =	wrdreg $0xFFFFFFFF  }
0xa7: {  	s28 =	simm.s32 $_size_execute0_lowered;
	s3 =	sadd.s32 s3, s5;
	[dreg:$0x0] =	wrdreg $0x0  }
0xa8: {  	s5 =	sshll.u32 s28, $0x1;
	[dreg:$0x2] =	wrdreg s3  }
0xa9: {  	[dreg:$0x3] =	wrdreg s5  }
0xaa: {  	[dreg:$0x4] =	wrdreg $0xC0  }
0xab: {  	_ =	task [dreg:s7], $0x5FFFF  }
0xac: {  	[dreg:$0x1] =	wrdreg $0xFFFFFFFF  }
0xad: {  	[dreg:$0x0] =	wrdreg $0x60  }
0xae: {  	[dreg:$0x2] =	wrdreg s24  }
0xaf: {  	[dreg:$0x3] =	wrdreg s2  }
0xb0: {  	[dreg:$0x4] =	wrdreg $0x0  }
0xb1: {  	[dreg:$0x5] =	wrdreg $0x9E000  }
0xb2: {  	[dreg:$0x6] =	wrdreg $0x9  }
0xb3: {  	_ =	task.clear_ibuf [dreg:s7], $0x7FFFF;
	_ =	strace $0x90000049  }
0xb4: {  	s29 =	simm.s32 $0x9;
	_ =	strace $0x8000004B  }
0xb5: {  	_ =	swait.ge [sflag:s29], $0x1  }
0xb6: {  	[sflag:s29] =	ssyncadd.s32 $0xFFFFFFFF  }
0xb7: {  	_ =	strace $0x9000004B  }
0xb8: {  	_ =	sfence  }
0xb9: {  	s30 =	sld [smem:$0x0];
	_ =	sdelay $0x2  }
0xba: {  	s31 =	sshll.u32 s1, $0xD;
	s1 =	sshrl.u32 s1, $0x2  }
0xbb: {  	s3 =	sand.u32 $0x4000, s31;
	s1 =	sadd.s32 s1, s30  }
0xbc: {  	s0 =	sor.u32 s3, s0;
	s1 =	sshll.u32 s1, $0x11  }
0xbd: {  	s0 =	sor.u32 s1, s0  }
0xbe: {  	s0 =	sadd.s32 $0x8F2B, s0  }
0xbf: {  	[sflag:s0] =	ssyncadd.remote.s32 $0x1  }
0xc0: {  	_ =	sfence.sel $0xFFFF  }
0xc1: {  	[dreg:$0x0] =	wrdreg $0xFFFFFFFF;
	(pc) =	sbr.abs _section_cstart, $3  }
0xc2: {  	[dreg:$0x1] =	wrdreg $0xFFFFFFFF  }
0xc3: {  	_ =	task.clear_ibuf [dreg:s7], $0x2FFFF;
	_ =	strace $0x9FFFFFFF  }
0xc4: {  	(tm) =	ssettm $0x7FFFFFFF  }
0xc5: {  	_ =	shalt  }
tec
execute0_lowered:
.L_overlay_start_1:
0x0: {  	(tag) =	ssettag $0x1  }
0x1: {  	s0 =	rddreg [dreg:$0x0]  }
0x2: {  	s2 =	rddreg [dreg:$0x1]  }
0x3: {  	s3 =	rddreg [dreg:$0x2]  }
0x4: {  	s4 =	rddreg [dreg:$0x3]  }
0x5: {  	s12 =	stileid.u32;
	s1 =	srdreg.scid;
	s5 =	simm.s32 $0x0  }
0x6: {  	s28 =	simm.s32 $0x1BC80;
	s29 =	simm.s32 $0x1BE80;
	s30 =	simm.s32 $0x1BD00  }
0x7: {  	s31 =	simm.s32 $0x1BF00;
	s7 =	smul.u32 $0x13C00, s12;
	s1 =	sand.u32 $0x1, s1  }
0x8: {  	[smem:$0x7FF] =	sst s5;
	s11 =	smul.u32 $0x4F000, s12;
	s12 =	sshll.u32 s12, $0x1  }
0x9: {  	s8 =	smul.u32 $0x13C000, s1;
	_ =	strace $0x8000004A;
	s10 =	ssub.s32 $0x2, s1  }
0xa: {  	s1 =	sor.u32 s1, s12;
	s6 =	sshrl.u32 s7, $0x3;
	s26 =	sshrl.u32 s10, $0x1  }
0xb: {  	s12 =	sshrl.u32 s11, $0x2;
	s19 =	sadd.s32 s7, s3;
	s17 =	sadd.s32 s7, s4  }
0xc: {  	s9 =	sadd.s32 s6, s0;
	s6 =	sadd.s32 $0x51800, s0;
	s8 =	sadd.s32 s7, s8  }
0xd: {  	s10 =	ssub.s32 s10, s26;
	s11 =	sadd.s32 s12, s3;
	s26 =	sshrl.u32 s17, $0x3  }
0xe: {  	s12 =	simm.s32 $0x4;
	s17 =	simm.s32 $0x3;
	[dreg:$0x5] =	wrdreg s19  }
0xf: {  	s8 =	sshrl.u32 s8, $0x3;
	s13 =	sadd.s32 $0x4000, s11;
	[dreg:$0x13] =	wrdreg s26  }
0x10: {  	s14 =	sadd.s32 $0x8000, s11;
	s15 =	sadd.s32 $0xC000, s11;
	[dreg:$0x6] =	wrdreg s13  }
0x11: {  	s16 =	sadd.s32 $0x10000, s11;
	s9 =	sadd.s32 $0x5B800, s9;
	[dreg:$0x7] =	wrdreg s14  }
0x12: {  	s25 =	smax.u32 s10, $0x1;
	s26 =	simm.s32 $0x1BE00;
	[dreg:$0x8] =	wrdreg s15  }
0x13: {  	s10 =	simm.s32 $0x1;
	s11 =	simm.s32 $0x6;
	[dreg:$0x9] =	wrdreg s16  }
0x14: {  	s0 =	sadd.s32 s8, s0;
	s8 =	smul.u32 $0x2800, s1;
	[dreg:$0xa] =	wrdreg s9  }
0x15: {  	[dreg:$0x12] =	wrdreg s25;
	s25 =	simm.s32 $0x1BC00;
	s1 =	simm.s32 $0x80  }
0x16: {  	s13 =	simm.s32 $0x1BD80;
	s14 =	simm.s32 $0x1BF80;
	s15 =	simm.s32 $0x2  }
0x17: {  	s16 =	simm.s32 $0x7;
	s0 =	sadd.s32 $0x83000, s0;
	s18 =	sshrl.u32 s8, $0x3  }
0x18: {  	[dreg:$0x11] =	wrdreg s0;
	s0 =	simm.s32 $0x5;
	s20 =	sadd.s32 s6, s18  }
0x19: {  	s21 =	sor.u32 $0x10, s18;
	s22 =	sadd.s32 s2, s18;
	[dreg:$0xb] =	wrdreg s20  }
0x1a: {  	s7 =	sor.u32 $0x20, s18;
	[dreg:$0xc] =	wrdreg s22;
	s23 =	sadd.s32 s6, s21  }
0x1b: {  	s18 =	simm.s32 $0x8;
	s9 =	sadd.s32 s2, s21;
	[dreg:$0xd] =	wrdreg s23  }
0x1c: {  	s24 =	sadd.s32 s6, s7;
	s7 =	sadd.s32 s2, s7;
	[dreg:$0xe] =	wrdreg s9  }
0x1d: {  	s22 =	simm.s32 $0x13C00;
	s20 =	simm.s32 $0x0;
	[dreg:$0xf] =	wrdreg s24  }
0x1e: {  	v0 =	vimm.f32 $0.0e+00;
	[dreg:$0x10] =	wrdreg s7;
	s23 =	simm.s32 $0x9;
	s9 =	simm.s32 $0x17C00  }
.LBB2_1:
0x1f: {  	s7 =	sand.u32 $0x3F80, s5;
	s24 =	sand.u32 $0x30, s5  }
0x20: {  	[dreg:$0x14] =	wrdreg s20;
	s20 =	sor.u32 s24, s7  }
0x21: {  	[tilespmem:s20+$0x17C00] =	vst v0  }
0x22: {  	s7 =	simm.s32 $0x20;
	[tilespmem:s20+$0x13C00] =	vst v0;
	s20 =	simm.s32 $0x0  }
.LBB2_2:
0x23: {  	p0 =	sne.s32 s7, $0x3FE0  }
.Ltmp0:
0x24: {  	s21 =	sand.u32 $0x3F80, s7;
	s20 =	sadd.s32 $0x10, s20;
	(pc) =	sbr.rel @p0 .LBB2_2-.Ltmp0, $4  }
0x25: {  	s7 =	sadd.s32 $0x20, s7;
	s24 =	sand.u32 $0x30, s20  }
0x26: {  	s21 =	sor.u32 s24, s21  }
0x27: {  	[tilespmem:s21+$0x17C00] =	vst v0  }
0x28: {  	[tilespmem:s21+$0x13C00] =	vst v0  }
0x29: {  	[spmem:s19] =	stream.linear.scatter [tilespmem:s22], [sflag:$0x9], $0x4000, $0x38;
	[tilespmem:$0x1C000] =	vst v63  }
0x2a: {  	_ =	swait.ge [sflag:s23], $0x4000  }
0x2b: {  	[sflag:s23] =	ssyncset.done $0x0  }
0x2c: {  	s7 =	rddreg [dreg:$0x6];
	[sflag:s23] =	ssyncadd.s32 $0xFFFFC000  }
0x2d: {  	[spmem:s7] =	stream.linear.scatter [tilespmem:s22], [sflag:$0x9], $0x4000, $0x38;
	[tilespmem:$0x1C000] =	vst v63  }
0x2e: {  	_ =	swait.ge [sflag:s23], $0x4000  }
0x2f: {  	[sflag:s23] =	ssyncset.done $0x0  }
0x30: {  	s21 =	rddreg [dreg:$0x7];
	[sflag:s23] =	ssyncadd.s32 $0xFFFFC000  }
0x31: {  	[spmem:s21] =	stream.linear.scatter [tilespmem:s22], [sflag:$0x9], $0x4000, $0x38;
	[tilespmem:$0x1C000] =	vst v63  }
0x32: {  	_ =	swait.ge [sflag:s23], $0x4000  }
0x33: {  	[sflag:s23] =	ssyncset.done $0x0  }
0x34: {  	s24 =	rddreg [dreg:$0x8];
	[sflag:s23] =	ssyncadd.s32 $0xFFFFC000  }
0x35: {  	[spmem:s24] =	stream.linear.scatter [tilespmem:s22], [sflag:$0x9], $0x4000, $0x38;
	[tilespmem:$0x1C000] =	vst v63  }
0x36: {  	s20 =	stileid.u32;
	_ =	swait.ge [sflag:s23], $0x4000  }
0x37: {  	s7 =	sshll.u32 s20, $0x6;
	[sflag:s23] =	ssyncset.done $0x0  }
0x38: {  	s20 =	sor.u32 $0x1C09, s7;
	s19 =	rddreg [dreg:$0x9];
	[sflag:s23] =	ssyncadd.s32 $0xFFFFC000  }
0x39: {  	[spmem:s19] =	stream.linear.scatter [tilespmem:s22], [sflag:$0x9], $0x3C00, $0x38;
	[tilespmem:$0x1C000] =	vst v63  }
0x3a: {  	_ =	swait.ge [sflag:s23], $0x3C00;
	[dreg:$0x15] =	wrdreg s20  }
0x3b: {  	[sflag:s23] =	ssyncset.done $0x0;
	s21 =	rddreg [dreg:$0xa]  }
0x3c: {  	s24 =	rddreg [dreg:$0x13];
	[sflag:s23] =	ssyncadd.s32 $0xFFFFC400  }
0x3d: {  	[spmem:s24], [sflag:s20] =	dma.local [hbm:s21], $0x2780  }
0x3e: {  	_ =	swait.ge [sflag:s23], $0x2780  }
0x3f: {  	[sflag:s23] =	ssyncset.done $0x0  }
0x40: {  	[sflag:s23] =	ssyncadd.s32 $0xFFFFD880  }
0x41: {  	[bflag:$0x0] =	sbarrier.arrive $0xFFFF  }
0x42: {  	s7 =	simm.s32 $0x0;
	s20 =	rddreg [dreg:$0xb]  }
0x43: {  	[tilespmem:s25], [sflag:$0x5] =	stream.linear.gather [hbm4b:s20+s7], $0x80, $0x38;
	[tilespmem:$0x1C000] =	vst v63  }
0x44: {  	s21 =	rddreg [dreg:$0xc]  }
0x45: {  	[tilespmem:s26], [sflag:$0x5] =	stream.linear.gather [hbm4b:s21+s7], $0x80, $0x38;
	[tilespmem:$0x1C000] =	vst v63  }
0x46: {  	s23 =	rddreg [dreg:$0xd]  }
0x47: {  	[tilespmem:s28], [sflag:$0x6] =	stream.linear.gather [hbm4b:s23+s7], $0x80, $0x38;
	[tilespmem:$0x1C000] =	vst v63  }
0x48: {  	s24 =	rddreg [dreg:$0xe]  }
0x49: {  	[tilespmem:s29], [sflag:$0x6] =	stream.linear.gather [hbm4b:s24+s7], $0x80, $0x38;
	[tilespmem:$0x1C000] =	vst v63  }
0x4a: {  	s20 =	rddreg [dreg:$0xf]  }
0x4b: {  	[tilespmem:s30], [sflag:$0x7] =	stream.linear.gather [hbm4b:s20+s7], $0x80, $0x38;
	[tilespmem:$0x1C000] =	vst v63  }
0x4c: {  	s21 =	rddreg [dreg:$0x10]  }
0x4d: {  	[tilespmem:s31], [sflag:$0x7] =	stream.linear.gather [hbm4b:s21+s7], $0x80, $0x38;
	[tilespmem:$0x1C000] =	vst v63  }
0x4e: {  	_ =	swait.ge [sflag:s0], $0x80  }
0x4f: {  	[sflag:s0] =	ssyncset.done $0x0  }
0x50: {  	[sflag:s0] =	ssyncadd.s32 $0xFFFFFF80  }
0x51: {  	_ =	swait.ge [sflag:s0], $0x80  }
0x52: {  	[sflag:s0] =	ssyncset.done $0x0  }
0x53: {  	[sflag:s0] =	ssyncadd.s32 $0xFFFFFF80  }
0x54: {  	[spmem:s3] =	stream.indirect.scatter.add.f32 [tilespmem:s9], [sflag:$0x4], $0x40, s26, s1, $0xb8;
	[tilespmem:$0x1C000] =	vst v63  }
0x55: {  	_ = 	snop  }
0x56: {  	[tilespmem:s22], [sflag:$0x1] =	stream.indirect.gather [spmem:s4], $0x40, s25, s1, $0xb8;
	[tilespmem:$0x1C000] =	vst v63  }
0x57: {  	_ =	swait.ge [sflag:s10], $0x2000  }
0x58: {  	[sflag:s10] =	ssyncset.done $0x0  }
0x59: {  	[sflag:s10] =	ssyncadd.s32 $0xFFFFE000  }
0x5a: {  	_ =	swait.ge [sflag:s11], $0x80  }
0x5b: {  	[sflag:s11] =	ssyncset.done $0x0  }
0x5c: {  	[sflag:s11] =	ssyncadd.s32 $0xFFFFFF80  }
0x5d: {  	_ =	swait.ge [sflag:s11], $0x80  }
0x5e: {  	s21 =	sand.u32 $0x3C00, s7;
	[sflag:s11] =	ssyncset.done $0x0  }
0x5f: {  	s7 =	sand.u32 $0x200, s7;
	s21 =	sadd.s32 s8, s21;
	[sflag:s11] =	ssyncadd.s32 $0xFFFFFF80  }
0x60: {  	[spmem:s3] =	stream.indirect.scatter.add.f32 [tilespmem:s22], [sflag:$0x3], $0x40, s26, s1, $0xb8;
	[tilespmem:$0x1C000] =	vst v63  }
0x61: {  	s7 =	sor.u32 s21, s7;
	_ =	swait.ge [sflag:s12], $0x2000  }
0x62: {  	s7 =	sor.u32 $0x180, s7;
	[sflag:s12] =	ssyncset.done $0x0  }
0x63: {  	s7 =	sshrl.u32 s7, $0x3;
	[sflag:s12] =	ssyncadd.s32 $0xFFFFE000  }
0x64: {  	[tilespmem:s9], [sflag:$0x2] =	stream.indirect.gather [spmem:s4], $0x40, s28, s1, $0xb8;
	[tilespmem:$0x1C000] =	vst v63  }
0x65: {  	s23 =	sadd.s32 s6, s7  }
0x66: {  	[tilespmem:s13], [sflag:$0x8] =	stream.linear.gather [hbm4b:s23+s5], $0x80, $0x38;
	[tilespmem:$0x1C000] =	vst v63  }
0x67: {  	s7 =	sadd.s32 s2, s7  }
0x68: {  	[tilespmem:s14], [sflag:$0x8] =	stream.linear.gather [hbm4b:s7+s5], $0x80, $0x38;
	[tilespmem:$0x1C000] =	vst v63  }
0x69: {  	_ =	swait.ge [sflag:s15], $0x2000  }
0x6a: {  	[sflag:s15] =	ssyncset.done $0x0  }
0x6b: {  	[sflag:s15] =	ssyncadd.s32 $0xFFFFE000  }
0x6c: {  	_ =	swait.ge [sflag:s16], $0x80  }
0x6d: {  	[sflag:s16] =	ssyncset.done $0x0  }
0x6e: {  	[sflag:s16] =	ssyncadd.s32 $0xFFFFFF80  }
0x6f: {  	p0 =	por $0x0, $0x0;
	s7 =	simm.s32 $0x200;
	_ =	swait.ge [sflag:s16], $0x80  }
0x70: {  	s7 =	simm.s32 @p0 $0x0;
	[sflag:s16] =	ssyncset.done $0x0  }
0x71: {  	s24 =	sand.u32 $0x3C00, s7;
	[sflag:s16] =	ssyncadd.s32 $0xFFFFFF80  }
0x72: {  	[spmem:s3] =	stream.indirect.scatter.add.f32 [tilespmem:s9], [sflag:$0x4], $0x40, s29, s1, $0xb8;
	[tilespmem:$0x1C000] =	vst v63  }
0x73: {  	s7 =	sand.u32 $0x200, s7;
	s21 =	sadd.s32 s8, s24;
	_ =	swait.ge [sflag:s17], $0x2000  }
0x74: {  	s7 =	sor.u32 s7, s21;
	[sflag:s17] =	ssyncset.done $0x0  }
0x75: {  	s7 =	sshrl.u32 s7, $0x3;
	[sflag:s17] =	ssyncadd.s32 $0xFFFFE000  }
0x76: {  	[tilespmem:s22], [sflag:$0x1] =	stream.indirect.gather [spmem:s4], $0x40, s30, s1, $0xb8;
	[tilespmem:$0x1C000] =	vst v63  }
0x77: {  	s19 =	sadd.s32 s6, s7  }
0x78: {  	[tilespmem:s25], [sflag:$0x5] =	stream.linear.gather [hbm4b:s19+s5], $0x80, $0x38;
	[tilespmem:$0x1C000] =	vst v63  }
0x79: {  	s7 =	sadd.s32 s2, s7  }
0x7a: {  	[tilespmem:s26], [sflag:$0x5] =	stream.linear.gather [hbm4b:s7+s5], $0x80, $0x38;
	[tilespmem:$0x1C000] =	vst v63  }
0x7b: {  	_ =	swait.ge [sflag:s10], $0x2000  }
0x7c: {  	[sflag:s10] =	ssyncset.done $0x0  }
0x7d: {  	[sflag:s10] =	ssyncadd.s32 $0xFFFFE000  }
0x7e: {  	_ =	swait.ge [sflag:s18], $0x80  }
0x7f: {  	[sflag:s18] =	ssyncset.done $0x0  }
0x80: {  	[sflag:s18] =	ssyncadd.s32 $0xFFFFFF80  }
0x81: {  	s7 =	simm.s32 $0x280;
	_ =	swait.ge [sflag:s18], $0x80  }
0x82: {  	s7 =	simm.s32 @p0 $0x80;
	[sflag:s18] =	ssyncset.done $0x0  }
0x83: {  	s20 =	sand.u32 $0x3C00, s7;
	[sflag:s18] =	ssyncadd.s32 $0xFFFFFF80  }
0x84: {  	[spmem:s3] =	stream.indirect.scatter.add.f32 [tilespmem:s22], [sflag:$0x3], $0x40, s31, s1, $0xb8;
	[tilespmem:$0x1C000] =	vst v63  }
0x85: {  	s7 =	sand.u32 $0x280, s7;
	s21 =	sadd.s32 s8, s20;
	_ =	swait.ge [sflag:s12], $0x2000  }
0x86: {  	s7 =	sor.u32 s7, s21;
	[sflag:s12] =	ssyncset.done $0x0  }
0x87: {  	s7 =	sshrl.u32 s7, $0x3;
	[sflag:s12] =	ssyncadd.s32 $0xFFFFE000  }
0x88: {  	[tilespmem:s9], [sflag:$0x2] =	stream.indirect.gather [spmem:s4], $0x40, s13, s1, $0xb8;
	[tilespmem:$0x1C000] =	vst v63  }
0x89: {  	s23 =	sadd.s32 s6, s7  }
0x8a: {  	[tilespmem:s28], [sflag:$0x6] =	stream.linear.gather [hbm4b:s23+s5], $0x80, $0x38;
	[tilespmem:$0x1C000] =	vst v63  }
0x8b: {  	s7 =	sadd.s32 s2, s7  }
0x8c: {  	[tilespmem:s29], [sflag:$0x6] =	stream.linear.gather [hbm4b:s7+s5], $0x80, $0x38;
	[tilespmem:$0x1C000] =	vst v63  }
0x8d: {  	_ =	swait.ge [sflag:s15], $0x2000  }
0x8e: {  	[sflag:s15] =	ssyncset.done $0x0  }
0x8f: {  	[sflag:s15] =	ssyncadd.s32 $0xFFFFE000  }
0x90: {  	_ =	swait.ge [sflag:s0], $0x80  }
0x91: {  	[sflag:s0] =	ssyncset.done $0x0  }
0x92: {  	s7 =	simm.s32 $0x300;
	[sflag:s0] =	ssyncadd.s32 $0xFFFFFF80  }
0x93: {  	s7 =	simm.s32 @p0 $0x100;
	_ =	swait.ge [sflag:s0], $0x80  }
0x94: {  	s24 =	sand.u32 $0x3C00, s7;
	[sflag:s0] =	ssyncset.done $0x0  }
0x95: {  	s7 =	sand.u32 $0x300, s7;
	s21 =	sadd.s32 s8, s24;
	[sflag:s0] =	ssyncadd.s32 $0xFFFFFF80  }
0x96: {  	[spmem:s3] =	stream.indirect.scatter.add.f32 [tilespmem:s9], [sflag:$0x4], $0x40, s14, s1, $0xb8;
	[tilespmem:$0x1C000] =	vst v63  }
0x97: {  	s7 =	sor.u32 s7, s21;
	_ =	swait.ge [sflag:s17], $0x2000  }
0x98: {  	s24 =	sshrl.u32 s7, $0x3;
	[sflag:s17] =	ssyncset.done $0x0  }
0x99: {  	s21 =	simm.s32 $0x200;
	s7 =	sadd.s32 s6, s24;
	[sflag:s17] =	ssyncadd.s32 $0xFFFFE000  }
0x9a: {  	[tilespmem:s22], [sflag:$0x1] =	stream.indirect.gather [spmem:s4], $0x40, s25, s1, $0xb8;
	[tilespmem:$0x1C000] =	vst v63  }
.LBB2_4:
0x9b: {  	[tilespmem:s30], [sflag:$0x7] =	stream.linear.gather [hbm4b:s7+s5], $0x80, $0x38;
	[tilespmem:$0x1C000] =	vst v63  }
0x9c: {  	s7 =	smov.u32 s21  }
0x9d: {  	p0 =	sne.s32 s21, $0x2600;
	s21 =	sadd.s32 $0x200, s21;
	s24 =	sadd.s32 s2, s24  }
0x9e: {  	[tilespmem:s31], [sflag:$0x7] =	stream.linear.gather [hbm4b:s24+s5], $0x80, $0x38;
	[tilespmem:$0x1C000] =	vst v63  }
0x9f: {  	_ =	swait.ge [sflag:s10], $0x2000  }
0xa0: {  	[sflag:s10] =	ssyncset.done $0x0  }
0xa1: {  	[sflag:s10] =	ssyncadd.s32 $0xFFFFE000  }
0xa2: {  	_ =	swait.ge [sflag:s11], $0x80  }
0xa3: {  	[sflag:s11] =	ssyncset.done $0x0  }
0xa4: {  	[sflag:s11] =	ssyncadd.s32 $0xFFFFFF80  }
0xa5: {  	_ =	swait.ge [sflag:s11], $0x80  }
0xa6: {  	s24 =	sand.u32 $0x3C00, s7;
	[sflag:s11] =	ssyncset.done $0x0  }
0xa7: {  	s20 =	sand.u32 $0x200, s7;
	s24 =	sadd.s32 s8, s24;
	[sflag:s11] =	ssyncadd.s32 $0xFFFFFF80  }
0xa8: {  	[spmem:s3] =	stream.indirect.scatter.add.f32 [tilespmem:s22], [sflag:$0x3], $0x40, s26, s1, $0xb8;
	[tilespmem:$0x1C000] =	vst v63  }
0xa9: {  	s20 =	sor.u32 s24, s20;
	_ =	swait.ge [sflag:s12], $0x2000  }
0xaa: {  	s20 =	sor.u32 $0x180, s20;
	[sflag:s12] =	ssyncset.done $0x0  }
0xab: {  	s20 =	sshrl.u32 s20, $0x3;
	[sflag:s12] =	ssyncadd.s32 $0xFFFFE000  }
0xac: {  	[tilespmem:s9], [sflag:$0x2] =	stream.indirect.gather [spmem:s4], $0x40, s28, s1, $0xb8;
	[tilespmem:$0x1C000] =	vst v63  }
0xad: {  	s24 =	sadd.s32 s6, s20;
	s20 =	sadd.s32 s2, s20  }
0xae: {  	[tilespmem:s13], [sflag:$0x8] =	stream.linear.gather [hbm4b:s24+s5], $0x80, $0x38;
	[tilespmem:$0x1C000] =	vst v63  }
0xaf: {  	_ = 	snop  }
0xb0: {  	[tilespmem:s14], [sflag:$0x8] =	stream.linear.gather [hbm4b:s20+s5], $0x80, $0x38;
	[tilespmem:$0x1C000] =	vst v63  }
0xb1: {  	_ =	swait.ge [sflag:s15], $0x2000  }
0xb2: {  	[sflag:s15] =	ssyncset.done $0x0  }
0xb3: {  	[sflag:s15] =	ssyncadd.s32 $0xFFFFE000  }
0xb4: {  	_ =	swait.ge [sflag:s16], $0x80  }
0xb5: {  	[sflag:s16] =	ssyncset.done $0x0  }
0xb6: {  	[sflag:s16] =	ssyncadd.s32 $0xFFFFFF80  }
0xb7: {  	p1 =	seq.s32 s7, $0x2600;
	s20 =	sadd.s32 $0x300, s7;
	_ =	swait.ge [sflag:s16], $0x80  }
0xb8: {  	s24 =	smov.u32 s21;
	s7 =	sadd.s32 $0x280, s7;
	[sflag:s16] =	ssyncset.done $0x0  }
0xb9: {  	s24 =	simm.s32 @p1 $0x0;
	s7 =	simm.s32 @p1 $0x80;
	[sflag:s16] =	ssyncadd.s32 $0xFFFFFF80  }
0xba: {  	s19 =	sand.u32 $0x3C00, s24;
	s23 =	sand.u32 $0x3C00, s7;
	s7 =	sand.u32 $0x280, s7  }
0xbb: {  	[spmem:s3] =	stream.indirect.scatter.add.f32 [tilespmem:s9], [sflag:$0x4], $0x40, s29, s1, $0xb8;
	[tilespmem:$0x1C000] =	vst v63  }
0xbc: {  	s24 =	sand.u32 $0x200, s24;
	s19 =	sadd.s32 s8, s19;
	_ =	swait.ge [sflag:s17], $0x2000  }
0xbd: {  	s19 =	sor.u32 s24, s19;
	s23 =	sadd.s32 s8, s23;
	[sflag:s17] =	ssyncset.done $0x0  }
0xbe: {  	s19 =	sshrl.u32 s19, $0x3;
	s7 =	sor.u32 s7, s23;
	[sflag:s17] =	ssyncadd.s32 $0xFFFFE000  }
0xbf: {  	[tilespmem:s22], [sflag:$0x1] =	stream.indirect.gather [spmem:s4], $0x40, s30, s1, $0xb8;
	[tilespmem:$0x1C000] =	vst v63  }
0xc0: {  	s23 =	sadd.s32 s6, s19;
	s19 =	sadd.s32 s2, s19;
	s7 =	sshrl.u32 s7, $0x3  }
0xc1: {  	[tilespmem:s25], [sflag:$0x5] =	stream.linear.gather [hbm4b:s23+s5], $0x80, $0x38;
	[tilespmem:$0x1C000] =	vst v63  }
0xc2: {  	s20 =	simm.s32 @p1 $0x100  }
0xc3: {  	[tilespmem:s26], [sflag:$0x5] =	stream.linear.gather [hbm4b:s19+s5], $0x80, $0x38;
	[tilespmem:$0x1C000] =	vst v63  }
0xc4: {  	s19 =	sand.u32 $0x3C00, s20;
	_ =	swait.ge [sflag:s10], $0x2000  }
0xc5: {  	s20 =	sand.u32 $0x300, s20;
	s19 =	sadd.s32 s8, s19;
	[sflag:s10] =	ssyncset.done $0x0  }
0xc6: {  	s19 =	sor.u32 s20, s19;
	[sflag:s10] =	ssyncadd.s32 $0xFFFFE000  }
0xc7: {  	s24 =	sshrl.u32 s19, $0x3;
	_ =	swait.ge [sflag:s18], $0x80  }
0xc8: {  	[sflag:s18] =	ssyncset.done $0x0  }
0xc9: {  	[sflag:s18] =	ssyncadd.s32 $0xFFFFFF80  }
0xca: {  	_ =	swait.ge [sflag:s18], $0x80  }
0xcb: {  	[sflag:s18] =	ssyncset.done $0x0  }
0xcc: {  	[sflag:s18] =	ssyncadd.s32 $0xFFFFFF80  }
0xcd: {  	[spmem:s3] =	stream.indirect.scatter.add.f32 [tilespmem:s22], [sflag:$0x3], $0x40, s31, s1, $0xb8;
	[tilespmem:$0x1C000] =	vst v63  }
0xce: {  	_ =	swait.ge [sflag:s12], $0x2000  }
0xcf: {  	[sflag:s12] =	ssyncset.done $0x0  }
0xd0: {  	s19 =	sadd.s32 s6, s7;
	[sflag:s12] =	ssyncadd.s32 $0xFFFFE000  }
0xd1: {  	[tilespmem:s9], [sflag:$0x2] =	stream.indirect.gather [spmem:s4], $0x40, s13, s1, $0xb8;
	[tilespmem:$0x1C000] =	vst v63  }
0xd2: {  	s7 =	sadd.s32 s2, s7  }
0xd3: {  	[tilespmem:s28], [sflag:$0x6] =	stream.linear.gather [hbm4b:s19+s5], $0x80, $0x38;
	[tilespmem:$0x1C000] =	vst v63  }
0xd4: {  	_ = 	snop  }
0xd5: {  	[tilespmem:s29], [sflag:$0x6] =	stream.linear.gather [hbm4b:s7+s5], $0x80, $0x38;
	[tilespmem:$0x1C000] =	vst v63  }
0xd6: {  	_ =	swait.ge [sflag:s15], $0x2000  }
0xd7: {  	[sflag:s15] =	ssyncset.done $0x0  }
0xd8: {  	[sflag:s15] =	ssyncadd.s32 $0xFFFFE000  }
0xd9: {  	_ =	swait.ge [sflag:s0], $0x80  }
0xda: {  	[sflag:s0] =	ssyncset.done $0x0  }
0xdb: {  	[sflag:s0] =	ssyncadd.s32 $0xFFFFFF80  }
0xdc: {  	_ =	swait.ge [sflag:s0], $0x80  }
0xdd: {  	[sflag:s0] =	ssyncset.done $0x0  }
0xde: {  	[sflag:s0] =	ssyncadd.s32 $0xFFFFFF80  }
0xdf: {  	[spmem:s3] =	stream.indirect.scatter.add.f32 [tilespmem:s9], [sflag:$0x4], $0x40, s14, s1, $0xb8;
	[tilespmem:$0x1C000] =	vst v63  }
.Ltmp1:
0xe0: {  	_ =	swait.ge [sflag:s17], $0x2000;
	(pc) =	sbr.rel @p0 .LBB2_4-.Ltmp1, $4  }
0xe1: {  	[sflag:s17] =	ssyncset.done $0x0  }
0xe2: {  	[sflag:s17] =	ssyncadd.s32 $0xFFFFE000  }
0xe3: {  	[tilespmem:s22], [sflag:$0x1] =	stream.indirect.gather [spmem:s4], $0x40, s25, s1, $0xb8;
	[tilespmem:$0x1C000] =	vst v63  }
0xe4: {  	s7 =	sadd.s32 s6, s24  }
0xe5: {  	[tilespmem:s30], [sflag:$0x7] =	stream.linear.gather [hbm4b:s7+s5], $0x80, $0x38;
	[tilespmem:$0x1C000] =	vst v63  }
0xe6: {  	s23 =	sadd.s32 s2, s24  }
0xe7: {  	[tilespmem:s31], [sflag:$0x7] =	stream.linear.gather [hbm4b:s23+s5], $0x80, $0x38;
	[tilespmem:$0x1C000] =	vst v63  }
0xe8: {  	_ =	swait.ge [sflag:s10], $0x2000  }
0xe9: {  	[sflag:s10] =	ssyncset.done $0x0  }
0xea: {  	[sflag:s10] =	ssyncadd.s32 $0xFFFFE000  }
0xeb: {  	_ =	swait.ge [sflag:s12], $0x2000  }
0xec: {  	[sflag:s12] =	ssyncset.done $0x0  }
0xed: {  	[sflag:s12] =	ssyncadd.s32 $0xFFFFE000  }
0xee: {  	_ =	swait.ge [sflag:s11], $0x80  }
0xef: {  	[sflag:s11] =	ssyncset.done $0x0  }
0xf0: {  	[sflag:s11] =	ssyncadd.s32 $0xFFFFFF80  }
0xf1: {  	_ =	swait.ge [sflag:s11], $0x80  }
0xf2: {  	[sflag:s11] =	ssyncset.done $0x0  }
0xf3: {  	[sflag:s11] =	ssyncadd.s32 $0xFFFFFF80  }
0xf4: {  	_ =	swait.ge [sflag:s16], $0x80  }
0xf5: {  	[sflag:s16] =	ssyncset.done $0x0  }
0xf6: {  	[sflag:s16] =	ssyncadd.s32 $0xFFFFFF80  }
0xf7: {  	_ =	swait.ge [sflag:s16], $0x80  }
0xf8: {  	[sflag:s16] =	ssyncset.done $0x0  }
0xf9: {  	[sflag:s16] =	ssyncadd.s32 $0xFFFFFF80  }
0xfa: {  	[bflag:$0x0] =	sbarrier.arrive $0xFFFF  }
0xfb: {  	s19 =	rddreg [dreg:$0x5]  }
0xfc: {  	s20 =	rddreg [dreg:$0x11]  }
0xfd: {  	s23 =	simm.s32 $0x9;
	s21 =	rddreg [dreg:$0x15];
	s24 =	sshrl.u32 s19, $0x3  }
0xfe: {  	[hbm:s20], [sflag:s21] =	dma.local [spmem:s24], $0x2780  }
0xff: {  	_ =	swait.ge [sflag:s23], $0x2780  }
0x100: {  	s21 =	rddreg [dreg:$0x14]  }
0x101: {  	s24 =	rddreg [dreg:$0x12];
	s20 =	sadd.s32 $0x1, s21  }
0x102: {  	p0 =	sne.s32 s20, s24  }
.Ltmp2:
0x103: {  	_ = 	snop;
	(pc) =	sbr.rel @p0 .LBB2_1-.Ltmp2, $3  }
0x104: {  	_ =	sdelay $0x1  }
0x105: {  	[sflag:s23] =	ssyncset.done $0x0  }
0x106: {  	[sflag:s23] =	ssyncadd.s32 $0xFFFFD880  }
0x107: {  	_ =	sfence.sel $0x180000  }
0x108: {  	[bflag:$0x0] =	sbarrier.arrive $0xFFFF  }
0x109: {  	_ =	strace $0x9000004A  }
0x10a: {  	s0 =	stileid.u32;
	[bflag:$0x2] =	sbarrier.arrive $0xFFFF  }
0x10b: {  	p0 =	sne.s32 s0, $0x0;
	s0 =	rddreg [dreg:$0x4]  }
0x10c: {  	s0 =	sadd.s32 @!p0 $0x100000, s0  }
0x10d: {  	[sflag:s0] =	ssyncadd.tile.s32 @!p0 $0x1;
	_ =	shalt  }
.Lfunc_end2:
_tile_overlayer_lowered:
.L_overlay_start_2:
0x10e: {  	(tag) =	ssettag $0x2  }
0x10f: {  	s0 =	rddreg [dreg:$0x0];
	s2 =	stileid.u32  }
0x110: {  	s1 =	rddreg [dreg:$0x1];
	p0 =	sne.s32 s2, $0x0  }
0x111: {  	s3 =	rddreg [dreg:$0x2];
	[bflag:$0x3] =	sbarrier.arrive $0xFFFF;
	s2 =	simm.s32 @!p0 $0x1C09  }
0x112: {  	[timem:s3], [sflag:s2] =	dma.local @!p0 [hbm:s0], s1  }
0x113: {  	s0 =	simm.s32 @!p0 $0x9  }
0x114: {  	_ =	swait.ge @!p0 [sflag:s0], s1  }
0x115: {  	s1 =	ssub.s32 @!p0 $0x0, s1;
	[sflag:s0] =	ssyncset.done @!p0 $0x0  }
0x116: {  	[sflag:s0] =	ssyncadd.s32 @!p0 s1  }
0x117: {  	[bflag:$0x3] =	sbarrier.arrive $0xFFFF  }
0x118: {  	_ =	shalt  }

// kernel: kernel.14.cloned.1.call-start
scs
__scs_entry_jumppad:
0x0: {  	(pc) =	sbr.rel $0x88, $3  }
0x1: {  	(tag) =	ssettag $0x0;
	lr =	simm.s32 $0x1  }
0x2: {  	[smem:$0x3F9B] =	sst lr;
	_ =	strace $0xD0000000  }
0x3: {  	_ = 	snop  }
0x4: {  	_ = 	snop  }
0x5: {  	_ = 	snop  }
0x6: {  	_ = 	snop  }
0x7: {  	_ = 	snop  }
__scs_overlays_trampoline_lowered:
0x8: {  	[smem:$0x3FAA] =	sst s0  }
0x9: {  	[smem:$0x3FAB] =	sst s1  }
0xa: {  	[smem:$0x3FAC] =	sst s2  }
0xb: {  	[smem:$0x3FAD] =	sst s3  }
0xc: {  	[smem:$0x3FAE] =	sst s4  }
0xd: {  	[smem:$0x3FAF] =	sst s5  }
0xe: {  	[smem:$0x3FB0] =	sst s6  }
0xf: {  	[smem:$0x3FB1] =	sst s7  }
0x10: {  	[smem:$0x3FB2] =	sst s8  }
0x11: {  	[smem:$0x3FB3] =	sst s9;
	s0 =	simm.s32 @!p0 $0x0  }
0x12: {  	s1 =	sld [smem:$0x3F99];
	s0 =	simm.s32 @p0 $0x1  }
0x13: {  	[smem:$0x3FB4] =	sst s0;
	s0 =	simm.s32 @!p1 $0x0  }
0x14: {  	s2 =	sld [smem:$0x3F98];
	s0 =	simm.s32 @p1 $0x1  }
0x15: {  	[smem:$0x3FB5] =	sst s0;
	s0 =	simm.s32 @!p2 $0x0  }
0x16: {  	s3 =	sld [smem:$0x3FDB];
	s0 =	simm.s32 @p2 $0x1  }
0x17: {  	s4 =	simm.s32 $0x1BF5;
	[smem:$0x3FB7] =	sst s0  }
0x18: {  	s0 =	sld [smem:$0x3F9A];
	_ =	swait.ge [sflag:s4], $0x0  }
0x19: {  	s7 =	sld [smem:$0x3F9B]  }
0x1a: {  	s8 =	sadd.s32 $0xFFFFE003, lr  }
0x1b: {  	s9 =	sadd.s32 $0xFFFFFEF7, lr;
	s5 =	simm.s32 $0xFFFFFFFF;
	p2 =	slt.u32 s8, $0xFFFFF086  }
0x1c: {  	p1 =	slt.u32 s9, $0xF7A;
	s5 =	simm.s32 @!p2 $0x0  }
0x1d: {  	s5 =	simm.s32 @p1 $0x1;
	p0 =	seq.s32 s7, s2  }
0x1e: {  	s7 =	smul.u32 @!p0 $0xF7A, s2;
	p2 =	seq.s32 @!p0 s5, $0x0  }
0x1f: {  	s9 =	smul.u32 $0xF7A, s1;
	s8 =	simm.s32 @!p0 $0x1BF5;
	p2 =	por !p2, p0  }
0x20: {  	[sflag:s8] =	ssyncset.s32 @!p0 $0xFFFFF086;
	s6 =	sadd.s32 @!p0 s3, s7;
	s7 =	simm.s32 @!p0 $0x108  }
0x21: {  	s3 =	sadd.s32 s3, s9;
	s6 =	sadd.s32 @!p0 $0x88, s6;
	s7 =	simm.s32 @p2 $0x1082  }
0x22: {  	[simem:s7], [sflag:s8] =	dma.local @!p0 [hbm:s6], $0xF7A  }
0x23: {  	s9 =	sor.u32 $0xD0000000, s2;
	s6 =	simm.s32 $0x108;
	_ =	swait.ge @!p0 [sflag:s8], $0x0  }
0x24: {  	s3 =	sadd.s32 $0x88, s3;
	s6 =	simm.s32 @!p1 $0x1082;
	[sflag:s4] =	ssyncset.s32 $0xFFFFF086  }
0x25: {  	[simem:s6], [sflag:s4] =	dma.local [hbm:s3], $0xF7A  }
0x26: {  	[smem:$0x3F9B] =	sst s1;
	(tag) =	ssettag s2;
	_ =	strace s9  }
0x27: {  	s1 =	sld [smem:$0x3FAB]  }
0x28: {  	s2 =	sld [smem:$0x3FAC]  }
0x29: {  	s4 =	sld [smem:$0x3FAE]  }
0x2a: {  	p0 =	seq.s32 s5, $0x0;
	s5 =	sld [smem:$0x3FAF]  }
0x2b: {  	s6 =	sld [smem:$0x3FB0]  }
0x2c: {  	s7 =	sld [smem:$0x3FB1]  }
0x2d: {  	s3 =	simm.s32 $0x108;
	s8 =	sld [smem:$0x3FB2]  }
0x2e: {  	s3 =	simm.s32 @!p0 $0x1082;
	s9 =	sld [smem:$0x3FB3]  }
0x2f: {  	lr =	sadd.s32 s0, s3;
	s0 =	sld [smem:$0x3FAA]  }
0x30: {  	s3 =	sld [smem:$0x3FAD]  }
0x31: {  	[smem:$0x3FB6] =	sst s10  }
0x32: {  	s10 =	sld [smem:$0x3FB4];
	_ =	sdelay $0x3  }
0x33: {  	p0 =	seq.s32 s10, $0x1;
	s10 =	sld [smem:$0x3FB6];
	_ =	sdelay $0x3  }
0x34: {  	[smem:$0x3FB6] =	sst s10  }
0x35: {  	s10 =	sld [smem:$0x3FB5];
	_ =	sdelay $0x3  }
0x36: {  	p1 =	seq.s32 s10, $0x1;
	s10 =	sld [smem:$0x3FB6];
	_ =	sdelay $0x3  }
0x37: {  	[smem:$0x3FB6] =	sst s10  }
0x38: {  	s10 =	sld [smem:$0x3FB7]  }
0x39: {  	_ = 	snop;
	(pc) =	sbr.ind lr, $3  }
0x3a: {  	_ = 	snop  }
0x3b: {  	_ = 	snop  }
0x3c: {  	p2 =	seq.s32 s10, $0x1;
	s10 =	sld [smem:$0x3FB6]  }
0x3d: {  	_ =	shalt  }
0x3e: {  	_ =	shalt  }
0x3f: {  	_ =	shalt  }
0x40: {  	_ =	shalt  }
0x41: {  	_ =	shalt  }
0x42: {  	_ =	shalt  }
0x43: {  	_ =	shalt  }
0x44: {  	_ =	shalt  }
0x45: {  	_ =	shalt  }
0x46: {  	_ =	shalt  }
0x47: {  	_ =	shalt  }
0x48: {  	_ =	shalt  }
0x49: {  	_ =	shalt  }
0x4a: {  	_ =	shalt  }
0x4b: {  	_ =	shalt  }
0x4c: {  	_ =	shalt  }
0x4d: {  	_ =	shalt  }
0x4e: {  	_ =	shalt  }
0x4f: {  	_ =	shalt  }
0x50: {  	_ =	shalt  }
0x51: {  	_ =	shalt  }
0x52: {  	_ =	shalt  }
0x53: {  	_ =	shalt  }
0x54: {  	_ =	shalt  }
0x55: {  	_ =	shalt  }
0x56: {  	_ =	shalt  }
0x57: {  	_ =	shalt  }
0x58: {  	_ =	shalt  }
0x59: {  	_ =	shalt  }
0x5a: {  	_ =	shalt  }
0x5b: {  	_ =	shalt  }
0x5c: {  	_ =	shalt  }
0x5d: {  	_ =	shalt  }
0x5e: {  	_ =	shalt  }
0x5f: {  	_ =	shalt  }
0x60: {  	_ =	shalt  }
0x61: {  	_ =	shalt  }
0x62: {  	_ =	shalt  }
0x63: {  	_ =	shalt  }
0x64: {  	_ =	shalt  }
0x65: {  	_ =	shalt  }
0x66: {  	_ =	shalt  }
0x67: {  	_ =	shalt  }
0x68: {  	_ =	shalt  }
0x69: {  	_ =	shalt  }
0x6a: {  	_ =	shalt  }
0x6b: {  	_ =	shalt  }
0x6c: {  	_ =	shalt  }
0x6d: {  	_ =	shalt  }
0x6e: {  	_ =	shalt  }
0x6f: {  	_ =	shalt  }
0x70: {  	_ =	shalt  }
0x71: {  	_ =	shalt  }
0x72: {  	_ =	shalt  }
0x73: {  	_ =	shalt  }
0x74: {  	_ =	shalt  }
0x75: {  	_ =	shalt  }
0x76: {  	_ =	shalt  }
0x77: {  	_ =	shalt  }
0x78: {  	_ =	shalt  }
0x79: {  	_ =	shalt  }
0x7a: {  	_ =	shalt  }
0x7b: {  	_ =	shalt  }
0x7c: {  	_ =	shalt  }
0x7d: {  	_ =	shalt  }
0x7e: {  	_ =	shalt  }
0x7f: {  	_ =	shalt  }
0x80: {  	_ =	shalt  }
0x81: {  	_ =	shalt  }
0x82: {  	_ =	shalt  }
0x83: {  	_ =	shalt  }
0x84: {  	_ =	shalt  }
0x85: {  	_ =	shalt  }
0x86: {  	_ =	shalt  }
0x87: {  	_ =	shalt  }
.Lfunc_end0:
.L_simem_size_0:
called_computation.2_lowered:
.L_overlay_start_0:
0x88: {  	s2 =	sld [smem:$0x3FD9]  }
0x89: {  	s3 =	sld [smem:$0x3FFE];
	_ =	sdelay $0x1  }
0x8a: {  	s1 =	srdreg.scid  }
0x8b: {  	s0 =	sand.u32 $0x1, s1  }
0x8c: {  	s17 =	sshll.u32 s0, $0xA;
	s2 =	sadd.s32 s3, s2  }
0x8d: {  	s2 =	sadd.s32 s2, s17  }
0x8e: {  	[smem:$0x3FC2] =	sst s2  }
0x8f: {  	_ = 	snop  }
0x90: {  	s2 =	sld [smem:$0x3FD0];
	(tm) =	ssettm $0x1  }
0x91: {  	s18 =	sld [smem:$0x3FFB];
	_ =	sdelay $0x3  }
0x92: {  	_ =	strace s18  }
0x93: {  	s3 =	sld [smem:$0x3FFC];
	_ =	sdelay $0x3  }
0x94: {  	_ =	strace s3  }
0x95: {  	s3 =	sld [smem:$0x3FFD];
	_ =	sdelay $0x3  }
0x96: {  	_ =	strace s3  }
0x97: {  	_ =	strace $0x8FFFFFFF  }
0x98: {  	s19 =	sld [smem:$0x3FDB];
	_ =	sdelay $0x1  }
0x99: {  	s4 =	simm.s32 $_scs_section_size  }
0x9a: {  	s5 =	simm.s32 $_size__tile_overlayer_lowered;
	s6 =	simm.s32 $_tile_overlayer_lowered  }
0x9b: {  	s22 =	simm.s32 $0x1BFF;
	s21 =	sshll.u32 s6, $0x1;
	s3 =	sadd.s32 s4, s19  }
0x9c: {  	s7 =	simm.s32 $0x0;
	s20 =	sshll.u32 s5, $0x1;
	s5 =	sadd.s32 s21, s3  }
0x9d: {  	[timem:s7], [sflag:s22] =	dma.local [hbm:s5], s20  }
0x9e: {  	_ =	swait.ge [sflag:s22], s20  }
0x9f: {  	s4 =	ssub.s32 $0x0, s20;
	[sflag:s22] =	ssyncset.done $0x0  }
0xa0: {  	[sflag:s22] =	ssyncadd.s32 s4;
	_ =	sdelay $0x1  }
0xa1: {  	s23 =	simm.s32 $0x1B8B  }
0xa2: {  	_ =	swait.ge [sflag:s23], $0x1  }
0xa3: {  	[sflag:s23] =	ssyncset.done $0x0  }
0xa4: {  	s25 =	simm.s32 $0x1B8E;
	s24 =	sld [smem:$0x3FFE];
	[sflag:s23] =	ssyncadd.s32 $0xFFFFFFFF  }
0xa5: {  	s26 =	simm.s32 $execute0_lowered;
	[smem:$0x3FD2] =	sst s25  }
0xa6: {  	s5 =	sshll.u32 s26, $0x1;
	_ =	strace $0x8000004C;
	[dreg:$0x1] =	wrdreg $0xFFFFFFFF  }
0xa7: {  	s28 =	simm.s32 $_size_execute0_lowered;
	s3 =	sadd.s32 s3, s5;
	[dreg:$0x0] =	wrdreg $0x0  }
0xa8: {  	s5 =	sshll.u32 s28, $0x1;
	[dreg:$0x2] =	wrdreg s3  }
0xa9: {  	[dreg:$0x3] =	wrdreg s5  }
0xaa: {  	[dreg:$0x4] =	wrdreg $0xC0  }
0xab: {  	_ =	task [dreg:s7], $0x5FFFF  }
0xac: {  	[dreg:$0x1] =	wrdreg $0xFFFFFFFF  }
0xad: {  	[dreg:$0x0] =	wrdreg $0x60  }
0xae: {  	[dreg:$0x2] =	wrdreg s24  }
0xaf: {  	[dreg:$0x3] =	wrdreg s2  }
0xb0: {  	[dreg:$0x4] =	wrdreg $0x0  }
0xb1: {  	[dreg:$0x5] =	wrdreg $0x9E000  }
0xb2: {  	[dreg:$0x6] =	wrdreg $0x9  }
0xb3: {  	_ =	task.clear_ibuf [dreg:s7], $0x7FFFF;
	_ =	strace $0x9000004C  }
0xb4: {  	s29 =	simm.s32 $0x9;
	_ =	strace $0x8000004E  }
0xb5: {  	_ =	swait.ge [sflag:s29], $0x1  }
0xb6: {  	[sflag:s29] =	ssyncadd.s32 $0xFFFFFFFF  }
0xb7: {  	_ =	strace $0x9000004E  }
0xb8: {  	_ =	sfence  }
0xb9: {  	s30 =	sld [smem:$0x0];
	_ =	sdelay $0x2  }
0xba: {  	s31 =	sshll.u32 s1, $0xD;
	s1 =	sshrl.u32 s1, $0x2  }
0xbb: {  	s3 =	sand.u32 $0x4000, s31;
	s1 =	sadd.s32 s1, s30  }
0xbc: {  	s0 =	sor.u32 s3, s0;
	s1 =	sshll.u32 s1, $0x11  }
0xbd: {  	s0 =	sor.u32 s1, s0  }
0xbe: {  	s0 =	sadd.s32 $0x8F2B, s0  }
0xbf: {  	[sflag:s0] =	ssyncadd.remote.s32 $0x1  }
0xc0: {  	_ =	sfence.sel $0xFFFF  }
0xc1: {  	[dreg:$0x0] =	wrdreg $0xFFFFFFFF;
	(pc) =	sbr.abs _section_cstart, $3  }
0xc2: {  	[dreg:$0x1] =	wrdreg $0xFFFFFFFF  }
0xc3: {  	_ =	task.clear_ibuf [dreg:s7], $0x2FFFF;
	_ =	strace $0x9FFFFFFF  }
0xc4: {  	(tm) =	ssettm $0x7FFFFFFF  }
0xc5: {  	_ =	shalt  }
tec
execute0_lowered:
.L_overlay_start_1:
0x0: {  	(tag) =	ssettag $0x1  }
0x1: {  	s0 =	rddreg [dreg:$0x0]  }
0x2: {  	s2 =	rddreg [dreg:$0x1]  }
0x3: {  	s3 =	rddreg [dreg:$0x2]  }
0x4: {  	s4 =	rddreg [dreg:$0x3]  }
0x5: {  	s12 =	stileid.u32;
	s1 =	srdreg.scid;
	s5 =	simm.s32 $0x0  }
0x6: {  	s28 =	simm.s32 $0x1BC80;
	s29 =	simm.s32 $0x1BE80;
	s30 =	simm.s32 $0x1BD00  }
0x7: {  	s31 =	simm.s32 $0x1BF00;
	s7 =	smul.u32 $0x13C00, s12;
	s1 =	sand.u32 $0x1, s1  }
0x8: {  	[smem:$0x7FF] =	sst s5;
	s11 =	smul.u32 $0x4F000, s12;
	s12 =	sshll.u32 s12, $0x1  }
0x9: {  	s8 =	smul.u32 $0x13C000, s1;
	_ =	strace $0x8000004D;
	s10 =	ssub.s32 $0x2, s1  }
0xa: {  	s1 =	sor.u32 s1, s12;
	s6 =	sshrl.u32 s7, $0x3;
	s26 =	sshrl.u32 s10, $0x1  }
0xb: {  	s12 =	sshrl.u32 s11, $0x2;
	s19 =	sadd.s32 s7, s3;
	s17 =	sadd.s32 s7, s4  }
0xc: {  	s9 =	sadd.s32 s6, s0;
	s6 =	sadd.s32 $0x51800, s0;
	s8 =	sadd.s32 s7, s8  }
0xd: {  	s10 =	ssub.s32 s10, s26;
	s11 =	sadd.s32 s12, s3;
	s26 =	sshrl.u32 s17, $0x3  }
0xe: {  	s12 =	simm.s32 $0x4;
	s17 =	simm.s32 $0x3;
	[dreg:$0x5] =	wrdreg s19  }
0xf: {  	s8 =	sshrl.u32 s8, $0x3;
	s13 =	sadd.s32 $0x4000, s11;
	[dreg:$0x13] =	wrdreg s26  }
0x10: {  	s14 =	sadd.s32 $0x8000, s11;
	s15 =	sadd.s32 $0xC000, s11;
	[dreg:$0x6] =	wrdreg s13  }
0x11: {  	s16 =	sadd.s32 $0x10000, s11;
	s9 =	sadd.s32 $0x5B800, s9;
	[dreg:$0x7] =	wrdreg s14  }
0x12: {  	s25 =	smax.u32 s10, $0x1;
	s26 =	simm.s32 $0x1BE00;
	[dreg:$0x8] =	wrdreg s15  }
0x13: {  	s10 =	simm.s32 $0x1;
	s11 =	simm.s32 $0x6;
	[dreg:$0x9] =	wrdreg s16  }
0x14: {  	s0 =	sadd.s32 s8, s0;
	s8 =	smul.u32 $0x2800, s1;
	[dreg:$0xa] =	wrdreg s9  }
0x15: {  	[dreg:$0x12] =	wrdreg s25;
	s25 =	simm.s32 $0x1BC00;
	s1 =	simm.s32 $0x80  }
0x16: {  	s13 =	simm.s32 $0x1BD80;
	s14 =	simm.s32 $0x1BF80;
	s15 =	simm.s32 $0x2  }
0x17: {  	s16 =	simm.s32 $0x7;
	s0 =	sadd.s32 $0x83000, s0;
	s18 =	sshrl.u32 s8, $0x3  }
0x18: {  	[dreg:$0x11] =	wrdreg s0;
	s0 =	simm.s32 $0x5;
	s20 =	sadd.s32 s6, s18  }
0x19: {  	s21 =	sor.u32 $0x10, s18;
	s22 =	sadd.s32 s2, s18;
	[dreg:$0xb] =	wrdreg s20  }
0x1a: {  	s7 =	sor.u32 $0x20, s18;
	[dreg:$0xc] =	wrdreg s22;
	s23 =	sadd.s32 s6, s21  }
0x1b: {  	s18 =	simm.s32 $0x8;
	s9 =	sadd.s32 s2, s21;
	[dreg:$0xd] =	wrdreg s23  }
0x1c: {  	s24 =	sadd.s32 s6, s7;
	s7 =	sadd.s32 s2, s7;
	[dreg:$0xe] =	wrdreg s9  }
0x1d: {  	s22 =	simm.s32 $0x13C00;
	s20 =	simm.s32 $0x0;
	[dreg:$0xf] =	wrdreg s24  }
0x1e: {  	v0 =	vimm.f32 $0.0e+00;
	[dreg:$0x10] =	wrdreg s7;
	s23 =	simm.s32 $0x9;
	s9 =	simm.s32 $0x17C00  }
.LBB2_1:
0x1f: {  	s7 =	sand.u32 $0x3F80, s5;
	s24 =	sand.u32 $0x30, s5  }
0x20: {  	[dreg:$0x14] =	wrdreg s20;
	s20 =	sor.u32 s24, s7  }
0x21: {  	[tilespmem:s20+$0x17C00] =	vst v0  }
0x22: {  	s7 =	simm.s32 $0x20;
	[tilespmem:s20+$0x13C00] =	vst v0;
	s20 =	simm.s32 $0x0  }
.LBB2_2:
0x23: {  	p0 =	sne.s32 s7, $0x3FE0  }
.Ltmp0:
0x24: {  	s21 =	sand.u32 $0x3F80, s7;
	s20 =	sadd.s32 $0x10, s20;
	(pc) =	sbr.rel @p0 .LBB2_2-.Ltmp0, $4  }
0x25: {  	s7 =	sadd.s32 $0x20, s7;
	s24 =	sand.u32 $0x30, s20  }
0x26: {  	s21 =	sor.u32 s24, s21  }
0x27: {  	[tilespmem:s21+$0x17C00] =	vst v0  }
0x28: {  	[tilespmem:s21+$0x13C00] =	vst v0  }
0x29: {  	[spmem:s19] =	stream.linear.scatter [tilespmem:s22], [sflag:$0x9], $0x4000, $0x38;
	[tilespmem:$0x1C000] =	vst v63  }
0x2a: {  	_ =	swait.ge [sflag:s23], $0x4000  }
0x2b: {  	[sflag:s23] =	ssyncset.done $0x0  }
0x2c: {  	s7 =	rddreg [dreg:$0x6];
	[sflag:s23] =	ssyncadd.s32 $0xFFFFC000  }
0x2d: {  	[spmem:s7] =	stream.linear.scatter [tilespmem:s22], [sflag:$0x9], $0x4000, $0x38;
	[tilespmem:$0x1C000] =	vst v63  }
0x2e: {  	_ =	swait.ge [sflag:s23], $0x4000  }
0x2f: {  	[sflag:s23] =	ssyncset.done $0x0  }
0x30: {  	s21 =	rddreg [dreg:$0x7];
	[sflag:s23] =	ssyncadd.s32 $0xFFFFC000  }
0x31: {  	[spmem:s21] =	stream.linear.scatter [tilespmem:s22], [sflag:$0x9], $0x4000, $0x38;
	[tilespmem:$0x1C000] =	vst v63  }
0x32: {  	_ =	swait.ge [sflag:s23], $0x4000  }
0x33: {  	[sflag:s23] =	ssyncset.done $0x0  }
0x34: {  	s24 =	rddreg [dreg:$0x8];
	[sflag:s23] =	ssyncadd.s32 $0xFFFFC000  }
0x35: {  	[spmem:s24] =	stream.linear.scatter [tilespmem:s22], [sflag:$0x9], $0x4000, $0x38;
	[tilespmem:$0x1C000] =	vst v63  }
0x36: {  	s20 =	stileid.u32;
	_ =	swait.ge [sflag:s23], $0x4000  }
0x37: {  	s7 =	sshll.u32 s20, $0x6;
	[sflag:s23] =	ssyncset.done $0x0  }
0x38: {  	s20 =	sor.u32 $0x1C09, s7;
	s19 =	rddreg [dreg:$0x9];
	[sflag:s23] =	ssyncadd.s32 $0xFFFFC000  }
0x39: {  	[spmem:s19] =	stream.linear.scatter [tilespmem:s22], [sflag:$0x9], $0x3C00, $0x38;
	[tilespmem:$0x1C000] =	vst v63  }
0x3a: {  	_ =	swait.ge [sflag:s23], $0x3C00;
	[dreg:$0x15] =	wrdreg s20  }
0x3b: {  	[sflag:s23] =	ssyncset.done $0x0;
	s21 =	rddreg [dreg:$0xa]  }
0x3c: {  	s24 =	rddreg [dreg:$0x13];
	[sflag:s23] =	ssyncadd.s32 $0xFFFFC400  }
0x3d: {  	[spmem:s24], [sflag:s20] =	dma.local [hbm:s21], $0x2780  }
0x3e: {  	_ =	swait.ge [sflag:s23], $0x2780  }
0x3f: {  	[sflag:s23] =	ssyncset.done $0x0  }
0x40: {  	[sflag:s23] =	ssyncadd.s32 $0xFFFFD880  }
0x41: {  	[bflag:$0x0] =	sbarrier.arrive $0xFFFF  }
0x42: {  	s7 =	simm.s32 $0x0;
	s20 =	rddreg [dreg:$0xb]  }
0x43: {  	[tilespmem:s25], [sflag:$0x5] =	stream.linear.gather [hbm4b:s20+s7], $0x80, $0x38;
	[tilespmem:$0x1C000] =	vst v63  }
0x44: {  	s21 =	rddreg [dreg:$0xc]  }
0x45: {  	[tilespmem:s26], [sflag:$0x5] =	stream.linear.gather [hbm4b:s21+s7], $0x80, $0x38;
	[tilespmem:$0x1C000] =	vst v63  }
0x46: {  	s23 =	rddreg [dreg:$0xd]  }
0x47: {  	[tilespmem:s28], [sflag:$0x6] =	stream.linear.gather [hbm4b:s23+s7], $0x80, $0x38;
	[tilespmem:$0x1C000] =	vst v63  }
0x48: {  	s24 =	rddreg [dreg:$0xe]  }
0x49: {  	[tilespmem:s29], [sflag:$0x6] =	stream.linear.gather [hbm4b:s24+s7], $0x80, $0x38;
	[tilespmem:$0x1C000] =	vst v63  }
0x4a: {  	s20 =	rddreg [dreg:$0xf]  }
0x4b: {  	[tilespmem:s30], [sflag:$0x7] =	stream.linear.gather [hbm4b:s20+s7], $0x80, $0x38;
	[tilespmem:$0x1C000] =	vst v63  }
0x4c: {  	s21 =	rddreg [dreg:$0x10]  }
0x4d: {  	[tilespmem:s31], [sflag:$0x7] =	stream.linear.gather [hbm4b:s21+s7], $0x80, $0x38;
	[tilespmem:$0x1C000] =	vst v63  }
0x4e: {  	_ =	swait.ge [sflag:s0], $0x80  }
0x4f: {  	[sflag:s0] =	ssyncset.done $0x0  }
0x50: {  	[sflag:s0] =	ssyncadd.s32 $0xFFFFFF80  }
0x51: {  	_ =	swait.ge [sflag:s0], $0x80  }
0x52: {  	[sflag:s0] =	ssyncset.done $0x0  }
0x53: {  	[sflag:s0] =	ssyncadd.s32 $0xFFFFFF80  }
0x54: {  	[spmem:s3] =	stream.indirect.scatter.add.f32 [tilespmem:s9], [sflag:$0x4], $0x40, s26, s1, $0xb8;
	[tilespmem:$0x1C000] =	vst v63  }
0x55: {  	_ = 	snop  }
0x56: {  	[tilespmem:s22], [sflag:$0x1] =	stream.indirect.gather [spmem:s4], $0x40, s25, s1, $0xb8;
	[tilespmem:$0x1C000] =	vst v63  }
0x57: {  	_ =	swait.ge [sflag:s10], $0x2000  }
0x58: {  	[sflag:s10] =	ssyncset.done $0x0  }
0x59: {  	[sflag:s10] =	ssyncadd.s32 $0xFFFFE000  }
0x5a: {  	_ =	swait.ge [sflag:s11], $0x80  }
0x5b: {  	[sflag:s11] =	ssyncset.done $0x0  }
0x5c: {  	[sflag:s11] =	ssyncadd.s32 $0xFFFFFF80  }
0x5d: {  	_ =	swait.ge [sflag:s11], $0x80  }
0x5e: {  	s21 =	sand.u32 $0x3C00, s7;
	[sflag:s11] =	ssyncset.done $0x0  }
0x5f: {  	s7 =	sand.u32 $0x200, s7;
	s21 =	sadd.s32 s8, s21;
	[sflag:s11] =	ssyncadd.s32 $0xFFFFFF80  }
0x60: {  	[spmem:s3] =	stream.indirect.scatter.add.f32 [tilespmem:s22], [sflag:$0x3], $0x40, s26, s1, $0xb8;
	[tilespmem:$0x1C000] =	vst v63  }
0x61: {  	s7 =	sor.u32 s21, s7;
	_ =	swait.ge [sflag:s12], $0x2000  }
0x62: {  	s7 =	sor.u32 $0x180, s7;
	[sflag:s12] =	ssyncset.done $0x0  }
0x63: {  	s7 =	sshrl.u32 s7, $0x3;
	[sflag:s12] =	ssyncadd.s32 $0xFFFFE000  }
0x64: {  	[tilespmem:s9], [sflag:$0x2] =	stream.indirect.gather [spmem:s4], $0x40, s28, s1, $0xb8;
	[tilespmem:$0x1C000] =	vst v63  }
0x65: {  	s23 =	sadd.s32 s6, s7  }
0x66: {  	[tilespmem:s13], [sflag:$0x8] =	stream.linear.gather [hbm4b:s23+s5], $0x80, $0x38;
	[tilespmem:$0x1C000] =	vst v63  }
0x67: {  	s7 =	sadd.s32 s2, s7  }
0x68: {  	[tilespmem:s14], [sflag:$0x8] =	stream.linear.gather [hbm4b:s7+s5], $0x80, $0x38;
	[tilespmem:$0x1C000] =	vst v63  }
0x69: {  	_ =	swait.ge [sflag:s15], $0x2000  }
0x6a: {  	[sflag:s15] =	ssyncset.done $0x0  }
0x6b: {  	[sflag:s15] =	ssyncadd.s32 $0xFFFFE000  }
0x6c: {  	_ =	swait.ge [sflag:s16], $0x80  }
0x6d: {  	[sflag:s16] =	ssyncset.done $0x0  }
0x6e: {  	[sflag:s16] =	ssyncadd.s32 $0xFFFFFF80  }
0x6f: {  	p0 =	por $0x0, $0x0;
	s7 =	simm.s32 $0x200;
	_ =	swait.ge [sflag:s16], $0x80  }
0x70: {  	s7 =	simm.s32 @p0 $0x0;
	[sflag:s16] =	ssyncset.done $0x0  }
0x71: {  	s24 =	sand.u32 $0x3C00, s7;
	[sflag:s16] =	ssyncadd.s32 $0xFFFFFF80  }
0x72: {  	[spmem:s3] =	stream.indirect.scatter.add.f32 [tilespmem:s9], [sflag:$0x4], $0x40, s29, s1, $0xb8;
	[tilespmem:$0x1C000] =	vst v63  }
0x73: {  	s7 =	sand.u32 $0x200, s7;
	s21 =	sadd.s32 s8, s24;
	_ =	swait.ge [sflag:s17], $0x2000  }
0x74: {  	s7 =	sor.u32 s7, s21;
	[sflag:s17] =	ssyncset.done $0x0  }
0x75: {  	s7 =	sshrl.u32 s7, $0x3;
	[sflag:s17] =	ssyncadd.s32 $0xFFFFE000  }
0x76: {  	[tilespmem:s22], [sflag:$0x1] =	stream.indirect.gather [spmem:s4], $0x40, s30, s1, $0xb8;
	[tilespmem:$0x1C000] =	vst v63  }
0x77: {  	s19 =	sadd.s32 s6, s7  }
0x78: {  	[tilespmem:s25], [sflag:$0x5] =	stream.linear.gather [hbm4b:s19+s5], $0x80, $0x38;
	[tilespmem:$0x1C000] =	vst v63  }
0x79: {  	s7 =	sadd.s32 s2, s7  }
0x7a: {  	[tilespmem:s26], [sflag:$0x5] =	stream.linear.gather [hbm4b:s7+s5], $0x80, $0x38;
	[tilespmem:$0x1C000] =	vst v63  }
0x7b: {  	_ =	swait.ge [sflag:s10], $0x2000  }
0x7c: {  	[sflag:s10] =	ssyncset.done $0x0  }
0x7d: {  	[sflag:s10] =	ssyncadd.s32 $0xFFFFE000  }
0x7e: {  	_ =	swait.ge [sflag:s18], $0x80  }
0x7f: {  	[sflag:s18] =	ssyncset.done $0x0  }
0x80: {  	[sflag:s18] =	ssyncadd.s32 $0xFFFFFF80  }
0x81: {  	s7 =	simm.s32 $0x280;
	_ =	swait.ge [sflag:s18], $0x80  }
0x82: {  	s7 =	simm.s32 @p0 $0x80;
	[sflag:s18] =	ssyncset.done $0x0  }
0x83: {  	s20 =	sand.u32 $0x3C00, s7;
	[sflag:s18] =	ssyncadd.s32 $0xFFFFFF80  }
0x84: {  	[spmem:s3] =	stream.indirect.scatter.add.f32 [tilespmem:s22], [sflag:$0x3], $0x40, s31, s1, $0xb8;
	[tilespmem:$0x1C000] =	vst v63  }
0x85: {  	s7 =	sand.u32 $0x280, s7;
	s21 =	sadd.s32 s8, s20;
	_ =	swait.ge [sflag:s12], $0x2000  }
0x86: {  	s7 =	sor.u32 s7, s21;
	[sflag:s12] =	ssyncset.done $0x0  }
0x87: {  	s7 =	sshrl.u32 s7, $0x3;
	[sflag:s12] =	ssyncadd.s32 $0xFFFFE000  }
0x88: {  	[tilespmem:s9], [sflag:$0x2] =	stream.indirect.gather [spmem:s4], $0x40, s13, s1, $0xb8;
	[tilespmem:$0x1C000] =	vst v63  }
0x89: {  	s23 =	sadd.s32 s6, s7  }
0x8a: {  	[tilespmem:s28], [sflag:$0x6] =	stream.linear.gather [hbm4b:s23+s5], $0x80, $0x38;
	[tilespmem:$0x1C000] =	vst v63  }
0x8b: {  	s7 =	sadd.s32 s2, s7  }
0x8c: {  	[tilespmem:s29], [sflag:$0x6] =	stream.linear.gather [hbm4b:s7+s5], $0x80, $0x38;
	[tilespmem:$0x1C000] =	vst v63  }
0x8d: {  	_ =	swait.ge [sflag:s15], $0x2000  }
0x8e: {  	[sflag:s15] =	ssyncset.done $0x0  }
0x8f: {  	[sflag:s15] =	ssyncadd.s32 $0xFFFFE000  }
0x90: {  	_ =	swait.ge [sflag:s0], $0x80  }
0x91: {  	[sflag:s0] =	ssyncset.done $0x0  }
0x92: {  	s7 =	simm.s32 $0x300;
	[sflag:s0] =	ssyncadd.s32 $0xFFFFFF80  }
0x93: {  	s7 =	simm.s32 @p0 $0x100;
	_ =	swait.ge [sflag:s0], $0x80  }
0x94: {  	s24 =	sand.u32 $0x3C00, s7;
	[sflag:s0] =	ssyncset.done $0x0  }
0x95: {  	s7 =	sand.u32 $0x300, s7;
	s21 =	sadd.s32 s8, s24;
	[sflag:s0] =	ssyncadd.s32 $0xFFFFFF80  }
0x96: {  	[spmem:s3] =	stream.indirect.scatter.add.f32 [tilespmem:s9], [sflag:$0x4], $0x40, s14, s1, $0xb8;
	[tilespmem:$0x1C000] =	vst v63  }
0x97: {  	s7 =	sor.u32 s7, s21;
	_ =	swait.ge [sflag:s17], $0x2000  }
0x98: {  	s24 =	sshrl.u32 s7, $0x3;
	[sflag:s17] =	ssyncset.done $0x0  }
0x99: {  	s21 =	simm.s32 $0x200;
	s7 =	sadd.s32 s6, s24;
	[sflag:s17] =	ssyncadd.s32 $0xFFFFE000  }
0x9a: {  	[tilespmem:s22], [sflag:$0x1] =	stream.indirect.gather [spmem:s4], $0x40, s25, s1, $0xb8;
	[tilespmem:$0x1C000] =	vst v63  }
.LBB2_4:
0x9b: {  	[tilespmem:s30], [sflag:$0x7] =	stream.linear.gather [hbm4b:s7+s5], $0x80, $0x38;
	[tilespmem:$0x1C000] =	vst v63  }
0x9c: {  	s7 =	smov.u32 s21  }
0x9d: {  	p0 =	sne.s32 s21, $0x2600;
	s21 =	sadd.s32 $0x200, s21;
	s24 =	sadd.s32 s2, s24  }
0x9e: {  	[tilespmem:s31], [sflag:$0x7] =	stream.linear.gather [hbm4b:s24+s5], $0x80, $0x38;
	[tilespmem:$0x1C000] =	vst v63  }
0x9f: {  	_ =	swait.ge [sflag:s10], $0x2000  }
0xa0: {  	[sflag:s10] =	ssyncset.done $0x0  }
0xa1: {  	[sflag:s10] =	ssyncadd.s32 $0xFFFFE000  }
0xa2: {  	_ =	swait.ge [sflag:s11], $0x80  }
0xa3: {  	[sflag:s11] =	ssyncset.done $0x0  }
0xa4: {  	[sflag:s11] =	ssyncadd.s32 $0xFFFFFF80  }
0xa5: {  	_ =	swait.ge [sflag:s11], $0x80  }
0xa6: {  	s24 =	sand.u32 $0x3C00, s7;
	[sflag:s11] =	ssyncset.done $0x0  }
0xa7: {  	s20 =	sand.u32 $0x200, s7;
	s24 =	sadd.s32 s8, s24;
	[sflag:s11] =	ssyncadd.s32 $0xFFFFFF80  }
0xa8: {  	[spmem:s3] =	stream.indirect.scatter.add.f32 [tilespmem:s22], [sflag:$0x3], $0x40, s26, s1, $0xb8;
	[tilespmem:$0x1C000] =	vst v63  }
0xa9: {  	s20 =	sor.u32 s24, s20;
	_ =	swait.ge [sflag:s12], $0x2000  }
0xaa: {  	s20 =	sor.u32 $0x180, s20;
	[sflag:s12] =	ssyncset.done $0x0  }
0xab: {  	s20 =	sshrl.u32 s20, $0x3;
	[sflag:s12] =	ssyncadd.s32 $0xFFFFE000  }
0xac: {  	[tilespmem:s9], [sflag:$0x2] =	stream.indirect.gather [spmem:s4], $0x40, s28, s1, $0xb8;
	[tilespmem:$0x1C000] =	vst v63  }
0xad: {  	s24 =	sadd.s32 s6, s20;
	s20 =	sadd.s32 s2, s20  }
0xae: {  	[tilespmem:s13], [sflag:$0x8] =	stream.linear.gather [hbm4b:s24+s5], $0x80, $0x38;
	[tilespmem:$0x1C000] =	vst v63  }
0xaf: {  	_ = 	snop  }
0xb0: {  	[tilespmem:s14], [sflag:$0x8] =	stream.linear.gather [hbm4b:s20+s5], $0x80, $0x38;
	[tilespmem:$0x1C000] =	vst v63  }
0xb1: {  	_ =	swait.ge [sflag:s15], $0x2000  }
0xb2: {  	[sflag:s15] =	ssyncset.done $0x0  }
0xb3: {  	[sflag:s15] =	ssyncadd.s32 $0xFFFFE000  }
0xb4: {  	_ =	swait.ge [sflag:s16], $0x80  }
0xb5: {  	[sflag:s16] =	ssyncset.done $0x0  }
0xb6: {  	[sflag:s16] =	ssyncadd.s32 $0xFFFFFF80  }
0xb7: {  	p1 =	seq.s32 s7, $0x2600;
	s20 =	sadd.s32 $0x300, s7;
	_ =	swait.ge [sflag:s16], $0x80  }
0xb8: {  	s24 =	smov.u32 s21;
	s7 =	sadd.s32 $0x280, s7;
	[sflag:s16] =	ssyncset.done $0x0  }
0xb9: {  	s24 =	simm.s32 @p1 $0x0;
	s7 =	simm.s32 @p1 $0x80;
	[sflag:s16] =	ssyncadd.s32 $0xFFFFFF80  }
0xba: {  	s19 =	sand.u32 $0x3C00, s24;
	s23 =	sand.u32 $0x3C00, s7;
	s7 =	sand.u32 $0x280, s7  }
0xbb: {  	[spmem:s3] =	stream.indirect.scatter.add.f32 [tilespmem:s9], [sflag:$0x4], $0x40, s29, s1, $0xb8;
	[tilespmem:$0x1C000] =	vst v63  }
0xbc: {  	s24 =	sand.u32 $0x200, s24;
	s19 =	sadd.s32 s8, s19;
	_ =	swait.ge [sflag:s17], $0x2000  }
0xbd: {  	s19 =	sor.u32 s24, s19;
	s23 =	sadd.s32 s8, s23;
	[sflag:s17] =	ssyncset.done $0x0  }
0xbe: {  	s19 =	sshrl.u32 s19, $0x3;
	s7 =	sor.u32 s7, s23;
	[sflag:s17] =	ssyncadd.s32 $0xFFFFE000  }
0xbf: {  	[tilespmem:s22], [sflag:$0x1] =	stream.indirect.gather [spmem:s4], $0x40, s30, s1, $0xb8;
	[tilespmem:$0x1C000] =	vst v63  }
0xc0: {  	s23 =	sadd.s32 s6, s19;
	s19 =	sadd.s32 s2, s19;
	s7 =	sshrl.u32 s7, $0x3  }
0xc1: {  	[tilespmem:s25], [sflag:$0x5] =	stream.linear.gather [hbm4b:s23+s5], $0x80, $0x38;
	[tilespmem:$0x1C000] =	vst v63  }
0xc2: {  	s20 =	simm.s32 @p1 $0x100  }
0xc3: {  	[tilespmem:s26], [sflag:$0x5] =	stream.linear.gather [hbm4b:s19+s5], $0x80, $0x38;
	[tilespmem:$0x1C000] =	vst v63  }
0xc4: {  	s19 =	sand.u32 $0x3C00, s20;
	_ =	swait.ge [sflag:s10], $0x2000  }
0xc5: {  	s20 =	sand.u32 $0x300, s20;
	s19 =	sadd.s32 s8, s19;
	[sflag:s10] =	ssyncset.done $0x0  }
0xc6: {  	s19 =	sor.u32 s20, s19;
	[sflag:s10] =	ssyncadd.s32 $0xFFFFE000  }
0xc7: {  	s24 =	sshrl.u32 s19, $0x3;
	_ =	swait.ge [sflag:s18], $0x80  }
0xc8: {  	[sflag:s18] =	ssyncset.done $0x0  }
0xc9: {  	[sflag:s18] =	ssyncadd.s32 $0xFFFFFF80  }
0xca: {  	_ =	swait.ge [sflag:s18], $0x80  }
0xcb: {  	[sflag:s18] =	ssyncset.done $0x0  }
0xcc: {  	[sflag:s18] =	ssyncadd.s32 $0xFFFFFF80  }
0xcd: {  	[spmem:s3] =	stream.indirect.scatter.add.f32 [tilespmem:s22], [sflag:$0x3], $0x40, s31, s1, $0xb8;
	[tilespmem:$0x1C000] =	vst v63  }
0xce: {  	_ =	swait.ge [sflag:s12], $0x2000  }
0xcf: {  	[sflag:s12] =	ssyncset.done $0x0  }
0xd0: {  	s19 =	sadd.s32 s6, s7;
	[sflag:s12] =	ssyncadd.s32 $0xFFFFE000  }
0xd1: {  	[tilespmem:s9], [sflag:$0x2] =	stream.indirect.gather [spmem:s4], $0x40, s13, s1, $0xb8;
	[tilespmem:$0x1C000] =	vst v63  }
0xd2: {  	s7 =	sadd.s32 s2, s7  }
0xd3: {  	[tilespmem:s28], [sflag:$0x6] =	stream.linear.gather [hbm4b:s19+s5], $0x80, $0x38;
	[tilespmem:$0x1C000] =	vst v63  }
0xd4: {  	_ = 	snop  }
0xd5: {  	[tilespmem:s29], [sflag:$0x6] =	stream.linear.gather [hbm4b:s7+s5], $0x80, $0x38;
	[tilespmem:$0x1C000] =	vst v63  }
0xd6: {  	_ =	swait.ge [sflag:s15], $0x2000  }
0xd7: {  	[sflag:s15] =	ssyncset.done $0x0  }
0xd8: {  	[sflag:s15] =	ssyncadd.s32 $0xFFFFE000  }
0xd9: {  	_ =	swait.ge [sflag:s0], $0x80  }
0xda: {  	[sflag:s0] =	ssyncset.done $0x0  }
0xdb: {  	[sflag:s0] =	ssyncadd.s32 $0xFFFFFF80  }
0xdc: {  	_ =	swait.ge [sflag:s0], $0x80  }
0xdd: {  	[sflag:s0] =	ssyncset.done $0x0  }
0xde: {  	[sflag:s0] =	ssyncadd.s32 $0xFFFFFF80  }
0xdf: {  	[spmem:s3] =	stream.indirect.scatter.add.f32 [tilespmem:s9], [sflag:$0x4], $0x40, s14, s1, $0xb8;
	[tilespmem:$0x1C000] =	vst v63  }
.Ltmp1:
0xe0: {  	_ =	swait.ge [sflag:s17], $0x2000;
	(pc) =	sbr.rel @p0 .LBB2_4-.Ltmp1, $4  }
0xe1: {  	[sflag:s17] =	ssyncset.done $0x0  }
0xe2: {  	[sflag:s17] =	ssyncadd.s32 $0xFFFFE000  }
0xe3: {  	[tilespmem:s22], [sflag:$0x1] =	stream.indirect.gather [spmem:s4], $0x40, s25, s1, $0xb8;
	[tilespmem:$0x1C000] =	vst v63  }
0xe4: {  	s7 =	sadd.s32 s6, s24  }
0xe5: {  	[tilespmem:s30], [sflag:$0x7] =	stream.linear.gather [hbm4b:s7+s5], $0x80, $0x38;
	[tilespmem:$0x1C000] =	vst v63  }
0xe6: {  	s23 =	sadd.s32 s2, s24  }
0xe7: {  	[tilespmem:s31], [sflag:$0x7] =	stream.linear.gather [hbm4b:s23+s5], $0x80, $0x38;
	[tilespmem:$0x1C000] =	vst v63  }
0xe8: {  	_ =	swait.ge [sflag:s10], $0x2000  }
0xe9: {  	[sflag:s10] =	ssyncset.done $0x0  }
0xea: {  	[sflag:s10] =	ssyncadd.s32 $0xFFFFE000  }
0xeb: {  	_ =	swait.ge [sflag:s12], $0x2000  }
0xec: {  	[sflag:s12] =	ssyncset.done $0x0  }
0xed: {  	[sflag:s12] =	ssyncadd.s32 $0xFFFFE000  }
0xee: {  	_ =	swait.ge [sflag:s11], $0x80  }
0xef: {  	[sflag:s11] =	ssyncset.done $0x0  }
0xf0: {  	[sflag:s11] =	ssyncadd.s32 $0xFFFFFF80  }
0xf1: {  	_ =	swait.ge [sflag:s11], $0x80  }
0xf2: {  	[sflag:s11] =	ssyncset.done $0x0  }
0xf3: {  	[sflag:s11] =	ssyncadd.s32 $0xFFFFFF80  }
0xf4: {  	_ =	swait.ge [sflag:s16], $0x80  }
0xf5: {  	[sflag:s16] =	ssyncset.done $0x0  }
0xf6: {  	[sflag:s16] =	ssyncadd.s32 $0xFFFFFF80  }
0xf7: {  	_ =	swait.ge [sflag:s16], $0x80  }
0xf8: {  	[sflag:s16] =	ssyncset.done $0x0  }
0xf9: {  	[sflag:s16] =	ssyncadd.s32 $0xFFFFFF80  }
0xfa: {  	[bflag:$0x0] =	sbarrier.arrive $0xFFFF  }
0xfb: {  	s19 =	rddreg [dreg:$0x5]  }
0xfc: {  	s20 =	rddreg [dreg:$0x11]  }
0xfd: {  	s23 =	simm.s32 $0x9;
	s21 =	rddreg [dreg:$0x15];
	s24 =	sshrl.u32 s19, $0x3  }
0xfe: {  	[hbm:s20], [sflag:s21] =	dma.local [spmem:s24], $0x2780  }
0xff: {  	_ =	swait.ge [sflag:s23], $0x2780  }
0x100: {  	s21 =	rddreg [dreg:$0x14]  }
0x101: {  	s24 =	rddreg [dreg:$0x12];
	s20 =	sadd.s32 $0x1, s21  }
0x102: {  	p0 =	sne.s32 s20, s24  }
.Ltmp2:
0x103: {  	_ = 	snop;
	(pc) =	sbr.rel @p0 .LBB2_1-.Ltmp2, $3  }
0x104: {  	_ =	sdelay $0x1  }
0x105: {  	[sflag:s23] =	ssyncset.done $0x0  }
0x106: {  	[sflag:s23] =	ssyncadd.s32 $0xFFFFD880  }
0x107: {  	_ =	sfence.sel $0x180000  }
0x108: {  	[bflag:$0x0] =	sbarrier.arrive $0xFFFF  }
0x109: {  	_ =	strace $0x9000004D  }
0x10a: {  	s0 =	stileid.u32;
	[bflag:$0x2] =	sbarrier.arrive $0xFFFF  }
0x10b: {  	p0 =	sne.s32 s0, $0x0;
	s0 =	rddreg [dreg:$0x4]  }
0x10c: {  	s0 =	sadd.s32 @!p0 $0x100000, s0  }
0x10d: {  	[sflag:s0] =	ssyncadd.tile.s32 @!p0 $0x1;
	_ =	shalt  }
.Lfunc_end2:
_tile_overlayer_lowered:
.L_overlay_start_2:
0x10e: {  	(tag) =	ssettag $0x2  }
0x10f: {  	s0 =	rddreg [dreg:$0x0];
	s2 =	stileid.u32  }
0x110: {  	s1 =	rddreg [dreg:$0x1];
	p0 =	sne.s32 s2, $0x0  }
0x111: {  	s3 =	rddreg [dreg:$0x2];
	[bflag:$0x3] =	sbarrier.arrive $0xFFFF;
	s2 =	simm.s32 @!p0 $0x1C09  }
0x112: {  	[timem:s3], [sflag:s2] =	dma.local @!p0 [hbm:s0], s1  }
0x113: {  	s0 =	simm.s32 @!p0 $0x9  }
0x114: {  	_ =	swait.ge @!p0 [sflag:s0], s1  }
0x115: {  	s1 =	ssub.s32 @!p0 $0x0, s1;
	[sflag:s0] =	ssyncset.done @!p0 $0x0  }
0x116: {  	[sflag:s0] =	ssyncadd.s32 @!p0 s1  }
0x117: {  	[bflag:$0x3] =	sbarrier.arrive $0xFFFF  }
0x118: {  	_ =	shalt  }

// kernel: kernel.8.cloned.1.call-start
scs
__scs_entry_jumppad:
0x0: {  	(pc) =	sbr.rel $0x88, $3  }
0x1: {  	(tag) =	ssettag $0x0;
	lr =	simm.s32 $0x1  }
0x2: {  	[smem:$0x3F9B] =	sst lr;
	_ =	strace $0xD0000000  }
0x3: {  	_ = 	snop  }
0x4: {  	_ = 	snop  }
0x5: {  	_ = 	snop  }
0x6: {  	_ = 	snop  }
0x7: {  	_ = 	snop  }
__scs_overlays_trampoline_lowered:
0x8: {  	[smem:$0x3FAA] =	sst s0  }
0x9: {  	[smem:$0x3FAB] =	sst s1  }
0xa: {  	[smem:$0x3FAC] =	sst s2  }
0xb: {  	[smem:$0x3FAD] =	sst s3  }
0xc: {  	[smem:$0x3FAE] =	sst s4  }
0xd: {  	[smem:$0x3FAF] =	sst s5  }
0xe: {  	[smem:$0x3FB0] =	sst s6  }
0xf: {  	[smem:$0x3FB1] =	sst s7  }
0x10: {  	[smem:$0x3FB2] =	sst s8  }
0x11: {  	[smem:$0x3FB3] =	sst s9;
	s0 =	simm.s32 @!p0 $0x0  }
0x12: {  	s1 =	sld [smem:$0x3F99];
	s0 =	simm.s32 @p0 $0x1  }
0x13: {  	[smem:$0x3FB4] =	sst s0;
	s0 =	simm.s32 @!p1 $0x0  }
0x14: {  	s2 =	sld [smem:$0x3F98];
	s0 =	simm.s32 @p1 $0x1  }
0x15: {  	[smem:$0x3FB5] =	sst s0;
	s0 =	simm.s32 @!p2 $0x0  }
0x16: {  	s3 =	sld [smem:$0x3FDB];
	s0 =	simm.s32 @p2 $0x1  }
0x17: {  	s4 =	simm.s32 $0x1BF5;
	[smem:$0x3FB7] =	sst s0  }
0x18: {  	s0 =	sld [smem:$0x3F9A];
	_ =	swait.ge [sflag:s4], $0x0  }
0x19: {  	s7 =	sld [smem:$0x3F9B]  }
0x1a: {  	s8 =	sadd.s32 $0xFFFFE003, lr  }
0x1b: {  	s9 =	sadd.s32 $0xFFFFFEF7, lr;
	s5 =	simm.s32 $0xFFFFFFFF;
	p2 =	slt.u32 s8, $0xFFFFF086  }
0x1c: {  	p1 =	slt.u32 s9, $0xF7A;
	s5 =	simm.s32 @!p2 $0x0  }
0x1d: {  	s5 =	simm.s32 @p1 $0x1;
	p0 =	seq.s32 s7, s2  }
0x1e: {  	s7 =	smul.u32 @!p0 $0xF7A, s2;
	p2 =	seq.s32 @!p0 s5, $0x0  }
0x1f: {  	s9 =	smul.u32 $0xF7A, s1;
	s8 =	simm.s32 @!p0 $0x1BF5;
	p2 =	por !p2, p0  }
0x20: {  	[sflag:s8] =	ssyncset.s32 @!p0 $0xFFFFF086;
	s6 =	sadd.s32 @!p0 s3, s7;
	s7 =	simm.s32 @!p0 $0x108  }
0x21: {  	s3 =	sadd.s32 s3, s9;
	s6 =	sadd.s32 @!p0 $0x88, s6;
	s7 =	simm.s32 @p2 $0x1082  }
0x22: {  	[simem:s7], [sflag:s8] =	dma.local @!p0 [hbm:s6], $0xF7A  }
0x23: {  	s9 =	sor.u32 $0xD0000000, s2;
	s6 =	simm.s32 $0x108;
	_ =	swait.ge @!p0 [sflag:s8], $0x0  }
0x24: {  	s3 =	sadd.s32 $0x88, s3;
	s6 =	simm.s32 @!p1 $0x1082;
	[sflag:s4] =	ssyncset.s32 $0xFFFFF086  }
0x25: {  	[simem:s6], [sflag:s4] =	dma.local [hbm:s3], $0xF7A  }
0x26: {  	[smem:$0x3F9B] =	sst s1;
	(tag) =	ssettag s2;
	_ =	strace s9  }
0x27: {  	s1 =	sld [smem:$0x3FAB]  }
0x28: {  	s2 =	sld [smem:$0x3FAC]  }
0x29: {  	s4 =	sld [smem:$0x3FAE]  }
0x2a: {  	p0 =	seq.s32 s5, $0x0;
	s5 =	sld [smem:$0x3FAF]  }
0x2b: {  	s6 =	sld [smem:$0x3FB0]  }
0x2c: {  	s7 =	sld [smem:$0x3FB1]  }
0x2d: {  	s3 =	simm.s32 $0x108;
	s8 =	sld [smem:$0x3FB2]  }
0x2e: {  	s3 =	simm.s32 @!p0 $0x1082;
	s9 =	sld [smem:$0x3FB3]  }
0x2f: {  	lr =	sadd.s32 s0, s3;
	s0 =	sld [smem:$0x3FAA]  }
0x30: {  	s3 =	sld [smem:$0x3FAD]  }
0x31: {  	[smem:$0x3FB6] =	sst s10  }
0x32: {  	s10 =	sld [smem:$0x3FB4];
	_ =	sdelay $0x3  }
0x33: {  	p0 =	seq.s32 s10, $0x1;
	s10 =	sld [smem:$0x3FB6];
	_ =	sdelay $0x3  }
0x34: {  	[smem:$0x3FB6] =	sst s10  }
0x35: {  	s10 =	sld [smem:$0x3FB5];
	_ =	sdelay $0x3  }
0x36: {  	p1 =	seq.s32 s10, $0x1;
	s10 =	sld [smem:$0x3FB6];
	_ =	sdelay $0x3  }
0x37: {  	[smem:$0x3FB6] =	sst s10  }
0x38: {  	s10 =	sld [smem:$0x3FB7]  }
0x39: {  	_ = 	snop;
	(pc) =	sbr.ind lr, $3  }
0x3a: {  	_ = 	snop  }
0x3b: {  	_ = 	snop  }
0x3c: {  	p2 =	seq.s32 s10, $0x1;
	s10 =	sld [smem:$0x3FB6]  }
0x3d: {  	_ =	shalt  }
0x3e: {  	_ =	shalt  }
0x3f: {  	_ =	shalt  }
0x40: {  	_ =	shalt  }
0x41: {  	_ =	shalt  }
0x42: {  	_ =	shalt  }
0x43: {  	_ =	shalt  }
0x44: {  	_ =	shalt  }
0x45: {  	_ =	shalt  }
0x46: {  	_ =	shalt  }
0x47: {  	_ =	shalt  }
0x48: {  	_ =	shalt  }
0x49: {  	_ =	shalt  }
0x4a: {  	_ =	shalt  }
0x4b: {  	_ =	shalt  }
0x4c: {  	_ =	shalt  }
0x4d: {  	_ =	shalt  }
0x4e: {  	_ =	shalt  }
0x4f: {  	_ =	shalt  }
0x50: {  	_ =	shalt  }
0x51: {  	_ =	shalt  }
0x52: {  	_ =	shalt  }
0x53: {  	_ =	shalt  }
0x54: {  	_ =	shalt  }
0x55: {  	_ =	shalt  }
0x56: {  	_ =	shalt  }
0x57: {  	_ =	shalt  }
0x58: {  	_ =	shalt  }
0x59: {  	_ =	shalt  }
0x5a: {  	_ =	shalt  }
0x5b: {  	_ =	shalt  }
0x5c: {  	_ =	shalt  }
0x5d: {  	_ =	shalt  }
0x5e: {  	_ =	shalt  }
0x5f: {  	_ =	shalt  }
0x60: {  	_ =	shalt  }
0x61: {  	_ =	shalt  }
0x62: {  	_ =	shalt  }
0x63: {  	_ =	shalt  }
0x64: {  	_ =	shalt  }
0x65: {  	_ =	shalt  }
0x66: {  	_ =	shalt  }
0x67: {  	_ =	shalt  }
0x68: {  	_ =	shalt  }
0x69: {  	_ =	shalt  }
0x6a: {  	_ =	shalt  }
0x6b: {  	_ =	shalt  }
0x6c: {  	_ =	shalt  }
0x6d: {  	_ =	shalt  }
0x6e: {  	_ =	shalt  }
0x6f: {  	_ =	shalt  }
0x70: {  	_ =	shalt  }
0x71: {  	_ =	shalt  }
0x72: {  	_ =	shalt  }
0x73: {  	_ =	shalt  }
0x74: {  	_ =	shalt  }
0x75: {  	_ =	shalt  }
0x76: {  	_ =	shalt  }
0x77: {  	_ =	shalt  }
0x78: {  	_ =	shalt  }
0x79: {  	_ =	shalt  }
0x7a: {  	_ =	shalt  }
0x7b: {  	_ =	shalt  }
0x7c: {  	_ =	shalt  }
0x7d: {  	_ =	shalt  }
0x7e: {  	_ =	shalt  }
0x7f: {  	_ =	shalt  }
0x80: {  	_ =	shalt  }
0x81: {  	_ =	shalt  }
0x82: {  	_ =	shalt  }
0x83: {  	_ =	shalt  }
0x84: {  	_ =	shalt  }
0x85: {  	_ =	shalt  }
0x86: {  	_ =	shalt  }
0x87: {  	_ =	shalt  }
.Lfunc_end0:
.L_simem_size_0:
called_computation_lowered:
.L_overlay_start_0:
0x88: {  	s2 =	sld [smem:$0x3FD9]  }
0x89: {  	s3 =	sld [smem:$0x3FFE];
	_ =	sdelay $0x1  }
0x8a: {  	s1 =	srdreg.scid  }
0x8b: {  	s0 =	sand.u32 $0x1, s1  }
0x8c: {  	s17 =	sshll.u32 s0, $0xA;
	s2 =	sadd.s32 s3, s2  }
0x8d: {  	s2 =	sadd.s32 s2, s17  }
0x8e: {  	[smem:$0x3FC2] =	sst s2  }
0x8f: {  	_ = 	snop  }
0x90: {  	s2 =	sld [smem:$0x3FD0];
	(tm) =	ssettm $0x1  }
0x91: {  	s18 =	sld [smem:$0x3FFB];
	_ =	sdelay $0x3  }
0x92: {  	_ =	strace s18  }
0x93: {  	s3 =	sld [smem:$0x3FFC];
	_ =	sdelay $0x3  }
0x94: {  	_ =	strace s3  }
0x95: {  	s3 =	sld [smem:$0x3FFD];
	_ =	sdelay $0x3  }
0x96: {  	_ =	strace s3  }
0x97: {  	_ =	strace $0x8FFFFFFF  }
0x98: {  	s19 =	sld [smem:$0x3FDB];
	_ =	sdelay $0x1  }
0x99: {  	s4 =	simm.s32 $_scs_section_size  }
0x9a: {  	s5 =	simm.s32 $_size__tile_overlayer_lowered;
	s6 =	simm.s32 $_tile_overlayer_lowered  }
0x9b: {  	s22 =	simm.s32 $0x1BFF;
	s21 =	sshll.u32 s6, $0x1;
	s3 =	sadd.s32 s4, s19  }
0x9c: {  	s7 =	simm.s32 $0x0;
	s20 =	sshll.u32 s5, $0x1;
	s5 =	sadd.s32 s21, s3  }
0x9d: {  	[timem:s7], [sflag:s22] =	dma.local [hbm:s5], s20  }
0x9e: {  	_ =	swait.ge [sflag:s22], s20  }
0x9f: {  	s4 =	ssub.s32 $0x0, s20;
	[sflag:s22] =	ssyncset.done $0x0  }
0xa0: {  	[sflag:s22] =	ssyncadd.s32 s4;
	_ =	sdelay $0x1  }
0xa1: {  	s23 =	simm.s32 $0x1B8B  }
0xa2: {  	_ =	swait.ge [sflag:s23], $0x1  }
0xa3: {  	[sflag:s23] =	ssyncset.done $0x0  }
0xa4: {  	s25 =	simm.s32 $0x1B8E;
	s24 =	sld [smem:$0x3FFE];
	[sflag:s23] =	ssyncadd.s32 $0xFFFFFFFF  }
0xa5: {  	s26 =	simm.s32 $execute0_lowered;
	[smem:$0x3FD2] =	sst s25  }
0xa6: {  	s5 =	sshll.u32 s26, $0x1;
	_ =	strace $0x80000046;
	[dreg:$0x1] =	wrdreg $0xFFFFFFFF  }
0xa7: {  	s28 =	simm.s32 $_size_execute0_lowered;
	s3 =	sadd.s32 s3, s5;
	[dreg:$0x0] =	wrdreg $0x0  }
0xa8: {  	s5 =	sshll.u32 s28, $0x1;
	[dreg:$0x2] =	wrdreg s3  }
0xa9: {  	[dreg:$0x3] =	wrdreg s5  }
0xaa: {  	[dreg:$0x4] =	wrdreg $0xC0  }
0xab: {  	_ =	task [dreg:s7], $0x5FFFF  }
0xac: {  	[dreg:$0x1] =	wrdreg $0xFFFFFFFF  }
0xad: {  	[dreg:$0x0] =	wrdreg $0x60  }
0xae: {  	[dreg:$0x2] =	wrdreg s2  }
0xaf: {  	[dreg:$0x3] =	wrdreg s24  }
0xb0: {  	[dreg:$0x4] =	wrdreg $0x0  }
0xb1: {  	[dreg:$0x5] =	wrdreg $0x9  }
0xb2: {  	_ =	task.clear_ibuf [dreg:s7], $0x6FFFF;
	_ =	strace $0x90000046  }
0xb3: {  	s29 =	simm.s32 $0x9;
	_ =	strace $0x80000048  }
0xb4: {  	_ =	swait.ge [sflag:s29], $0x1  }
0xb5: {  	[sflag:s29] =	ssyncadd.s32 $0xFFFFFFFF  }
0xb6: {  	_ =	strace $0x90000048  }
0xb7: {  	_ =	sfence  }
0xb8: {  	s30 =	sld [smem:$0x0];
	_ =	sdelay $0x2  }
0xb9: {  	s31 =	sshll.u32 s1, $0xD;
	s1 =	sshrl.u32 s1, $0x2  }
0xba: {  	s3 =	sand.u32 $0x4000, s31;
	s1 =	sadd.s32 s1, s30  }
0xbb: {  	s0 =	sor.u32 s3, s0;
	s1 =	sshll.u32 s1, $0x11  }
0xbc: {  	s0 =	sor.u32 s1, s0  }
0xbd: {  	s0 =	sadd.s32 $0x8F2B, s0  }
0xbe: {  	[sflag:s0] =	ssyncadd.remote.s32 $0x1  }
0xbf: {  	_ =	sfence.sel $0xFFFF  }
0xc0: {  	[dreg:$0x0] =	wrdreg $0xFFFFFFFF;
	(pc) =	sbr.abs _section_cstart, $3  }
0xc1: {  	[dreg:$0x1] =	wrdreg $0xFFFFFFFF  }
0xc2: {  	_ =	task.clear_ibuf [dreg:s7], $0x2FFFF;
	_ =	strace $0x9FFFFFFF  }
0xc3: {  	(tm) =	ssettm $0x7FFFFFFF  }
tec
execute0_lowered:
.L_overlay_start_1:
0x0: {  	(tag) =	ssettag $0x1  }
0x1: {  	s9 =	rddreg [dreg:$0x0]  }
0x2: {  	s6 =	rddreg [dreg:$0x1]  }
0x3: {  	s2 =	rddreg [dreg:$0x2]  }
0x4: {  	s0 =	srdreg.scid;
	s1 =	rddreg [dreg:$0x3]  }
0x5: {  	s3 =	simm.s32 $0x0;
	s13 =	simm.s32 $0x3;
	s14 =	simm.s32 $0x2780  }
0x6: {  	s15 =	simm.s32 $0x80;
	s16 =	simm.s32 $0x4F80;
	s4 =	sand.u32 $0x1, s0  }
0x7: {  	s17 =	simm.s32 $0x2;
	s0 =	stileid.u32;
	s5 =	smul.u32 $0x13C000, s4  }
0x8: {  	s18 =	simm.s32 $0x1;
	[smem:$0x7FF] =	sst s3;
	s7 =	smul.u32 $0x13C00, s0  }
0x9: {  	s26 =	smul.u32 $0x4F000, s0;
	_ =	strace $0x80000047;
	s28 =	sshll.u32 s0, $0x1  }
0xa: {  	s29 =	ssub.s32 $0x2, s4;
	s19 =	sshll.u32 s0, $0x6;
	s5 =	sadd.s32 s7, s5  }
0xb: {  	s31 =	sshrl.u32 s29, $0x1;
	s19 =	sor.u32 $0x1C03, s19;
	s5 =	sshrl.u32 s5, $0x3  }
0xc: {  	s30 =	sshrl.u32 s26, $0x2;
	s10 =	sadd.s32 s5, s6;
	s5 =	sor.u32 s4, s28  }
0xd: {  	s12 =	ssub.s32 s29, s31;
	s4 =	sadd.s32 s30, s2;
	s11 =	smul.u32 $0x500, s5  }
0xe: {  	s5 =	sadd.s32 $0x4000, s4;
	s6 =	sadd.s32 $0x8000, s4;
	s7 =	sadd.s32 $0xC000, s4  }
0xf: {  	s8 =	sadd.s32 $0x10000, s4;
	s10 =	sadd.s32 $0x2800, s10;
	s20 =	sshrl.u32 s4, $0x3  }
0x10: {  	v0 =	vimm.f32 $1.000000000e+00;
	v1 =	vimm.f32 $0.0e+00;
	s9 =	sadd.s32 s9, s11;
	s11 =	smax.u32 s12, $0x1;
	s12 =	simm.s32 $0x8F80  }
.LBB2_1:
0x11: {  	s21 =	simm.s32 $0x200;
	s22 =	simm.s32 $0x0  }
.LBB2_2:
0x12: {  	p0 =	sne.s32 s21, $0xFE00;
	[tilespmem:s22+$0x4F80] =	vst v0;
	s23 =	smov.u32 s21;
	s21 =	sadd.s32 $0x200, s21  }
.Ltmp0:
0x13: {  	[tilespmem:s22+$0x8F80] =	vst v1;
	(pc) =	sbr.rel @p0 .LBB2_2-.Ltmp0, $2  }
0x14: {  	_ =	sdelay $0x2  }
0x15: {  	s22 =	sshra.s32 s23, $0x2  }
0x16: {  	[tilespmem:s22+$0x4F80] =	vst v0  }
0x17: {  	[tilespmem:s22+$0x8F80] =	vst v1  }
0x18: {  	[spmem:s4] =	stream.linear.scatter [tilespmem:s12], [sflag:$0x3], $0x4000, $0x38;
	[tilespmem:$0xCF80] =	vst v63  }
0x19: {  	_ =	swait.ge [sflag:s13], $0x4000  }
0x1a: {  	[sflag:s13] =	ssyncset.done $0x0  }
0x1b: {  	[sflag:s13] =	ssyncadd.s32 $0xFFFFC000  }
0x1c: {  	[spmem:s5] =	stream.linear.scatter [tilespmem:s12], [sflag:$0x3], $0x4000, $0x38;
	[tilespmem:$0xCF80] =	vst v63  }
0x1d: {  	_ =	swait.ge [sflag:s13], $0x4000  }
0x1e: {  	[sflag:s13] =	ssyncset.done $0x0  }
0x1f: {  	[sflag:s13] =	ssyncadd.s32 $0xFFFFC000  }
0x20: {  	[spmem:s6] =	stream.linear.scatter [tilespmem:s12], [sflag:$0x3], $0x4000, $0x38;
	[tilespmem:$0xCF80] =	vst v63  }
0x21: {  	_ =	swait.ge [sflag:s13], $0x4000  }
0x22: {  	[sflag:s13] =	ssyncset.done $0x0  }
0x23: {  	[sflag:s13] =	ssyncadd.s32 $0xFFFFC000  }
0x24: {  	[spmem:s7] =	stream.linear.scatter [tilespmem:s12], [sflag:$0x3], $0x4000, $0x38;
	[tilespmem:$0xCF80] =	vst v63  }
0x25: {  	_ =	swait.ge [sflag:s13], $0x4000  }
0x26: {  	[sflag:s13] =	ssyncset.done $0x0  }
0x27: {  	[sflag:s13] =	ssyncadd.s32 $0xFFFFC000  }
0x28: {  	[spmem:s8] =	stream.linear.scatter [tilespmem:s12], [sflag:$0x3], $0x3C00, $0x38;
	[tilespmem:$0xCF80] =	vst v63  }
0x29: {  	_ =	swait.ge [sflag:s13], $0x3C00  }
0x2a: {  	[sflag:s13] =	ssyncset.done $0x0  }
0x2b: {  	s21 =	simm.s32 $0x0;
	[sflag:s13] =	ssyncadd.s32 $0xFFFFC400  }
0x2c: {  	[tilespmem:s14], [sflag:$0x3] =	stream.linear.gather [hbm4b:s9+s21], $0x2800, $0x38;
	[tilespmem:$0xCF80] =	vst v63  }
0x2d: {  	_ =	swait.ge [sflag:s13], $0x2800  }
0x2e: {  	[sflag:s13] =	ssyncset.done $0x0  }
0x2f: {  	[sflag:s13] =	ssyncadd.s32 $0xFFFFD800  }
0x30: {  	[bflag:$0x0] =	sbarrier.arrive $0xFFFF  }
0x31: {  	[spmem:s2] =	stream.indirect.scatter.add.f32 [tilespmem:s12], [sflag:$0x2], $0x10, s14, s15, $0xb8;
	[tilespmem:$0xCF80] =	vst v63  }
0x32: {  	s30 =	simm.s32 $0x2780  }
0x33: {  	[spmem:s2] =	stream.indirect.scatter.add.f32 [tilespmem:s16], [sflag:$0x1], $0x10, s30, s15, $0xb8;
	[tilespmem:$0xCF80] =	vst v63  }
0x34: {  	_ =	swait.ge [sflag:s17], $0x800  }
0x35: {  	[sflag:s17] =	ssyncset.done $0x0  }
0x36: {  	s31 =	simm.s32 $0x2800;
	[sflag:s17] =	ssyncadd.s32 $0xFFFFF800  }
0x37: {  	[spmem:s2] =	stream.indirect.scatter.add.f32 [tilespmem:s16], [sflag:$0x2], $0x10, s31, s15, $0xb8;
	[tilespmem:$0xCF80] =	vst v63  }
0x38: {  	_ =	swait.ge [sflag:s18], $0x800  }
0x39: {  	s22 =	simm.s32 $0x800;
	s21 =	simm.s32 $0x100;
	[sflag:s18] =	ssyncset.done $0x0  }
.LBB2_4:
0x3a: {  	s23 =	sadd.s32 $0x2780, s21  }
0x3b: {  	[sflag:s18] =	ssyncadd.s32 $0xFFFFF800;
	s24 =	smov.u32 s22;
	s25 =	sadd.s32 $0x400, s22  }
0x3c: {  	[spmem:s2] =	stream.indirect.scatter.add.f32 [tilespmem:s16], [sflag:$0x1], $0x10, s23, s15, $0xb8;
	[tilespmem:$0xCF80] =	vst v63  }
0x3d: {  	p0 =	sne.s32 s22, $0x9C00;
	_ =	swait.ge [sflag:s17], $0x800  }
.Ltmp1:
0x3e: {  	[sflag:s17] =	ssyncset.done $0x0;
	(pc) =	sbr.rel @p0 .LBB2_4-.Ltmp1, $4  }
0x3f: {  	s21 =	sadd.s32 $0x2800, s21;
	[sflag:s17] =	ssyncadd.s32 $0xFFFFF800  }
0x40: {  	[spmem:s2] =	stream.indirect.scatter.add.f32 [tilespmem:s16], [sflag:$0x2], $0x10, s21, s15, $0xb8;
	[tilespmem:$0xCF80] =	vst v63  }
0x41: {  	_ =	swait.ge [sflag:s18], $0x800  }
0x42: {  	s22 =	smov.u32 s25;
	s21 =	sshra.s32 s24, $0x2;
	[sflag:s18] =	ssyncset.done $0x0  }
0x43: {  	s22 =	sadd.s32 $0x2780, s21;
	[sflag:s18] =	ssyncadd.s32 $0xFFFFF800  }
0x44: {  	[spmem:s2] =	stream.indirect.scatter.add.f32 [tilespmem:s16], [sflag:$0x1], $0x10, s22, s15, $0xb8;
	[tilespmem:$0xCF80] =	vst v63  }
0x45: {  	_ =	swait.ge [sflag:s17], $0x800  }
0x46: {  	[sflag:s17] =	ssyncset.done $0x0  }
0x47: {  	s31 =	sadd.s32 $0x2800, s21;
	[sflag:s17] =	ssyncadd.s32 $0xFFFFF800  }
0x48: {  	[spmem:s2] =	stream.indirect.scatter.add.f32 [tilespmem:s16], [sflag:$0x2], $0x10, s31, s15, $0xb8;
	[tilespmem:$0xCF80] =	vst v63  }
0x49: {  	_ =	swait.ge [sflag:s18], $0x800  }
0x4a: {  	[sflag:s18] =	ssyncset.done $0x0  }
0x4b: {  	[sflag:s18] =	ssyncadd.s32 $0xFFFFF800  }
0x4c: {  	_ =	swait.ge [sflag:s17], $0x800  }
0x4d: {  	s3 =	sadd.s32 $0x1, s3;
	[sflag:s17] =	ssyncset.done $0x0  }
0x4e: {  	p0 =	sne.s32 s3, s11;
	[sflag:s17] =	ssyncadd.s32 $0xFFFFF800  }
.Ltmp2:
0x4f: {  	[bflag:$0x0] =	sbarrier.arrive $0xFFFF;
	(pc) =	sbr.rel @p0 .LBB2_1-.Ltmp2, $4  }
0x50: {  	[hbm:s10], [sflag:s19] =	dma.local [spmem:s20], $0x2780  }
0x51: {  	_ =	swait.ge [sflag:s13], $0x2780  }
0x52: {  	[sflag:s13] =	ssyncset.done $0x0  }
0x53: {  	[sflag:s13] =	ssyncadd.s32 $0xFFFFD880  }
0x54: {  	_ =	sfence.sel $0x180000  }
0x55: {  	[bflag:$0x0] =	sbarrier.arrive $0xFFFF  }
0x56: {  	p0 =	sne.s32 s0, $0x0;
	_ =	strace $0x90000047  }
0x57: {  	s0 =	sadd.s32 @!p0 $0x100000, s1;
	[bflag:$0x2] =	sbarrier.arrive $0xFFFF  }
0x58: {  	[sflag:s0] =	ssyncadd.tile.s32 @!p0 $0x1;
	_ =	shalt  }
.Lfunc_end2:
_tile_overlayer_lowered:
.L_overlay_start_2:
0x59: {  	(tag) =	ssettag $0x2  }
0x5a: {  	s0 =	rddreg [dreg:$0x0];
	s2 =	stileid.u32  }
0x5b: {  	s1 =	rddreg [dreg:$0x1];
	p0 =	sne.s32 s2, $0x0  }
0x5c: {  	s3 =	rddreg [dreg:$0x2];
	[bflag:$0x3] =	sbarrier.arrive $0xFFFF;
	s2 =	simm.s32 @!p0 $0x1C03  }
0x5d: {  	[timem:s3], [sflag:s2] =	dma.local @!p0 [hbm:s0], s1  }
0x5e: {  	s0 =	simm.s32 @!p0 $0x3  }
0x5f: {  	_ =	swait.ge @!p0 [sflag:s0], s1  }
0x60: {  	s1 =	ssub.s32 @!p0 $0x0, s1;
	[sflag:s0] =	ssyncset.done @!p0 $0x0  }
0x61: {  	[sflag:s0] =	ssyncadd.s32 @!p0 s1  }
0x62: {  	[bflag:$0x3] =	sbarrier.arrive $0xFFFF  }
0x63: {  	_ =	shalt  }

</sc_bundles>
